<compile_context>
chip_gen: v7x
topology: tpu7x:2x2x1
jax: 0.10.2.dev20260603
libtpu: 0.0.44.dev20260713+nightly
codegen_flags: <defaults>
</compile_context>

<pallas_src>
import functools

import jax
import jax.numpy as jnp
from jax import lax
from jax.experimental import pallas as pl
from jax.experimental.pallas import tpu as pltpu
from jax.experimental.pallas import tpu_sc as plsc

B = 16384
D = 128
NC = 2
NS = 16
L = 16
NW = NC * NS
BPW = B // NW
CH = 64
NCHUNK = BPW // CH
NBUF = 3


def _build():
    mesh = plsc.VectorSubcoreMesh(core_axis_name="c", subcore_axis_name="s")

    @functools.partial(
        pl.kernel,
        out_type=jax.ShapeDtypeStruct((B,), jnp.float32),
        mesh=mesh,
        scratch_types=[
            pltpu.VMEM((2, NCHUNK, CH), jnp.int32),
            pltpu.VMEM((2 * NBUF, CH, D), jnp.float32),
            pltpu.VMEM((BPW,), jnp.float32),
            pltpu.SemaphoreType.DMA,
            pltpu.SemaphoreType.DMA,
            pltpu.SemaphoreType.DMA,
        ],
        compiler_params=pltpu.CompilerParams(needs_layout_passes=False),
    )
    def scored(idx_hbm, uemb_hbm, iemb_hbm, out_hbm,
               idx_v, rows_v, out_v, sem0, sem1, sem2):
        wid = lax.axis_index("s") * NC + lax.axis_index("c")
        pltpu.sync_copy(idx_hbm.at[0, wid], idx_v.at[0])
        pltpu.sync_copy(idx_hbm.at[1, wid], idx_v.at[1])
        lanes = lax.iota(jnp.int32, L)
        sems = (sem0, sem1, sem2)

        def start(c):
            b = c % NBUF
            return (pltpu.async_copy(uemb_hbm.at[idx_v.at[0, c]],
                                     rows_v.at[2 * b], sems[b]),
                    pltpu.async_copy(iemb_hbm.at[idx_v.at[1, c]],
                                     rows_v.at[2 * b + 1], sems[b]))

        pend = [start(0), start(1)]
        for c in range(NCHUNK):
            if c + 2 < NCHUNK:
                pend.append(start(c + 2))
            pend[c][0].wait()
            pend[c][1].wait()
            b = c % NBUF
            ub, ib = rows_v.at[2 * b], rows_v.at[2 * b + 1]
            for g in range(CH // L):
                rows16 = lanes + (g * L)

                @plsc.parallel_loop(0, D, unroll=8,
                                    carry=jnp.zeros((L,), jnp.float32))
                def acc(dd, acc_in):
                    dvec = (lanes + dd) & (D - 1)
                    u = plsc.load_gather(ub, [rows16, dvec])
                    it = plsc.load_gather(ib, [rows16, dvec])
                    return acc_in + u * it

                out_v[pl.ds(c * CH + g * L, L)] = acc
        pltpu.sync_copy(out_v, out_hbm.at[pl.ds(wid * BPW, BPW)])

    return scored


_scored = _build()


def kernel(user_list, item_list, user_embeddings, item_embeddings):
    idx = jnp.stack(
        [user_list.astype(jnp.int32), item_list.astype(jnp.int32)]
    ).reshape(2, NW, NCHUNK, CH)
    return _scored(idx, user_embeddings, item_embeddings)

# --- scband reference (transcript-rebuilt; emitter-appended) ---
"""Pipeline reference for scband-simple-rec-87600152969755 (READ-ONLY COPY).

The authoritative reference and input builder live on the scoring server;
editing this copy changes nothing except your own understanding.
"""

import jax, jax.numpy as jnp
import numpy as np

USER_NUM = 100000
ITEM_NUM = 1000000
HIDDEN_DIM = 128
BATCH = 16384

def setup_inputs(seed: int = 0) -> dict:
    key = jax.random.key(seed)
    k1, k2, k3, k4 = jax.random.split(key, 4)
    user_list = jax.random.randint(k1, (BATCH,), 0, USER_NUM, dtype=jnp.int64 if jax.config.jax_enable_x64 else jnp.int32)
    item_list = jax.random.randint(k2, (BATCH,), 0, ITEM_NUM, dtype=jnp.int64 if jax.config.jax_enable_x64 else jnp.int32)
    # learned parameters, init_para uses normal(0, 0.01)
    user_embeddings = jax.random.normal(k3, (USER_NUM, HIDDEN_DIM), dtype=jnp.float32) * 0.01
    item_embeddings = jax.random.normal(k4, (ITEM_NUM, HIDDEN_DIM), dtype=jnp.float32) * 0.01
    return {"user_list": user_list, "item_list": item_list,
            "user_embeddings": user_embeddings, "item_embeddings": item_embeddings}

def reference(user_list, item_list, user_embeddings, item_embeddings):
    # SimpleRec.get_user_item_score (the module's effective forward)
    user_vec = jnp.take(user_embeddings, user_list, axis=0)   # [B, D] gather
    item_vec = jnp.take(item_embeddings, item_list, axis=0)   # [B, D] gather
    return jnp.sum(user_vec * item_vec, axis=-1)              # [B]

if __name__ == "__main__":
    import jax
    _d = setup_inputs()
    print(jax.jit(kernel)(*tuple(_d.values())))

</pallas_src>

<mosaic_0001>
#map = affine_map<(d0, d1) -> (0, 0, 0, 0)>
#map1 = affine_map<(d0, d1) -> (0, 0)>
#map2 = affine_map<(d0, d1) -> (0)>
module attributes {stable_mosaic.version = 14 : i64} {
  func.func @scored(%arg0: i32, %arg1: i32, %arg2: memref<2x32x8x64xi32, #tpu.memory_space<hbm>>, %arg3: memref<100000x128xf32, #tpu.memory_space<hbm>>, %arg4: memref<1000000x128xf32, #tpu.memory_space<hbm>>, %arg5: memref<16384xf32, #tpu.memory_space<hbm>>, %arg6: memref<2x8x64xi32, #tpu.memory_space<vmem>>, %arg7: memref<6x64x128xf32, #tpu.memory_space<vmem>>, %arg8: memref<512xf32, #tpu.memory_space<vmem>>, %arg9: memref<!tpu.dma_semaphore, #tpu.memory_space<semaphore_mem>>, %arg10: memref<!tpu.dma_semaphore, #tpu.memory_space<semaphore_mem>>, %arg11: memref<!tpu.dma_semaphore, #tpu.memory_space<semaphore_mem>>) attributes {dimension_semantics = [#tpu.dimension_semantics<core_parallel>, #tpu.dimension_semantics<subcore_parallel>], iteration_bounds = array<i64: 2, 16>, scalar_prefetch = 0 : i64, scratch_operands = 6 : i64, tpu.core_type = #tpu.core_type<sc_vector_subcore>, window_params = [{transform_indices = #map}, {transform_indices = #map1}, {transform_indices = #map1}, {transform_indices = #map2}]} {
    %mul3A = arith.constant 2 : i32
    %mul3A_0 = arith.muli %arg1, %mul3A : i32
    %add3A = arith.addi %mul3A_0, %arg0 : i32
    %run_scoped3A = arith.constant 0 : i32
    %run_scoped3A_1 = arith.constant 0 : i32
    "tpu.region"() ({
      %run_scoped3A_833 = tpu.sem_alloc : memref<!tpu.dma_semaphore, #tpu.memory_space<semaphore_mem>>
      %dma_start3A_834 = arith.constant 0 : i32
      %dma_start3A_835 = arith.constant 0 : i32
      %dma_start3A_836 = tpu.memref_slice %arg6[%run_scoped3A_1, %dma_start3A_834, %dma_start3A_835] : memref<2x8x64xi32, #tpu.memory_space<vmem>> -> memref<1x8x64xi32, #tpu.memory_space<vmem>>
      %dma_start3A_837 = tpu.memref_squeeze %dma_start3A_836 : memref<1x8x64xi32, #tpu.memory_space<vmem>> -> memref<8x64xi32, #tpu.memory_space<vmem>>
      %dma_start3A_838 = arith.constant 0 : i32
      %dma_start3A_839 = arith.constant 0 : i32
      %dma_start3A_840 = tpu.memref_slice %arg2[%run_scoped3A, %add3A, %dma_start3A_838, %dma_start3A_839] : memref<2x32x8x64xi32, #tpu.memory_space<hbm>> -> memref<1x1x8x64xi32, #tpu.memory_space<hbm>>
      %dma_start3A_841 = tpu.memref_squeeze %dma_start3A_840 : memref<1x1x8x64xi32, #tpu.memory_space<hbm>> -> memref<8x64xi32, #tpu.memory_space<hbm>>
      %dma_start3A_842 = arith.constant 0 : i32
      %dma_start3A_843 = arith.constant 0 : i32
      %dma_start3A_844 = tpu.memref_slice %arg6[%run_scoped3A_1, %dma_start3A_842, %dma_start3A_843] : memref<2x8x64xi32, #tpu.memory_space<vmem>> -> memref<1x8x64xi32, #tpu.memory_space<vmem>>
      %dma_start3A_845 = tpu.memref_squeeze %dma_start3A_844 : memref<1x8x64xi32, #tpu.memory_space<vmem>> -> memref<8x64xi32, #tpu.memory_space<vmem>>
      %dma_start3A_846 = arith.constant 0 : i32
      %dma_start3A_847 = arith.constant 0 : i32
      %dma_start3A_848 = tpu.memref_slice %arg2[%run_scoped3A, %add3A, %dma_start3A_846, %dma_start3A_847] : memref<2x32x8x64xi32, #tpu.memory_space<hbm>> -> memref<1x1x8x64xi32, #tpu.memory_space<hbm>>
      %dma_start3A_849 = tpu.memref_squeeze %dma_start3A_848 : memref<1x1x8x64xi32, #tpu.memory_space<hbm>> -> memref<8x64xi32, #tpu.memory_space<hbm>>
      tpu.enqueue_dma source(%dma_start3A_849 : memref<8x64xi32, #tpu.memory_space<hbm>>) target(%dma_start3A_845 : memref<8x64xi32, #tpu.memory_space<vmem>>) target_semaphore(%run_scoped3A_833 : memref<!tpu.dma_semaphore, #tpu.memory_space<semaphore_mem>>)
      %dma_wait3A_850 = arith.constant 0 : i32
      %dma_wait3A_851 = arith.constant 0 : i32
      %dma_wait3A_852 = tpu.memref_slice %arg6[%run_scoped3A_1, %dma_wait3A_850, %dma_wait3A_851] : memref<2x8x64xi32, #tpu.memory_space<vmem>> -> memref<1x8x64xi32, #tpu.memory_space<vmem>>
      %dma_wait3A_853 = tpu.memref_squeeze %dma_wait3A_852 : memref<1x8x64xi32, #tpu.memory_space<vmem>> -> memref<8x64xi32, #tpu.memory_space<vmem>>
      %dma_wait3A_854 = arith.constant 0 : i32
      %dma_wait3A_855 = arith.constant 0 : i32
      %dma_wait3A_856 = tpu.memref_slice %arg2[%run_scoped3A, %add3A, %dma_wait3A_854, %dma_wait3A_855] : memref<2x32x8x64xi32, #tpu.memory_space<hbm>> -> memref<1x1x8x64xi32, #tpu.memory_space<hbm>>
      %dma_wait3A_857 = tpu.memref_squeeze %dma_wait3A_856 : memref<1x1x8x64xi32, #tpu.memory_space<hbm>> -> memref<8x64xi32, #tpu.memory_space<hbm>>
      %dma_wait3A_858 = arith.constant 0 : i32
      %dma_wait3A_859 = arith.constant 0 : i32
      %dma_wait3A_860 = tpu.memref_slice %arg6[%run_scoped3A_1, %dma_wait3A_858, %dma_wait3A_859] : memref<2x8x64xi32, #tpu.memory_space<vmem>> -> memref<1x8x64xi32, #tpu.memory_space<vmem>>
      %dma_wait3A_861 = tpu.memref_squeeze %dma_wait3A_860 : memref<1x8x64xi32, #tpu.memory_space<vmem>> -> memref<8x64xi32, #tpu.memory_space<vmem>>
      %dma_wait3A_862 = arith.constant 0 : i32
      %dma_wait3A_863 = arith.constant 0 : i32
      %dma_wait3A_864 = tpu.memref_slice %arg2[%run_scoped3A, %add3A, %dma_wait3A_862, %dma_wait3A_863] : memref<2x32x8x64xi32, #tpu.memory_space<hbm>> -> memref<1x1x8x64xi32, #tpu.memory_space<hbm>>
      %dma_wait3A_865 = tpu.memref_squeeze %dma_wait3A_864 : memref<1x1x8x64xi32, #tpu.memory_space<hbm>> -> memref<8x64xi32, #tpu.memory_space<hbm>>
      tpu.wait_dma2 semaphore(%run_scoped3A_833 : memref<!tpu.dma_semaphore, #tpu.memory_space<semaphore_mem>>) src(%dma_wait3A_865 : memref<8x64xi32, #tpu.memory_space<hbm>>) dst(%dma_wait3A_861 : memref<8x64xi32, #tpu.memory_space<vmem>>)
      tpu.yield
    }) : () -> ()
    %run_scoped3A_2 = arith.constant 1 : i32
    %run_scoped3A_3 = arith.constant 1 : i32
    "tpu.region"() ({
      %run_scoped3A_833 = tpu.sem_alloc : memref<!tpu.dma_semaphore, #tpu.memory_space<semaphore_mem>>
      %dma_start3A_834 = arith.constant 0 : i32
      %dma_start3A_835 = arith.constant 0 : i32
      %dma_start3A_836 = tpu.memref_slice %arg6[%run_scoped3A_3, %dma_start3A_834, %dma_start3A_835] : memref<2x8x64xi32, #tpu.memory_space<vmem>> -> memref<1x8x64xi32, #tpu.memory_space<vmem>>
      %dma_start3A_837 = tpu.memref_squeeze %dma_start3A_836 : memref<1x8x64xi32, #tpu.memory_space<vmem>> -> memref<8x64xi32, #tpu.memory_space<vmem>>
      %dma_start3A_838 = arith.constant 0 : i32
      %dma_start3A_839 = arith.constant 0 : i32
      %dma_start3A_840 = tpu.memref_slice %arg2[%run_scoped3A_2, %add3A, %dma_start3A_838, %dma_start3A_839] : memref<2x32x8x64xi32, #tpu.memory_space<hbm>> -> memref<1x1x8x64xi32, #tpu.memory_space<hbm>>
      %dma_start3A_841 = tpu.memref_squeeze %dma_start3A_840 : memref<1x1x8x64xi32, #tpu.memory_space<hbm>> -> memref<8x64xi32, #tpu.memory_space<hbm>>
      %dma_start3A_842 = arith.constant 0 : i32
      %dma_start3A_843 = arith.constant 0 : i32
      %dma_start3A_844 = tpu.memref_slice %arg6[%run_scoped3A_3, %dma_start3A_842, %dma_start3A_843] : memref<2x8x64xi32, #tpu.memory_space<vmem>> -> memref<1x8x64xi32, #tpu.memory_space<vmem>>
      %dma_start3A_845 = tpu.memref_squeeze %dma_start3A_844 : memref<1x8x64xi32, #tpu.memory_space<vmem>> -> memref<8x64xi32, #tpu.memory_space<vmem>>
      %dma_start3A_846 = arith.constant 0 : i32
      %dma_start3A_847 = arith.constant 0 : i32
      %dma_start3A_848 = tpu.memref_slice %arg2[%run_scoped3A_2, %add3A, %dma_start3A_846, %dma_start3A_847] : memref<2x32x8x64xi32, #tpu.memory_space<hbm>> -> memref<1x1x8x64xi32, #tpu.memory_space<hbm>>
      %dma_start3A_849 = tpu.memref_squeeze %dma_start3A_848 : memref<1x1x8x64xi32, #tpu.memory_space<hbm>> -> memref<8x64xi32, #tpu.memory_space<hbm>>
      tpu.enqueue_dma source(%dma_start3A_849 : memref<8x64xi32, #tpu.memory_space<hbm>>) target(%dma_start3A_845 : memref<8x64xi32, #tpu.memory_space<vmem>>) target_semaphore(%run_scoped3A_833 : memref<!tpu.dma_semaphore, #tpu.memory_space<semaphore_mem>>)
      %dma_wait3A_850 = arith.constant 0 : i32
      %dma_wait3A_851 = arith.constant 0 : i32
      %dma_wait3A_852 = tpu.memref_slice %arg6[%run_scoped3A_3, %dma_wait3A_850, %dma_wait3A_851] : memref<2x8x64xi32, #tpu.memory_space<vmem>> -> memref<1x8x64xi32, #tpu.memory_space<vmem>>
      %dma_wait3A_853 = tpu.memref_squeeze %dma_wait3A_852 : memref<1x8x64xi32, #tpu.memory_space<vmem>> -> memref<8x64xi32, #tpu.memory_space<vmem>>
      %dma_wait3A_854 = arith.constant 0 : i32
      %dma_wait3A_855 = arith.constant 0 : i32
      %dma_wait3A_856 = tpu.memref_slice %arg2[%run_scoped3A_2, %add3A, %dma_wait3A_854, %dma_wait3A_855] : memref<2x32x8x64xi32, #tpu.memory_space<hbm>> -> memref<1x1x8x64xi32, #tpu.memory_space<hbm>>
      %dma_wait3A_857 = tpu.memref_squeeze %dma_wait3A_856 : memref<1x1x8x64xi32, #tpu.memory_space<hbm>> -> memref<8x64xi32, #tpu.memory_space<hbm>>
      %dma_wait3A_858 = arith.constant 0 : i32
      %dma_wait3A_859 = arith.constant 0 : i32
      %dma_wait3A_860 = tpu.memref_slice %arg6[%run_scoped3A_3, %dma_wait3A_858, %dma_wait3A_859] : memref<2x8x64xi32, #tpu.memory_space<vmem>> -> memref<1x8x64xi32, #tpu.memory_space<vmem>>
      %dma_wait3A_861 = tpu.memref_squeeze %dma_wait3A_860 : memref<1x8x64xi32, #tpu.memory_space<vmem>> -> memref<8x64xi32, #tpu.memory_space<vmem>>
      %dma_wait3A_862 = arith.constant 0 : i32
      %dma_wait3A_863 = arith.constant 0 : i32
      %dma_wait3A_864 = tpu.memref_slice %arg2[%run_scoped3A_2, %add3A, %dma_wait3A_862, %dma_wait3A_863] : memref<2x32x8x64xi32, #tpu.memory_space<hbm>> -> memref<1x1x8x64xi32, #tpu.memory_space<hbm>>
      %dma_wait3A_865 = tpu.memref_squeeze %dma_wait3A_864 : memref<1x1x8x64xi32, #tpu.memory_space<hbm>> -> memref<8x64xi32, #tpu.memory_space<hbm>>
      tpu.wait_dma2 semaphore(%run_scoped3A_833 : memref<!tpu.dma_semaphore, #tpu.memory_space<semaphore_mem>>) src(%dma_wait3A_865 : memref<8x64xi32, #tpu.memory_space<hbm>>) dst(%dma_wait3A_861 : memref<8x64xi32, #tpu.memory_space<vmem>>)
      tpu.yield
    }) : () -> ()
    %iota3A = tpu.iota {dimensions = array<i32: 0>} : vector<16xi32>
    %dma_start3A = arith.constant 0 : i32
    %dma_start3A_4 = arith.constant 0 : i32
    %dma_start3A_5 = arith.constant 0 : i32
    %dma_start3A_6 = arith.constant 0 : i32
    %dma_start3A_7 = arith.constant 0 : i32
    %dma_start3A_8 = tpu.memref_slice %arg7[%dma_start3A_5, %dma_start3A_6, %dma_start3A_7] : memref<6x64x128xf32, #tpu.memory_space<vmem>> -> memref<1x64x128xf32, #tpu.memory_space<vmem>>
    %dma_start3A_9 = tpu.memref_squeeze %dma_start3A_8 : memref<1x64x128xf32, #tpu.memory_space<vmem>> -> memref<64x128xf32, #tpu.memory_space<vmem>>
    %dma_start3A_10 = arith.constant 0 : i32
    %dma_start3A_11 = tpu.memref_slice %arg6[%dma_start3A, %dma_start3A_4, %dma_start3A_10] : memref<2x8x64xi32, #tpu.memory_space<vmem>> -> memref<1x1x64xi32, #tpu.memory_space<vmem>>
    %dma_start3A_12 = tpu.memref_squeeze %dma_start3A_11 : memref<1x1x64xi32, #tpu.memory_space<vmem>> -> memref<64xi32, #tpu.memory_space<vmem>>
    %dma_start3A_13 = arith.constant 0 : i32
    %dma_start3A_14 = arith.constant 0 : i32
    %dma_start3A_15 = tpu.memref_slice %arg3[%dma_start3A_13, %dma_start3A_14] : memref<100000x128xf32, #tpu.memory_space<hbm>> -> memref<100000x128xf32, #tpu.memory_space<hbm>>
    tpu.enqueue_indirect_dma source(%dma_start3A_15 : memref<100000x128xf32, #tpu.memory_space<hbm>>) target(%dma_start3A_9 : memref<64x128xf32, #tpu.memory_space<vmem>>) offsets(%dma_start3A_12 : memref<64xi32, #tpu.memory_space<vmem>>) semaphore(%arg9 : memref<!tpu.dma_semaphore, #tpu.memory_space<semaphore_mem>>)
    %dma_start3A_16 = arith.constant 1 : i32
    %dma_start3A_17 = arith.constant 0 : i32
    %dma_start3A_18 = arith.constant 1 : i32
    %dma_start3A_19 = arith.constant 0 : i32
    %dma_start3A_20 = arith.constant 0 : i32
    %dma_start3A_21 = tpu.memref_slice %arg7[%dma_start3A_18, %dma_start3A_19, %dma_start3A_20] : memref<6x64x128xf32, #tpu.memory_space<vmem>> -> memref<1x64x128xf32, #tpu.memory_space<vmem>>
    %dma_start3A_22 = tpu.memref_squeeze %dma_start3A_21 : memref<1x64x128xf32, #tpu.memory_space<vmem>> -> memref<64x128xf32, #tpu.memory_space<vmem>>
    %dma_start3A_23 = arith.constant 0 : i32
    %dma_start3A_24 = tpu.memref_slice %arg6[%dma_start3A_16, %dma_start3A_17, %dma_start3A_23] : memref<2x8x64xi32, #tpu.memory_space<vmem>> -> memref<1x1x64xi32, #tpu.memory_space<vmem>>
    %dma_start3A_25 = tpu.memref_squeeze %dma_start3A_24 : memref<1x1x64xi32, #tpu.memory_space<vmem>> -> memref<64xi32, #tpu.memory_space<vmem>>
    %dma_start3A_26 = arith.constant 0 : i32
    %dma_start3A_27 = arith.constant 0 : i32
    %dma_start3A_28 = tpu.memref_slice %arg4[%dma_start3A_26, %dma_start3A_27] : memref<1000000x128xf32, #tpu.memory_space<hbm>> -> memref<1000000x128xf32, #tpu.memory_space<hbm>>
    tpu.enqueue_indirect_dma source(%dma_start3A_28 : memref<1000000x128xf32, #tpu.memory_space<hbm>>) target(%dma_start3A_22 : memref<64x128xf32, #tpu.memory_space<vmem>>) offsets(%dma_start3A_25 : memref<64xi32, #tpu.memory_space<vmem>>) semaphore(%arg9 : memref<!tpu.dma_semaphore, #tpu.memory_space<semaphore_mem>>)
    %dma_start3A_29 = arith.constant 0 : i32
    %dma_start3A_30 = arith.constant 1 : i32
    %dma_start3A_31 = arith.constant 2 : i32
    %dma_start3A_32 = arith.constant 0 : i32
    %dma_start3A_33 = arith.constant 0 : i32
    %dma_start3A_34 = tpu.memref_slice %arg7[%dma_start3A_31, %dma_start3A_32, %dma_start3A_33] : memref<6x64x128xf32, #tpu.memory_space<vmem>> -> memref<1x64x128xf32, #tpu.memory_space<vmem>>
    %dma_start3A_35 = tpu.memref_squeeze %dma_start3A_34 : memref<1x64x128xf32, #tpu.memory_space<vmem>> -> memref<64x128xf32, #tpu.memory_space<vmem>>
    %dma_start3A_36 = arith.constant 0 : i32
    %dma_start3A_37 = tpu.memref_slice %arg6[%dma_start3A_29, %dma_start3A_30, %dma_start3A_36] : memref<2x8x64xi32, #tpu.memory_space<vmem>> -> memref<1x1x64xi32, #tpu.memory_space<vmem>>
    %dma_start3A_38 = tpu.memref_squeeze %dma_start3A_37 : memref<1x1x64xi32, #tpu.memory_space<vmem>> -> memref<64xi32, #tpu.memory_space<vmem>>
    %dma_start3A_39 = arith.constant 0 : i32
    %dma_start3A_40 = arith.constant 0 : i32
    %dma_start3A_41 = tpu.memref_slice %arg3[%dma_start3A_39, %dma_start3A_40] : memref<100000x128xf32, #tpu.memory_space<hbm>> -> memref<100000x128xf32, #tpu.memory_space<hbm>>
    tpu.enqueue_indirect_dma source(%dma_start3A_41 : memref<100000x128xf32, #tpu.memory_space<hbm>>) target(%dma_start3A_35 : memref<64x128xf32, #tpu.memory_space<vmem>>) offsets(%dma_start3A_38 : memref<64xi32, #tpu.memory_space<vmem>>) semaphore(%arg10 : memref<!tpu.dma_semaphore, #tpu.memory_space<semaphore_mem>>)
    %dma_start3A_42 = arith.constant 1 : i32
    %dma_start3A_43 = arith.constant 1 : i32
    %dma_start3A_44 = arith.constant 3 : i32
    %dma_start3A_45 = arith.constant 0 : i32
    %dma_start3A_46 = arith.constant 0 : i32
    %dma_start3A_47 = tpu.memref_slice %arg7[%dma_start3A_44, %dma_start3A_45, %dma_start3A_46] : memref<6x64x128xf32, #tpu.memory_space<vmem>> -> memref<1x64x128xf32, #tpu.memory_space<vmem>>
    %dma_start3A_48 = tpu.memref_squeeze %dma_start3A_47 : memref<1x64x128xf32, #tpu.memory_space<vmem>> -> memref<64x128xf32, #tpu.memory_space<vmem>>
    %dma_start3A_49 = arith.constant 0 : i32
    %dma_start3A_50 = tpu.memref_slice %arg6[%dma_start3A_42, %dma_start3A_43, %dma_start3A_49] : memref<2x8x64xi32, #tpu.memory_space<vmem>> -> memref<1x1x64xi32, #tpu.memory_space<vmem>>
    %dma_start3A_51 = tpu.memref_squeeze %dma_start3A_50 : memref<1x1x64xi32, #tpu.memory_space<vmem>> -> memref<64xi32, #tpu.memory_space<vmem>>
    %dma_start3A_52 = arith.constant 0 : i32
    %dma_start3A_53 = arith.constant 0 : i32
    %dma_start3A_54 = tpu.memref_slice %arg4[%dma_start3A_52, %dma_start3A_53] : memref<1000000x128xf32, #tpu.memory_space<hbm>> -> memref<1000000x128xf32, #tpu.memory_space<hbm>>
    tpu.enqueue_indirect_dma source(%dma_start3A_54 : memref<1000000x128xf32, #tpu.memory_space<hbm>>) target(%dma_start3A_48 : memref<64x128xf32, #tpu.memory_space<vmem>>) offsets(%dma_start3A_51 : memref<64xi32, #tpu.memory_space<vmem>>) semaphore(%arg10 : memref<!tpu.dma_semaphore, #tpu.memory_space<semaphore_mem>>)
    %dma_start3A_55 = arith.constant 0 : i32
    %dma_start3A_56 = arith.constant 2 : i32
    %dma_start3A_57 = arith.constant 4 : i32
    %dma_start3A_58 = arith.constant 0 : i32
    %dma_start3A_59 = arith.constant 0 : i32
    %dma_start3A_60 = tpu.memref_slice %arg7[%dma_start3A_57, %dma_start3A_58, %dma_start3A_59] : memref<6x64x128xf32, #tpu.memory_space<vmem>> -> memref<1x64x128xf32, #tpu.memory_space<vmem>>
    %dma_start3A_61 = tpu.memref_squeeze %dma_start3A_60 : memref<1x64x128xf32, #tpu.memory_space<vmem>> -> memref<64x128xf32, #tpu.memory_space<vmem>>
    %dma_start3A_62 = arith.constant 0 : i32
    %dma_start3A_63 = tpu.memref_slice %arg6[%dma_start3A_55, %dma_start3A_56, %dma_start3A_62] : memref<2x8x64xi32, #tpu.memory_space<vmem>> -> memref<1x1x64xi32, #tpu.memory_space<vmem>>
    %dma_start3A_64 = tpu.memref_squeeze %dma_start3A_63 : memref<1x1x64xi32, #tpu.memory_space<vmem>> -> memref<64xi32, #tpu.memory_space<vmem>>
    %dma_start3A_65 = arith.constant 0 : i32
    %dma_start3A_66 = arith.constant 0 : i32
    %dma_start3A_67 = tpu.memref_slice %arg3[%dma_start3A_65, %dma_start3A_66] : memref<100000x128xf32, #tpu.memory_space<hbm>> -> memref<100000x128xf32, #tpu.memory_space<hbm>>
    tpu.enqueue_indirect_dma source(%dma_start3A_67 : memref<100000x128xf32, #tpu.memory_space<hbm>>) target(%dma_start3A_61 : memref<64x128xf32, #tpu.memory_space<vmem>>) offsets(%dma_start3A_64 : memref<64xi32, #tpu.memory_space<vmem>>) semaphore(%arg11 : memref<!tpu.dma_semaphore, #tpu.memory_space<semaphore_mem>>)
    %dma_start3A_68 = arith.constant 1 : i32
    %dma_start3A_69 = arith.constant 2 : i32
    %dma_start3A_70 = arith.constant 5 : i32
    %dma_start3A_71 = arith.constant 0 : i32
    %dma_start3A_72 = arith.constant 0 : i32
    %dma_start3A_73 = tpu.memref_slice %arg7[%dma_start3A_70, %dma_start3A_71, %dma_start3A_72] : memref<6x64x128xf32, #tpu.memory_space<vmem>> -> memref<1x64x128xf32, #tpu.memory_space<vmem>>
    %dma_start3A_74 = tpu.memref_squeeze %dma_start3A_73 : memref<1x64x128xf32, #tpu.memory_space<vmem>> -> memref<64x128xf32, #tpu.memory_space<vmem>>
    %dma_start3A_75 = arith.constant 0 : i32
    %dma_start3A_76 = tpu.memref_slice %arg6[%dma_start3A_68, %dma_start3A_69, %dma_start3A_75] : memref<2x8x64xi32, #tpu.memory_space<vmem>> -> memref<1x1x64xi32, #tpu.memory_space<vmem>>
    %dma_start3A_77 = tpu.memref_squeeze %dma_start3A_76 : memref<1x1x64xi32, #tpu.memory_space<vmem>> -> memref<64xi32, #tpu.memory_space<vmem>>
    %dma_start3A_78 = arith.constant 0 : i32
    %dma_start3A_79 = arith.constant 0 : i32
    %dma_start3A_80 = tpu.memref_slice %arg4[%dma_start3A_78, %dma_start3A_79] : memref<1000000x128xf32, #tpu.memory_space<hbm>> -> memref<1000000x128xf32, #tpu.memory_space<hbm>>
    tpu.enqueue_indirect_dma source(%dma_start3A_80 : memref<1000000x128xf32, #tpu.memory_space<hbm>>) target(%dma_start3A_74 : memref<64x128xf32, #tpu.memory_space<vmem>>) offsets(%dma_start3A_77 : memref<64xi32, #tpu.memory_space<vmem>>) semaphore(%arg11 : memref<!tpu.dma_semaphore, #tpu.memory_space<semaphore_mem>>)
    %dma_wait3A = arith.constant 0 : i32
    %dma_wait3A_81 = arith.constant 0 : i32
    %dma_wait3A_82 = arith.constant 0 : i32
    %dma_wait3A_83 = arith.constant 0 : i32
    %dma_wait3A_84 = arith.constant 0 : i32
    %dma_wait3A_85 = tpu.memref_slice %arg7[%dma_wait3A_82, %dma_wait3A_83, %dma_wait3A_84] : memref<6x64x128xf32, #tpu.memory_space<vmem>> -> memref<1x64x128xf32, #tpu.memory_space<vmem>>
    %dma_wait3A_86 = tpu.memref_squeeze %dma_wait3A_85 : memref<1x64x128xf32, #tpu.memory_space<vmem>> -> memref<64x128xf32, #tpu.memory_space<vmem>>
    %dma_wait3A_87 = arith.constant 0 : i32
    %dma_wait3A_88 = tpu.memref_slice %arg6[%dma_wait3A, %dma_wait3A_81, %dma_wait3A_87] : memref<2x8x64xi32, #tpu.memory_space<vmem>> -> memref<1x1x64xi32, #tpu.memory_space<vmem>>
    %dma_wait3A_89 = tpu.memref_squeeze %dma_wait3A_88 : memref<1x1x64xi32, #tpu.memory_space<vmem>> -> memref<64xi32, #tpu.memory_space<vmem>>
    %dma_wait3A_90 = arith.constant 0 : i32
    %dma_wait3A_91 = arith.constant 0 : i32
    %dma_wait3A_92 = tpu.memref_slice %arg3[%dma_wait3A_90, %dma_wait3A_91] : memref<100000x128xf32, #tpu.memory_space<hbm>> -> memref<100000x128xf32, #tpu.memory_space<hbm>>
    tpu.wait_indirect_dma semaphore(%arg9 : memref<!tpu.dma_semaphore, #tpu.memory_space<semaphore_mem>>) src(%dma_wait3A_92 : memref<100000x128xf32, #tpu.memory_space<hbm>>) dst(%dma_wait3A_86 : memref<64x128xf32, #tpu.memory_space<vmem>>)
    %dma_wait3A_93 = arith.constant 1 : i32
    %dma_wait3A_94 = arith.constant 0 : i32
    %dma_wait3A_95 = arith.constant 1 : i32
    %dma_wait3A_96 = arith.constant 0 : i32
    %dma_wait3A_97 = arith.constant 0 : i32
    %dma_wait3A_98 = tpu.memref_slice %arg7[%dma_wait3A_95, %dma_wait3A_96, %dma_wait3A_97] : memref<6x64x128xf32, #tpu.memory_space<vmem>> -> memref<1x64x128xf32, #tpu.memory_space<vmem>>
    %dma_wait3A_99 = tpu.memref_squeeze %dma_wait3A_98 : memref<1x64x128xf32, #tpu.memory_space<vmem>> -> memref<64x128xf32, #tpu.memory_space<vmem>>
    %dma_wait3A_100 = arith.constant 0 : i32
    %dma_wait3A_101 = tpu.memref_slice %arg6[%dma_wait3A_93, %dma_wait3A_94, %dma_wait3A_100] : memref<2x8x64xi32, #tpu.memory_space<vmem>> -> memref<1x1x64xi32, #tpu.memory_space<vmem>>
    %dma_wait3A_102 = tpu.memref_squeeze %dma_wait3A_101 : memref<1x1x64xi32, #tpu.memory_space<vmem>> -> memref<64xi32, #tpu.memory_space<vmem>>
    %dma_wait3A_103 = arith.constant 0 : i32
    %dma_wait3A_104 = arith.constant 0 : i32
    %dma_wait3A_105 = tpu.memref_slice %arg4[%dma_wait3A_103, %dma_wait3A_104] : memref<1000000x128xf32, #tpu.memory_space<hbm>> -> memref<1000000x128xf32, #tpu.memory_space<hbm>>
    tpu.wait_indirect_dma semaphore(%arg9 : memref<!tpu.dma_semaphore, #tpu.memory_space<semaphore_mem>>) src(%dma_wait3A_105 : memref<1000000x128xf32, #tpu.memory_space<hbm>>) dst(%dma_wait3A_99 : memref<64x128xf32, #tpu.memory_space<vmem>>)
    %add3A_106 = arith.constant 0 : i32
    %add3A_107 = vector.broadcast %add3A_106 : i32 to vector<16xi32>
    %add3A_108 = arith.addi %iota3A, %add3A_107 : vector<16xi32>
    %broadcast_in_dim3A = arith.constant 0.000000e+00 : f32
    %broadcast_in_dim3A_109 = vector.broadcast %broadcast_in_dim3A : f32 to vector<16xf32>
    %parallel_loop3A = arith.constant 0 : i32
    %parallel_loop3A_110 = arith.constant 128 : i32
    %parallel_loop3A_111 = arith.constant 1 : i32
    %parallel_loop3A_112 = arith.constant 0 : i32
    %parallel_loop3A_113 = arith.constant 1 : i32
    %parallel_loop3A_114 = scf.for %parallel_loop3A_833 = %parallel_loop3A to %parallel_loop3A_110 step %parallel_loop3A_111 iter_args(%parallel_loop3A_834 = %broadcast_in_dim3A_109) -> (vector<16xf32>)  : i32 {
      %parallel_loop3A_835 = vector.broadcast %parallel_loop3A_833 : i32 to vector<16xi32>
      %parallel_loop3A_836 = arith.addi %iota3A, %parallel_loop3A_835 : vector<16xi32>
      %parallel_loop3A_837 = arith.constant 127 : i32
      %parallel_loop3A_838 = vector.broadcast %parallel_loop3A_837 : i32 to vector<16xi32>
      %parallel_loop3A_839 = arith.andi %parallel_loop3A_836, %parallel_loop3A_838 : vector<16xi32>
      %parallel_loop3A_840 = arith.constant 0 : i32
      %parallel_loop3A_841 = arith.constant 0 : i32
      %parallel_loop3A_842 = tpu.memref_slice %arg7[%parallel_loop3A_112, %parallel_loop3A_840, %parallel_loop3A_841] : memref<6x64x128xf32, #tpu.memory_space<vmem>> -> memref<1x64x128xf32, #tpu.memory_space<vmem>>
      %parallel_loop3A_843 = tpu.memref_squeeze %parallel_loop3A_842 : memref<1x64x128xf32, #tpu.memory_space<vmem>> -> memref<64x128xf32, #tpu.memory_space<vmem>>
      %parallel_loop3A_844 = tpu.vector_load_idx %parallel_loop3A_843[%add3A_108, %parallel_loop3A_839] : memref<64x128xf32, #tpu.memory_space<vmem>>[vector<16xi32>, vector<16xi32>], vector<16xf32>,
      %parallel_loop3A_845 = arith.constant 0 : i32
      %parallel_loop3A_846 = arith.constant 0 : i32
      %parallel_loop3A_847 = tpu.memref_slice %arg7[%parallel_loop3A_113, %parallel_loop3A_845, %parallel_loop3A_846] : memref<6x64x128xf32, #tpu.memory_space<vmem>> -> memref<1x64x128xf32, #tpu.memory_space<vmem>>
      %parallel_loop3A_848 = tpu.memref_squeeze %parallel_loop3A_847 : memref<1x64x128xf32, #tpu.memory_space<vmem>> -> memref<64x128xf32, #tpu.memory_space<vmem>>
      %parallel_loop3A_849 = tpu.vector_load_idx %parallel_loop3A_848[%add3A_108, %parallel_loop3A_839] : memref<64x128xf32, #tpu.memory_space<vmem>>[vector<16xi32>, vector<16xi32>], vector<16xf32>,
      %parallel_loop3A_850 = arith.mulf %parallel_loop3A_844, %parallel_loop3A_849 : vector<16xf32>
      %parallel_loop3A_851 = arith.addf %parallel_loop3A_834, %parallel_loop3A_850 : vector<16xf32>
      scf.yield %parallel_loop3A_851 : vector<16xf32>
    } {sc.loop_unroll_factor = 8 : i64, sc.parallel_access}
    %swap3A = arith.constant 0 : index
    %swap3A_115 = tpu.vector_load %arg8[%swap3A] {strides = array<i32>} : memref<512xf32, #tpu.memory_space<vmem>>, vector<16xf32>,
    tpu.vector_store %arg8[%swap3A], %parallel_loop3A_114 {strides = array<i32>} : memref<512xf32, #tpu.memory_space<vmem>>, vector<16xf32>,
    %add3A_116 = arith.constant 16 : i32
    %add3A_117 = vector.broadcast %add3A_116 : i32 to vector<16xi32>
    %add3A_118 = arith.addi %iota3A, %add3A_117 : vector<16xi32>
    %broadcast_in_dim3A_119 = arith.constant 0.000000e+00 : f32
    %broadcast_in_dim3A_120 = vector.broadcast %broadcast_in_dim3A_119 : f32 to vector<16xf32>
    %parallel_loop3A_121 = arith.constant 0 : i32
    %parallel_loop3A_122 = arith.constant 128 : i32
    %parallel_loop3A_123 = arith.constant 1 : i32
    %parallel_loop3A_124 = arith.constant 0 : i32
    %parallel_loop3A_125 = arith.constant 1 : i32
    %parallel_loop3A_126 = scf.for %parallel_loop3A_833 = %parallel_loop3A_121 to %parallel_loop3A_122 step %parallel_loop3A_123 iter_args(%parallel_loop3A_834 = %broadcast_in_dim3A_120) -> (vector<16xf32>)  : i32 {
      %parallel_loop3A_835 = vector.broadcast %parallel_loop3A_833 : i32 to vector<16xi32>
      %parallel_loop3A_836 = arith.addi %iota3A, %parallel_loop3A_835 : vector<16xi32>
      %parallel_loop3A_837 = arith.constant 127 : i32
      %parallel_loop3A_838 = vector.broadcast %parallel_loop3A_837 : i32 to vector<16xi32>
      %parallel_loop3A_839 = arith.andi %parallel_loop3A_836, %parallel_loop3A_838 : vector<16xi32>
      %parallel_loop3A_840 = arith.constant 0 : i32
      %parallel_loop3A_841 = arith.constant 0 : i32
      %parallel_loop3A_842 = tpu.memref_slice %arg7[%parallel_loop3A_124, %parallel_loop3A_840, %parallel_loop3A_841] : memref<6x64x128xf32, #tpu.memory_space<vmem>> -> memref<1x64x128xf32, #tpu.memory_space<vmem>>
      %parallel_loop3A_843 = tpu.memref_squeeze %parallel_loop3A_842 : memref<1x64x128xf32, #tpu.memory_space<vmem>> -> memref<64x128xf32, #tpu.memory_space<vmem>>
      %parallel_loop3A_844 = tpu.vector_load_idx %parallel_loop3A_843[%add3A_118, %parallel_loop3A_839] : memref<64x128xf32, #tpu.memory_space<vmem>>[vector<16xi32>, vector<16xi32>], vector<16xf32>,
      %parallel_loop3A_845 = arith.constant 0 : i32
      %parallel_loop3A_846 = arith.constant 0 : i32
      %parallel_loop3A_847 = tpu.memref_slice %arg7[%parallel_loop3A_125, %parallel_loop3A_845, %parallel_loop3A_846] : memref<6x64x128xf32, #tpu.memory_space<vmem>> -> memref<1x64x128xf32, #tpu.memory_space<vmem>>
      %parallel_loop3A_848 = tpu.memref_squeeze %parallel_loop3A_847 : memref<1x64x128xf32, #tpu.memory_space<vmem>> -> memref<64x128xf32, #tpu.memory_space<vmem>>
      %parallel_loop3A_849 = tpu.vector_load_idx %parallel_loop3A_848[%add3A_118, %parallel_loop3A_839] : memref<64x128xf32, #tpu.memory_space<vmem>>[vector<16xi32>, vector<16xi32>], vector<16xf32>,
      %parallel_loop3A_850 = arith.mulf %parallel_loop3A_844, %parallel_loop3A_849 : vector<16xf32>
      %parallel_loop3A_851 = arith.addf %parallel_loop3A_834, %parallel_loop3A_850 : vector<16xf32>
      scf.yield %parallel_loop3A_851 : vector<16xf32>
    } {sc.loop_unroll_factor = 8 : i64, sc.parallel_access}
    %swap3A_127 = arith.constant 16 : index
    %swap3A_128 = tpu.vector_load %arg8[%swap3A_127] {strides = array<i32>} : memref<512xf32, #tpu.memory_space<vmem>>, vector<16xf32>,
    tpu.vector_store %arg8[%swap3A_127], %parallel_loop3A_126 {strides = array<i32>} : memref<512xf32, #tpu.memory_space<vmem>>, vector<16xf32>,
    %add3A_129 = arith.constant 32 : i32
    %add3A_130 = vector.broadcast %add3A_129 : i32 to vector<16xi32>
    %add3A_131 = arith.addi %iota3A, %add3A_130 : vector<16xi32>
    %broadcast_in_dim3A_132 = arith.constant 0.000000e+00 : f32
    %broadcast_in_dim3A_133 = vector.broadcast %broadcast_in_dim3A_132 : f32 to vector<16xf32>
    %parallel_loop3A_134 = arith.constant 0 : i32
    %parallel_loop3A_135 = arith.constant 128 : i32
    %parallel_loop3A_136 = arith.constant 1 : i32
    %parallel_loop3A_137 = arith.constant 0 : i32
    %parallel_loop3A_138 = arith.constant 1 : i32
    %parallel_loop3A_139 = scf.for %parallel_loop3A_833 = %parallel_loop3A_134 to %parallel_loop3A_135 step %parallel_loop3A_136 iter_args(%parallel_loop3A_834 = %broadcast_in_dim3A_133) -> (vector<16xf32>)  : i32 {
      %parallel_loop3A_835 = vector.broadcast %parallel_loop3A_833 : i32 to vector<16xi32>
      %parallel_loop3A_836 = arith.addi %iota3A, %parallel_loop3A_835 : vector<16xi32>
      %parallel_loop3A_837 = arith.constant 127 : i32
      %parallel_loop3A_838 = vector.broadcast %parallel_loop3A_837 : i32 to vector<16xi32>
      %parallel_loop3A_839 = arith.andi %parallel_loop3A_836, %parallel_loop3A_838 : vector<16xi32>
      %parallel_loop3A_840 = arith.constant 0 : i32
      %parallel_loop3A_841 = arith.constant 0 : i32
      %parallel_loop3A_842 = tpu.memref_slice %arg7[%parallel_loop3A_137, %parallel_loop3A_840, %parallel_loop3A_841] : memref<6x64x128xf32, #tpu.memory_space<vmem>> -> memref<1x64x128xf32, #tpu.memory_space<vmem>>
      %parallel_loop3A_843 = tpu.memref_squeeze %parallel_loop3A_842 : memref<1x64x128xf32, #tpu.memory_space<vmem>> -> memref<64x128xf32, #tpu.memory_space<vmem>>
      %parallel_loop3A_844 = tpu.vector_load_idx %parallel_loop3A_843[%add3A_131, %parallel_loop3A_839] : memref<64x128xf32, #tpu.memory_space<vmem>>[vector<16xi32>, vector<16xi32>], vector<16xf32>,
      %parallel_loop3A_845 = arith.constant 0 : i32
      %parallel_loop3A_846 = arith.constant 0 : i32
      %parallel_loop3A_847 = tpu.memref_slice %arg7[%parallel_loop3A_138, %parallel_loop3A_845, %parallel_loop3A_846] : memref<6x64x128xf32, #tpu.memory_space<vmem>> -> memref<1x64x128xf32, #tpu.memory_space<vmem>>
      %parallel_loop3A_848 = tpu.memref_squeeze %parallel_loop3A_847 : memref<1x64x128xf32, #tpu.memory_space<vmem>> -> memref<64x128xf32, #tpu.memory_space<vmem>>
      %parallel_loop3A_849 = tpu.vector_load_idx %parallel_loop3A_848[%add3A_131, %parallel_loop3A_839] : memref<64x128xf32, #tpu.memory_space<vmem>>[vector<16xi32>, vector<16xi32>], vector<16xf32>,
      %parallel_loop3A_850 = arith.mulf %parallel_loop3A_844, %parallel_loop3A_849 : vector<16xf32>
      %parallel_loop3A_851 = arith.addf %parallel_loop3A_834, %parallel_loop3A_850 : vector<16xf32>
      scf.yield %parallel_loop3A_851 : vector<16xf32>
    } {sc.loop_unroll_factor = 8 : i64, sc.parallel_access}
    %swap3A_140 = arith.constant 32 : index
    %swap3A_141 = tpu.vector_load %arg8[%swap3A_140] {strides = array<i32>} : memref<512xf32, #tpu.memory_space<vmem>>, vector<16xf32>,
    tpu.vector_store %arg8[%swap3A_140], %parallel_loop3A_139 {strides = array<i32>} : memref<512xf32, #tpu.memory_space<vmem>>, vector<16xf32>,
    %add3A_142 = arith.constant 48 : i32
    %add3A_143 = vector.broadcast %add3A_142 : i32 to vector<16xi32>
    %add3A_144 = arith.addi %iota3A, %add3A_143 : vector<16xi32>
    %broadcast_in_dim3A_145 = arith.constant 0.000000e+00 : f32
    %broadcast_in_dim3A_146 = vector.broadcast %broadcast_in_dim3A_145 : f32 to vector<16xf32>
    %parallel_loop3A_147 = arith.constant 0 : i32
    %parallel_loop3A_148 = arith.constant 128 : i32
    %parallel_loop3A_149 = arith.constant 1 : i32
    %parallel_loop3A_150 = arith.constant 0 : i32
    %parallel_loop3A_151 = arith.constant 1 : i32
    %parallel_loop3A_152 = scf.for %parallel_loop3A_833 = %parallel_loop3A_147 to %parallel_loop3A_148 step %parallel_loop3A_149 iter_args(%parallel_loop3A_834 = %broadcast_in_dim3A_146) -> (vector<16xf32>)  : i32 {
      %parallel_loop3A_835 = vector.broadcast %parallel_loop3A_833 : i32 to vector<16xi32>
      %parallel_loop3A_836 = arith.addi %iota3A, %parallel_loop3A_835 : vector<16xi32>
      %parallel_loop3A_837 = arith.constant 127 : i32
      %parallel_loop3A_838 = vector.broadcast %parallel_loop3A_837 : i32 to vector<16xi32>
      %parallel_loop3A_839 = arith.andi %parallel_loop3A_836, %parallel_loop3A_838 : vector<16xi32>
      %parallel_loop3A_840 = arith.constant 0 : i32
      %parallel_loop3A_841 = arith.constant 0 : i32
      %parallel_loop3A_842 = tpu.memref_slice %arg7[%parallel_loop3A_150, %parallel_loop3A_840, %parallel_loop3A_841] : memref<6x64x128xf32, #tpu.memory_space<vmem>> -> memref<1x64x128xf32, #tpu.memory_space<vmem>>
      %parallel_loop3A_843 = tpu.memref_squeeze %parallel_loop3A_842 : memref<1x64x128xf32, #tpu.memory_space<vmem>> -> memref<64x128xf32, #tpu.memory_space<vmem>>
      %parallel_loop3A_844 = tpu.vector_load_idx %parallel_loop3A_843[%add3A_144, %parallel_loop3A_839] : memref<64x128xf32, #tpu.memory_space<vmem>>[vector<16xi32>, vector<16xi32>], vector<16xf32>,
      %parallel_loop3A_845 = arith.constant 0 : i32
      %parallel_loop3A_846 = arith.constant 0 : i32
      %parallel_loop3A_847 = tpu.memref_slice %arg7[%parallel_loop3A_151, %parallel_loop3A_845, %parallel_loop3A_846] : memref<6x64x128xf32, #tpu.memory_space<vmem>> -> memref<1x64x128xf32, #tpu.memory_space<vmem>>
      %parallel_loop3A_848 = tpu.memref_squeeze %parallel_loop3A_847 : memref<1x64x128xf32, #tpu.memory_space<vmem>> -> memref<64x128xf32, #tpu.memory_space<vmem>>
      %parallel_loop3A_849 = tpu.vector_load_idx %parallel_loop3A_848[%add3A_144, %parallel_loop3A_839] : memref<64x128xf32, #tpu.memory_space<vmem>>[vector<16xi32>, vector<16xi32>], vector<16xf32>,
      %parallel_loop3A_850 = arith.mulf %parallel_loop3A_844, %parallel_loop3A_849 : vector<16xf32>
      %parallel_loop3A_851 = arith.addf %parallel_loop3A_834, %parallel_loop3A_850 : vector<16xf32>
      scf.yield %parallel_loop3A_851 : vector<16xf32>
    } {sc.loop_unroll_factor = 8 : i64, sc.parallel_access}
    %swap3A_153 = arith.constant 48 : index
    %swap3A_154 = tpu.vector_load %arg8[%swap3A_153] {strides = array<i32>} : memref<512xf32, #tpu.memory_space<vmem>>, vector<16xf32>,
    tpu.vector_store %arg8[%swap3A_153], %parallel_loop3A_152 {strides = array<i32>} : memref<512xf32, #tpu.memory_space<vmem>>, vector<16xf32>,
    %dma_start3A_155 = arith.constant 0 : i32
    %dma_start3A_156 = arith.constant 3 : i32
    %dma_start3A_157 = arith.constant 0 : i32
    %dma_start3A_158 = arith.constant 0 : i32
    %dma_start3A_159 = arith.constant 0 : i32
    %dma_start3A_160 = tpu.memref_slice %arg7[%dma_start3A_157, %dma_start3A_158, %dma_start3A_159] : memref<6x64x128xf32, #tpu.memory_space<vmem>> -> memref<1x64x128xf32, #tpu.memory_space<vmem>>
    %dma_start3A_161 = tpu.memref_squeeze %dma_start3A_160 : memref<1x64x128xf32, #tpu.memory_space<vmem>> -> memref<64x128xf32, #tpu.memory_space<vmem>>
    %dma_start3A_162 = arith.constant 0 : i32
    %dma_start3A_163 = tpu.memref_slice %arg6[%dma_start3A_155, %dma_start3A_156, %dma_start3A_162] : memref<2x8x64xi32, #tpu.memory_space<vmem>> -> memref<1x1x64xi32, #tpu.memory_space<vmem>>
    %dma_start3A_164 = tpu.memref_squeeze %dma_start3A_163 : memref<1x1x64xi32, #tpu.memory_space<vmem>> -> memref<64xi32, #tpu.memory_space<vmem>>
    %dma_start3A_165 = arith.constant 0 : i32
    %dma_start3A_166 = arith.constant 0 : i32
    %dma_start3A_167 = tpu.memref_slice %arg3[%dma_start3A_165, %dma_start3A_166] : memref<100000x128xf32, #tpu.memory_space<hbm>> -> memref<100000x128xf32, #tpu.memory_space<hbm>>
    tpu.enqueue_indirect_dma source(%dma_start3A_167 : memref<100000x128xf32, #tpu.memory_space<hbm>>) target(%dma_start3A_161 : memref<64x128xf32, #tpu.memory_space<vmem>>) offsets(%dma_start3A_164 : memref<64xi32, #tpu.memory_space<vmem>>) semaphore(%arg9 : memref<!tpu.dma_semaphore, #tpu.memory_space<semaphore_mem>>)
    %dma_start3A_168 = arith.constant 1 : i32
    %dma_start3A_169 = arith.constant 3 : i32
    %dma_start3A_170 = arith.constant 1 : i32
    %dma_start3A_171 = arith.constant 0 : i32
    %dma_start3A_172 = arith.constant 0 : i32
    %dma_start3A_173 = tpu.memref_slice %arg7[%dma_start3A_170, %dma_start3A_171, %dma_start3A_172] : memref<6x64x128xf32, #tpu.memory_space<vmem>> -> memref<1x64x128xf32, #tpu.memory_space<vmem>>
    %dma_start3A_174 = tpu.memref_squeeze %dma_start3A_173 : memref<1x64x128xf32, #tpu.memory_space<vmem>> -> memref<64x128xf32, #tpu.memory_space<vmem>>
    %dma_start3A_175 = arith.constant 0 : i32
    %dma_start3A_176 = tpu.memref_slice %arg6[%dma_start3A_168, %dma_start3A_169, %dma_start3A_175] : memref<2x8x64xi32, #tpu.memory_space<vmem>> -> memref<1x1x64xi32, #tpu.memory_space<vmem>>
    %dma_start3A_177 = tpu.memref_squeeze %dma_start3A_176 : memref<1x1x64xi32, #tpu.memory_space<vmem>> -> memref<64xi32, #tpu.memory_space<vmem>>
    %dma_start3A_178 = arith.constant 0 : i32
    %dma_start3A_179 = arith.constant 0 : i32
    %dma_start3A_180 = tpu.memref_slice %arg4[%dma_start3A_178, %dma_start3A_179] : memref<1000000x128xf32, #tpu.memory_space<hbm>> -> memref<1000000x128xf32, #tpu.memory_space<hbm>>
    tpu.enqueue_indirect_dma source(%dma_start3A_180 : memref<1000000x128xf32, #tpu.memory_space<hbm>>) target(%dma_start3A_174 : memref<64x128xf32, #tpu.memory_space<vmem>>) offsets(%dma_start3A_177 : memref<64xi32, #tpu.memory_space<vmem>>) semaphore(%arg9 : memref<!tpu.dma_semaphore, #tpu.memory_space<semaphore_mem>>)
    %dma_wait3A_181 = arith.constant 0 : i32
    %dma_wait3A_182 = arith.constant 1 : i32
    %dma_wait3A_183 = arith.constant 2 : i32
    %dma_wait3A_184 = arith.constant 0 : i32
    %dma_wait3A_185 = arith.constant 0 : i32
    %dma_wait3A_186 = tpu.memref_slice %arg7[%dma_wait3A_183, %dma_wait3A_184, %dma_wait3A_185] : memref<6x64x128xf32, #tpu.memory_space<vmem>> -> memref<1x64x128xf32, #tpu.memory_space<vmem>>
    %dma_wait3A_187 = tpu.memref_squeeze %dma_wait3A_186 : memref<1x64x128xf32, #tpu.memory_space<vmem>> -> memref<64x128xf32, #tpu.memory_space<vmem>>
    %dma_wait3A_188 = arith.constant 0 : i32
    %dma_wait3A_189 = tpu.memref_slice %arg6[%dma_wait3A_181, %dma_wait3A_182, %dma_wait3A_188] : memref<2x8x64xi32, #tpu.memory_space<vmem>> -> memref<1x1x64xi32, #tpu.memory_space<vmem>>
    %dma_wait3A_190 = tpu.memref_squeeze %dma_wait3A_189 : memref<1x1x64xi32, #tpu.memory_space<vmem>> -> memref<64xi32, #tpu.memory_space<vmem>>
    %dma_wait3A_191 = arith.constant 0 : i32
    %dma_wait3A_192 = arith.constant 0 : i32
    %dma_wait3A_193 = tpu.memref_slice %arg3[%dma_wait3A_191, %dma_wait3A_192] : memref<100000x128xf32, #tpu.memory_space<hbm>> -> memref<100000x128xf32, #tpu.memory_space<hbm>>
    tpu.wait_indirect_dma semaphore(%arg10 : memref<!tpu.dma_semaphore, #tpu.memory_space<semaphore_mem>>) src(%dma_wait3A_193 : memref<100000x128xf32, #tpu.memory_space<hbm>>) dst(%dma_wait3A_187 : memref<64x128xf32, #tpu.memory_space<vmem>>)
    %dma_wait3A_194 = arith.constant 1 : i32
    %dma_wait3A_195 = arith.constant 1 : i32
    %dma_wait3A_196 = arith.constant 3 : i32
    %dma_wait3A_197 = arith.constant 0 : i32
    %dma_wait3A_198 = arith.constant 0 : i32
    %dma_wait3A_199 = tpu.memref_slice %arg7[%dma_wait3A_196, %dma_wait3A_197, %dma_wait3A_198] : memref<6x64x128xf32, #tpu.memory_space<vmem>> -> memref<1x64x128xf32, #tpu.memory_space<vmem>>
    %dma_wait3A_200 = tpu.memref_squeeze %dma_wait3A_199 : memref<1x64x128xf32, #tpu.memory_space<vmem>> -> memref<64x128xf32, #tpu.memory_space<vmem>>
    %dma_wait3A_201 = arith.constant 0 : i32
    %dma_wait3A_202 = tpu.memref_slice %arg6[%dma_wait3A_194, %dma_wait3A_195, %dma_wait3A_201] : memref<2x8x64xi32, #tpu.memory_space<vmem>> -> memref<1x1x64xi32, #tpu.memory_space<vmem>>
    %dma_wait3A_203 = tpu.memref_squeeze %dma_wait3A_202 : memref<1x1x64xi32, #tpu.memory_space<vmem>> -> memref<64xi32, #tpu.memory_space<vmem>>
    %dma_wait3A_204 = arith.constant 0 : i32
    %dma_wait3A_205 = arith.constant 0 : i32
    %dma_wait3A_206 = tpu.memref_slice %arg4[%dma_wait3A_204, %dma_wait3A_205] : memref<1000000x128xf32, #tpu.memory_space<hbm>> -> memref<1000000x128xf32, #tpu.memory_space<hbm>>
    tpu.wait_indirect_dma semaphore(%arg10 : memref<!tpu.dma_semaphore, #tpu.memory_space<semaphore_mem>>) src(%dma_wait3A_206 : memref<1000000x128xf32, #tpu.memory_space<hbm>>) dst(%dma_wait3A_200 : memref<64x128xf32, #tpu.memory_space<vmem>>)
    %add3A_207 = arith.constant 0 : i32
    %add3A_208 = vector.broadcast %add3A_207 : i32 to vector<16xi32>
    %add3A_209 = arith.addi %iota3A, %add3A_208 : vector<16xi32>
    %broadcast_in_dim3A_210 = arith.constant 0.000000e+00 : f32
    %broadcast_in_dim3A_211 = vector.broadcast %broadcast_in_dim3A_210 : f32 to vector<16xf32>
    %parallel_loop3A_212 = arith.constant 0 : i32
    %parallel_loop3A_213 = arith.constant 128 : i32
    %parallel_loop3A_214 = arith.constant 1 : i32
    %parallel_loop3A_215 = arith.constant 2 : i32
    %parallel_loop3A_216 = arith.constant 3 : i32
    %parallel_loop3A_217 = scf.for %parallel_loop3A_833 = %parallel_loop3A_212 to %parallel_loop3A_213 step %parallel_loop3A_214 iter_args(%parallel_loop3A_834 = %broadcast_in_dim3A_211) -> (vector<16xf32>)  : i32 {
      %parallel_loop3A_835 = vector.broadcast %parallel_loop3A_833 : i32 to vector<16xi32>
      %parallel_loop3A_836 = arith.addi %iota3A, %parallel_loop3A_835 : vector<16xi32>
      %parallel_loop3A_837 = arith.constant 127 : i32
      %parallel_loop3A_838 = vector.broadcast %parallel_loop3A_837 : i32 to vector<16xi32>
      %parallel_loop3A_839 = arith.andi %parallel_loop3A_836, %parallel_loop3A_838 : vector<16xi32>
      %parallel_loop3A_840 = arith.constant 0 : i32
      %parallel_loop3A_841 = arith.constant 0 : i32
      %parallel_loop3A_842 = tpu.memref_slice %arg7[%parallel_loop3A_215, %parallel_loop3A_840, %parallel_loop3A_841] : memref<6x64x128xf32, #tpu.memory_space<vmem>> -> memref<1x64x128xf32, #tpu.memory_space<vmem>>
      %parallel_loop3A_843 = tpu.memref_squeeze %parallel_loop3A_842 : memref<1x64x128xf32, #tpu.memory_space<vmem>> -> memref<64x128xf32, #tpu.memory_space<vmem>>
      %parallel_loop3A_844 = tpu.vector_load_idx %parallel_loop3A_843[%add3A_209, %parallel_loop3A_839] : memref<64x128xf32, #tpu.memory_space<vmem>>[vector<16xi32>, vector<16xi32>], vector<16xf32>,
      %parallel_loop3A_845 = arith.constant 0 : i32
      %parallel_loop3A_846 = arith.constant 0 : i32
      %parallel_loop3A_847 = tpu.memref_slice %arg7[%parallel_loop3A_216, %parallel_loop3A_845, %parallel_loop3A_846] : memref<6x64x128xf32, #tpu.memory_space<vmem>> -> memref<1x64x128xf32, #tpu.memory_space<vmem>>
      %parallel_loop3A_848 = tpu.memref_squeeze %parallel_loop3A_847 : memref<1x64x128xf32, #tpu.memory_space<vmem>> -> memref<64x128xf32, #tpu.memory_space<vmem>>
      %parallel_loop3A_849 = tpu.vector_load_idx %parallel_loop3A_848[%add3A_209, %parallel_loop3A_839] : memref<64x128xf32, #tpu.memory_space<vmem>>[vector<16xi32>, vector<16xi32>], vector<16xf32>,
      %parallel_loop3A_850 = arith.mulf %parallel_loop3A_844, %parallel_loop3A_849 : vector<16xf32>
      %parallel_loop3A_851 = arith.addf %parallel_loop3A_834, %parallel_loop3A_850 : vector<16xf32>
      scf.yield %parallel_loop3A_851 : vector<16xf32>
    } {sc.loop_unroll_factor = 8 : i64, sc.parallel_access}
    %swap3A_218 = arith.constant 64 : index
    %swap3A_219 = tpu.vector_load %arg8[%swap3A_218] {strides = array<i32>} : memref<512xf32, #tpu.memory_space<vmem>>, vector<16xf32>,
    tpu.vector_store %arg8[%swap3A_218], %parallel_loop3A_217 {strides = array<i32>} : memref<512xf32, #tpu.memory_space<vmem>>, vector<16xf32>,
    %add3A_220 = arith.constant 16 : i32
    %add3A_221 = vector.broadcast %add3A_220 : i32 to vector<16xi32>
    %add3A_222 = arith.addi %iota3A, %add3A_221 : vector<16xi32>
    %broadcast_in_dim3A_223 = arith.constant 0.000000e+00 : f32
    %broadcast_in_dim3A_224 = vector.broadcast %broadcast_in_dim3A_223 : f32 to vector<16xf32>
    %parallel_loop3A_225 = arith.constant 0 : i32
    %parallel_loop3A_226 = arith.constant 128 : i32
    %parallel_loop3A_227 = arith.constant 1 : i32
    %parallel_loop3A_228 = arith.constant 2 : i32
    %parallel_loop3A_229 = arith.constant 3 : i32
    %parallel_loop3A_230 = scf.for %parallel_loop3A_833 = %parallel_loop3A_225 to %parallel_loop3A_226 step %parallel_loop3A_227 iter_args(%parallel_loop3A_834 = %broadcast_in_dim3A_224) -> (vector<16xf32>)  : i32 {
      %parallel_loop3A_835 = vector.broadcast %parallel_loop3A_833 : i32 to vector<16xi32>
      %parallel_loop3A_836 = arith.addi %iota3A, %parallel_loop3A_835 : vector<16xi32>
      %parallel_loop3A_837 = arith.constant 127 : i32
      %parallel_loop3A_838 = vector.broadcast %parallel_loop3A_837 : i32 to vector<16xi32>
      %parallel_loop3A_839 = arith.andi %parallel_loop3A_836, %parallel_loop3A_838 : vector<16xi32>
      %parallel_loop3A_840 = arith.constant 0 : i32
      %parallel_loop3A_841 = arith.constant 0 : i32
      %parallel_loop3A_842 = tpu.memref_slice %arg7[%parallel_loop3A_228, %parallel_loop3A_840, %parallel_loop3A_841] : memref<6x64x128xf32, #tpu.memory_space<vmem>> -> memref<1x64x128xf32, #tpu.memory_space<vmem>>
      %parallel_loop3A_843 = tpu.memref_squeeze %parallel_loop3A_842 : memref<1x64x128xf32, #tpu.memory_space<vmem>> -> memref<64x128xf32, #tpu.memory_space<vmem>>
      %parallel_loop3A_844 = tpu.vector_load_idx %parallel_loop3A_843[%add3A_222, %parallel_loop3A_839] : memref<64x128xf32, #tpu.memory_space<vmem>>[vector<16xi32>, vector<16xi32>], vector<16xf32>,
      %parallel_loop3A_845 = arith.constant 0 : i32
      %parallel_loop3A_846 = arith.constant 0 : i32
      %parallel_loop3A_847 = tpu.memref_slice %arg7[%parallel_loop3A_229, %parallel_loop3A_845, %parallel_loop3A_846] : memref<6x64x128xf32, #tpu.memory_space<vmem>> -> memref<1x64x128xf32, #tpu.memory_space<vmem>>
      %parallel_loop3A_848 = tpu.memref_squeeze %parallel_loop3A_847 : memref<1x64x128xf32, #tpu.memory_space<vmem>> -> memref<64x128xf32, #tpu.memory_space<vmem>>
      %parallel_loop3A_849 = tpu.vector_load_idx %parallel_loop3A_848[%add3A_222, %parallel_loop3A_839] : memref<64x128xf32, #tpu.memory_space<vmem>>[vector<16xi32>, vector<16xi32>], vector<16xf32>,
      %parallel_loop3A_850 = arith.mulf %parallel_loop3A_844, %parallel_loop3A_849 : vector<16xf32>
      %parallel_loop3A_851 = arith.addf %parallel_loop3A_834, %parallel_loop3A_850 : vector<16xf32>
      scf.yield %parallel_loop3A_851 : vector<16xf32>
    } {sc.loop_unroll_factor = 8 : i64, sc.parallel_access}
    %swap3A_231 = arith.constant 80 : index
    %swap3A_232 = tpu.vector_load %arg8[%swap3A_231] {strides = array<i32>} : memref<512xf32, #tpu.memory_space<vmem>>, vector<16xf32>,
    tpu.vector_store %arg8[%swap3A_231], %parallel_loop3A_230 {strides = array<i32>} : memref<512xf32, #tpu.memory_space<vmem>>, vector<16xf32>,
    %add3A_233 = arith.constant 32 : i32
    %add3A_234 = vector.broadcast %add3A_233 : i32 to vector<16xi32>
    %add3A_235 = arith.addi %iota3A, %add3A_234 : vector<16xi32>
    %broadcast_in_dim3A_236 = arith.constant 0.000000e+00 : f32
    %broadcast_in_dim3A_237 = vector.broadcast %broadcast_in_dim3A_236 : f32 to vector<16xf32>
    %parallel_loop3A_238 = arith.constant 0 : i32
    %parallel_loop3A_239 = arith.constant 128 : i32
    %parallel_loop3A_240 = arith.constant 1 : i32
    %parallel_loop3A_241 = arith.constant 2 : i32
    %parallel_loop3A_242 = arith.constant 3 : i32
    %parallel_loop3A_243 = scf.for %parallel_loop3A_833 = %parallel_loop3A_238 to %parallel_loop3A_239 step %parallel_loop3A_240 iter_args(%parallel_loop3A_834 = %broadcast_in_dim3A_237) -> (vector<16xf32>)  : i32 {
      %parallel_loop3A_835 = vector.broadcast %parallel_loop3A_833 : i32 to vector<16xi32>
      %parallel_loop3A_836 = arith.addi %iota3A, %parallel_loop3A_835 : vector<16xi32>
      %parallel_loop3A_837 = arith.constant 127 : i32
      %parallel_loop3A_838 = vector.broadcast %parallel_loop3A_837 : i32 to vector<16xi32>
      %parallel_loop3A_839 = arith.andi %parallel_loop3A_836, %parallel_loop3A_838 : vector<16xi32>
      %parallel_loop3A_840 = arith.constant 0 : i32
      %parallel_loop3A_841 = arith.constant 0 : i32
      %parallel_loop3A_842 = tpu.memref_slice %arg7[%parallel_loop3A_241, %parallel_loop3A_840, %parallel_loop3A_841] : memref<6x64x128xf32, #tpu.memory_space<vmem>> -> memref<1x64x128xf32, #tpu.memory_space<vmem>>
      %parallel_loop3A_843 = tpu.memref_squeeze %parallel_loop3A_842 : memref<1x64x128xf32, #tpu.memory_space<vmem>> -> memref<64x128xf32, #tpu.memory_space<vmem>>
      %parallel_loop3A_844 = tpu.vector_load_idx %parallel_loop3A_843[%add3A_235, %parallel_loop3A_839] : memref<64x128xf32, #tpu.memory_space<vmem>>[vector<16xi32>, vector<16xi32>], vector<16xf32>,
      %parallel_loop3A_845 = arith.constant 0 : i32
      %parallel_loop3A_846 = arith.constant 0 : i32
      %parallel_loop3A_847 = tpu.memref_slice %arg7[%parallel_loop3A_242, %parallel_loop3A_845, %parallel_loop3A_846] : memref<6x64x128xf32, #tpu.memory_space<vmem>> -> memref<1x64x128xf32, #tpu.memory_space<vmem>>
      %parallel_loop3A_848 = tpu.memref_squeeze %parallel_loop3A_847 : memref<1x64x128xf32, #tpu.memory_space<vmem>> -> memref<64x128xf32, #tpu.memory_space<vmem>>
      %parallel_loop3A_849 = tpu.vector_load_idx %parallel_loop3A_848[%add3A_235, %parallel_loop3A_839] : memref<64x128xf32, #tpu.memory_space<vmem>>[vector<16xi32>, vector<16xi32>], vector<16xf32>,
      %parallel_loop3A_850 = arith.mulf %parallel_loop3A_844, %parallel_loop3A_849 : vector<16xf32>
      %parallel_loop3A_851 = arith.addf %parallel_loop3A_834, %parallel_loop3A_850 : vector<16xf32>
      scf.yield %parallel_loop3A_851 : vector<16xf32>
    } {sc.loop_unroll_factor = 8 : i64, sc.parallel_access}
    %swap3A_244 = arith.constant 96 : index
    %swap3A_245 = tpu.vector_load %arg8[%swap3A_244] {strides = array<i32>} : memref<512xf32, #tpu.memory_space<vmem>>, vector<16xf32>,
    tpu.vector_store %arg8[%swap3A_244], %parallel_loop3A_243 {strides = array<i32>} : memref<512xf32, #tpu.memory_space<vmem>>, vector<16xf32>,
    %add3A_246 = arith.constant 48 : i32
    %add3A_247 = vector.broadcast %add3A_246 : i32 to vector<16xi32>
    %add3A_248 = arith.addi %iota3A, %add3A_247 : vector<16xi32>
    %broadcast_in_dim3A_249 = arith.constant 0.000000e+00 : f32
    %broadcast_in_dim3A_250 = vector.broadcast %broadcast_in_dim3A_249 : f32 to vector<16xf32>
    %parallel_loop3A_251 = arith.constant 0 : i32
    %parallel_loop3A_252 = arith.constant 128 : i32
    %parallel_loop3A_253 = arith.constant 1 : i32
    %parallel_loop3A_254 = arith.constant 2 : i32
    %parallel_loop3A_255 = arith.constant 3 : i32
    %parallel_loop3A_256 = scf.for %parallel_loop3A_833 = %parallel_loop3A_251 to %parallel_loop3A_252 step %parallel_loop3A_253 iter_args(%parallel_loop3A_834 = %broadcast_in_dim3A_250) -> (vector<16xf32>)  : i32 {
      %parallel_loop3A_835 = vector.broadcast %parallel_loop3A_833 : i32 to vector<16xi32>
      %parallel_loop3A_836 = arith.addi %iota3A, %parallel_loop3A_835 : vector<16xi32>
      %parallel_loop3A_837 = arith.constant 127 : i32
      %parallel_loop3A_838 = vector.broadcast %parallel_loop3A_837 : i32 to vector<16xi32>
      %parallel_loop3A_839 = arith.andi %parallel_loop3A_836, %parallel_loop3A_838 : vector<16xi32>
      %parallel_loop3A_840 = arith.constant 0 : i32
      %parallel_loop3A_841 = arith.constant 0 : i32
      %parallel_loop3A_842 = tpu.memref_slice %arg7[%parallel_loop3A_254, %parallel_loop3A_840, %parallel_loop3A_841] : memref<6x64x128xf32, #tpu.memory_space<vmem>> -> memref<1x64x128xf32, #tpu.memory_space<vmem>>
      %parallel_loop3A_843 = tpu.memref_squeeze %parallel_loop3A_842 : memref<1x64x128xf32, #tpu.memory_space<vmem>> -> memref<64x128xf32, #tpu.memory_space<vmem>>
      %parallel_loop3A_844 = tpu.vector_load_idx %parallel_loop3A_843[%add3A_248, %parallel_loop3A_839] : memref<64x128xf32, #tpu.memory_space<vmem>>[vector<16xi32>, vector<16xi32>], vector<16xf32>,
      %parallel_loop3A_845 = arith.constant 0 : i32
      %parallel_loop3A_846 = arith.constant 0 : i32
      %parallel_loop3A_847 = tpu.memref_slice %arg7[%parallel_loop3A_255, %parallel_loop3A_845, %parallel_loop3A_846] : memref<6x64x128xf32, #tpu.memory_space<vmem>> -> memref<1x64x128xf32, #tpu.memory_space<vmem>>
      %parallel_loop3A_848 = tpu.memref_squeeze %parallel_loop3A_847 : memref<1x64x128xf32, #tpu.memory_space<vmem>> -> memref<64x128xf32, #tpu.memory_space<vmem>>
      %parallel_loop3A_849 = tpu.vector_load_idx %parallel_loop3A_848[%add3A_248, %parallel_loop3A_839] : memref<64x128xf32, #tpu.memory_space<vmem>>[vector<16xi32>, vector<16xi32>], vector<16xf32>,
      %parallel_loop3A_850 = arith.mulf %parallel_loop3A_844, %parallel_loop3A_849 : vector<16xf32>
      %parallel_loop3A_851 = arith.addf %parallel_loop3A_834, %parallel_loop3A_850 : vector<16xf32>
      scf.yield %parallel_loop3A_851 : vector<16xf32>
    } {sc.loop_unroll_factor = 8 : i64, sc.parallel_access}
    %swap3A_257 = arith.constant 112 : index
    %swap3A_258 = tpu.vector_load %arg8[%swap3A_257] {strides = array<i32>} : memref<512xf32, #tpu.memory_space<vmem>>, vector<16xf32>,
    tpu.vector_store %arg8[%swap3A_257], %parallel_loop3A_256 {strides = array<i32>} : memref<512xf32, #tpu.memory_space<vmem>>, vector<16xf32>,
    %dma_start3A_259 = arith.constant 0 : i32
    %dma_start3A_260 = arith.constant 4 : i32
    %dma_start3A_261 = arith.constant 2 : i32
    %dma_start3A_262 = arith.constant 0 : i32
    %dma_start3A_263 = arith.constant 0 : i32
    %dma_start3A_264 = tpu.memref_slice %arg7[%dma_start3A_261, %dma_start3A_262, %dma_start3A_263] : memref<6x64x128xf32, #tpu.memory_space<vmem>> -> memref<1x64x128xf32, #tpu.memory_space<vmem>>
    %dma_start3A_265 = tpu.memref_squeeze %dma_start3A_264 : memref<1x64x128xf32, #tpu.memory_space<vmem>> -> memref<64x128xf32, #tpu.memory_space<vmem>>
    %dma_start3A_266 = arith.constant 0 : i32
    %dma_start3A_267 = tpu.memref_slice %arg6[%dma_start3A_259, %dma_start3A_260, %dma_start3A_266] : memref<2x8x64xi32, #tpu.memory_space<vmem>> -> memref<1x1x64xi32, #tpu.memory_space<vmem>>
    %dma_start3A_268 = tpu.memref_squeeze %dma_start3A_267 : memref<1x1x64xi32, #tpu.memory_space<vmem>> -> memref<64xi32, #tpu.memory_space<vmem>>
    %dma_start3A_269 = arith.constant 0 : i32
    %dma_start3A_270 = arith.constant 0 : i32
    %dma_start3A_271 = tpu.memref_slice %arg3[%dma_start3A_269, %dma_start3A_270] : memref<100000x128xf32, #tpu.memory_space<hbm>> -> memref<100000x128xf32, #tpu.memory_space<hbm>>
    tpu.enqueue_indirect_dma source(%dma_start3A_271 : memref<100000x128xf32, #tpu.memory_space<hbm>>) target(%dma_start3A_265 : memref<64x128xf32, #tpu.memory_space<vmem>>) offsets(%dma_start3A_268 : memref<64xi32, #tpu.memory_space<vmem>>) semaphore(%arg10 : memref<!tpu.dma_semaphore, #tpu.memory_space<semaphore_mem>>)
    %dma_start3A_272 = arith.constant 1 : i32
    %dma_start3A_273 = arith.constant 4 : i32
    %dma_start3A_274 = arith.constant 3 : i32
    %dma_start3A_275 = arith.constant 0 : i32
    %dma_start3A_276 = arith.constant 0 : i32
    %dma_start3A_277 = tpu.memref_slice %arg7[%dma_start3A_274, %dma_start3A_275, %dma_start3A_276] : memref<6x64x128xf32, #tpu.memory_space<vmem>> -> memref<1x64x128xf32, #tpu.memory_space<vmem>>
    %dma_start3A_278 = tpu.memref_squeeze %dma_start3A_277 : memref<1x64x128xf32, #tpu.memory_space<vmem>> -> memref<64x128xf32, #tpu.memory_space<vmem>>
    %dma_start3A_279 = arith.constant 0 : i32
    %dma_start3A_280 = tpu.memref_slice %arg6[%dma_start3A_272, %dma_start3A_273, %dma_start3A_279] : memref<2x8x64xi32, #tpu.memory_space<vmem>> -> memref<1x1x64xi32, #tpu.memory_space<vmem>>
    %dma_start3A_281 = tpu.memref_squeeze %dma_start3A_280 : memref<1x1x64xi32, #tpu.memory_space<vmem>> -> memref<64xi32, #tpu.memory_space<vmem>>
    %dma_start3A_282 = arith.constant 0 : i32
    %dma_start3A_283 = arith.constant 0 : i32
    %dma_start3A_284 = tpu.memref_slice %arg4[%dma_start3A_282, %dma_start3A_283] : memref<1000000x128xf32, #tpu.memory_space<hbm>> -> memref<1000000x128xf32, #tpu.memory_space<hbm>>
    tpu.enqueue_indirect_dma source(%dma_start3A_284 : memref<1000000x128xf32, #tpu.memory_space<hbm>>) target(%dma_start3A_278 : memref<64x128xf32, #tpu.memory_space<vmem>>) offsets(%dma_start3A_281 : memref<64xi32, #tpu.memory_space<vmem>>) semaphore(%arg10 : memref<!tpu.dma_semaphore, #tpu.memory_space<semaphore_mem>>)
    %dma_wait3A_285 = arith.constant 0 : i32
    %dma_wait3A_286 = arith.constant 2 : i32
    %dma_wait3A_287 = arith.constant 4 : i32
    %dma_wait3A_288 = arith.constant 0 : i32
    %dma_wait3A_289 = arith.constant 0 : i32
    %dma_wait3A_290 = tpu.memref_slice %arg7[%dma_wait3A_287, %dma_wait3A_288, %dma_wait3A_289] : memref<6x64x128xf32, #tpu.memory_space<vmem>> -> memref<1x64x128xf32, #tpu.memory_space<vmem>>
    %dma_wait3A_291 = tpu.memref_squeeze %dma_wait3A_290 : memref<1x64x128xf32, #tpu.memory_space<vmem>> -> memref<64x128xf32, #tpu.memory_space<vmem>>
    %dma_wait3A_292 = arith.constant 0 : i32
    %dma_wait3A_293 = tpu.memref_slice %arg6[%dma_wait3A_285, %dma_wait3A_286, %dma_wait3A_292] : memref<2x8x64xi32, #tpu.memory_space<vmem>> -> memref<1x1x64xi32, #tpu.memory_space<vmem>>
    %dma_wait3A_294 = tpu.memref_squeeze %dma_wait3A_293 : memref<1x1x64xi32, #tpu.memory_space<vmem>> -> memref<64xi32, #tpu.memory_space<vmem>>
    %dma_wait3A_295 = arith.constant 0 : i32
    %dma_wait3A_296 = arith.constant 0 : i32
    %dma_wait3A_297 = tpu.memref_slice %arg3[%dma_wait3A_295, %dma_wait3A_296] : memref<100000x128xf32, #tpu.memory_space<hbm>> -> memref<100000x128xf32, #tpu.memory_space<hbm>>
    tpu.wait_indirect_dma semaphore(%arg11 : memref<!tpu.dma_semaphore, #tpu.memory_space<semaphore_mem>>) src(%dma_wait3A_297 : memref<100000x128xf32, #tpu.memory_space<hbm>>) dst(%dma_wait3A_291 : memref<64x128xf32, #tpu.memory_space<vmem>>)
    %dma_wait3A_298 = arith.constant 1 : i32
    %dma_wait3A_299 = arith.constant 2 : i32
    %dma_wait3A_300 = arith.constant 5 : i32
    %dma_wait3A_301 = arith.constant 0 : i32
    %dma_wait3A_302 = arith.constant 0 : i32
    %dma_wait3A_303 = tpu.memref_slice %arg7[%dma_wait3A_300, %dma_wait3A_301, %dma_wait3A_302] : memref<6x64x128xf32, #tpu.memory_space<vmem>> -> memref<1x64x128xf32, #tpu.memory_space<vmem>>
    %dma_wait3A_304 = tpu.memref_squeeze %dma_wait3A_303 : memref<1x64x128xf32, #tpu.memory_space<vmem>> -> memref<64x128xf32, #tpu.memory_space<vmem>>
    %dma_wait3A_305 = arith.constant 0 : i32
    %dma_wait3A_306 = tpu.memref_slice %arg6[%dma_wait3A_298, %dma_wait3A_299, %dma_wait3A_305] : memref<2x8x64xi32, #tpu.memory_space<vmem>> -> memref<1x1x64xi32, #tpu.memory_space<vmem>>
    %dma_wait3A_307 = tpu.memref_squeeze %dma_wait3A_306 : memref<1x1x64xi32, #tpu.memory_space<vmem>> -> memref<64xi32, #tpu.memory_space<vmem>>
    %dma_wait3A_308 = arith.constant 0 : i32
    %dma_wait3A_309 = arith.constant 0 : i32
    %dma_wait3A_310 = tpu.memref_slice %arg4[%dma_wait3A_308, %dma_wait3A_309] : memref<1000000x128xf32, #tpu.memory_space<hbm>> -> memref<1000000x128xf32, #tpu.memory_space<hbm>>
    tpu.wait_indirect_dma semaphore(%arg11 : memref<!tpu.dma_semaphore, #tpu.memory_space<semaphore_mem>>) src(%dma_wait3A_310 : memref<1000000x128xf32, #tpu.memory_space<hbm>>) dst(%dma_wait3A_304 : memref<64x128xf32, #tpu.memory_space<vmem>>)
    %add3A_311 = arith.constant 0 : i32
    %add3A_312 = vector.broadcast %add3A_311 : i32 to vector<16xi32>
    %add3A_313 = arith.addi %iota3A, %add3A_312 : vector<16xi32>
    %broadcast_in_dim3A_314 = arith.constant 0.000000e+00 : f32
    %broadcast_in_dim3A_315 = vector.broadcast %broadcast_in_dim3A_314 : f32 to vector<16xf32>
    %parallel_loop3A_316 = arith.constant 0 : i32
    %parallel_loop3A_317 = arith.constant 128 : i32
    %parallel_loop3A_318 = arith.constant 1 : i32
    %parallel_loop3A_319 = arith.constant 4 : i32
    %parallel_loop3A_320 = arith.constant 5 : i32
    %parallel_loop3A_321 = scf.for %parallel_loop3A_833 = %parallel_loop3A_316 to %parallel_loop3A_317 step %parallel_loop3A_318 iter_args(%parallel_loop3A_834 = %broadcast_in_dim3A_315) -> (vector<16xf32>)  : i32 {
      %parallel_loop3A_835 = vector.broadcast %parallel_loop3A_833 : i32 to vector<16xi32>
      %parallel_loop3A_836 = arith.addi %iota3A, %parallel_loop3A_835 : vector<16xi32>
      %parallel_loop3A_837 = arith.constant 127 : i32
      %parallel_loop3A_838 = vector.broadcast %parallel_loop3A_837 : i32 to vector<16xi32>
      %parallel_loop3A_839 = arith.andi %parallel_loop3A_836, %parallel_loop3A_838 : vector<16xi32>
      %parallel_loop3A_840 = arith.constant 0 : i32
      %parallel_loop3A_841 = arith.constant 0 : i32
      %parallel_loop3A_842 = tpu.memref_slice %arg7[%parallel_loop3A_319, %parallel_loop3A_840, %parallel_loop3A_841] : memref<6x64x128xf32, #tpu.memory_space<vmem>> -> memref<1x64x128xf32, #tpu.memory_space<vmem>>
      %parallel_loop3A_843 = tpu.memref_squeeze %parallel_loop3A_842 : memref<1x64x128xf32, #tpu.memory_space<vmem>> -> memref<64x128xf32, #tpu.memory_space<vmem>>
      %parallel_loop3A_844 = tpu.vector_load_idx %parallel_loop3A_843[%add3A_313, %parallel_loop3A_839] : memref<64x128xf32, #tpu.memory_space<vmem>>[vector<16xi32>, vector<16xi32>], vector<16xf32>,
      %parallel_loop3A_845 = arith.constant 0 : i32
      %parallel_loop3A_846 = arith.constant 0 : i32
      %parallel_loop3A_847 = tpu.memref_slice %arg7[%parallel_loop3A_320, %parallel_loop3A_845, %parallel_loop3A_846] : memref<6x64x128xf32, #tpu.memory_space<vmem>> -> memref<1x64x128xf32, #tpu.memory_space<vmem>>
      %parallel_loop3A_848 = tpu.memref_squeeze %parallel_loop3A_847 : memref<1x64x128xf32, #tpu.memory_space<vmem>> -> memref<64x128xf32, #tpu.memory_space<vmem>>
      %parallel_loop3A_849 = tpu.vector_load_idx %parallel_loop3A_848[%add3A_313, %parallel_loop3A_839] : memref<64x128xf32, #tpu.memory_space<vmem>>[vector<16xi32>, vector<16xi32>], vector<16xf32>,
      %parallel_loop3A_850 = arith.mulf %parallel_loop3A_844, %parallel_loop3A_849 : vector<16xf32>
      %parallel_loop3A_851 = arith.addf %parallel_loop3A_834, %parallel_loop3A_850 : vector<16xf32>
      scf.yield %parallel_loop3A_851 : vector<16xf32>
    } {sc.loop_unroll_factor = 8 : i64, sc.parallel_access}
    %swap3A_322 = arith.constant 128 : index
    %swap3A_323 = tpu.vector_load %arg8[%swap3A_322] {strides = array<i32>} : memref<512xf32, #tpu.memory_space<vmem>>, vector<16xf32>,
    tpu.vector_store %arg8[%swap3A_322], %parallel_loop3A_321 {strides = array<i32>} : memref<512xf32, #tpu.memory_space<vmem>>, vector<16xf32>,
    %add3A_324 = arith.constant 16 : i32
    %add3A_325 = vector.broadcast %add3A_324 : i32 to vector<16xi32>
    %add3A_326 = arith.addi %iota3A, %add3A_325 : vector<16xi32>
    %broadcast_in_dim3A_327 = arith.constant 0.000000e+00 : f32
    %broadcast_in_dim3A_328 = vector.broadcast %broadcast_in_dim3A_327 : f32 to vector<16xf32>
    %parallel_loop3A_329 = arith.constant 0 : i32
    %parallel_loop3A_330 = arith.constant 128 : i32
    %parallel_loop3A_331 = arith.constant 1 : i32
    %parallel_loop3A_332 = arith.constant 4 : i32
    %parallel_loop3A_333 = arith.constant 5 : i32
    %parallel_loop3A_334 = scf.for %parallel_loop3A_833 = %parallel_loop3A_329 to %parallel_loop3A_330 step %parallel_loop3A_331 iter_args(%parallel_loop3A_834 = %broadcast_in_dim3A_328) -> (vector<16xf32>)  : i32 {
      %parallel_loop3A_835 = vector.broadcast %parallel_loop3A_833 : i32 to vector<16xi32>
      %parallel_loop3A_836 = arith.addi %iota3A, %parallel_loop3A_835 : vector<16xi32>
      %parallel_loop3A_837 = arith.constant 127 : i32
      %parallel_loop3A_838 = vector.broadcast %parallel_loop3A_837 : i32 to vector<16xi32>
      %parallel_loop3A_839 = arith.andi %parallel_loop3A_836, %parallel_loop3A_838 : vector<16xi32>
      %parallel_loop3A_840 = arith.constant 0 : i32
      %parallel_loop3A_841 = arith.constant 0 : i32
      %parallel_loop3A_842 = tpu.memref_slice %arg7[%parallel_loop3A_332, %parallel_loop3A_840, %parallel_loop3A_841] : memref<6x64x128xf32, #tpu.memory_space<vmem>> -> memref<1x64x128xf32, #tpu.memory_space<vmem>>
      %parallel_loop3A_843 = tpu.memref_squeeze %parallel_loop3A_842 : memref<1x64x128xf32, #tpu.memory_space<vmem>> -> memref<64x128xf32, #tpu.memory_space<vmem>>
      %parallel_loop3A_844 = tpu.vector_load_idx %parallel_loop3A_843[%add3A_326, %parallel_loop3A_839] : memref<64x128xf32, #tpu.memory_space<vmem>>[vector<16xi32>, vector<16xi32>], vector<16xf32>,
      %parallel_loop3A_845 = arith.constant 0 : i32
      %parallel_loop3A_846 = arith.constant 0 : i32
      %parallel_loop3A_847 = tpu.memref_slice %arg7[%parallel_loop3A_333, %parallel_loop3A_845, %parallel_loop3A_846] : memref<6x64x128xf32, #tpu.memory_space<vmem>> -> memref<1x64x128xf32, #tpu.memory_space<vmem>>
      %parallel_loop3A_848 = tpu.memref_squeeze %parallel_loop3A_847 : memref<1x64x128xf32, #tpu.memory_space<vmem>> -> memref<64x128xf32, #tpu.memory_space<vmem>>
      %parallel_loop3A_849 = tpu.vector_load_idx %parallel_loop3A_848[%add3A_326, %parallel_loop3A_839] : memref<64x128xf32, #tpu.memory_space<vmem>>[vector<16xi32>, vector<16xi32>], vector<16xf32>,
      %parallel_loop3A_850 = arith.mulf %parallel_loop3A_844, %parallel_loop3A_849 : vector<16xf32>
      %parallel_loop3A_851 = arith.addf %parallel_loop3A_834, %parallel_loop3A_850 : vector<16xf32>
      scf.yield %parallel_loop3A_851 : vector<16xf32>
    } {sc.loop_unroll_factor = 8 : i64, sc.parallel_access}
    %swap3A_335 = arith.constant 144 : index
    %swap3A_336 = tpu.vector_load %arg8[%swap3A_335] {strides = array<i32>} : memref<512xf32, #tpu.memory_space<vmem>>, vector<16xf32>,
    tpu.vector_store %arg8[%swap3A_335], %parallel_loop3A_334 {strides = array<i32>} : memref<512xf32, #tpu.memory_space<vmem>>, vector<16xf32>,
    %add3A_337 = arith.constant 32 : i32
    %add3A_338 = vector.broadcast %add3A_337 : i32 to vector<16xi32>
    %add3A_339 = arith.addi %iota3A, %add3A_338 : vector<16xi32>
    %broadcast_in_dim3A_340 = arith.constant 0.000000e+00 : f32
    %broadcast_in_dim3A_341 = vector.broadcast %broadcast_in_dim3A_340 : f32 to vector<16xf32>
    %parallel_loop3A_342 = arith.constant 0 : i32
    %parallel_loop3A_343 = arith.constant 128 : i32
    %parallel_loop3A_344 = arith.constant 1 : i32
    %parallel_loop3A_345 = arith.constant 4 : i32
    %parallel_loop3A_346 = arith.constant 5 : i32
    %parallel_loop3A_347 = scf.for %parallel_loop3A_833 = %parallel_loop3A_342 to %parallel_loop3A_343 step %parallel_loop3A_344 iter_args(%parallel_loop3A_834 = %broadcast_in_dim3A_341) -> (vector<16xf32>)  : i32 {
      %parallel_loop3A_835 = vector.broadcast %parallel_loop3A_833 : i32 to vector<16xi32>
      %parallel_loop3A_836 = arith.addi %iota3A, %parallel_loop3A_835 : vector<16xi32>
      %parallel_loop3A_837 = arith.constant 127 : i32
      %parallel_loop3A_838 = vector.broadcast %parallel_loop3A_837 : i32 to vector<16xi32>
      %parallel_loop3A_839 = arith.andi %parallel_loop3A_836, %parallel_loop3A_838 : vector<16xi32>
      %parallel_loop3A_840 = arith.constant 0 : i32
      %parallel_loop3A_841 = arith.constant 0 : i32
      %parallel_loop3A_842 = tpu.memref_slice %arg7[%parallel_loop3A_345, %parallel_loop3A_840, %parallel_loop3A_841] : memref<6x64x128xf32, #tpu.memory_space<vmem>> -> memref<1x64x128xf32, #tpu.memory_space<vmem>>
      %parallel_loop3A_843 = tpu.memref_squeeze %parallel_loop3A_842 : memref<1x64x128xf32, #tpu.memory_space<vmem>> -> memref<64x128xf32, #tpu.memory_space<vmem>>
      %parallel_loop3A_844 = tpu.vector_load_idx %parallel_loop3A_843[%add3A_339, %parallel_loop3A_839] : memref<64x128xf32, #tpu.memory_space<vmem>>[vector<16xi32>, vector<16xi32>], vector<16xf32>,
      %parallel_loop3A_845 = arith.constant 0 : i32
      %parallel_loop3A_846 = arith.constant 0 : i32
      %parallel_loop3A_847 = tpu.memref_slice %arg7[%parallel_loop3A_346, %parallel_loop3A_845, %parallel_loop3A_846] : memref<6x64x128xf32, #tpu.memory_space<vmem>> -> memref<1x64x128xf32, #tpu.memory_space<vmem>>
      %parallel_loop3A_848 = tpu.memref_squeeze %parallel_loop3A_847 : memref<1x64x128xf32, #tpu.memory_space<vmem>> -> memref<64x128xf32, #tpu.memory_space<vmem>>
      %parallel_loop3A_849 = tpu.vector_load_idx %parallel_loop3A_848[%add3A_339, %parallel_loop3A_839] : memref<64x128xf32, #tpu.memory_space<vmem>>[vector<16xi32>, vector<16xi32>], vector<16xf32>,
      %parallel_loop3A_850 = arith.mulf %parallel_loop3A_844, %parallel_loop3A_849 : vector<16xf32>
      %parallel_loop3A_851 = arith.addf %parallel_loop3A_834, %parallel_loop3A_850 : vector<16xf32>
      scf.yield %parallel_loop3A_851 : vector<16xf32>
    } {sc.loop_unroll_factor = 8 : i64, sc.parallel_access}
    %swap3A_348 = arith.constant 160 : index
    %swap3A_349 = tpu.vector_load %arg8[%swap3A_348] {strides = array<i32>} : memref<512xf32, #tpu.memory_space<vmem>>, vector<16xf32>,
    tpu.vector_store %arg8[%swap3A_348], %parallel_loop3A_347 {strides = array<i32>} : memref<512xf32, #tpu.memory_space<vmem>>, vector<16xf32>,
    %add3A_350 = arith.constant 48 : i32
    %add3A_351 = vector.broadcast %add3A_350 : i32 to vector<16xi32>
    %add3A_352 = arith.addi %iota3A, %add3A_351 : vector<16xi32>
    %broadcast_in_dim3A_353 = arith.constant 0.000000e+00 : f32
    %broadcast_in_dim3A_354 = vector.broadcast %broadcast_in_dim3A_353 : f32 to vector<16xf32>
    %parallel_loop3A_355 = arith.constant 0 : i32
    %parallel_loop3A_356 = arith.constant 128 : i32
    %parallel_loop3A_357 = arith.constant 1 : i32
    %parallel_loop3A_358 = arith.constant 4 : i32
    %parallel_loop3A_359 = arith.constant 5 : i32
    %parallel_loop3A_360 = scf.for %parallel_loop3A_833 = %parallel_loop3A_355 to %parallel_loop3A_356 step %parallel_loop3A_357 iter_args(%parallel_loop3A_834 = %broadcast_in_dim3A_354) -> (vector<16xf32>)  : i32 {
      %parallel_loop3A_835 = vector.broadcast %parallel_loop3A_833 : i32 to vector<16xi32>
      %parallel_loop3A_836 = arith.addi %iota3A, %parallel_loop3A_835 : vector<16xi32>
      %parallel_loop3A_837 = arith.constant 127 : i32
      %parallel_loop3A_838 = vector.broadcast %parallel_loop3A_837 : i32 to vector<16xi32>
      %parallel_loop3A_839 = arith.andi %parallel_loop3A_836, %parallel_loop3A_838 : vector<16xi32>
      %parallel_loop3A_840 = arith.constant 0 : i32
      %parallel_loop3A_841 = arith.constant 0 : i32
      %parallel_loop3A_842 = tpu.memref_slice %arg7[%parallel_loop3A_358, %parallel_loop3A_840, %parallel_loop3A_841] : memref<6x64x128xf32, #tpu.memory_space<vmem>> -> memref<1x64x128xf32, #tpu.memory_space<vmem>>
      %parallel_loop3A_843 = tpu.memref_squeeze %parallel_loop3A_842 : memref<1x64x128xf32, #tpu.memory_space<vmem>> -> memref<64x128xf32, #tpu.memory_space<vmem>>
      %parallel_loop3A_844 = tpu.vector_load_idx %parallel_loop3A_843[%add3A_352, %parallel_loop3A_839] : memref<64x128xf32, #tpu.memory_space<vmem>>[vector<16xi32>, vector<16xi32>], vector<16xf32>,
      %parallel_loop3A_845 = arith.constant 0 : i32
      %parallel_loop3A_846 = arith.constant 0 : i32
      %parallel_loop3A_847 = tpu.memref_slice %arg7[%parallel_loop3A_359, %parallel_loop3A_845, %parallel_loop3A_846] : memref<6x64x128xf32, #tpu.memory_space<vmem>> -> memref<1x64x128xf32, #tpu.memory_space<vmem>>
      %parallel_loop3A_848 = tpu.memref_squeeze %parallel_loop3A_847 : memref<1x64x128xf32, #tpu.memory_space<vmem>> -> memref<64x128xf32, #tpu.memory_space<vmem>>
      %parallel_loop3A_849 = tpu.vector_load_idx %parallel_loop3A_848[%add3A_352, %parallel_loop3A_839] : memref<64x128xf32, #tpu.memory_space<vmem>>[vector<16xi32>, vector<16xi32>], vector<16xf32>,
      %parallel_loop3A_850 = arith.mulf %parallel_loop3A_844, %parallel_loop3A_849 : vector<16xf32>
      %parallel_loop3A_851 = arith.addf %parallel_loop3A_834, %parallel_loop3A_850 : vector<16xf32>
      scf.yield %parallel_loop3A_851 : vector<16xf32>
    } {sc.loop_unroll_factor = 8 : i64, sc.parallel_access}
    %swap3A_361 = arith.constant 176 : index
    %swap3A_362 = tpu.vector_load %arg8[%swap3A_361] {strides = array<i32>} : memref<512xf32, #tpu.memory_space<vmem>>, vector<16xf32>,
    tpu.vector_store %arg8[%swap3A_361], %parallel_loop3A_360 {strides = array<i32>} : memref<512xf32, #tpu.memory_space<vmem>>, vector<16xf32>,
    %dma_start3A_363 = arith.constant 0 : i32
    %dma_start3A_364 = arith.constant 5 : i32
    %dma_start3A_365 = arith.constant 4 : i32
    %dma_start3A_366 = arith.constant 0 : i32
    %dma_start3A_367 = arith.constant 0 : i32
    %dma_start3A_368 = tpu.memref_slice %arg7[%dma_start3A_365, %dma_start3A_366, %dma_start3A_367] : memref<6x64x128xf32, #tpu.memory_space<vmem>> -> memref<1x64x128xf32, #tpu.memory_space<vmem>>
    %dma_start3A_369 = tpu.memref_squeeze %dma_start3A_368 : memref<1x64x128xf32, #tpu.memory_space<vmem>> -> memref<64x128xf32, #tpu.memory_space<vmem>>
    %dma_start3A_370 = arith.constant 0 : i32
    %dma_start3A_371 = tpu.memref_slice %arg6[%dma_start3A_363, %dma_start3A_364, %dma_start3A_370] : memref<2x8x64xi32, #tpu.memory_space<vmem>> -> memref<1x1x64xi32, #tpu.memory_space<vmem>>
    %dma_start3A_372 = tpu.memref_squeeze %dma_start3A_371 : memref<1x1x64xi32, #tpu.memory_space<vmem>> -> memref<64xi32, #tpu.memory_space<vmem>>
    %dma_start3A_373 = arith.constant 0 : i32
    %dma_start3A_374 = arith.constant 0 : i32
    %dma_start3A_375 = tpu.memref_slice %arg3[%dma_start3A_373, %dma_start3A_374] : memref<100000x128xf32, #tpu.memory_space<hbm>> -> memref<100000x128xf32, #tpu.memory_space<hbm>>
    tpu.enqueue_indirect_dma source(%dma_start3A_375 : memref<100000x128xf32, #tpu.memory_space<hbm>>) target(%dma_start3A_369 : memref<64x128xf32, #tpu.memory_space<vmem>>) offsets(%dma_start3A_372 : memref<64xi32, #tpu.memory_space<vmem>>) semaphore(%arg11 : memref<!tpu.dma_semaphore, #tpu.memory_space<semaphore_mem>>)
    %dma_start3A_376 = arith.constant 1 : i32
    %dma_start3A_377 = arith.constant 5 : i32
    %dma_start3A_378 = arith.constant 5 : i32
    %dma_start3A_379 = arith.constant 0 : i32
    %dma_start3A_380 = arith.constant 0 : i32
    %dma_start3A_381 = tpu.memref_slice %arg7[%dma_start3A_378, %dma_start3A_379, %dma_start3A_380] : memref<6x64x128xf32, #tpu.memory_space<vmem>> -> memref<1x64x128xf32, #tpu.memory_space<vmem>>
    %dma_start3A_382 = tpu.memref_squeeze %dma_start3A_381 : memref<1x64x128xf32, #tpu.memory_space<vmem>> -> memref<64x128xf32, #tpu.memory_space<vmem>>
    %dma_start3A_383 = arith.constant 0 : i32
    %dma_start3A_384 = tpu.memref_slice %arg6[%dma_start3A_376, %dma_start3A_377, %dma_start3A_383] : memref<2x8x64xi32, #tpu.memory_space<vmem>> -> memref<1x1x64xi32, #tpu.memory_space<vmem>>
    %dma_start3A_385 = tpu.memref_squeeze %dma_start3A_384 : memref<1x1x64xi32, #tpu.memory_space<vmem>> -> memref<64xi32, #tpu.memory_space<vmem>>
    %dma_start3A_386 = arith.constant 0 : i32
    %dma_start3A_387 = arith.constant 0 : i32
    %dma_start3A_388 = tpu.memref_slice %arg4[%dma_start3A_386, %dma_start3A_387] : memref<1000000x128xf32, #tpu.memory_space<hbm>> -> memref<1000000x128xf32, #tpu.memory_space<hbm>>
    tpu.enqueue_indirect_dma source(%dma_start3A_388 : memref<1000000x128xf32, #tpu.memory_space<hbm>>) target(%dma_start3A_382 : memref<64x128xf32, #tpu.memory_space<vmem>>) offsets(%dma_start3A_385 : memref<64xi32, #tpu.memory_space<vmem>>) semaphore(%arg11 : memref<!tpu.dma_semaphore, #tpu.memory_space<semaphore_mem>>)
    %dma_wait3A_389 = arith.constant 0 : i32
    %dma_wait3A_390 = arith.constant 3 : i32
    %dma_wait3A_391 = arith.constant 0 : i32
    %dma_wait3A_392 = arith.constant 0 : i32
    %dma_wait3A_393 = arith.constant 0 : i32
    %dma_wait3A_394 = tpu.memref_slice %arg7[%dma_wait3A_391, %dma_wait3A_392, %dma_wait3A_393] : memref<6x64x128xf32, #tpu.memory_space<vmem>> -> memref<1x64x128xf32, #tpu.memory_space<vmem>>
    %dma_wait3A_395 = tpu.memref_squeeze %dma_wait3A_394 : memref<1x64x128xf32, #tpu.memory_space<vmem>> -> memref<64x128xf32, #tpu.memory_space<vmem>>
    %dma_wait3A_396 = arith.constant 0 : i32
    %dma_wait3A_397 = tpu.memref_slice %arg6[%dma_wait3A_389, %dma_wait3A_390, %dma_wait3A_396] : memref<2x8x64xi32, #tpu.memory_space<vmem>> -> memref<1x1x64xi32, #tpu.memory_space<vmem>>
    %dma_wait3A_398 = tpu.memref_squeeze %dma_wait3A_397 : memref<1x1x64xi32, #tpu.memory_space<vmem>> -> memref<64xi32, #tpu.memory_space<vmem>>
    %dma_wait3A_399 = arith.constant 0 : i32
    %dma_wait3A_400 = arith.constant 0 : i32
    %dma_wait3A_401 = tpu.memref_slice %arg3[%dma_wait3A_399, %dma_wait3A_400] : memref<100000x128xf32, #tpu.memory_space<hbm>> -> memref<100000x128xf32, #tpu.memory_space<hbm>>
    tpu.wait_indirect_dma semaphore(%arg9 : memref<!tpu.dma_semaphore, #tpu.memory_space<semaphore_mem>>) src(%dma_wait3A_401 : memref<100000x128xf32, #tpu.memory_space<hbm>>) dst(%dma_wait3A_395 : memref<64x128xf32, #tpu.memory_space<vmem>>)
    %dma_wait3A_402 = arith.constant 1 : i32
    %dma_wait3A_403 = arith.constant 3 : i32
    %dma_wait3A_404 = arith.constant 1 : i32
    %dma_wait3A_405 = arith.constant 0 : i32
    %dma_wait3A_406 = arith.constant 0 : i32
    %dma_wait3A_407 = tpu.memref_slice %arg7[%dma_wait3A_404, %dma_wait3A_405, %dma_wait3A_406] : memref<6x64x128xf32, #tpu.memory_space<vmem>> -> memref<1x64x128xf32, #tpu.memory_space<vmem>>
    %dma_wait3A_408 = tpu.memref_squeeze %dma_wait3A_407 : memref<1x64x128xf32, #tpu.memory_space<vmem>> -> memref<64x128xf32, #tpu.memory_space<vmem>>
    %dma_wait3A_409 = arith.constant 0 : i32
    %dma_wait3A_410 = tpu.memref_slice %arg6[%dma_wait3A_402, %dma_wait3A_403, %dma_wait3A_409] : memref<2x8x64xi32, #tpu.memory_space<vmem>> -> memref<1x1x64xi32, #tpu.memory_space<vmem>>
    %dma_wait3A_411 = tpu.memref_squeeze %dma_wait3A_410 : memref<1x1x64xi32, #tpu.memory_space<vmem>> -> memref<64xi32, #tpu.memory_space<vmem>>
    %dma_wait3A_412 = arith.constant 0 : i32
    %dma_wait3A_413 = arith.constant 0 : i32
    %dma_wait3A_414 = tpu.memref_slice %arg4[%dma_wait3A_412, %dma_wait3A_413] : memref<1000000x128xf32, #tpu.memory_space<hbm>> -> memref<1000000x128xf32, #tpu.memory_space<hbm>>
    tpu.wait_indirect_dma semaphore(%arg9 : memref<!tpu.dma_semaphore, #tpu.memory_space<semaphore_mem>>) src(%dma_wait3A_414 : memref<1000000x128xf32, #tpu.memory_space<hbm>>) dst(%dma_wait3A_408 : memref<64x128xf32, #tpu.memory_space<vmem>>)
    %add3A_415 = arith.constant 0 : i32
    %add3A_416 = vector.broadcast %add3A_415 : i32 to vector<16xi32>
    %add3A_417 = arith.addi %iota3A, %add3A_416 : vector<16xi32>
    %broadcast_in_dim3A_418 = arith.constant 0.000000e+00 : f32
    %broadcast_in_dim3A_419 = vector.broadcast %broadcast_in_dim3A_418 : f32 to vector<16xf32>
    %parallel_loop3A_420 = arith.constant 0 : i32
    %parallel_loop3A_421 = arith.constant 128 : i32
    %parallel_loop3A_422 = arith.constant 1 : i32
    %parallel_loop3A_423 = arith.constant 0 : i32
    %parallel_loop3A_424 = arith.constant 1 : i32
    %parallel_loop3A_425 = scf.for %parallel_loop3A_833 = %parallel_loop3A_420 to %parallel_loop3A_421 step %parallel_loop3A_422 iter_args(%parallel_loop3A_834 = %broadcast_in_dim3A_419) -> (vector<16xf32>)  : i32 {
      %parallel_loop3A_835 = vector.broadcast %parallel_loop3A_833 : i32 to vector<16xi32>
      %parallel_loop3A_836 = arith.addi %iota3A, %parallel_loop3A_835 : vector<16xi32>
      %parallel_loop3A_837 = arith.constant 127 : i32
      %parallel_loop3A_838 = vector.broadcast %parallel_loop3A_837 : i32 to vector<16xi32>
      %parallel_loop3A_839 = arith.andi %parallel_loop3A_836, %parallel_loop3A_838 : vector<16xi32>
      %parallel_loop3A_840 = arith.constant 0 : i32
      %parallel_loop3A_841 = arith.constant 0 : i32
      %parallel_loop3A_842 = tpu.memref_slice %arg7[%parallel_loop3A_423, %parallel_loop3A_840, %parallel_loop3A_841] : memref<6x64x128xf32, #tpu.memory_space<vmem>> -> memref<1x64x128xf32, #tpu.memory_space<vmem>>
      %parallel_loop3A_843 = tpu.memref_squeeze %parallel_loop3A_842 : memref<1x64x128xf32, #tpu.memory_space<vmem>> -> memref<64x128xf32, #tpu.memory_space<vmem>>
      %parallel_loop3A_844 = tpu.vector_load_idx %parallel_loop3A_843[%add3A_417, %parallel_loop3A_839] : memref<64x128xf32, #tpu.memory_space<vmem>>[vector<16xi32>, vector<16xi32>], vector<16xf32>,
      %parallel_loop3A_845 = arith.constant 0 : i32
      %parallel_loop3A_846 = arith.constant 0 : i32
      %parallel_loop3A_847 = tpu.memref_slice %arg7[%parallel_loop3A_424, %parallel_loop3A_845, %parallel_loop3A_846] : memref<6x64x128xf32, #tpu.memory_space<vmem>> -> memref<1x64x128xf32, #tpu.memory_space<vmem>>
      %parallel_loop3A_848 = tpu.memref_squeeze %parallel_loop3A_847 : memref<1x64x128xf32, #tpu.memory_space<vmem>> -> memref<64x128xf32, #tpu.memory_space<vmem>>
      %parallel_loop3A_849 = tpu.vector_load_idx %parallel_loop3A_848[%add3A_417, %parallel_loop3A_839] : memref<64x128xf32, #tpu.memory_space<vmem>>[vector<16xi32>, vector<16xi32>], vector<16xf32>,
      %parallel_loop3A_850 = arith.mulf %parallel_loop3A_844, %parallel_loop3A_849 : vector<16xf32>
      %parallel_loop3A_851 = arith.addf %parallel_loop3A_834, %parallel_loop3A_850 : vector<16xf32>
      scf.yield %parallel_loop3A_851 : vector<16xf32>
    } {sc.loop_unroll_factor = 8 : i64, sc.parallel_access}
    %swap3A_426 = arith.constant 192 : index
    %swap3A_427 = tpu.vector_load %arg8[%swap3A_426] {strides = array<i32>} : memref<512xf32, #tpu.memory_space<vmem>>, vector<16xf32>,
    tpu.vector_store %arg8[%swap3A_426], %parallel_loop3A_425 {strides = array<i32>} : memref<512xf32, #tpu.memory_space<vmem>>, vector<16xf32>,
    %add3A_428 = arith.constant 16 : i32
    %add3A_429 = vector.broadcast %add3A_428 : i32 to vector<16xi32>
    %add3A_430 = arith.addi %iota3A, %add3A_429 : vector<16xi32>
    %broadcast_in_dim3A_431 = arith.constant 0.000000e+00 : f32
    %broadcast_in_dim3A_432 = vector.broadcast %broadcast_in_dim3A_431 : f32 to vector<16xf32>
    %parallel_loop3A_433 = arith.constant 0 : i32
    %parallel_loop3A_434 = arith.constant 128 : i32
    %parallel_loop3A_435 = arith.constant 1 : i32
    %parallel_loop3A_436 = arith.constant 0 : i32
    %parallel_loop3A_437 = arith.constant 1 : i32
    %parallel_loop3A_438 = scf.for %parallel_loop3A_833 = %parallel_loop3A_433 to %parallel_loop3A_434 step %parallel_loop3A_435 iter_args(%parallel_loop3A_834 = %broadcast_in_dim3A_432) -> (vector<16xf32>)  : i32 {
      %parallel_loop3A_835 = vector.broadcast %parallel_loop3A_833 : i32 to vector<16xi32>
      %parallel_loop3A_836 = arith.addi %iota3A, %parallel_loop3A_835 : vector<16xi32>
      %parallel_loop3A_837 = arith.constant 127 : i32
      %parallel_loop3A_838 = vector.broadcast %parallel_loop3A_837 : i32 to vector<16xi32>
      %parallel_loop3A_839 = arith.andi %parallel_loop3A_836, %parallel_loop3A_838 : vector<16xi32>
      %parallel_loop3A_840 = arith.constant 0 : i32
      %parallel_loop3A_841 = arith.constant 0 : i32
      %parallel_loop3A_842 = tpu.memref_slice %arg7[%parallel_loop3A_436, %parallel_loop3A_840, %parallel_loop3A_841] : memref<6x64x128xf32, #tpu.memory_space<vmem>> -> memref<1x64x128xf32, #tpu.memory_space<vmem>>
      %parallel_loop3A_843 = tpu.memref_squeeze %parallel_loop3A_842 : memref<1x64x128xf32, #tpu.memory_space<vmem>> -> memref<64x128xf32, #tpu.memory_space<vmem>>
      %parallel_loop3A_844 = tpu.vector_load_idx %parallel_loop3A_843[%add3A_430, %parallel_loop3A_839] : memref<64x128xf32, #tpu.memory_space<vmem>>[vector<16xi32>, vector<16xi32>], vector<16xf32>,
      %parallel_loop3A_845 = arith.constant 0 : i32
      %parallel_loop3A_846 = arith.constant 0 : i32
      %parallel_loop3A_847 = tpu.memref_slice %arg7[%parallel_loop3A_437, %parallel_loop3A_845, %parallel_loop3A_846] : memref<6x64x128xf32, #tpu.memory_space<vmem>> -> memref<1x64x128xf32, #tpu.memory_space<vmem>>
      %parallel_loop3A_848 = tpu.memref_squeeze %parallel_loop3A_847 : memref<1x64x128xf32, #tpu.memory_space<vmem>> -> memref<64x128xf32, #tpu.memory_space<vmem>>
      %parallel_loop3A_849 = tpu.vector_load_idx %parallel_loop3A_848[%add3A_430, %parallel_loop3A_839] : memref<64x128xf32, #tpu.memory_space<vmem>>[vector<16xi32>, vector<16xi32>], vector<16xf32>,
      %parallel_loop3A_850 = arith.mulf %parallel_loop3A_844, %parallel_loop3A_849 : vector<16xf32>
      %parallel_loop3A_851 = arith.addf %parallel_loop3A_834, %parallel_loop3A_850 : vector<16xf32>
      scf.yield %parallel_loop3A_851 : vector<16xf32>
    } {sc.loop_unroll_factor = 8 : i64, sc.parallel_access}
    %swap3A_439 = arith.constant 208 : index
    %swap3A_440 = tpu.vector_load %arg8[%swap3A_439] {strides = array<i32>} : memref<512xf32, #tpu.memory_space<vmem>>, vector<16xf32>,
    tpu.vector_store %arg8[%swap3A_439], %parallel_loop3A_438 {strides = array<i32>} : memref<512xf32, #tpu.memory_space<vmem>>, vector<16xf32>,
    %add3A_441 = arith.constant 32 : i32
    %add3A_442 = vector.broadcast %add3A_441 : i32 to vector<16xi32>
    %add3A_443 = arith.addi %iota3A, %add3A_442 : vector<16xi32>
    %broadcast_in_dim3A_444 = arith.constant 0.000000e+00 : f32
    %broadcast_in_dim3A_445 = vector.broadcast %broadcast_in_dim3A_444 : f32 to vector<16xf32>
    %parallel_loop3A_446 = arith.constant 0 : i32
    %parallel_loop3A_447 = arith.constant 128 : i32
    %parallel_loop3A_448 = arith.constant 1 : i32
    %parallel_loop3A_449 = arith.constant 0 : i32
    %parallel_loop3A_450 = arith.constant 1 : i32
    %parallel_loop3A_451 = scf.for %parallel_loop3A_833 = %parallel_loop3A_446 to %parallel_loop3A_447 step %parallel_loop3A_448 iter_args(%parallel_loop3A_834 = %broadcast_in_dim3A_445) -> (vector<16xf32>)  : i32 {
      %parallel_loop3A_835 = vector.broadcast %parallel_loop3A_833 : i32 to vector<16xi32>
      %parallel_loop3A_836 = arith.addi %iota3A, %parallel_loop3A_835 : vector<16xi32>
      %parallel_loop3A_837 = arith.constant 127 : i32
      %parallel_loop3A_838 = vector.broadcast %parallel_loop3A_837 : i32 to vector<16xi32>
      %parallel_loop3A_839 = arith.andi %parallel_loop3A_836, %parallel_loop3A_838 : vector<16xi32>
      %parallel_loop3A_840 = arith.constant 0 : i32
      %parallel_loop3A_841 = arith.constant 0 : i32
      %parallel_loop3A_842 = tpu.memref_slice %arg7[%parallel_loop3A_449, %parallel_loop3A_840, %parallel_loop3A_841] : memref<6x64x128xf32, #tpu.memory_space<vmem>> -> memref<1x64x128xf32, #tpu.memory_space<vmem>>
      %parallel_loop3A_843 = tpu.memref_squeeze %parallel_loop3A_842 : memref<1x64x128xf32, #tpu.memory_space<vmem>> -> memref<64x128xf32, #tpu.memory_space<vmem>>
      %parallel_loop3A_844 = tpu.vector_load_idx %parallel_loop3A_843[%add3A_443, %parallel_loop3A_839] : memref<64x128xf32, #tpu.memory_space<vmem>>[vector<16xi32>, vector<16xi32>], vector<16xf32>,
      %parallel_loop3A_845 = arith.constant 0 : i32
      %parallel_loop3A_846 = arith.constant 0 : i32
      %parallel_loop3A_847 = tpu.memref_slice %arg7[%parallel_loop3A_450, %parallel_loop3A_845, %parallel_loop3A_846] : memref<6x64x128xf32, #tpu.memory_space<vmem>> -> memref<1x64x128xf32, #tpu.memory_space<vmem>>
      %parallel_loop3A_848 = tpu.memref_squeeze %parallel_loop3A_847 : memref<1x64x128xf32, #tpu.memory_space<vmem>> -> memref<64x128xf32, #tpu.memory_space<vmem>>
      %parallel_loop3A_849 = tpu.vector_load_idx %parallel_loop3A_848[%add3A_443, %parallel_loop3A_839] : memref<64x128xf32, #tpu.memory_space<vmem>>[vector<16xi32>, vector<16xi32>], vector<16xf32>,
      %parallel_loop3A_850 = arith.mulf %parallel_loop3A_844, %parallel_loop3A_849 : vector<16xf32>
      %parallel_loop3A_851 = arith.addf %parallel_loop3A_834, %parallel_loop3A_850 : vector<16xf32>
      scf.yield %parallel_loop3A_851 : vector<16xf32>
    } {sc.loop_unroll_factor = 8 : i64, sc.parallel_access}
    %swap3A_452 = arith.constant 224 : index
    %swap3A_453 = tpu.vector_load %arg8[%swap3A_452] {strides = array<i32>} : memref<512xf32, #tpu.memory_space<vmem>>, vector<16xf32>,
    tpu.vector_store %arg8[%swap3A_452], %parallel_loop3A_451 {strides = array<i32>} : memref<512xf32, #tpu.memory_space<vmem>>, vector<16xf32>,
    %add3A_454 = arith.constant 48 : i32
    %add3A_455 = vector.broadcast %add3A_454 : i32 to vector<16xi32>
    %add3A_456 = arith.addi %iota3A, %add3A_455 : vector<16xi32>
    %broadcast_in_dim3A_457 = arith.constant 0.000000e+00 : f32
    %broadcast_in_dim3A_458 = vector.broadcast %broadcast_in_dim3A_457 : f32 to vector<16xf32>
    %parallel_loop3A_459 = arith.constant 0 : i32
    %parallel_loop3A_460 = arith.constant 128 : i32
    %parallel_loop3A_461 = arith.constant 1 : i32
    %parallel_loop3A_462 = arith.constant 0 : i32
    %parallel_loop3A_463 = arith.constant 1 : i32
    %parallel_loop3A_464 = scf.for %parallel_loop3A_833 = %parallel_loop3A_459 to %parallel_loop3A_460 step %parallel_loop3A_461 iter_args(%parallel_loop3A_834 = %broadcast_in_dim3A_458) -> (vector<16xf32>)  : i32 {
      %parallel_loop3A_835 = vector.broadcast %parallel_loop3A_833 : i32 to vector<16xi32>
      %parallel_loop3A_836 = arith.addi %iota3A, %parallel_loop3A_835 : vector<16xi32>
      %parallel_loop3A_837 = arith.constant 127 : i32
      %parallel_loop3A_838 = vector.broadcast %parallel_loop3A_837 : i32 to vector<16xi32>
      %parallel_loop3A_839 = arith.andi %parallel_loop3A_836, %parallel_loop3A_838 : vector<16xi32>
      %parallel_loop3A_840 = arith.constant 0 : i32
      %parallel_loop3A_841 = arith.constant 0 : i32
      %parallel_loop3A_842 = tpu.memref_slice %arg7[%parallel_loop3A_462, %parallel_loop3A_840, %parallel_loop3A_841] : memref<6x64x128xf32, #tpu.memory_space<vmem>> -> memref<1x64x128xf32, #tpu.memory_space<vmem>>
      %parallel_loop3A_843 = tpu.memref_squeeze %parallel_loop3A_842 : memref<1x64x128xf32, #tpu.memory_space<vmem>> -> memref<64x128xf32, #tpu.memory_space<vmem>>
      %parallel_loop3A_844 = tpu.vector_load_idx %parallel_loop3A_843[%add3A_456, %parallel_loop3A_839] : memref<64x128xf32, #tpu.memory_space<vmem>>[vector<16xi32>, vector<16xi32>], vector<16xf32>,
      %parallel_loop3A_845 = arith.constant 0 : i32
      %parallel_loop3A_846 = arith.constant 0 : i32
      %parallel_loop3A_847 = tpu.memref_slice %arg7[%parallel_loop3A_463, %parallel_loop3A_845, %parallel_loop3A_846] : memref<6x64x128xf32, #tpu.memory_space<vmem>> -> memref<1x64x128xf32, #tpu.memory_space<vmem>>
      %parallel_loop3A_848 = tpu.memref_squeeze %parallel_loop3A_847 : memref<1x64x128xf32, #tpu.memory_space<vmem>> -> memref<64x128xf32, #tpu.memory_space<vmem>>
      %parallel_loop3A_849 = tpu.vector_load_idx %parallel_loop3A_848[%add3A_456, %parallel_loop3A_839] : memref<64x128xf32, #tpu.memory_space<vmem>>[vector<16xi32>, vector<16xi32>], vector<16xf32>,
      %parallel_loop3A_850 = arith.mulf %parallel_loop3A_844, %parallel_loop3A_849 : vector<16xf32>
      %parallel_loop3A_851 = arith.addf %parallel_loop3A_834, %parallel_loop3A_850 : vector<16xf32>
      scf.yield %parallel_loop3A_851 : vector<16xf32>
    } {sc.loop_unroll_factor = 8 : i64, sc.parallel_access}
    %swap3A_465 = arith.constant 240 : index
    %swap3A_466 = tpu.vector_load %arg8[%swap3A_465] {strides = array<i32>} : memref<512xf32, #tpu.memory_space<vmem>>, vector<16xf32>,
    tpu.vector_store %arg8[%swap3A_465], %parallel_loop3A_464 {strides = array<i32>} : memref<512xf32, #tpu.memory_space<vmem>>, vector<16xf32>,
    %dma_start3A_467 = arith.constant 0 : i32
    %dma_start3A_468 = arith.constant 6 : i32
    %dma_start3A_469 = arith.constant 0 : i32
    %dma_start3A_470 = arith.constant 0 : i32
    %dma_start3A_471 = arith.constant 0 : i32
    %dma_start3A_472 = tpu.memref_slice %arg7[%dma_start3A_469, %dma_start3A_470, %dma_start3A_471] : memref<6x64x128xf32, #tpu.memory_space<vmem>> -> memref<1x64x128xf32, #tpu.memory_space<vmem>>
    %dma_start3A_473 = tpu.memref_squeeze %dma_start3A_472 : memref<1x64x128xf32, #tpu.memory_space<vmem>> -> memref<64x128xf32, #tpu.memory_space<vmem>>
    %dma_start3A_474 = arith.constant 0 : i32
    %dma_start3A_475 = tpu.memref_slice %arg6[%dma_start3A_467, %dma_start3A_468, %dma_start3A_474] : memref<2x8x64xi32, #tpu.memory_space<vmem>> -> memref<1x1x64xi32, #tpu.memory_space<vmem>>
    %dma_start3A_476 = tpu.memref_squeeze %dma_start3A_475 : memref<1x1x64xi32, #tpu.memory_space<vmem>> -> memref<64xi32, #tpu.memory_space<vmem>>
    %dma_start3A_477 = arith.constant 0 : i32
    %dma_start3A_478 = arith.constant 0 : i32
    %dma_start3A_479 = tpu.memref_slice %arg3[%dma_start3A_477, %dma_start3A_478] : memref<100000x128xf32, #tpu.memory_space<hbm>> -> memref<100000x128xf32, #tpu.memory_space<hbm>>
    tpu.enqueue_indirect_dma source(%dma_start3A_479 : memref<100000x128xf32, #tpu.memory_space<hbm>>) target(%dma_start3A_473 : memref<64x128xf32, #tpu.memory_space<vmem>>) offsets(%dma_start3A_476 : memref<64xi32, #tpu.memory_space<vmem>>) semaphore(%arg9 : memref<!tpu.dma_semaphore, #tpu.memory_space<semaphore_mem>>)
    %dma_start3A_480 = arith.constant 1 : i32
    %dma_start3A_481 = arith.constant 6 : i32
    %dma_start3A_482 = arith.constant 1 : i32
    %dma_start3A_483 = arith.constant 0 : i32
    %dma_start3A_484 = arith.constant 0 : i32
    %dma_start3A_485 = tpu.memref_slice %arg7[%dma_start3A_482, %dma_start3A_483, %dma_start3A_484] : memref<6x64x128xf32, #tpu.memory_space<vmem>> -> memref<1x64x128xf32, #tpu.memory_space<vmem>>
    %dma_start3A_486 = tpu.memref_squeeze %dma_start3A_485 : memref<1x64x128xf32, #tpu.memory_space<vmem>> -> memref<64x128xf32, #tpu.memory_space<vmem>>
    %dma_start3A_487 = arith.constant 0 : i32
    %dma_start3A_488 = tpu.memref_slice %arg6[%dma_start3A_480, %dma_start3A_481, %dma_start3A_487] : memref<2x8x64xi32, #tpu.memory_space<vmem>> -> memref<1x1x64xi32, #tpu.memory_space<vmem>>
    %dma_start3A_489 = tpu.memref_squeeze %dma_start3A_488 : memref<1x1x64xi32, #tpu.memory_space<vmem>> -> memref<64xi32, #tpu.memory_space<vmem>>
    %dma_start3A_490 = arith.constant 0 : i32
    %dma_start3A_491 = arith.constant 0 : i32
    %dma_start3A_492 = tpu.memref_slice %arg4[%dma_start3A_490, %dma_start3A_491] : memref<1000000x128xf32, #tpu.memory_space<hbm>> -> memref<1000000x128xf32, #tpu.memory_space<hbm>>
    tpu.enqueue_indirect_dma source(%dma_start3A_492 : memref<1000000x128xf32, #tpu.memory_space<hbm>>) target(%dma_start3A_486 : memref<64x128xf32, #tpu.memory_space<vmem>>) offsets(%dma_start3A_489 : memref<64xi32, #tpu.memory_space<vmem>>) semaphore(%arg9 : memref<!tpu.dma_semaphore, #tpu.memory_space<semaphore_mem>>)
    %dma_wait3A_493 = arith.constant 0 : i32
    %dma_wait3A_494 = arith.constant 4 : i32
    %dma_wait3A_495 = arith.constant 2 : i32
    %dma_wait3A_496 = arith.constant 0 : i32
    %dma_wait3A_497 = arith.constant 0 : i32
    %dma_wait3A_498 = tpu.memref_slice %arg7[%dma_wait3A_495, %dma_wait3A_496, %dma_wait3A_497] : memref<6x64x128xf32, #tpu.memory_space<vmem>> -> memref<1x64x128xf32, #tpu.memory_space<vmem>>
    %dma_wait3A_499 = tpu.memref_squeeze %dma_wait3A_498 : memref<1x64x128xf32, #tpu.memory_space<vmem>> -> memref<64x128xf32, #tpu.memory_space<vmem>>
    %dma_wait3A_500 = arith.constant 0 : i32
    %dma_wait3A_501 = tpu.memref_slice %arg6[%dma_wait3A_493, %dma_wait3A_494, %dma_wait3A_500] : memref<2x8x64xi32, #tpu.memory_space<vmem>> -> memref<1x1x64xi32, #tpu.memory_space<vmem>>
    %dma_wait3A_502 = tpu.memref_squeeze %dma_wait3A_501 : memref<1x1x64xi32, #tpu.memory_space<vmem>> -> memref<64xi32, #tpu.memory_space<vmem>>
    %dma_wait3A_503 = arith.constant 0 : i32
    %dma_wait3A_504 = arith.constant 0 : i32
    %dma_wait3A_505 = tpu.memref_slice %arg3[%dma_wait3A_503, %dma_wait3A_504] : memref<100000x128xf32, #tpu.memory_space<hbm>> -> memref<100000x128xf32, #tpu.memory_space<hbm>>
    tpu.wait_indirect_dma semaphore(%arg10 : memref<!tpu.dma_semaphore, #tpu.memory_space<semaphore_mem>>) src(%dma_wait3A_505 : memref<100000x128xf32, #tpu.memory_space<hbm>>) dst(%dma_wait3A_499 : memref<64x128xf32, #tpu.memory_space<vmem>>)
    %dma_wait3A_506 = arith.constant 1 : i32
    %dma_wait3A_507 = arith.constant 4 : i32
    %dma_wait3A_508 = arith.constant 3 : i32
    %dma_wait3A_509 = arith.constant 0 : i32
    %dma_wait3A_510 = arith.constant 0 : i32
    %dma_wait3A_511 = tpu.memref_slice %arg7[%dma_wait3A_508, %dma_wait3A_509, %dma_wait3A_510] : memref<6x64x128xf32, #tpu.memory_space<vmem>> -> memref<1x64x128xf32, #tpu.memory_space<vmem>>
    %dma_wait3A_512 = tpu.memref_squeeze %dma_wait3A_511 : memref<1x64x128xf32, #tpu.memory_space<vmem>> -> memref<64x128xf32, #tpu.memory_space<vmem>>
    %dma_wait3A_513 = arith.constant 0 : i32
    %dma_wait3A_514 = tpu.memref_slice %arg6[%dma_wait3A_506, %dma_wait3A_507, %dma_wait3A_513] : memref<2x8x64xi32, #tpu.memory_space<vmem>> -> memref<1x1x64xi32, #tpu.memory_space<vmem>>
    %dma_wait3A_515 = tpu.memref_squeeze %dma_wait3A_514 : memref<1x1x64xi32, #tpu.memory_space<vmem>> -> memref<64xi32, #tpu.memory_space<vmem>>
    %dma_wait3A_516 = arith.constant 0 : i32
    %dma_wait3A_517 = arith.constant 0 : i32
    %dma_wait3A_518 = tpu.memref_slice %arg4[%dma_wait3A_516, %dma_wait3A_517] : memref<1000000x128xf32, #tpu.memory_space<hbm>> -> memref<1000000x128xf32, #tpu.memory_space<hbm>>
    tpu.wait_indirect_dma semaphore(%arg10 : memref<!tpu.dma_semaphore, #tpu.memory_space<semaphore_mem>>) src(%dma_wait3A_518 : memref<1000000x128xf32, #tpu.memory_space<hbm>>) dst(%dma_wait3A_512 : memref<64x128xf32, #tpu.memory_space<vmem>>)
    %add3A_519 = arith.constant 0 : i32
    %add3A_520 = vector.broadcast %add3A_519 : i32 to vector<16xi32>
    %add3A_521 = arith.addi %iota3A, %add3A_520 : vector<16xi32>
    %broadcast_in_dim3A_522 = arith.constant 0.000000e+00 : f32
    %broadcast_in_dim3A_523 = vector.broadcast %broadcast_in_dim3A_522 : f32 to vector<16xf32>
    %parallel_loop3A_524 = arith.constant 0 : i32
    %parallel_loop3A_525 = arith.constant 128 : i32
    %parallel_loop3A_526 = arith.constant 1 : i32
    %parallel_loop3A_527 = arith.constant 2 : i32
    %parallel_loop3A_528 = arith.constant 3 : i32
    %parallel_loop3A_529 = scf.for %parallel_loop3A_833 = %parallel_loop3A_524 to %parallel_loop3A_525 step %parallel_loop3A_526 iter_args(%parallel_loop3A_834 = %broadcast_in_dim3A_523) -> (vector<16xf32>)  : i32 {
      %parallel_loop3A_835 = vector.broadcast %parallel_loop3A_833 : i32 to vector<16xi32>
      %parallel_loop3A_836 = arith.addi %iota3A, %parallel_loop3A_835 : vector<16xi32>
      %parallel_loop3A_837 = arith.constant 127 : i32
      %parallel_loop3A_838 = vector.broadcast %parallel_loop3A_837 : i32 to vector<16xi32>
      %parallel_loop3A_839 = arith.andi %parallel_loop3A_836, %parallel_loop3A_838 : vector<16xi32>
      %parallel_loop3A_840 = arith.constant 0 : i32
      %parallel_loop3A_841 = arith.constant 0 : i32
      %parallel_loop3A_842 = tpu.memref_slice %arg7[%parallel_loop3A_527, %parallel_loop3A_840, %parallel_loop3A_841] : memref<6x64x128xf32, #tpu.memory_space<vmem>> -> memref<1x64x128xf32, #tpu.memory_space<vmem>>
      %parallel_loop3A_843 = tpu.memref_squeeze %parallel_loop3A_842 : memref<1x64x128xf32, #tpu.memory_space<vmem>> -> memref<64x128xf32, #tpu.memory_space<vmem>>
      %parallel_loop3A_844 = tpu.vector_load_idx %parallel_loop3A_843[%add3A_521, %parallel_loop3A_839] : memref<64x128xf32, #tpu.memory_space<vmem>>[vector<16xi32>, vector<16xi32>], vector<16xf32>,
      %parallel_loop3A_845 = arith.constant 0 : i32
      %parallel_loop3A_846 = arith.constant 0 : i32
      %parallel_loop3A_847 = tpu.memref_slice %arg7[%parallel_loop3A_528, %parallel_loop3A_845, %parallel_loop3A_846] : memref<6x64x128xf32, #tpu.memory_space<vmem>> -> memref<1x64x128xf32, #tpu.memory_space<vmem>>
      %parallel_loop3A_848 = tpu.memref_squeeze %parallel_loop3A_847 : memref<1x64x128xf32, #tpu.memory_space<vmem>> -> memref<64x128xf32, #tpu.memory_space<vmem>>
      %parallel_loop3A_849 = tpu.vector_load_idx %parallel_loop3A_848[%add3A_521, %parallel_loop3A_839] : memref<64x128xf32, #tpu.memory_space<vmem>>[vector<16xi32>, vector<16xi32>], vector<16xf32>,
      %parallel_loop3A_850 = arith.mulf %parallel_loop3A_844, %parallel_loop3A_849 : vector<16xf32>
      %parallel_loop3A_851 = arith.addf %parallel_loop3A_834, %parallel_loop3A_850 : vector<16xf32>
      scf.yield %parallel_loop3A_851 : vector<16xf32>
    } {sc.loop_unroll_factor = 8 : i64, sc.parallel_access}
    %swap3A_530 = arith.constant 256 : index
    %swap3A_531 = tpu.vector_load %arg8[%swap3A_530] {strides = array<i32>} : memref<512xf32, #tpu.memory_space<vmem>>, vector<16xf32>,
    tpu.vector_store %arg8[%swap3A_530], %parallel_loop3A_529 {strides = array<i32>} : memref<512xf32, #tpu.memory_space<vmem>>, vector<16xf32>,
    %add3A_532 = arith.constant 16 : i32
    %add3A_533 = vector.broadcast %add3A_532 : i32 to vector<16xi32>
    %add3A_534 = arith.addi %iota3A, %add3A_533 : vector<16xi32>
    %broadcast_in_dim3A_535 = arith.constant 0.000000e+00 : f32
    %broadcast_in_dim3A_536 = vector.broadcast %broadcast_in_dim3A_535 : f32 to vector<16xf32>
    %parallel_loop3A_537 = arith.constant 0 : i32
    %parallel_loop3A_538 = arith.constant 128 : i32
    %parallel_loop3A_539 = arith.constant 1 : i32
    %parallel_loop3A_540 = arith.constant 2 : i32
    %parallel_loop3A_541 = arith.constant 3 : i32
    %parallel_loop3A_542 = scf.for %parallel_loop3A_833 = %parallel_loop3A_537 to %parallel_loop3A_538 step %parallel_loop3A_539 iter_args(%parallel_loop3A_834 = %broadcast_in_dim3A_536) -> (vector<16xf32>)  : i32 {
      %parallel_loop3A_835 = vector.broadcast %parallel_loop3A_833 : i32 to vector<16xi32>
      %parallel_loop3A_836 = arith.addi %iota3A, %parallel_loop3A_835 : vector<16xi32>
      %parallel_loop3A_837 = arith.constant 127 : i32
      %parallel_loop3A_838 = vector.broadcast %parallel_loop3A_837 : i32 to vector<16xi32>
      %parallel_loop3A_839 = arith.andi %parallel_loop3A_836, %parallel_loop3A_838 : vector<16xi32>
      %parallel_loop3A_840 = arith.constant 0 : i32
      %parallel_loop3A_841 = arith.constant 0 : i32
      %parallel_loop3A_842 = tpu.memref_slice %arg7[%parallel_loop3A_540, %parallel_loop3A_840, %parallel_loop3A_841] : memref<6x64x128xf32, #tpu.memory_space<vmem>> -> memref<1x64x128xf32, #tpu.memory_space<vmem>>
      %parallel_loop3A_843 = tpu.memref_squeeze %parallel_loop3A_842 : memref<1x64x128xf32, #tpu.memory_space<vmem>> -> memref<64x128xf32, #tpu.memory_space<vmem>>
      %parallel_loop3A_844 = tpu.vector_load_idx %parallel_loop3A_843[%add3A_534, %parallel_loop3A_839] : memref<64x128xf32, #tpu.memory_space<vmem>>[vector<16xi32>, vector<16xi32>], vector<16xf32>,
      %parallel_loop3A_845 = arith.constant 0 : i32
      %parallel_loop3A_846 = arith.constant 0 : i32
      %parallel_loop3A_847 = tpu.memref_slice %arg7[%parallel_loop3A_541, %parallel_loop3A_845, %parallel_loop3A_846] : memref<6x64x128xf32, #tpu.memory_space<vmem>> -> memref<1x64x128xf32, #tpu.memory_space<vmem>>
      %parallel_loop3A_848 = tpu.memref_squeeze %parallel_loop3A_847 : memref<1x64x128xf32, #tpu.memory_space<vmem>> -> memref<64x128xf32, #tpu.memory_space<vmem>>
      %parallel_loop3A_849 = tpu.vector_load_idx %parallel_loop3A_848[%add3A_534, %parallel_loop3A_839] : memref<64x128xf32, #tpu.memory_space<vmem>>[vector<16xi32>, vector<16xi32>], vector<16xf32>,
      %parallel_loop3A_850 = arith.mulf %parallel_loop3A_844, %parallel_loop3A_849 : vector<16xf32>
      %parallel_loop3A_851 = arith.addf %parallel_loop3A_834, %parallel_loop3A_850 : vector<16xf32>
      scf.yield %parallel_loop3A_851 : vector<16xf32>
    } {sc.loop_unroll_factor = 8 : i64, sc.parallel_access}
    %swap3A_543 = arith.constant 272 : index
    %swap3A_544 = tpu.vector_load %arg8[%swap3A_543] {strides = array<i32>} : memref<512xf32, #tpu.memory_space<vmem>>, vector<16xf32>,
    tpu.vector_store %arg8[%swap3A_543], %parallel_loop3A_542 {strides = array<i32>} : memref<512xf32, #tpu.memory_space<vmem>>, vector<16xf32>,
    %add3A_545 = arith.constant 32 : i32
    %add3A_546 = vector.broadcast %add3A_545 : i32 to vector<16xi32>
    %add3A_547 = arith.addi %iota3A, %add3A_546 : vector<16xi32>
    %broadcast_in_dim3A_548 = arith.constant 0.000000e+00 : f32
    %broadcast_in_dim3A_549 = vector.broadcast %broadcast_in_dim3A_548 : f32 to vector<16xf32>
    %parallel_loop3A_550 = arith.constant 0 : i32
    %parallel_loop3A_551 = arith.constant 128 : i32
    %parallel_loop3A_552 = arith.constant 1 : i32
    %parallel_loop3A_553 = arith.constant 2 : i32
    %parallel_loop3A_554 = arith.constant 3 : i32
    %parallel_loop3A_555 = scf.for %parallel_loop3A_833 = %parallel_loop3A_550 to %parallel_loop3A_551 step %parallel_loop3A_552 iter_args(%parallel_loop3A_834 = %broadcast_in_dim3A_549) -> (vector<16xf32>)  : i32 {
      %parallel_loop3A_835 = vector.broadcast %parallel_loop3A_833 : i32 to vector<16xi32>
      %parallel_loop3A_836 = arith.addi %iota3A, %parallel_loop3A_835 : vector<16xi32>
      %parallel_loop3A_837 = arith.constant 127 : i32
      %parallel_loop3A_838 = vector.broadcast %parallel_loop3A_837 : i32 to vector<16xi32>
      %parallel_loop3A_839 = arith.andi %parallel_loop3A_836, %parallel_loop3A_838 : vector<16xi32>
      %parallel_loop3A_840 = arith.constant 0 : i32
      %parallel_loop3A_841 = arith.constant 0 : i32
      %parallel_loop3A_842 = tpu.memref_slice %arg7[%parallel_loop3A_553, %parallel_loop3A_840, %parallel_loop3A_841] : memref<6x64x128xf32, #tpu.memory_space<vmem>> -> memref<1x64x128xf32, #tpu.memory_space<vmem>>
      %parallel_loop3A_843 = tpu.memref_squeeze %parallel_loop3A_842 : memref<1x64x128xf32, #tpu.memory_space<vmem>> -> memref<64x128xf32, #tpu.memory_space<vmem>>
      %parallel_loop3A_844 = tpu.vector_load_idx %parallel_loop3A_843[%add3A_547, %parallel_loop3A_839] : memref<64x128xf32, #tpu.memory_space<vmem>>[vector<16xi32>, vector<16xi32>], vector<16xf32>,
      %parallel_loop3A_845 = arith.constant 0 : i32
      %parallel_loop3A_846 = arith.constant 0 : i32
      %parallel_loop3A_847 = tpu.memref_slice %arg7[%parallel_loop3A_554, %parallel_loop3A_845, %parallel_loop3A_846] : memref<6x64x128xf32, #tpu.memory_space<vmem>> -> memref<1x64x128xf32, #tpu.memory_space<vmem>>
      %parallel_loop3A_848 = tpu.memref_squeeze %parallel_loop3A_847 : memref<1x64x128xf32, #tpu.memory_space<vmem>> -> memref<64x128xf32, #tpu.memory_space<vmem>>
      %parallel_loop3A_849 = tpu.vector_load_idx %parallel_loop3A_848[%add3A_547, %parallel_loop3A_839] : memref<64x128xf32, #tpu.memory_space<vmem>>[vector<16xi32>, vector<16xi32>], vector<16xf32>,
      %parallel_loop3A_850 = arith.mulf %parallel_loop3A_844, %parallel_loop3A_849 : vector<16xf32>
      %parallel_loop3A_851 = arith.addf %parallel_loop3A_834, %parallel_loop3A_850 : vector<16xf32>
      scf.yield %parallel_loop3A_851 : vector<16xf32>
    } {sc.loop_unroll_factor = 8 : i64, sc.parallel_access}
    %swap3A_556 = arith.constant 288 : index
    %swap3A_557 = tpu.vector_load %arg8[%swap3A_556] {strides = array<i32>} : memref<512xf32, #tpu.memory_space<vmem>>, vector<16xf32>,
    tpu.vector_store %arg8[%swap3A_556], %parallel_loop3A_555 {strides = array<i32>} : memref<512xf32, #tpu.memory_space<vmem>>, vector<16xf32>,
    %add3A_558 = arith.constant 48 : i32
    %add3A_559 = vector.broadcast %add3A_558 : i32 to vector<16xi32>
    %add3A_560 = arith.addi %iota3A, %add3A_559 : vector<16xi32>
    %broadcast_in_dim3A_561 = arith.constant 0.000000e+00 : f32
    %broadcast_in_dim3A_562 = vector.broadcast %broadcast_in_dim3A_561 : f32 to vector<16xf32>
    %parallel_loop3A_563 = arith.constant 0 : i32
    %parallel_loop3A_564 = arith.constant 128 : i32
    %parallel_loop3A_565 = arith.constant 1 : i32
    %parallel_loop3A_566 = arith.constant 2 : i32
    %parallel_loop3A_567 = arith.constant 3 : i32
    %parallel_loop3A_568 = scf.for %parallel_loop3A_833 = %parallel_loop3A_563 to %parallel_loop3A_564 step %parallel_loop3A_565 iter_args(%parallel_loop3A_834 = %broadcast_in_dim3A_562) -> (vector<16xf32>)  : i32 {
      %parallel_loop3A_835 = vector.broadcast %parallel_loop3A_833 : i32 to vector<16xi32>
      %parallel_loop3A_836 = arith.addi %iota3A, %parallel_loop3A_835 : vector<16xi32>
      %parallel_loop3A_837 = arith.constant 127 : i32
      %parallel_loop3A_838 = vector.broadcast %parallel_loop3A_837 : i32 to vector<16xi32>
      %parallel_loop3A_839 = arith.andi %parallel_loop3A_836, %parallel_loop3A_838 : vector<16xi32>
      %parallel_loop3A_840 = arith.constant 0 : i32
      %parallel_loop3A_841 = arith.constant 0 : i32
      %parallel_loop3A_842 = tpu.memref_slice %arg7[%parallel_loop3A_566, %parallel_loop3A_840, %parallel_loop3A_841] : memref<6x64x128xf32, #tpu.memory_space<vmem>> -> memref<1x64x128xf32, #tpu.memory_space<vmem>>
      %parallel_loop3A_843 = tpu.memref_squeeze %parallel_loop3A_842 : memref<1x64x128xf32, #tpu.memory_space<vmem>> -> memref<64x128xf32, #tpu.memory_space<vmem>>
      %parallel_loop3A_844 = tpu.vector_load_idx %parallel_loop3A_843[%add3A_560, %parallel_loop3A_839] : memref<64x128xf32, #tpu.memory_space<vmem>>[vector<16xi32>, vector<16xi32>], vector<16xf32>,
      %parallel_loop3A_845 = arith.constant 0 : i32
      %parallel_loop3A_846 = arith.constant 0 : i32
      %parallel_loop3A_847 = tpu.memref_slice %arg7[%parallel_loop3A_567, %parallel_loop3A_845, %parallel_loop3A_846] : memref<6x64x128xf32, #tpu.memory_space<vmem>> -> memref<1x64x128xf32, #tpu.memory_space<vmem>>
      %parallel_loop3A_848 = tpu.memref_squeeze %parallel_loop3A_847 : memref<1x64x128xf32, #tpu.memory_space<vmem>> -> memref<64x128xf32, #tpu.memory_space<vmem>>
      %parallel_loop3A_849 = tpu.vector_load_idx %parallel_loop3A_848[%add3A_560, %parallel_loop3A_839] : memref<64x128xf32, #tpu.memory_space<vmem>>[vector<16xi32>, vector<16xi32>], vector<16xf32>,
      %parallel_loop3A_850 = arith.mulf %parallel_loop3A_844, %parallel_loop3A_849 : vector<16xf32>
      %parallel_loop3A_851 = arith.addf %parallel_loop3A_834, %parallel_loop3A_850 : vector<16xf32>
      scf.yield %parallel_loop3A_851 : vector<16xf32>
    } {sc.loop_unroll_factor = 8 : i64, sc.parallel_access}
    %swap3A_569 = arith.constant 304 : index
    %swap3A_570 = tpu.vector_load %arg8[%swap3A_569] {strides = array<i32>} : memref<512xf32, #tpu.memory_space<vmem>>, vector<16xf32>,
    tpu.vector_store %arg8[%swap3A_569], %parallel_loop3A_568 {strides = array<i32>} : memref<512xf32, #tpu.memory_space<vmem>>, vector<16xf32>,
    %dma_start3A_571 = arith.constant 0 : i32
    %dma_start3A_572 = arith.constant 7 : i32
    %dma_start3A_573 = arith.constant 2 : i32
    %dma_start3A_574 = arith.constant 0 : i32
    %dma_start3A_575 = arith.constant 0 : i32
    %dma_start3A_576 = tpu.memref_slice %arg7[%dma_start3A_573, %dma_start3A_574, %dma_start3A_575] : memref<6x64x128xf32, #tpu.memory_space<vmem>> -> memref<1x64x128xf32, #tpu.memory_space<vmem>>
    %dma_start3A_577 = tpu.memref_squeeze %dma_start3A_576 : memref<1x64x128xf32, #tpu.memory_space<vmem>> -> memref<64x128xf32, #tpu.memory_space<vmem>>
    %dma_start3A_578 = arith.constant 0 : i32
    %dma_start3A_579 = tpu.memref_slice %arg6[%dma_start3A_571, %dma_start3A_572, %dma_start3A_578] : memref<2x8x64xi32, #tpu.memory_space<vmem>> -> memref<1x1x64xi32, #tpu.memory_space<vmem>>
    %dma_start3A_580 = tpu.memref_squeeze %dma_start3A_579 : memref<1x1x64xi32, #tpu.memory_space<vmem>> -> memref<64xi32, #tpu.memory_space<vmem>>
    %dma_start3A_581 = arith.constant 0 : i32
    %dma_start3A_582 = arith.constant 0 : i32
    %dma_start3A_583 = tpu.memref_slice %arg3[%dma_start3A_581, %dma_start3A_582] : memref<100000x128xf32, #tpu.memory_space<hbm>> -> memref<100000x128xf32, #tpu.memory_space<hbm>>
    tpu.enqueue_indirect_dma source(%dma_start3A_583 : memref<100000x128xf32, #tpu.memory_space<hbm>>) target(%dma_start3A_577 : memref<64x128xf32, #tpu.memory_space<vmem>>) offsets(%dma_start3A_580 : memref<64xi32, #tpu.memory_space<vmem>>) semaphore(%arg10 : memref<!tpu.dma_semaphore, #tpu.memory_space<semaphore_mem>>)
    %dma_start3A_584 = arith.constant 1 : i32
    %dma_start3A_585 = arith.constant 7 : i32
    %dma_start3A_586 = arith.constant 3 : i32
    %dma_start3A_587 = arith.constant 0 : i32
    %dma_start3A_588 = arith.constant 0 : i32
    %dma_start3A_589 = tpu.memref_slice %arg7[%dma_start3A_586, %dma_start3A_587, %dma_start3A_588] : memref<6x64x128xf32, #tpu.memory_space<vmem>> -> memref<1x64x128xf32, #tpu.memory_space<vmem>>
    %dma_start3A_590 = tpu.memref_squeeze %dma_start3A_589 : memref<1x64x128xf32, #tpu.memory_space<vmem>> -> memref<64x128xf32, #tpu.memory_space<vmem>>
    %dma_start3A_591 = arith.constant 0 : i32
    %dma_start3A_592 = tpu.memref_slice %arg6[%dma_start3A_584, %dma_start3A_585, %dma_start3A_591] : memref<2x8x64xi32, #tpu.memory_space<vmem>> -> memref<1x1x64xi32, #tpu.memory_space<vmem>>
    %dma_start3A_593 = tpu.memref_squeeze %dma_start3A_592 : memref<1x1x64xi32, #tpu.memory_space<vmem>> -> memref<64xi32, #tpu.memory_space<vmem>>
    %dma_start3A_594 = arith.constant 0 : i32
    %dma_start3A_595 = arith.constant 0 : i32
    %dma_start3A_596 = tpu.memref_slice %arg4[%dma_start3A_594, %dma_start3A_595] : memref<1000000x128xf32, #tpu.memory_space<hbm>> -> memref<1000000x128xf32, #tpu.memory_space<hbm>>
    tpu.enqueue_indirect_dma source(%dma_start3A_596 : memref<1000000x128xf32, #tpu.memory_space<hbm>>) target(%dma_start3A_590 : memref<64x128xf32, #tpu.memory_space<vmem>>) offsets(%dma_start3A_593 : memref<64xi32, #tpu.memory_space<vmem>>) semaphore(%arg10 : memref<!tpu.dma_semaphore, #tpu.memory_space<semaphore_mem>>)
    %dma_wait3A_597 = arith.constant 0 : i32
    %dma_wait3A_598 = arith.constant 5 : i32
    %dma_wait3A_599 = arith.constant 4 : i32
    %dma_wait3A_600 = arith.constant 0 : i32
    %dma_wait3A_601 = arith.constant 0 : i32
    %dma_wait3A_602 = tpu.memref_slice %arg7[%dma_wait3A_599, %dma_wait3A_600, %dma_wait3A_601] : memref<6x64x128xf32, #tpu.memory_space<vmem>> -> memref<1x64x128xf32, #tpu.memory_space<vmem>>
    %dma_wait3A_603 = tpu.memref_squeeze %dma_wait3A_602 : memref<1x64x128xf32, #tpu.memory_space<vmem>> -> memref<64x128xf32, #tpu.memory_space<vmem>>
    %dma_wait3A_604 = arith.constant 0 : i32
    %dma_wait3A_605 = tpu.memref_slice %arg6[%dma_wait3A_597, %dma_wait3A_598, %dma_wait3A_604] : memref<2x8x64xi32, #tpu.memory_space<vmem>> -> memref<1x1x64xi32, #tpu.memory_space<vmem>>
    %dma_wait3A_606 = tpu.memref_squeeze %dma_wait3A_605 : memref<1x1x64xi32, #tpu.memory_space<vmem>> -> memref<64xi32, #tpu.memory_space<vmem>>
    %dma_wait3A_607 = arith.constant 0 : i32
    %dma_wait3A_608 = arith.constant 0 : i32
    %dma_wait3A_609 = tpu.memref_slice %arg3[%dma_wait3A_607, %dma_wait3A_608] : memref<100000x128xf32, #tpu.memory_space<hbm>> -> memref<100000x128xf32, #tpu.memory_space<hbm>>
    tpu.wait_indirect_dma semaphore(%arg11 : memref<!tpu.dma_semaphore, #tpu.memory_space<semaphore_mem>>) src(%dma_wait3A_609 : memref<100000x128xf32, #tpu.memory_space<hbm>>) dst(%dma_wait3A_603 : memref<64x128xf32, #tpu.memory_space<vmem>>)
    %dma_wait3A_610 = arith.constant 1 : i32
    %dma_wait3A_611 = arith.constant 5 : i32
    %dma_wait3A_612 = arith.constant 5 : i32
    %dma_wait3A_613 = arith.constant 0 : i32
    %dma_wait3A_614 = arith.constant 0 : i32
    %dma_wait3A_615 = tpu.memref_slice %arg7[%dma_wait3A_612, %dma_wait3A_613, %dma_wait3A_614] : memref<6x64x128xf32, #tpu.memory_space<vmem>> -> memref<1x64x128xf32, #tpu.memory_space<vmem>>
    %dma_wait3A_616 = tpu.memref_squeeze %dma_wait3A_615 : memref<1x64x128xf32, #tpu.memory_space<vmem>> -> memref<64x128xf32, #tpu.memory_space<vmem>>
    %dma_wait3A_617 = arith.constant 0 : i32
    %dma_wait3A_618 = tpu.memref_slice %arg6[%dma_wait3A_610, %dma_wait3A_611, %dma_wait3A_617] : memref<2x8x64xi32, #tpu.memory_space<vmem>> -> memref<1x1x64xi32, #tpu.memory_space<vmem>>
    %dma_wait3A_619 = tpu.memref_squeeze %dma_wait3A_618 : memref<1x1x64xi32, #tpu.memory_space<vmem>> -> memref<64xi32, #tpu.memory_space<vmem>>
    %dma_wait3A_620 = arith.constant 0 : i32
    %dma_wait3A_621 = arith.constant 0 : i32
    %dma_wait3A_622 = tpu.memref_slice %arg4[%dma_wait3A_620, %dma_wait3A_621] : memref<1000000x128xf32, #tpu.memory_space<hbm>> -> memref<1000000x128xf32, #tpu.memory_space<hbm>>
    tpu.wait_indirect_dma semaphore(%arg11 : memref<!tpu.dma_semaphore, #tpu.memory_space<semaphore_mem>>) src(%dma_wait3A_622 : memref<1000000x128xf32, #tpu.memory_space<hbm>>) dst(%dma_wait3A_616 : memref<64x128xf32, #tpu.memory_space<vmem>>)
    %add3A_623 = arith.constant 0 : i32
    %add3A_624 = vector.broadcast %add3A_623 : i32 to vector<16xi32>
    %add3A_625 = arith.addi %iota3A, %add3A_624 : vector<16xi32>
    %broadcast_in_dim3A_626 = arith.constant 0.000000e+00 : f32
    %broadcast_in_dim3A_627 = vector.broadcast %broadcast_in_dim3A_626 : f32 to vector<16xf32>
    %parallel_loop3A_628 = arith.constant 0 : i32
    %parallel_loop3A_629 = arith.constant 128 : i32
    %parallel_loop3A_630 = arith.constant 1 : i32
    %parallel_loop3A_631 = arith.constant 4 : i32
    %parallel_loop3A_632 = arith.constant 5 : i32
    %parallel_loop3A_633 = scf.for %parallel_loop3A_833 = %parallel_loop3A_628 to %parallel_loop3A_629 step %parallel_loop3A_630 iter_args(%parallel_loop3A_834 = %broadcast_in_dim3A_627) -> (vector<16xf32>)  : i32 {
      %parallel_loop3A_835 = vector.broadcast %parallel_loop3A_833 : i32 to vector<16xi32>
      %parallel_loop3A_836 = arith.addi %iota3A, %parallel_loop3A_835 : vector<16xi32>
      %parallel_loop3A_837 = arith.constant 127 : i32
      %parallel_loop3A_838 = vector.broadcast %parallel_loop3A_837 : i32 to vector<16xi32>
      %parallel_loop3A_839 = arith.andi %parallel_loop3A_836, %parallel_loop3A_838 : vector<16xi32>
      %parallel_loop3A_840 = arith.constant 0 : i32
      %parallel_loop3A_841 = arith.constant 0 : i32
      %parallel_loop3A_842 = tpu.memref_slice %arg7[%parallel_loop3A_631, %parallel_loop3A_840, %parallel_loop3A_841] : memref<6x64x128xf32, #tpu.memory_space<vmem>> -> memref<1x64x128xf32, #tpu.memory_space<vmem>>
      %parallel_loop3A_843 = tpu.memref_squeeze %parallel_loop3A_842 : memref<1x64x128xf32, #tpu.memory_space<vmem>> -> memref<64x128xf32, #tpu.memory_space<vmem>>
      %parallel_loop3A_844 = tpu.vector_load_idx %parallel_loop3A_843[%add3A_625, %parallel_loop3A_839] : memref<64x128xf32, #tpu.memory_space<vmem>>[vector<16xi32>, vector<16xi32>], vector<16xf32>,
      %parallel_loop3A_845 = arith.constant 0 : i32
      %parallel_loop3A_846 = arith.constant 0 : i32
      %parallel_loop3A_847 = tpu.memref_slice %arg7[%parallel_loop3A_632, %parallel_loop3A_845, %parallel_loop3A_846] : memref<6x64x128xf32, #tpu.memory_space<vmem>> -> memref<1x64x128xf32, #tpu.memory_space<vmem>>
      %parallel_loop3A_848 = tpu.memref_squeeze %parallel_loop3A_847 : memref<1x64x128xf32, #tpu.memory_space<vmem>> -> memref<64x128xf32, #tpu.memory_space<vmem>>
      %parallel_loop3A_849 = tpu.vector_load_idx %parallel_loop3A_848[%add3A_625, %parallel_loop3A_839] : memref<64x128xf32, #tpu.memory_space<vmem>>[vector<16xi32>, vector<16xi32>], vector<16xf32>,
      %parallel_loop3A_850 = arith.mulf %parallel_loop3A_844, %parallel_loop3A_849 : vector<16xf32>
      %parallel_loop3A_851 = arith.addf %parallel_loop3A_834, %parallel_loop3A_850 : vector<16xf32>
      scf.yield %parallel_loop3A_851 : vector<16xf32>
    } {sc.loop_unroll_factor = 8 : i64, sc.parallel_access}
    %swap3A_634 = arith.constant 320 : index
    %swap3A_635 = tpu.vector_load %arg8[%swap3A_634] {strides = array<i32>} : memref<512xf32, #tpu.memory_space<vmem>>, vector<16xf32>,
    tpu.vector_store %arg8[%swap3A_634], %parallel_loop3A_633 {strides = array<i32>} : memref<512xf32, #tpu.memory_space<vmem>>, vector<16xf32>,
    %add3A_636 = arith.constant 16 : i32
    %add3A_637 = vector.broadcast %add3A_636 : i32 to vector<16xi32>
    %add3A_638 = arith.addi %iota3A, %add3A_637 : vector<16xi32>
    %broadcast_in_dim3A_639 = arith.constant 0.000000e+00 : f32
    %broadcast_in_dim3A_640 = vector.broadcast %broadcast_in_dim3A_639 : f32 to vector<16xf32>
    %parallel_loop3A_641 = arith.constant 0 : i32
    %parallel_loop3A_642 = arith.constant 128 : i32
    %parallel_loop3A_643 = arith.constant 1 : i32
    %parallel_loop3A_644 = arith.constant 4 : i32
    %parallel_loop3A_645 = arith.constant 5 : i32
    %parallel_loop3A_646 = scf.for %parallel_loop3A_833 = %parallel_loop3A_641 to %parallel_loop3A_642 step %parallel_loop3A_643 iter_args(%parallel_loop3A_834 = %broadcast_in_dim3A_640) -> (vector<16xf32>)  : i32 {
      %parallel_loop3A_835 = vector.broadcast %parallel_loop3A_833 : i32 to vector<16xi32>
      %parallel_loop3A_836 = arith.addi %iota3A, %parallel_loop3A_835 : vector<16xi32>
      %parallel_loop3A_837 = arith.constant 127 : i32
      %parallel_loop3A_838 = vector.broadcast %parallel_loop3A_837 : i32 to vector<16xi32>
      %parallel_loop3A_839 = arith.andi %parallel_loop3A_836, %parallel_loop3A_838 : vector<16xi32>
      %parallel_loop3A_840 = arith.constant 0 : i32
      %parallel_loop3A_841 = arith.constant 0 : i32
      %parallel_loop3A_842 = tpu.memref_slice %arg7[%parallel_loop3A_644, %parallel_loop3A_840, %parallel_loop3A_841] : memref<6x64x128xf32, #tpu.memory_space<vmem>> -> memref<1x64x128xf32, #tpu.memory_space<vmem>>
      %parallel_loop3A_843 = tpu.memref_squeeze %parallel_loop3A_842 : memref<1x64x128xf32, #tpu.memory_space<vmem>> -> memref<64x128xf32, #tpu.memory_space<vmem>>
      %parallel_loop3A_844 = tpu.vector_load_idx %parallel_loop3A_843[%add3A_638, %parallel_loop3A_839] : memref<64x128xf32, #tpu.memory_space<vmem>>[vector<16xi32>, vector<16xi32>], vector<16xf32>,
      %parallel_loop3A_845 = arith.constant 0 : i32
      %parallel_loop3A_846 = arith.constant 0 : i32
      %parallel_loop3A_847 = tpu.memref_slice %arg7[%parallel_loop3A_645, %parallel_loop3A_845, %parallel_loop3A_846] : memref<6x64x128xf32, #tpu.memory_space<vmem>> -> memref<1x64x128xf32, #tpu.memory_space<vmem>>
      %parallel_loop3A_848 = tpu.memref_squeeze %parallel_loop3A_847 : memref<1x64x128xf32, #tpu.memory_space<vmem>> -> memref<64x128xf32, #tpu.memory_space<vmem>>
      %parallel_loop3A_849 = tpu.vector_load_idx %parallel_loop3A_848[%add3A_638, %parallel_loop3A_839] : memref<64x128xf32, #tpu.memory_space<vmem>>[vector<16xi32>, vector<16xi32>], vector<16xf32>,
      %parallel_loop3A_850 = arith.mulf %parallel_loop3A_844, %parallel_loop3A_849 : vector<16xf32>
      %parallel_loop3A_851 = arith.addf %parallel_loop3A_834, %parallel_loop3A_850 : vector<16xf32>
      scf.yield %parallel_loop3A_851 : vector<16xf32>
    } {sc.loop_unroll_factor = 8 : i64, sc.parallel_access}
    %swap3A_647 = arith.constant 336 : index
    %swap3A_648 = tpu.vector_load %arg8[%swap3A_647] {strides = array<i32>} : memref<512xf32, #tpu.memory_space<vmem>>, vector<16xf32>,
    tpu.vector_store %arg8[%swap3A_647], %parallel_loop3A_646 {strides = array<i32>} : memref<512xf32, #tpu.memory_space<vmem>>, vector<16xf32>,
    %add3A_649 = arith.constant 32 : i32
    %add3A_650 = vector.broadcast %add3A_649 : i32 to vector<16xi32>
    %add3A_651 = arith.addi %iota3A, %add3A_650 : vector<16xi32>
    %broadcast_in_dim3A_652 = arith.constant 0.000000e+00 : f32
    %broadcast_in_dim3A_653 = vector.broadcast %broadcast_in_dim3A_652 : f32 to vector<16xf32>
    %parallel_loop3A_654 = arith.constant 0 : i32
    %parallel_loop3A_655 = arith.constant 128 : i32
    %parallel_loop3A_656 = arith.constant 1 : i32
    %parallel_loop3A_657 = arith.constant 4 : i32
    %parallel_loop3A_658 = arith.constant 5 : i32
    %parallel_loop3A_659 = scf.for %parallel_loop3A_833 = %parallel_loop3A_654 to %parallel_loop3A_655 step %parallel_loop3A_656 iter_args(%parallel_loop3A_834 = %broadcast_in_dim3A_653) -> (vector<16xf32>)  : i32 {
      %parallel_loop3A_835 = vector.broadcast %parallel_loop3A_833 : i32 to vector<16xi32>
      %parallel_loop3A_836 = arith.addi %iota3A, %parallel_loop3A_835 : vector<16xi32>
      %parallel_loop3A_837 = arith.constant 127 : i32
      %parallel_loop3A_838 = vector.broadcast %parallel_loop3A_837 : i32 to vector<16xi32>
      %parallel_loop3A_839 = arith.andi %parallel_loop3A_836, %parallel_loop3A_838 : vector<16xi32>
      %parallel_loop3A_840 = arith.constant 0 : i32
      %parallel_loop3A_841 = arith.constant 0 : i32
      %parallel_loop3A_842 = tpu.memref_slice %arg7[%parallel_loop3A_657, %parallel_loop3A_840, %parallel_loop3A_841] : memref<6x64x128xf32, #tpu.memory_space<vmem>> -> memref<1x64x128xf32, #tpu.memory_space<vmem>>
      %parallel_loop3A_843 = tpu.memref_squeeze %parallel_loop3A_842 : memref<1x64x128xf32, #tpu.memory_space<vmem>> -> memref<64x128xf32, #tpu.memory_space<vmem>>
      %parallel_loop3A_844 = tpu.vector_load_idx %parallel_loop3A_843[%add3A_651, %parallel_loop3A_839] : memref<64x128xf32, #tpu.memory_space<vmem>>[vector<16xi32>, vector<16xi32>], vector<16xf32>,
      %parallel_loop3A_845 = arith.constant 0 : i32
      %parallel_loop3A_846 = arith.constant 0 : i32
      %parallel_loop3A_847 = tpu.memref_slice %arg7[%parallel_loop3A_658, %parallel_loop3A_845, %parallel_loop3A_846] : memref<6x64x128xf32, #tpu.memory_space<vmem>> -> memref<1x64x128xf32, #tpu.memory_space<vmem>>
      %parallel_loop3A_848 = tpu.memref_squeeze %parallel_loop3A_847 : memref<1x64x128xf32, #tpu.memory_space<vmem>> -> memref<64x128xf32, #tpu.memory_space<vmem>>
      %parallel_loop3A_849 = tpu.vector_load_idx %parallel_loop3A_848[%add3A_651, %parallel_loop3A_839] : memref<64x128xf32, #tpu.memory_space<vmem>>[vector<16xi32>, vector<16xi32>], vector<16xf32>,
      %parallel_loop3A_850 = arith.mulf %parallel_loop3A_844, %parallel_loop3A_849 : vector<16xf32>
      %parallel_loop3A_851 = arith.addf %parallel_loop3A_834, %parallel_loop3A_850 : vector<16xf32>
      scf.yield %parallel_loop3A_851 : vector<16xf32>
    } {sc.loop_unroll_factor = 8 : i64, sc.parallel_access}
    %swap3A_660 = arith.constant 352 : index
    %swap3A_661 = tpu.vector_load %arg8[%swap3A_660] {strides = array<i32>} : memref<512xf32, #tpu.memory_space<vmem>>, vector<16xf32>,
    tpu.vector_store %arg8[%swap3A_660], %parallel_loop3A_659 {strides = array<i32>} : memref<512xf32, #tpu.memory_space<vmem>>, vector<16xf32>,
    %add3A_662 = arith.constant 48 : i32
    %add3A_663 = vector.broadcast %add3A_662 : i32 to vector<16xi32>
    %add3A_664 = arith.addi %iota3A, %add3A_663 : vector<16xi32>
    %broadcast_in_dim3A_665 = arith.constant 0.000000e+00 : f32
    %broadcast_in_dim3A_666 = vector.broadcast %broadcast_in_dim3A_665 : f32 to vector<16xf32>
    %parallel_loop3A_667 = arith.constant 0 : i32
    %parallel_loop3A_668 = arith.constant 128 : i32
    %parallel_loop3A_669 = arith.constant 1 : i32
    %parallel_loop3A_670 = arith.constant 4 : i32
    %parallel_loop3A_671 = arith.constant 5 : i32
    %parallel_loop3A_672 = scf.for %parallel_loop3A_833 = %parallel_loop3A_667 to %parallel_loop3A_668 step %parallel_loop3A_669 iter_args(%parallel_loop3A_834 = %broadcast_in_dim3A_666) -> (vector<16xf32>)  : i32 {
      %parallel_loop3A_835 = vector.broadcast %parallel_loop3A_833 : i32 to vector<16xi32>
      %parallel_loop3A_836 = arith.addi %iota3A, %parallel_loop3A_835 : vector<16xi32>
      %parallel_loop3A_837 = arith.constant 127 : i32
      %parallel_loop3A_838 = vector.broadcast %parallel_loop3A_837 : i32 to vector<16xi32>
      %parallel_loop3A_839 = arith.andi %parallel_loop3A_836, %parallel_loop3A_838 : vector<16xi32>
      %parallel_loop3A_840 = arith.constant 0 : i32
      %parallel_loop3A_841 = arith.constant 0 : i32
      %parallel_loop3A_842 = tpu.memref_slice %arg7[%parallel_loop3A_670, %parallel_loop3A_840, %parallel_loop3A_841] : memref<6x64x128xf32, #tpu.memory_space<vmem>> -> memref<1x64x128xf32, #tpu.memory_space<vmem>>
      %parallel_loop3A_843 = tpu.memref_squeeze %parallel_loop3A_842 : memref<1x64x128xf32, #tpu.memory_space<vmem>> -> memref<64x128xf32, #tpu.memory_space<vmem>>
      %parallel_loop3A_844 = tpu.vector_load_idx %parallel_loop3A_843[%add3A_664, %parallel_loop3A_839] : memref<64x128xf32, #tpu.memory_space<vmem>>[vector<16xi32>, vector<16xi32>], vector<16xf32>,
      %parallel_loop3A_845 = arith.constant 0 : i32
      %parallel_loop3A_846 = arith.constant 0 : i32
      %parallel_loop3A_847 = tpu.memref_slice %arg7[%parallel_loop3A_671, %parallel_loop3A_845, %parallel_loop3A_846] : memref<6x64x128xf32, #tpu.memory_space<vmem>> -> memref<1x64x128xf32, #tpu.memory_space<vmem>>
      %parallel_loop3A_848 = tpu.memref_squeeze %parallel_loop3A_847 : memref<1x64x128xf32, #tpu.memory_space<vmem>> -> memref<64x128xf32, #tpu.memory_space<vmem>>
      %parallel_loop3A_849 = tpu.vector_load_idx %parallel_loop3A_848[%add3A_664, %parallel_loop3A_839] : memref<64x128xf32, #tpu.memory_space<vmem>>[vector<16xi32>, vector<16xi32>], vector<16xf32>,
      %parallel_loop3A_850 = arith.mulf %parallel_loop3A_844, %parallel_loop3A_849 : vector<16xf32>
      %parallel_loop3A_851 = arith.addf %parallel_loop3A_834, %parallel_loop3A_850 : vector<16xf32>
      scf.yield %parallel_loop3A_851 : vector<16xf32>
    } {sc.loop_unroll_factor = 8 : i64, sc.parallel_access}
    %swap3A_673 = arith.constant 368 : index
    %swap3A_674 = tpu.vector_load %arg8[%swap3A_673] {strides = array<i32>} : memref<512xf32, #tpu.memory_space<vmem>>, vector<16xf32>,
    tpu.vector_store %arg8[%swap3A_673], %parallel_loop3A_672 {strides = array<i32>} : memref<512xf32, #tpu.memory_space<vmem>>, vector<16xf32>,
    %dma_wait3A_675 = arith.constant 0 : i32
    %dma_wait3A_676 = arith.constant 6 : i32
    %dma_wait3A_677 = arith.constant 0 : i32
    %dma_wait3A_678 = arith.constant 0 : i32
    %dma_wait3A_679 = arith.constant 0 : i32
    %dma_wait3A_680 = tpu.memref_slice %arg7[%dma_wait3A_677, %dma_wait3A_678, %dma_wait3A_679] : memref<6x64x128xf32, #tpu.memory_space<vmem>> -> memref<1x64x128xf32, #tpu.memory_space<vmem>>
    %dma_wait3A_681 = tpu.memref_squeeze %dma_wait3A_680 : memref<1x64x128xf32, #tpu.memory_space<vmem>> -> memref<64x128xf32, #tpu.memory_space<vmem>>
    %dma_wait3A_682 = arith.constant 0 : i32
    %dma_wait3A_683 = tpu.memref_slice %arg6[%dma_wait3A_675, %dma_wait3A_676, %dma_wait3A_682] : memref<2x8x64xi32, #tpu.memory_space<vmem>> -> memref<1x1x64xi32, #tpu.memory_space<vmem>>
    %dma_wait3A_684 = tpu.memref_squeeze %dma_wait3A_683 : memref<1x1x64xi32, #tpu.memory_space<vmem>> -> memref<64xi32, #tpu.memory_space<vmem>>
    %dma_wait3A_685 = arith.constant 0 : i32
    %dma_wait3A_686 = arith.constant 0 : i32
    %dma_wait3A_687 = tpu.memref_slice %arg3[%dma_wait3A_685, %dma_wait3A_686] : memref<100000x128xf32, #tpu.memory_space<hbm>> -> memref<100000x128xf32, #tpu.memory_space<hbm>>
    tpu.wait_indirect_dma semaphore(%arg9 : memref<!tpu.dma_semaphore, #tpu.memory_space<semaphore_mem>>) src(%dma_wait3A_687 : memref<100000x128xf32, #tpu.memory_space<hbm>>) dst(%dma_wait3A_681 : memref<64x128xf32, #tpu.memory_space<vmem>>)
    %dma_wait3A_688 = arith.constant 1 : i32
    %dma_wait3A_689 = arith.constant 6 : i32
    %dma_wait3A_690 = arith.constant 1 : i32
    %dma_wait3A_691 = arith.constant 0 : i32
    %dma_wait3A_692 = arith.constant 0 : i32
    %dma_wait3A_693 = tpu.memref_slice %arg7[%dma_wait3A_690, %dma_wait3A_691, %dma_wait3A_692] : memref<6x64x128xf32, #tpu.memory_space<vmem>> -> memref<1x64x128xf32, #tpu.memory_space<vmem>>
    %dma_wait3A_694 = tpu.memref_squeeze %dma_wait3A_693 : memref<1x64x128xf32, #tpu.memory_space<vmem>> -> memref<64x128xf32, #tpu.memory_space<vmem>>
    %dma_wait3A_695 = arith.constant 0 : i32
    %dma_wait3A_696 = tpu.memref_slice %arg6[%dma_wait3A_688, %dma_wait3A_689, %dma_wait3A_695] : memref<2x8x64xi32, #tpu.memory_space<vmem>> -> memref<1x1x64xi32, #tpu.memory_space<vmem>>
    %dma_wait3A_697 = tpu.memref_squeeze %dma_wait3A_696 : memref<1x1x64xi32, #tpu.memory_space<vmem>> -> memref<64xi32, #tpu.memory_space<vmem>>
    %dma_wait3A_698 = arith.constant 0 : i32
    %dma_wait3A_699 = arith.constant 0 : i32
    %dma_wait3A_700 = tpu.memref_slice %arg4[%dma_wait3A_698, %dma_wait3A_699] : memref<1000000x128xf32, #tpu.memory_space<hbm>> -> memref<1000000x128xf32, #tpu.memory_space<hbm>>
    tpu.wait_indirect_dma semaphore(%arg9 : memref<!tpu.dma_semaphore, #tpu.memory_space<semaphore_mem>>) src(%dma_wait3A_700 : memref<1000000x128xf32, #tpu.memory_space<hbm>>) dst(%dma_wait3A_694 : memref<64x128xf32, #tpu.memory_space<vmem>>)
    %add3A_701 = arith.constant 0 : i32
    %add3A_702 = vector.broadcast %add3A_701 : i32 to vector<16xi32>
    %add3A_703 = arith.addi %iota3A, %add3A_702 : vector<16xi32>
    %broadcast_in_dim3A_704 = arith.constant 0.000000e+00 : f32
    %broadcast_in_dim3A_705 = vector.broadcast %broadcast_in_dim3A_704 : f32 to vector<16xf32>
    %parallel_loop3A_706 = arith.constant 0 : i32
    %parallel_loop3A_707 = arith.constant 128 : i32
    %parallel_loop3A_708 = arith.constant 1 : i32
    %parallel_loop3A_709 = arith.constant 0 : i32
    %parallel_loop3A_710 = arith.constant 1 : i32
    %parallel_loop3A_711 = scf.for %parallel_loop3A_833 = %parallel_loop3A_706 to %parallel_loop3A_707 step %parallel_loop3A_708 iter_args(%parallel_loop3A_834 = %broadcast_in_dim3A_705) -> (vector<16xf32>)  : i32 {
      %parallel_loop3A_835 = vector.broadcast %parallel_loop3A_833 : i32 to vector<16xi32>
      %parallel_loop3A_836 = arith.addi %iota3A, %parallel_loop3A_835 : vector<16xi32>
      %parallel_loop3A_837 = arith.constant 127 : i32
      %parallel_loop3A_838 = vector.broadcast %parallel_loop3A_837 : i32 to vector<16xi32>
      %parallel_loop3A_839 = arith.andi %parallel_loop3A_836, %parallel_loop3A_838 : vector<16xi32>
      %parallel_loop3A_840 = arith.constant 0 : i32
      %parallel_loop3A_841 = arith.constant 0 : i32
      %parallel_loop3A_842 = tpu.memref_slice %arg7[%parallel_loop3A_709, %parallel_loop3A_840, %parallel_loop3A_841] : memref<6x64x128xf32, #tpu.memory_space<vmem>> -> memref<1x64x128xf32, #tpu.memory_space<vmem>>
      %parallel_loop3A_843 = tpu.memref_squeeze %parallel_loop3A_842 : memref<1x64x128xf32, #tpu.memory_space<vmem>> -> memref<64x128xf32, #tpu.memory_space<vmem>>
      %parallel_loop3A_844 = tpu.vector_load_idx %parallel_loop3A_843[%add3A_703, %parallel_loop3A_839] : memref<64x128xf32, #tpu.memory_space<vmem>>[vector<16xi32>, vector<16xi32>], vector<16xf32>,
      %parallel_loop3A_845 = arith.constant 0 : i32
      %parallel_loop3A_846 = arith.constant 0 : i32
      %parallel_loop3A_847 = tpu.memref_slice %arg7[%parallel_loop3A_710, %parallel_loop3A_845, %parallel_loop3A_846] : memref<6x64x128xf32, #tpu.memory_space<vmem>> -> memref<1x64x128xf32, #tpu.memory_space<vmem>>
      %parallel_loop3A_848 = tpu.memref_squeeze %parallel_loop3A_847 : memref<1x64x128xf32, #tpu.memory_space<vmem>> -> memref<64x128xf32, #tpu.memory_space<vmem>>
      %parallel_loop3A_849 = tpu.vector_load_idx %parallel_loop3A_848[%add3A_703, %parallel_loop3A_839] : memref<64x128xf32, #tpu.memory_space<vmem>>[vector<16xi32>, vector<16xi32>], vector<16xf32>,
      %parallel_loop3A_850 = arith.mulf %parallel_loop3A_844, %parallel_loop3A_849 : vector<16xf32>
      %parallel_loop3A_851 = arith.addf %parallel_loop3A_834, %parallel_loop3A_850 : vector<16xf32>
      scf.yield %parallel_loop3A_851 : vector<16xf32>
    } {sc.loop_unroll_factor = 8 : i64, sc.parallel_access}
    %swap3A_712 = arith.constant 384 : index
    %swap3A_713 = tpu.vector_load %arg8[%swap3A_712] {strides = array<i32>} : memref<512xf32, #tpu.memory_space<vmem>>, vector<16xf32>,
    tpu.vector_store %arg8[%swap3A_712], %parallel_loop3A_711 {strides = array<i32>} : memref<512xf32, #tpu.memory_space<vmem>>, vector<16xf32>,
    %add3A_714 = arith.constant 16 : i32
    %add3A_715 = vector.broadcast %add3A_714 : i32 to vector<16xi32>
    %add3A_716 = arith.addi %iota3A, %add3A_715 : vector<16xi32>
    %broadcast_in_dim3A_717 = arith.constant 0.000000e+00 : f32
    %broadcast_in_dim3A_718 = vector.broadcast %broadcast_in_dim3A_717 : f32 to vector<16xf32>
    %parallel_loop3A_719 = arith.constant 0 : i32
    %parallel_loop3A_720 = arith.constant 128 : i32
    %parallel_loop3A_721 = arith.constant 1 : i32
    %parallel_loop3A_722 = arith.constant 0 : i32
    %parallel_loop3A_723 = arith.constant 1 : i32
    %parallel_loop3A_724 = scf.for %parallel_loop3A_833 = %parallel_loop3A_719 to %parallel_loop3A_720 step %parallel_loop3A_721 iter_args(%parallel_loop3A_834 = %broadcast_in_dim3A_718) -> (vector<16xf32>)  : i32 {
      %parallel_loop3A_835 = vector.broadcast %parallel_loop3A_833 : i32 to vector<16xi32>
      %parallel_loop3A_836 = arith.addi %iota3A, %parallel_loop3A_835 : vector<16xi32>
      %parallel_loop3A_837 = arith.constant 127 : i32
      %parallel_loop3A_838 = vector.broadcast %parallel_loop3A_837 : i32 to vector<16xi32>
      %parallel_loop3A_839 = arith.andi %parallel_loop3A_836, %parallel_loop3A_838 : vector<16xi32>
      %parallel_loop3A_840 = arith.constant 0 : i32
      %parallel_loop3A_841 = arith.constant 0 : i32
      %parallel_loop3A_842 = tpu.memref_slice %arg7[%parallel_loop3A_722, %parallel_loop3A_840, %parallel_loop3A_841] : memref<6x64x128xf32, #tpu.memory_space<vmem>> -> memref<1x64x128xf32, #tpu.memory_space<vmem>>
      %parallel_loop3A_843 = tpu.memref_squeeze %parallel_loop3A_842 : memref<1x64x128xf32, #tpu.memory_space<vmem>> -> memref<64x128xf32, #tpu.memory_space<vmem>>
      %parallel_loop3A_844 = tpu.vector_load_idx %parallel_loop3A_843[%add3A_716, %parallel_loop3A_839] : memref<64x128xf32, #tpu.memory_space<vmem>>[vector<16xi32>, vector<16xi32>], vector<16xf32>,
      %parallel_loop3A_845 = arith.constant 0 : i32
      %parallel_loop3A_846 = arith.constant 0 : i32
      %parallel_loop3A_847 = tpu.memref_slice %arg7[%parallel_loop3A_723, %parallel_loop3A_845, %parallel_loop3A_846] : memref<6x64x128xf32, #tpu.memory_space<vmem>> -> memref<1x64x128xf32, #tpu.memory_space<vmem>>
      %parallel_loop3A_848 = tpu.memref_squeeze %parallel_loop3A_847 : memref<1x64x128xf32, #tpu.memory_space<vmem>> -> memref<64x128xf32, #tpu.memory_space<vmem>>
      %parallel_loop3A_849 = tpu.vector_load_idx %parallel_loop3A_848[%add3A_716, %parallel_loop3A_839] : memref<64x128xf32, #tpu.memory_space<vmem>>[vector<16xi32>, vector<16xi32>], vector<16xf32>,
      %parallel_loop3A_850 = arith.mulf %parallel_loop3A_844, %parallel_loop3A_849 : vector<16xf32>
      %parallel_loop3A_851 = arith.addf %parallel_loop3A_834, %parallel_loop3A_850 : vector<16xf32>
      scf.yield %parallel_loop3A_851 : vector<16xf32>
    } {sc.loop_unroll_factor = 8 : i64, sc.parallel_access}
    %swap3A_725 = arith.constant 400 : index
    %swap3A_726 = tpu.vector_load %arg8[%swap3A_725] {strides = array<i32>} : memref<512xf32, #tpu.memory_space<vmem>>, vector<16xf32>,
    tpu.vector_store %arg8[%swap3A_725], %parallel_loop3A_724 {strides = array<i32>} : memref<512xf32, #tpu.memory_space<vmem>>, vector<16xf32>,
    %add3A_727 = arith.constant 32 : i32
    %add3A_728 = vector.broadcast %add3A_727 : i32 to vector<16xi32>
    %add3A_729 = arith.addi %iota3A, %add3A_728 : vector<16xi32>
    %broadcast_in_dim3A_730 = arith.constant 0.000000e+00 : f32
    %broadcast_in_dim3A_731 = vector.broadcast %broadcast_in_dim3A_730 : f32 to vector<16xf32>
    %parallel_loop3A_732 = arith.constant 0 : i32
    %parallel_loop3A_733 = arith.constant 128 : i32
    %parallel_loop3A_734 = arith.constant 1 : i32
    %parallel_loop3A_735 = arith.constant 0 : i32
    %parallel_loop3A_736 = arith.constant 1 : i32
    %parallel_loop3A_737 = scf.for %parallel_loop3A_833 = %parallel_loop3A_732 to %parallel_loop3A_733 step %parallel_loop3A_734 iter_args(%parallel_loop3A_834 = %broadcast_in_dim3A_731) -> (vector<16xf32>)  : i32 {
      %parallel_loop3A_835 = vector.broadcast %parallel_loop3A_833 : i32 to vector<16xi32>
      %parallel_loop3A_836 = arith.addi %iota3A, %parallel_loop3A_835 : vector<16xi32>
      %parallel_loop3A_837 = arith.constant 127 : i32
      %parallel_loop3A_838 = vector.broadcast %parallel_loop3A_837 : i32 to vector<16xi32>
      %parallel_loop3A_839 = arith.andi %parallel_loop3A_836, %parallel_loop3A_838 : vector<16xi32>
      %parallel_loop3A_840 = arith.constant 0 : i32
      %parallel_loop3A_841 = arith.constant 0 : i32
      %parallel_loop3A_842 = tpu.memref_slice %arg7[%parallel_loop3A_735, %parallel_loop3A_840, %parallel_loop3A_841] : memref<6x64x128xf32, #tpu.memory_space<vmem>> -> memref<1x64x128xf32, #tpu.memory_space<vmem>>
      %parallel_loop3A_843 = tpu.memref_squeeze %parallel_loop3A_842 : memref<1x64x128xf32, #tpu.memory_space<vmem>> -> memref<64x128xf32, #tpu.memory_space<vmem>>
      %parallel_loop3A_844 = tpu.vector_load_idx %parallel_loop3A_843[%add3A_729, %parallel_loop3A_839] : memref<64x128xf32, #tpu.memory_space<vmem>>[vector<16xi32>, vector<16xi32>], vector<16xf32>,
      %parallel_loop3A_845 = arith.constant 0 : i32
      %parallel_loop3A_846 = arith.constant 0 : i32
      %parallel_loop3A_847 = tpu.memref_slice %arg7[%parallel_loop3A_736, %parallel_loop3A_845, %parallel_loop3A_846] : memref<6x64x128xf32, #tpu.memory_space<vmem>> -> memref<1x64x128xf32, #tpu.memory_space<vmem>>
      %parallel_loop3A_848 = tpu.memref_squeeze %parallel_loop3A_847 : memref<1x64x128xf32, #tpu.memory_space<vmem>> -> memref<64x128xf32, #tpu.memory_space<vmem>>
      %parallel_loop3A_849 = tpu.vector_load_idx %parallel_loop3A_848[%add3A_729, %parallel_loop3A_839] : memref<64x128xf32, #tpu.memory_space<vmem>>[vector<16xi32>, vector<16xi32>], vector<16xf32>,
      %parallel_loop3A_850 = arith.mulf %parallel_loop3A_844, %parallel_loop3A_849 : vector<16xf32>
      %parallel_loop3A_851 = arith.addf %parallel_loop3A_834, %parallel_loop3A_850 : vector<16xf32>
      scf.yield %parallel_loop3A_851 : vector<16xf32>
    } {sc.loop_unroll_factor = 8 : i64, sc.parallel_access}
    %swap3A_738 = arith.constant 416 : index
    %swap3A_739 = tpu.vector_load %arg8[%swap3A_738] {strides = array<i32>} : memref<512xf32, #tpu.memory_space<vmem>>, vector<16xf32>,
    tpu.vector_store %arg8[%swap3A_738], %parallel_loop3A_737 {strides = array<i32>} : memref<512xf32, #tpu.memory_space<vmem>>, vector<16xf32>,
    %add3A_740 = arith.constant 48 : i32
    %add3A_741 = vector.broadcast %add3A_740 : i32 to vector<16xi32>
    %add3A_742 = arith.addi %iota3A, %add3A_741 : vector<16xi32>
    %broadcast_in_dim3A_743 = arith.constant 0.000000e+00 : f32
    %broadcast_in_dim3A_744 = vector.broadcast %broadcast_in_dim3A_743 : f32 to vector<16xf32>
    %parallel_loop3A_745 = arith.constant 0 : i32
    %parallel_loop3A_746 = arith.constant 128 : i32
    %parallel_loop3A_747 = arith.constant 1 : i32
    %parallel_loop3A_748 = arith.constant 0 : i32
    %parallel_loop3A_749 = arith.constant 1 : i32
    %parallel_loop3A_750 = scf.for %parallel_loop3A_833 = %parallel_loop3A_745 to %parallel_loop3A_746 step %parallel_loop3A_747 iter_args(%parallel_loop3A_834 = %broadcast_in_dim3A_744) -> (vector<16xf32>)  : i32 {
      %parallel_loop3A_835 = vector.broadcast %parallel_loop3A_833 : i32 to vector<16xi32>
      %parallel_loop3A_836 = arith.addi %iota3A, %parallel_loop3A_835 : vector<16xi32>
      %parallel_loop3A_837 = arith.constant 127 : i32
      %parallel_loop3A_838 = vector.broadcast %parallel_loop3A_837 : i32 to vector<16xi32>
      %parallel_loop3A_839 = arith.andi %parallel_loop3A_836, %parallel_loop3A_838 : vector<16xi32>
      %parallel_loop3A_840 = arith.constant 0 : i32
      %parallel_loop3A_841 = arith.constant 0 : i32
      %parallel_loop3A_842 = tpu.memref_slice %arg7[%parallel_loop3A_748, %parallel_loop3A_840, %parallel_loop3A_841] : memref<6x64x128xf32, #tpu.memory_space<vmem>> -> memref<1x64x128xf32, #tpu.memory_space<vmem>>
      %parallel_loop3A_843 = tpu.memref_squeeze %parallel_loop3A_842 : memref<1x64x128xf32, #tpu.memory_space<vmem>> -> memref<64x128xf32, #tpu.memory_space<vmem>>
      %parallel_loop3A_844 = tpu.vector_load_idx %parallel_loop3A_843[%add3A_742, %parallel_loop3A_839] : memref<64x128xf32, #tpu.memory_space<vmem>>[vector<16xi32>, vector<16xi32>], vector<16xf32>,
      %parallel_loop3A_845 = arith.constant 0 : i32
      %parallel_loop3A_846 = arith.constant 0 : i32
      %parallel_loop3A_847 = tpu.memref_slice %arg7[%parallel_loop3A_749, %parallel_loop3A_845, %parallel_loop3A_846] : memref<6x64x128xf32, #tpu.memory_space<vmem>> -> memref<1x64x128xf32, #tpu.memory_space<vmem>>
      %parallel_loop3A_848 = tpu.memref_squeeze %parallel_loop3A_847 : memref<1x64x128xf32, #tpu.memory_space<vmem>> -> memref<64x128xf32, #tpu.memory_space<vmem>>
      %parallel_loop3A_849 = tpu.vector_load_idx %parallel_loop3A_848[%add3A_742, %parallel_loop3A_839] : memref<64x128xf32, #tpu.memory_space<vmem>>[vector<16xi32>, vector<16xi32>], vector<16xf32>,
      %parallel_loop3A_850 = arith.mulf %parallel_loop3A_844, %parallel_loop3A_849 : vector<16xf32>
      %parallel_loop3A_851 = arith.addf %parallel_loop3A_834, %parallel_loop3A_850 : vector<16xf32>
      scf.yield %parallel_loop3A_851 : vector<16xf32>
    } {sc.loop_unroll_factor = 8 : i64, sc.parallel_access}
    %swap3A_751 = arith.constant 432 : index
    %swap3A_752 = tpu.vector_load %arg8[%swap3A_751] {strides = array<i32>} : memref<512xf32, #tpu.memory_space<vmem>>, vector<16xf32>,
    tpu.vector_store %arg8[%swap3A_751], %parallel_loop3A_750 {strides = array<i32>} : memref<512xf32, #tpu.memory_space<vmem>>, vector<16xf32>,
    %dma_wait3A_753 = arith.constant 0 : i32
    %dma_wait3A_754 = arith.constant 7 : i32
    %dma_wait3A_755 = arith.constant 2 : i32
    %dma_wait3A_756 = arith.constant 0 : i32
    %dma_wait3A_757 = arith.constant 0 : i32
    %dma_wait3A_758 = tpu.memref_slice %arg7[%dma_wait3A_755, %dma_wait3A_756, %dma_wait3A_757] : memref<6x64x128xf32, #tpu.memory_space<vmem>> -> memref<1x64x128xf32, #tpu.memory_space<vmem>>
    %dma_wait3A_759 = tpu.memref_squeeze %dma_wait3A_758 : memref<1x64x128xf32, #tpu.memory_space<vmem>> -> memref<64x128xf32, #tpu.memory_space<vmem>>
    %dma_wait3A_760 = arith.constant 0 : i32
    %dma_wait3A_761 = tpu.memref_slice %arg6[%dma_wait3A_753, %dma_wait3A_754, %dma_wait3A_760] : memref<2x8x64xi32, #tpu.memory_space<vmem>> -> memref<1x1x64xi32, #tpu.memory_space<vmem>>
    %dma_wait3A_762 = tpu.memref_squeeze %dma_wait3A_761 : memref<1x1x64xi32, #tpu.memory_space<vmem>> -> memref<64xi32, #tpu.memory_space<vmem>>
    %dma_wait3A_763 = arith.constant 0 : i32
    %dma_wait3A_764 = arith.constant 0 : i32
    %dma_wait3A_765 = tpu.memref_slice %arg3[%dma_wait3A_763, %dma_wait3A_764] : memref<100000x128xf32, #tpu.memory_space<hbm>> -> memref<100000x128xf32, #tpu.memory_space<hbm>>
    tpu.wait_indirect_dma semaphore(%arg10 : memref<!tpu.dma_semaphore, #tpu.memory_space<semaphore_mem>>) src(%dma_wait3A_765 : memref<100000x128xf32, #tpu.memory_space<hbm>>) dst(%dma_wait3A_759 : memref<64x128xf32, #tpu.memory_space<vmem>>)
    %dma_wait3A_766 = arith.constant 1 : i32
    %dma_wait3A_767 = arith.constant 7 : i32
    %dma_wait3A_768 = arith.constant 3 : i32
    %dma_wait3A_769 = arith.constant 0 : i32
    %dma_wait3A_770 = arith.constant 0 : i32
    %dma_wait3A_771 = tpu.memref_slice %arg7[%dma_wait3A_768, %dma_wait3A_769, %dma_wait3A_770] : memref<6x64x128xf32, #tpu.memory_space<vmem>> -> memref<1x64x128xf32, #tpu.memory_space<vmem>>
    %dma_wait3A_772 = tpu.memref_squeeze %dma_wait3A_771 : memref<1x64x128xf32, #tpu.memory_space<vmem>> -> memref<64x128xf32, #tpu.memory_space<vmem>>
    %dma_wait3A_773 = arith.constant 0 : i32
    %dma_wait3A_774 = tpu.memref_slice %arg6[%dma_wait3A_766, %dma_wait3A_767, %dma_wait3A_773] : memref<2x8x64xi32, #tpu.memory_space<vmem>> -> memref<1x1x64xi32, #tpu.memory_space<vmem>>
    %dma_wait3A_775 = tpu.memref_squeeze %dma_wait3A_774 : memref<1x1x64xi32, #tpu.memory_space<vmem>> -> memref<64xi32, #tpu.memory_space<vmem>>
    %dma_wait3A_776 = arith.constant 0 : i32
    %dma_wait3A_777 = arith.constant 0 : i32
    %dma_wait3A_778 = tpu.memref_slice %arg4[%dma_wait3A_776, %dma_wait3A_777] : memref<1000000x128xf32, #tpu.memory_space<hbm>> -> memref<1000000x128xf32, #tpu.memory_space<hbm>>
    tpu.wait_indirect_dma semaphore(%arg10 : memref<!tpu.dma_semaphore, #tpu.memory_space<semaphore_mem>>) src(%dma_wait3A_778 : memref<1000000x128xf32, #tpu.memory_space<hbm>>) dst(%dma_wait3A_772 : memref<64x128xf32, #tpu.memory_space<vmem>>)
    %add3A_779 = arith.constant 0 : i32
    %add3A_780 = vector.broadcast %add3A_779 : i32 to vector<16xi32>
    %add3A_781 = arith.addi %iota3A, %add3A_780 : vector<16xi32>
    %broadcast_in_dim3A_782 = arith.constant 0.000000e+00 : f32
    %broadcast_in_dim3A_783 = vector.broadcast %broadcast_in_dim3A_782 : f32 to vector<16xf32>
    %parallel_loop3A_784 = arith.constant 0 : i32
    %parallel_loop3A_785 = arith.constant 128 : i32
    %parallel_loop3A_786 = arith.constant 1 : i32
    %parallel_loop3A_787 = arith.constant 2 : i32
    %parallel_loop3A_788 = arith.constant 3 : i32
    %parallel_loop3A_789 = scf.for %parallel_loop3A_833 = %parallel_loop3A_784 to %parallel_loop3A_785 step %parallel_loop3A_786 iter_args(%parallel_loop3A_834 = %broadcast_in_dim3A_783) -> (vector<16xf32>)  : i32 {
      %parallel_loop3A_835 = vector.broadcast %parallel_loop3A_833 : i32 to vector<16xi32>
      %parallel_loop3A_836 = arith.addi %iota3A, %parallel_loop3A_835 : vector<16xi32>
      %parallel_loop3A_837 = arith.constant 127 : i32
      %parallel_loop3A_838 = vector.broadcast %parallel_loop3A_837 : i32 to vector<16xi32>
      %parallel_loop3A_839 = arith.andi %parallel_loop3A_836, %parallel_loop3A_838 : vector<16xi32>
      %parallel_loop3A_840 = arith.constant 0 : i32
      %parallel_loop3A_841 = arith.constant 0 : i32
      %parallel_loop3A_842 = tpu.memref_slice %arg7[%parallel_loop3A_787, %parallel_loop3A_840, %parallel_loop3A_841] : memref<6x64x128xf32, #tpu.memory_space<vmem>> -> memref<1x64x128xf32, #tpu.memory_space<vmem>>
      %parallel_loop3A_843 = tpu.memref_squeeze %parallel_loop3A_842 : memref<1x64x128xf32, #tpu.memory_space<vmem>> -> memref<64x128xf32, #tpu.memory_space<vmem>>
      %parallel_loop3A_844 = tpu.vector_load_idx %parallel_loop3A_843[%add3A_781, %parallel_loop3A_839] : memref<64x128xf32, #tpu.memory_space<vmem>>[vector<16xi32>, vector<16xi32>], vector<16xf32>,
      %parallel_loop3A_845 = arith.constant 0 : i32
      %parallel_loop3A_846 = arith.constant 0 : i32
      %parallel_loop3A_847 = tpu.memref_slice %arg7[%parallel_loop3A_788, %parallel_loop3A_845, %parallel_loop3A_846] : memref<6x64x128xf32, #tpu.memory_space<vmem>> -> memref<1x64x128xf32, #tpu.memory_space<vmem>>
      %parallel_loop3A_848 = tpu.memref_squeeze %parallel_loop3A_847 : memref<1x64x128xf32, #tpu.memory_space<vmem>> -> memref<64x128xf32, #tpu.memory_space<vmem>>
      %parallel_loop3A_849 = tpu.vector_load_idx %parallel_loop3A_848[%add3A_781, %parallel_loop3A_839] : memref<64x128xf32, #tpu.memory_space<vmem>>[vector<16xi32>, vector<16xi32>], vector<16xf32>,
      %parallel_loop3A_850 = arith.mulf %parallel_loop3A_844, %parallel_loop3A_849 : vector<16xf32>
      %parallel_loop3A_851 = arith.addf %parallel_loop3A_834, %parallel_loop3A_850 : vector<16xf32>
      scf.yield %parallel_loop3A_851 : vector<16xf32>
    } {sc.loop_unroll_factor = 8 : i64, sc.parallel_access}
    %swap3A_790 = arith.constant 448 : index
    %swap3A_791 = tpu.vector_load %arg8[%swap3A_790] {strides = array<i32>} : memref<512xf32, #tpu.memory_space<vmem>>, vector<16xf32>,
    tpu.vector_store %arg8[%swap3A_790], %parallel_loop3A_789 {strides = array<i32>} : memref<512xf32, #tpu.memory_space<vmem>>, vector<16xf32>,
    %add3A_792 = arith.constant 16 : i32
    %add3A_793 = vector.broadcast %add3A_792 : i32 to vector<16xi32>
    %add3A_794 = arith.addi %iota3A, %add3A_793 : vector<16xi32>
    %broadcast_in_dim3A_795 = arith.constant 0.000000e+00 : f32
    %broadcast_in_dim3A_796 = vector.broadcast %broadcast_in_dim3A_795 : f32 to vector<16xf32>
    %parallel_loop3A_797 = arith.constant 0 : i32
    %parallel_loop3A_798 = arith.constant 128 : i32
    %parallel_loop3A_799 = arith.constant 1 : i32
    %parallel_loop3A_800 = arith.constant 2 : i32
    %parallel_loop3A_801 = arith.constant 3 : i32
    %parallel_loop3A_802 = scf.for %parallel_loop3A_833 = %parallel_loop3A_797 to %parallel_loop3A_798 step %parallel_loop3A_799 iter_args(%parallel_loop3A_834 = %broadcast_in_dim3A_796) -> (vector<16xf32>)  : i32 {
      %parallel_loop3A_835 = vector.broadcast %parallel_loop3A_833 : i32 to vector<16xi32>
      %parallel_loop3A_836 = arith.addi %iota3A, %parallel_loop3A_835 : vector<16xi32>
      %parallel_loop3A_837 = arith.constant 127 : i32
      %parallel_loop3A_838 = vector.broadcast %parallel_loop3A_837 : i32 to vector<16xi32>
      %parallel_loop3A_839 = arith.andi %parallel_loop3A_836, %parallel_loop3A_838 : vector<16xi32>
      %parallel_loop3A_840 = arith.constant 0 : i32
      %parallel_loop3A_841 = arith.constant 0 : i32
      %parallel_loop3A_842 = tpu.memref_slice %arg7[%parallel_loop3A_800, %parallel_loop3A_840, %parallel_loop3A_841] : memref<6x64x128xf32, #tpu.memory_space<vmem>> -> memref<1x64x128xf32, #tpu.memory_space<vmem>>
      %parallel_loop3A_843 = tpu.memref_squeeze %parallel_loop3A_842 : memref<1x64x128xf32, #tpu.memory_space<vmem>> -> memref<64x128xf32, #tpu.memory_space<vmem>>
      %parallel_loop3A_844 = tpu.vector_load_idx %parallel_loop3A_843[%add3A_794, %parallel_loop3A_839] : memref<64x128xf32, #tpu.memory_space<vmem>>[vector<16xi32>, vector<16xi32>], vector<16xf32>,
      %parallel_loop3A_845 = arith.constant 0 : i32
      %parallel_loop3A_846 = arith.constant 0 : i32
      %parallel_loop3A_847 = tpu.memref_slice %arg7[%parallel_loop3A_801, %parallel_loop3A_845, %parallel_loop3A_846] : memref<6x64x128xf32, #tpu.memory_space<vmem>> -> memref<1x64x128xf32, #tpu.memory_space<vmem>>
      %parallel_loop3A_848 = tpu.memref_squeeze %parallel_loop3A_847 : memref<1x64x128xf32, #tpu.memory_space<vmem>> -> memref<64x128xf32, #tpu.memory_space<vmem>>
      %parallel_loop3A_849 = tpu.vector_load_idx %parallel_loop3A_848[%add3A_794, %parallel_loop3A_839] : memref<64x128xf32, #tpu.memory_space<vmem>>[vector<16xi32>, vector<16xi32>], vector<16xf32>,
      %parallel_loop3A_850 = arith.mulf %parallel_loop3A_844, %parallel_loop3A_849 : vector<16xf32>
      %parallel_loop3A_851 = arith.addf %parallel_loop3A_834, %parallel_loop3A_850 : vector<16xf32>
      scf.yield %parallel_loop3A_851 : vector<16xf32>
    } {sc.loop_unroll_factor = 8 : i64, sc.parallel_access}
    %swap3A_803 = arith.constant 464 : index
    %swap3A_804 = tpu.vector_load %arg8[%swap3A_803] {strides = array<i32>} : memref<512xf32, #tpu.memory_space<vmem>>, vector<16xf32>,
    tpu.vector_store %arg8[%swap3A_803], %parallel_loop3A_802 {strides = array<i32>} : memref<512xf32, #tpu.memory_space<vmem>>, vector<16xf32>,
    %add3A_805 = arith.constant 32 : i32
    %add3A_806 = vector.broadcast %add3A_805 : i32 to vector<16xi32>
    %add3A_807 = arith.addi %iota3A, %add3A_806 : vector<16xi32>
    %broadcast_in_dim3A_808 = arith.constant 0.000000e+00 : f32
    %broadcast_in_dim3A_809 = vector.broadcast %broadcast_in_dim3A_808 : f32 to vector<16xf32>
    %parallel_loop3A_810 = arith.constant 0 : i32
    %parallel_loop3A_811 = arith.constant 128 : i32
    %parallel_loop3A_812 = arith.constant 1 : i32
    %parallel_loop3A_813 = arith.constant 2 : i32
    %parallel_loop3A_814 = arith.constant 3 : i32
    %parallel_loop3A_815 = scf.for %parallel_loop3A_833 = %parallel_loop3A_810 to %parallel_loop3A_811 step %parallel_loop3A_812 iter_args(%parallel_loop3A_834 = %broadcast_in_dim3A_809) -> (vector<16xf32>)  : i32 {
      %parallel_loop3A_835 = vector.broadcast %parallel_loop3A_833 : i32 to vector<16xi32>
      %parallel_loop3A_836 = arith.addi %iota3A, %parallel_loop3A_835 : vector<16xi32>
      %parallel_loop3A_837 = arith.constant 127 : i32
      %parallel_loop3A_838 = vector.broadcast %parallel_loop3A_837 : i32 to vector<16xi32>
      %parallel_loop3A_839 = arith.andi %parallel_loop3A_836, %parallel_loop3A_838 : vector<16xi32>
      %parallel_loop3A_840 = arith.constant 0 : i32
      %parallel_loop3A_841 = arith.constant 0 : i32
      %parallel_loop3A_842 = tpu.memref_slice %arg7[%parallel_loop3A_813, %parallel_loop3A_840, %parallel_loop3A_841] : memref<6x64x128xf32, #tpu.memory_space<vmem>> -> memref<1x64x128xf32, #tpu.memory_space<vmem>>
      %parallel_loop3A_843 = tpu.memref_squeeze %parallel_loop3A_842 : memref<1x64x128xf32, #tpu.memory_space<vmem>> -> memref<64x128xf32, #tpu.memory_space<vmem>>
      %parallel_loop3A_844 = tpu.vector_load_idx %parallel_loop3A_843[%add3A_807, %parallel_loop3A_839] : memref<64x128xf32, #tpu.memory_space<vmem>>[vector<16xi32>, vector<16xi32>], vector<16xf32>,
      %parallel_loop3A_845 = arith.constant 0 : i32
      %parallel_loop3A_846 = arith.constant 0 : i32
      %parallel_loop3A_847 = tpu.memref_slice %arg7[%parallel_loop3A_814, %parallel_loop3A_845, %parallel_loop3A_846] : memref<6x64x128xf32, #tpu.memory_space<vmem>> -> memref<1x64x128xf32, #tpu.memory_space<vmem>>
      %parallel_loop3A_848 = tpu.memref_squeeze %parallel_loop3A_847 : memref<1x64x128xf32, #tpu.memory_space<vmem>> -> memref<64x128xf32, #tpu.memory_space<vmem>>
      %parallel_loop3A_849 = tpu.vector_load_idx %parallel_loop3A_848[%add3A_807, %parallel_loop3A_839] : memref<64x128xf32, #tpu.memory_space<vmem>>[vector<16xi32>, vector<16xi32>], vector<16xf32>,
      %parallel_loop3A_850 = arith.mulf %parallel_loop3A_844, %parallel_loop3A_849 : vector<16xf32>
      %parallel_loop3A_851 = arith.addf %parallel_loop3A_834, %parallel_loop3A_850 : vector<16xf32>
      scf.yield %parallel_loop3A_851 : vector<16xf32>
    } {sc.loop_unroll_factor = 8 : i64, sc.parallel_access}
    %swap3A_816 = arith.constant 480 : index
    %swap3A_817 = tpu.vector_load %arg8[%swap3A_816] {strides = array<i32>} : memref<512xf32, #tpu.memory_space<vmem>>, vector<16xf32>,
    tpu.vector_store %arg8[%swap3A_816], %parallel_loop3A_815 {strides = array<i32>} : memref<512xf32, #tpu.memory_space<vmem>>, vector<16xf32>,
    %add3A_818 = arith.constant 48 : i32
    %add3A_819 = vector.broadcast %add3A_818 : i32 to vector<16xi32>
    %add3A_820 = arith.addi %iota3A, %add3A_819 : vector<16xi32>
    %broadcast_in_dim3A_821 = arith.constant 0.000000e+00 : f32
    %broadcast_in_dim3A_822 = vector.broadcast %broadcast_in_dim3A_821 : f32 to vector<16xf32>
    %parallel_loop3A_823 = arith.constant 0 : i32
    %parallel_loop3A_824 = arith.constant 128 : i32
    %parallel_loop3A_825 = arith.constant 1 : i32
    %parallel_loop3A_826 = arith.constant 2 : i32
    %parallel_loop3A_827 = arith.constant 3 : i32
    %parallel_loop3A_828 = scf.for %parallel_loop3A_833 = %parallel_loop3A_823 to %parallel_loop3A_824 step %parallel_loop3A_825 iter_args(%parallel_loop3A_834 = %broadcast_in_dim3A_822) -> (vector<16xf32>)  : i32 {
      %parallel_loop3A_835 = vector.broadcast %parallel_loop3A_833 : i32 to vector<16xi32>
      %parallel_loop3A_836 = arith.addi %iota3A, %parallel_loop3A_835 : vector<16xi32>
      %parallel_loop3A_837 = arith.constant 127 : i32
      %parallel_loop3A_838 = vector.broadcast %parallel_loop3A_837 : i32 to vector<16xi32>
      %parallel_loop3A_839 = arith.andi %parallel_loop3A_836, %parallel_loop3A_838 : vector<16xi32>
      %parallel_loop3A_840 = arith.constant 0 : i32
      %parallel_loop3A_841 = arith.constant 0 : i32
      %parallel_loop3A_842 = tpu.memref_slice %arg7[%parallel_loop3A_826, %parallel_loop3A_840, %parallel_loop3A_841] : memref<6x64x128xf32, #tpu.memory_space<vmem>> -> memref<1x64x128xf32, #tpu.memory_space<vmem>>
      %parallel_loop3A_843 = tpu.memref_squeeze %parallel_loop3A_842 : memref<1x64x128xf32, #tpu.memory_space<vmem>> -> memref<64x128xf32, #tpu.memory_space<vmem>>
      %parallel_loop3A_844 = tpu.vector_load_idx %parallel_loop3A_843[%add3A_820, %parallel_loop3A_839] : memref<64x128xf32, #tpu.memory_space<vmem>>[vector<16xi32>, vector<16xi32>], vector<16xf32>,
      %parallel_loop3A_845 = arith.constant 0 : i32
      %parallel_loop3A_846 = arith.constant 0 : i32
      %parallel_loop3A_847 = tpu.memref_slice %arg7[%parallel_loop3A_827, %parallel_loop3A_845, %parallel_loop3A_846] : memref<6x64x128xf32, #tpu.memory_space<vmem>> -> memref<1x64x128xf32, #tpu.memory_space<vmem>>
      %parallel_loop3A_848 = tpu.memref_squeeze %parallel_loop3A_847 : memref<1x64x128xf32, #tpu.memory_space<vmem>> -> memref<64x128xf32, #tpu.memory_space<vmem>>
      %parallel_loop3A_849 = tpu.vector_load_idx %parallel_loop3A_848[%add3A_820, %parallel_loop3A_839] : memref<64x128xf32, #tpu.memory_space<vmem>>[vector<16xi32>, vector<16xi32>], vector<16xf32>,
      %parallel_loop3A_850 = arith.mulf %parallel_loop3A_844, %parallel_loop3A_849 : vector<16xf32>
      %parallel_loop3A_851 = arith.addf %parallel_loop3A_834, %parallel_loop3A_850 : vector<16xf32>
      scf.yield %parallel_loop3A_851 : vector<16xf32>
    } {sc.loop_unroll_factor = 8 : i64, sc.parallel_access}
    %swap3A_829 = arith.constant 496 : index
    %swap3A_830 = tpu.vector_load %arg8[%swap3A_829] {strides = array<i32>} : memref<512xf32, #tpu.memory_space<vmem>>, vector<16xf32>,
    tpu.vector_store %arg8[%swap3A_829], %parallel_loop3A_828 {strides = array<i32>} : memref<512xf32, #tpu.memory_space<vmem>>, vector<16xf32>,
    %mul3A_831 = arith.constant 512 : i32
    %mul3A_832 = arith.muli %add3A, %mul3A_831 : i32
    "tpu.region"() ({
      %run_scoped3A_833 = tpu.sem_alloc : memref<!tpu.dma_semaphore, #tpu.memory_space<semaphore_mem>>
      %dma_start3A_834 = tpu.memref_slice %arg5[%mul3A_832] : memref<16384xf32, #tpu.memory_space<hbm>> -> memref<512xf32, #tpu.memory_space<hbm>>
      %dma_start3A_835 = tpu.memref_slice %arg5[%mul3A_832] : memref<16384xf32, #tpu.memory_space<hbm>> -> memref<512xf32, #tpu.memory_space<hbm>>
      tpu.enqueue_dma source(%arg8 : memref<512xf32, #tpu.memory_space<vmem>>) target(%dma_start3A_835 : memref<512xf32, #tpu.memory_space<hbm>>) target_semaphore(%run_scoped3A_833 : memref<!tpu.dma_semaphore, #tpu.memory_space<semaphore_mem>>)
      %dma_wait3A_836 = tpu.memref_slice %arg5[%mul3A_832] : memref<16384xf32, #tpu.memory_space<hbm>> -> memref<512xf32, #tpu.memory_space<hbm>>
      %dma_wait3A_837 = tpu.memref_slice %arg5[%mul3A_832] : memref<16384xf32, #tpu.memory_space<hbm>> -> memref<512xf32, #tpu.memory_space<hbm>>
      tpu.wait_dma2 semaphore(%run_scoped3A_833 : memref<!tpu.dma_semaphore, #tpu.memory_space<semaphore_mem>>) src(%arg8 : memref<512xf32, #tpu.memory_space<vmem>>) dst(%dma_wait3A_837 : memref<512xf32, #tpu.memory_space<hbm>>)
      tpu.yield
    }) : () -> ()
    return
  }
}

</mosaic_0001>

<sc_bundles>
// kernel: kernel.3.cloned.1.call-start
scs
__scs_entry_jumppad:
0x0: {  	(pc) =	sbr.rel $0x88, $3  }
0x1: {  	(tag) =	ssettag $0x0;
	lr =	simm.s32 $0x1  }
0x2: {  	[smem:$0x3F9D] =	sst lr;
	_ =	strace $0xD0000000  }
0x3: {  	_ = 	snop  }
0x4: {  	_ = 	snop  }
0x5: {  	_ = 	snop  }
0x6: {  	_ = 	snop  }
0x7: {  	_ = 	snop  }
__scs_overlays_trampoline_lowered:
0x8: {  	[smem:$0x3FAC] =	sst s0  }
0x9: {  	[smem:$0x3FAD] =	sst s1  }
0xa: {  	[smem:$0x3FAE] =	sst s2  }
0xb: {  	[smem:$0x3FAF] =	sst s3  }
0xc: {  	[smem:$0x3FB0] =	sst s4  }
0xd: {  	[smem:$0x3FB1] =	sst s5  }
0xe: {  	[smem:$0x3FB2] =	sst s6  }
0xf: {  	[smem:$0x3FB3] =	sst s7  }
0x10: {  	[smem:$0x3FB4] =	sst s8  }
0x11: {  	[smem:$0x3FB5] =	sst s9;
	s0 =	simm.s32 @!p0 $0x0  }
0x12: {  	s1 =	sld [smem:$0x3F9B];
	s0 =	simm.s32 @p0 $0x1  }
0x13: {  	[smem:$0x3FB6] =	sst s0;
	s0 =	simm.s32 @!p1 $0x0  }
0x14: {  	s2 =	sld [smem:$0x3F9A];
	s0 =	simm.s32 @p1 $0x1  }
0x15: {  	[smem:$0x3FB7] =	sst s0;
	s0 =	simm.s32 @!p2 $0x0  }
0x16: {  	s3 =	sld [smem:$0x3FDB];
	s0 =	simm.s32 @p2 $0x1  }
0x17: {  	s4 =	simm.s32 $0x1BF5;
	[smem:$0x3FB9] =	sst s0  }
0x18: {  	s0 =	sld [smem:$0x3F9C];
	_ =	swait.ge [sflag:s4], $0x0  }
0x19: {  	s7 =	sld [smem:$0x3F9D]  }
0x1a: {  	s8 =	sadd.s32 $0xFFFFE003, lr  }
0x1b: {  	s9 =	sadd.s32 $0xFFFFFEF7, lr;
	s5 =	simm.s32 $0xFFFFFFFF;
	p2 =	slt.u32 s8, $0xFFFFF086  }
0x1c: {  	p1 =	slt.u32 s9, $0xF7A;
	s5 =	simm.s32 @!p2 $0x0  }
0x1d: {  	s5 =	simm.s32 @p1 $0x1;
	p0 =	seq.s32 s7, s2  }
0x1e: {  	s7 =	smul.u32 @!p0 $0xF7A, s2;
	p2 =	seq.s32 @!p0 s5, $0x0  }
0x1f: {  	s9 =	smul.u32 $0xF7A, s1;
	s8 =	simm.s32 @!p0 $0x1BF5;
	p2 =	por !p2, p0  }
0x20: {  	[sflag:s8] =	ssyncset.s32 @!p0 $0xFFFFF086;
	s6 =	sadd.s32 @!p0 s3, s7;
	s7 =	simm.s32 @!p0 $0x108  }
0x21: {  	s3 =	sadd.s32 s3, s9;
	s6 =	sadd.s32 @!p0 $0x88, s6;
	s7 =	simm.s32 @p2 $0x1082  }
0x22: {  	[simem:s7], [sflag:s8] =	dma.local @!p0 [hbm:s6], $0xF7A  }
0x23: {  	s9 =	sor.u32 $0xD0000000, s2;
	s6 =	simm.s32 $0x108;
	_ =	swait.ge @!p0 [sflag:s8], $0x0  }
0x24: {  	s3 =	sadd.s32 $0x88, s3;
	s6 =	simm.s32 @!p1 $0x1082;
	[sflag:s4] =	ssyncset.s32 $0xFFFFF086  }
0x25: {  	[simem:s6], [sflag:s4] =	dma.local [hbm:s3], $0xF7A  }
0x26: {  	[smem:$0x3F9D] =	sst s1;
	(tag) =	ssettag s2;
	_ =	strace s9  }
0x27: {  	s1 =	sld [smem:$0x3FAD]  }
0x28: {  	s2 =	sld [smem:$0x3FAE]  }
0x29: {  	s4 =	sld [smem:$0x3FB0]  }
0x2a: {  	p0 =	seq.s32 s5, $0x0;
	s5 =	sld [smem:$0x3FB1]  }
0x2b: {  	s6 =	sld [smem:$0x3FB2]  }
0x2c: {  	s7 =	sld [smem:$0x3FB3]  }
0x2d: {  	s3 =	simm.s32 $0x108;
	s8 =	sld [smem:$0x3FB4]  }
0x2e: {  	s3 =	simm.s32 @!p0 $0x1082;
	s9 =	sld [smem:$0x3FB5]  }
0x2f: {  	lr =	sadd.s32 s0, s3;
	s0 =	sld [smem:$0x3FAC]  }
0x30: {  	s3 =	sld [smem:$0x3FAF]  }
0x31: {  	[smem:$0x3FB8] =	sst s10  }
0x32: {  	s10 =	sld [smem:$0x3FB6];
	_ =	sdelay $0x3  }
0x33: {  	p0 =	seq.s32 s10, $0x1;
	s10 =	sld [smem:$0x3FB8];
	_ =	sdelay $0x3  }
0x34: {  	[smem:$0x3FB8] =	sst s10  }
0x35: {  	s10 =	sld [smem:$0x3FB7];
	_ =	sdelay $0x3  }
0x36: {  	p1 =	seq.s32 s10, $0x1;
	s10 =	sld [smem:$0x3FB8];
	_ =	sdelay $0x3  }
0x37: {  	[smem:$0x3FB8] =	sst s10  }
0x38: {  	s10 =	sld [smem:$0x3FB9]  }
0x39: {  	_ = 	snop;
	(pc) =	sbr.ind lr, $3  }
0x3a: {  	_ = 	snop  }
0x3b: {  	_ = 	snop  }
0x3c: {  	p2 =	seq.s32 s10, $0x1;
	s10 =	sld [smem:$0x3FB8]  }
0x3d: {  	_ =	shalt  }
0x3e: {  	_ =	shalt  }
0x3f: {  	_ =	shalt  }
0x40: {  	_ =	shalt  }
0x41: {  	_ =	shalt  }
0x42: {  	_ =	shalt  }
0x43: {  	_ =	shalt  }
0x44: {  	_ =	shalt  }
0x45: {  	_ =	shalt  }
0x46: {  	_ =	shalt  }
0x47: {  	_ =	shalt  }
0x48: {  	_ =	shalt  }
0x49: {  	_ =	shalt  }
0x4a: {  	_ =	shalt  }
0x4b: {  	_ =	shalt  }
0x4c: {  	_ =	shalt  }
0x4d: {  	_ =	shalt  }
0x4e: {  	_ =	shalt  }
0x4f: {  	_ =	shalt  }
0x50: {  	_ =	shalt  }
0x51: {  	_ =	shalt  }
0x52: {  	_ =	shalt  }
0x53: {  	_ =	shalt  }
0x54: {  	_ =	shalt  }
0x55: {  	_ =	shalt  }
0x56: {  	_ =	shalt  }
0x57: {  	_ =	shalt  }
0x58: {  	_ =	shalt  }
0x59: {  	_ =	shalt  }
0x5a: {  	_ =	shalt  }
0x5b: {  	_ =	shalt  }
0x5c: {  	_ =	shalt  }
0x5d: {  	_ =	shalt  }
0x5e: {  	_ =	shalt  }
0x5f: {  	_ =	shalt  }
0x60: {  	_ =	shalt  }
0x61: {  	_ =	shalt  }
0x62: {  	_ =	shalt  }
0x63: {  	_ =	shalt  }
0x64: {  	_ =	shalt  }
0x65: {  	_ =	shalt  }
0x66: {  	_ =	shalt  }
0x67: {  	_ =	shalt  }
0x68: {  	_ =	shalt  }
0x69: {  	_ =	shalt  }
0x6a: {  	_ =	shalt  }
0x6b: {  	_ =	shalt  }
0x6c: {  	_ =	shalt  }
0x6d: {  	_ =	shalt  }
0x6e: {  	_ =	shalt  }
0x6f: {  	_ =	shalt  }
0x70: {  	_ =	shalt  }
0x71: {  	_ =	shalt  }
0x72: {  	_ =	shalt  }
0x73: {  	_ =	shalt  }
0x74: {  	_ =	shalt  }
0x75: {  	_ =	shalt  }
0x76: {  	_ =	shalt  }
0x77: {  	_ =	shalt  }
0x78: {  	_ =	shalt  }
0x79: {  	_ =	shalt  }
0x7a: {  	_ =	shalt  }
0x7b: {  	_ =	shalt  }
0x7c: {  	_ =	shalt  }
0x7d: {  	_ =	shalt  }
0x7e: {  	_ =	shalt  }
0x7f: {  	_ =	shalt  }
0x80: {  	_ =	shalt  }
0x81: {  	_ =	shalt  }
0x82: {  	_ =	shalt  }
0x83: {  	_ =	shalt  }
0x84: {  	_ =	shalt  }
0x85: {  	_ =	shalt  }
0x86: {  	_ =	shalt  }
0x87: {  	_ =	shalt  }
.Lfunc_end0:
.L_simem_size_0:
called_computation_lowered:
.L_overlay_start_0:
0x88: {  	s2 =	sld [smem:$0x3FD9]  }
0x89: {  	s3 =	sld [smem:$0x3FFE];
	_ =	sdelay $0x1  }
0x8a: {  	s1 =	srdreg.scid  }
0x8b: {  	s0 =	sand.u32 $0x1, s1  }
0x8c: {  	s17 =	sshll.u32 s0, $0xA;
	s2 =	sadd.s32 s3, s2  }
0x8d: {  	s2 =	sadd.s32 s2, s17  }
0x8e: {  	[smem:$0x3FC4] =	sst s2  }
0x8f: {  	_ = 	snop  }
0x90: {  	s2 =	sld [smem:$0x3FC7]  }
0x91: {  	s18 =	sld [smem:$0x3FC6]  }
0x92: {  	s4 =	sld [smem:$0x3FD0];
	(tm) =	ssettm $0x1  }
0x93: {  	s5 =	sld [smem:$0x3FFB];
	_ =	sdelay $0x3  }
0x94: {  	_ =	strace s5  }
0x95: {  	s5 =	sld [smem:$0x3FFC];
	_ =	sdelay $0x3  }
0x96: {  	_ =	strace s5  }
0x97: {  	s5 =	sld [smem:$0x3FFD];
	_ =	sdelay $0x3  }
0x98: {  	_ =	strace s5  }
0x99: {  	_ =	strace $0x8FFFFFFF  }
0x9a: {  	s19 =	sld [smem:$0x3FDB];
	_ =	sdelay $0x1  }
0x9b: {  	s6 =	simm.s32 $_scs_section_size  }
0x9c: {  	s7 =	simm.s32 $_size__tile_overlayer_lowered;
	s8 =	simm.s32 $_tile_overlayer_lowered  }
0x9d: {  	s22 =	simm.s32 $0x1BFF;
	s21 =	sshll.u32 s8, $0x1;
	s5 =	sadd.s32 s6, s19  }
0x9e: {  	s9 =	simm.s32 $0x0;
	s20 =	sshll.u32 s7, $0x1;
	s7 =	sadd.s32 s21, s5  }
0x9f: {  	[timem:s9], [sflag:s22] =	dma.local [hbm:s7], s20  }
0xa0: {  	_ =	swait.ge [sflag:s22], s20  }
0xa1: {  	s6 =	ssub.s32 $0x0, s20;
	[sflag:s22] =	ssyncset.done $0x0  }
0xa2: {  	[sflag:s22] =	ssyncadd.s32 s6;
	_ =	sdelay $0x1  }
0xa3: {  	s23 =	simm.s32 $0x1B8B  }
0xa4: {  	_ =	swait.ge [sflag:s23], $0x1  }
0xa5: {  	[sflag:s23] =	ssyncset.done $0x0  }
0xa6: {  	s25 =	simm.s32 $0x1B8E;
	s24 =	sld [smem:$0x3FFE];
	[sflag:s23] =	ssyncadd.s32 $0xFFFFFFFF  }
0xa7: {  	s26 =	simm.s32 $execute0_lowered;
	[smem:$0x3FD2] =	sst s25  }
0xa8: {  	s7 =	sshll.u32 s26, $0x1;
	_ =	strace $0x80000046;
	[dreg:$0x1] =	wrdreg $0xFFFFFFFF  }
0xa9: {  	s28 =	simm.s32 $_size_execute0_lowered;
	s5 =	sadd.s32 s5, s7;
	[dreg:$0x0] =	wrdreg $0x0  }
0xaa: {  	s7 =	sshll.u32 s28, $0x1;
	[dreg:$0x2] =	wrdreg s5  }
0xab: {  	[dreg:$0x3] =	wrdreg s7  }
0xac: {  	[dreg:$0x4] =	wrdreg $0xC0  }
0xad: {  	_ =	task [dreg:s9], $0x5FFFF  }
0xae: {  	[dreg:$0x1] =	wrdreg $0xFFFFFFFF  }
0xaf: {  	[dreg:$0x0] =	wrdreg $0x60  }
0xb0: {  	[dreg:$0x2] =	wrdreg s24  }
0xb1: {  	[dreg:$0x3] =	wrdreg s2  }
0xb2: {  	[dreg:$0x4] =	wrdreg s18  }
0xb3: {  	[dreg:$0x5] =	wrdreg s4  }
0xb4: {  	[dreg:$0x6] =	wrdreg $0x9  }
0xb5: {  	_ =	task.clear_ibuf [dreg:s9], $0x7FFFF;
	_ =	strace $0x90000046  }
0xb6: {  	s29 =	simm.s32 $0x9;
	_ =	strace $0x80000048  }
0xb7: {  	_ =	swait.ge [sflag:s29], $0x1  }
0xb8: {  	[sflag:s29] =	ssyncadd.s32 $0xFFFFFFFF  }
0xb9: {  	_ =	strace $0x90000048  }
0xba: {  	_ =	sfence  }
0xbb: {  	s30 =	sld [smem:$0x0];
	_ =	sdelay $0x2  }
0xbc: {  	s31 =	sshll.u32 s1, $0xD;
	s1 =	sshrl.u32 s1, $0x2  }
0xbd: {  	s3 =	sand.u32 $0x4000, s31;
	s1 =	sadd.s32 s1, s30  }
0xbe: {  	s0 =	sor.u32 s3, s0;
	s1 =	sshll.u32 s1, $0x11  }
0xbf: {  	s0 =	sor.u32 s1, s0  }
0xc0: {  	s0 =	sadd.s32 $0x8F2B, s0  }
0xc1: {  	[sflag:s0] =	ssyncadd.remote.s32 $0x1  }
0xc2: {  	_ =	sfence.sel $0xFFFF  }
0xc3: {  	[dreg:$0x0] =	wrdreg $0xFFFFFFFF;
	(pc) =	sbr.abs _section_cstart, $3  }
0xc4: {  	[dreg:$0x1] =	wrdreg $0xFFFFFFFF  }
0xc5: {  	_ =	task.clear_ibuf [dreg:s9], $0x2FFFF;
	_ =	strace $0x9FFFFFFF  }
0xc6: {  	(tm) =	ssettm $0x7FFFFFFF  }
0xc7: {  	_ =	shalt  }
tec
execute0_lowered:
.L_overlay_start_1:
0x0: {  	(tag) =	ssettag $0x1  }
0x1: {  	s0 =	rddreg [dreg:$0x0]  }
0x2: {  	s2 =	rddreg [dreg:$0x1]  }
0x3: {  	s3 =	rddreg [dreg:$0x2]  }
0x4: {  	s1 =	rddreg [dreg:$0x3]  }
0x5: {  	s4 =	srdreg.scid;
	s6 =	stileid.u32;
	s9 =	simm.s32 $0x4  }
0x6: {  	s10 =	simm.s32 $0x400;
	s11 =	simm.s32 $0x40;
	s12 =	simm.s32 $0x800  }
0x7: {  	s13 =	simm.s32 $0x2800;
	s15 =	simm.s32 $0x4800;
	s17 =	simm.s32 $0x6800  }
0x8: {  	s19 =	simm.s32 $0x8800;
	s21 =	simm.s32 $0xA800;
	s22 =	simm.s32 $0x1  }
0x9: {  	s25 =	simm.s32 $0x2;
	s28 =	simm.s32 $0x600;
	s29 =	simm.s32 $0x3  }
0xa: {  	s30 =	simm.s32 $0x280;
	s31 =	simm.s32 $0x680;
	s14 =	simm.s32 $0x380  }
0xb: {  	s16 =	simm.s32 $0x780;
	s18 =	simm.s32 $0xC800;
	s20 =	simm.s32 $0x0  }
0xc: {  	s5 =	sand.u32 $0x1, s4;
	s6 =	sshll.u32 s6, $0x1;
	s4 =	simm.s32 $0x0  }
0xd: {  	s7 =	sor.u32 s5, s6;
	s5 =	ssub.s32 $0x2, s5;
	[smem:$0x7FF] =	sst s4  }
0xe: {  	v0 =	vlaneseq.u32;
	s6 =	sshll.u32 s7, $0x7;
	s8 =	sshrl.u32 s5, $0x1;
	_ =	strace $0x80000047  }
0xf: {  	v1 =	vmul.u32 $0x80, v0;
	s26 =	sshll.u32 s7, $0x6;
	s0 =	sadd.s32 s6, s0;
	s8 =	ssub.s32 s5, s8  }
0x10: {  	s7 =	sadd.s32 s1, s26;
	s1 =	simm.s32 $0x700;
	s5 =	sadd.s32 $0x400, s0  }
0x11: {  	v2 =	vor.u32 $0x800, v1;
	v3 =	vor.u32 $0x1000, v1;
	v4 =	vor.u32 $0x1800, v1;
	s6 =	sadd.s32 $0x1400, s0;
	s8 =	smax.u32 s8, $0x1;
	s0 =	simm.s32 $0x300  }
.LBB2_1:
0x12: {  	[tilespmem:s4], [sflag:$0x4] =	stream.linear.gather [hbm4b:s5+s4], $0x400, $0x38;
	[tilespmem:$0xCA00] =	vst v63  }
0x13: {  	_ =	swait.ge [sflag:s9], $0x400  }
0x14: {  	[sflag:s9] =	ssyncset.done $0x0  }
0x15: {  	[sflag:s9] =	ssyncadd.s32 $0xFFFFFC00  }
0x16: {  	[tilespmem:s10], [sflag:$0x4] =	stream.linear.gather [hbm4b:s6+s4], $0x400, $0x38;
	[tilespmem:$0xCA00] =	vst v63  }
0x17: {  	_ =	swait.ge [sflag:s9], $0x400  }
0x18: {  	[sflag:s9] =	ssyncset.done $0x0  }
0x19: {  	[sflag:s9] =	ssyncadd.s32 $0xFFFFFC00  }
0x1a: {  	[tilespmem:s12], [sflag:$0x1] =	stream.indirect.gather [hbm4b:s2+s11], $0x80, s4, s11, $0xb8;
	[tilespmem:$0xCA00] =	vst v63  }
0x1b: {  	_ = 	snop  }
0x1c: {  	[tilespmem:s13], [sflag:$0x1] =	stream.indirect.gather [hbm4b:s3+s11], $0x80, s10, s11, $0xb8;
	[tilespmem:$0xCA00] =	vst v63  }
0x1d: {  	s23 =	simm.s32 $0x80  }
0x1e: {  	[tilespmem:s15], [sflag:$0x2] =	stream.indirect.gather [hbm4b:s2+s11], $0x80, s23, s11, $0xb8;
	[tilespmem:$0xCA00] =	vst v63  }
0x1f: {  	s24 =	simm.s32 $0x480  }
0x20: {  	[tilespmem:s17], [sflag:$0x2] =	stream.indirect.gather [hbm4b:s3+s11], $0x80, s24, s11, $0xb8;
	[tilespmem:$0xCA00] =	vst v63  }
0x21: {  	s26 =	simm.s32 $0x100  }
0x22: {  	[tilespmem:s19], [sflag:$0x3] =	stream.indirect.gather [hbm4b:s2+s11], $0x80, s26, s11, $0xb8;
	[tilespmem:$0xCA00] =	vst v63  }
0x23: {  	s24 =	simm.s32 $0x500  }
0x24: {  	v5 =	vadd.s32 s4, v0;
	[tilespmem:s21], [sflag:$0x3] =	stream.indirect.gather [hbm4b:s3+s11], $0x80, s24, s11, $0xb8;
	[tilespmem:$0xCA00] =	vst v63  }
0x25: {  	v5 =	vand.u32 $0x7F, v5;
	s26 =	simm.s32 $0x1;
	_ =	swait.ge [sflag:s22], $0x2000  }
0x26: {  	v5 =	vor.u32 v1, v5;
	v6 =	vadd.s32 s26, v0;
	[sflag:s22] =	ssyncset.done $0x0  }
0x27: {  	s24 =	simm.s32 $0x2;
	v6 =	vand.u32 $0x7F, v6;
	[sflag:s22] =	ssyncadd.s32 $0xFFFFE000  }
0x28: {  	v7 =	vadd.s32 s24, v0;
	v6 =	vor.u32 v1, v6;
	_ =	swait.ge [sflag:s22], $0x2000  }
0x29: {  	s26 =	simm.s32 $0x3;
	v7 =	vand.u32 $0x7F, v7;
	[sflag:s22] =	ssyncset.done $0x0  }
0x2a: {  	v8 =	vadd.s32 s26, v0;
	v7 =	vor.u32 v1, v7;
	[sflag:s22] =	ssyncadd.s32 $0xFFFFE000  }
0x2b: {  	s24 =	simm.s32 $0x4;
	v8 =	vand.u32 $0x7F, v8;
	v11 =	vld.idx.msk [tilespmem:v5+s12+$0x0], $0xffff  }
0x2c: {  	v9 =	vadd.s32 s24, v0;
	v8 =	vor.u32 v1, v8;
	v12 =	vld.idx.msk [tilespmem:v5+s13+$0x0], $0xffff  }
0x2d: {  	s26 =	simm.s32 $0x5;
	v13 =	vld.idx.msk [tilespmem:v6+s12+$0x0], $0xffff;
	v5 =	vand.u32 $0x7F, v9  }
0x2e: {  	v9 =	vadd.s32 s26, v0;
	v14 =	vld.idx.msk [tilespmem:v6+s13+$0x0], $0xffff;
	v17 =	vor.u32 v1, v5  }
0x2f: {  	s24 =	simm.s32 $0x6;
	v5 =	vld.idx.msk [tilespmem:v7+s12+$0x0], $0xffff;
	v6 =	vand.u32 $0x7F, v9  }
0x30: {  	v10 =	vld.idx.msk [tilespmem:v7+s13+$0x0], $0xffff;
	v7 =	vadd.s32 s24, v0;
	v9 =	vor.u32 v1, v6  }
0x31: {  	s24 =	simm.s32 $0x7;
	v6 =	vld.idx.msk [tilespmem:v8+s12+$0x0], $0xffff;
	v7 =	vand.u32 $0x7F, v7  }
0x32: {  	s23 =	simm.s32 $0x8;
	v16 =	vmul.f32 v12, v11;
	v12 =	vld.idx.msk [tilespmem:v8+s13+$0x0], $0xffff;
	v8 =	vadd.s32 s24, v0;
	v11 =	vor.u32 v1, v7  }
0x33: {  	v15 =	vimm.f32 $0.0e+00;
	v18 =	vadd.s32 s23, v0;
	v7 =	vld.idx.msk [tilespmem:v17+s12+$0x0], $0xffff;
	v8 =	vand.u32 $0x7F, v8  }
0x34: {  	s26 =	simm.s32 $0x9;
	v15 =	vadd.f32 v16, v15;
	v16 =	vmul.f32 v14, v13;
	v14 =	vld.idx.msk [tilespmem:v17+s13+$0x0], $0xffff;
	v13 =	vor.u32 v1, v8  }
0x35: {  	v18 =	vand.u32 $0x7F, v18;
	s24 =	simm.s32 $0x10;
	v17 =	vadd.s32 s26, v0;
	v8 =	vld.idx.msk [tilespmem:v9+s12+$0x0], $0xffff  }
.LBB2_2:
0x36: {  	p0 =	slt.u32 s24, $0x78;
	v18 =	vor.u32 v1, v18;
	s26 =	sadd.s32 $0x2, s23;
	v15 =	vadd.f32 v16, v15;
	v5 =	vmul.f32 v10, v5;
	v9 =	vld.idx.msk [tilespmem:v9+s13+$0x0], $0xffff  }
0x37: {  	v10 =	vand.u32 $0x7F, v17;
	v16 =	vadd.s32 s26, v0;
	v17 =	vld.idx.msk [tilespmem:v11+s12+$0x0], $0xffff  }
0x38: {  	v10 =	vor.u32 v1, v10;
	s26 =	sadd.s32 $0x3, s23;
	v6 =	vmul.f32 v12, v6;
	v5 =	vadd.f32 v5, v15;
	v11 =	vld.idx.msk [tilespmem:v11+s13+$0x0], $0xffff  }
0x39: {  	v12 =	vand.u32 $0x7F, v16;
	v15 =	vadd.s32 s26, v0;
	v16 =	vld.idx.msk [tilespmem:v13+s12+$0x0], $0xffff  }
0x3a: {  	s26 =	sadd.s32 $0x4, s23;
	v12 =	vor.u32 v1, v12;
	v5 =	vadd.f32 v6, v5;
	v6 =	vmul.f32 v14, v7;
	v7 =	vld.idx.msk [tilespmem:v13+s13+$0x0], $0xffff  }
0x3b: {  	v14 =	vand.u32 $0x7F, v15;
	v15 =	vadd.s32 s26, v0;
	v13 =	vld.idx.msk [tilespmem:v18+s12+$0x0], $0xffff  }
0x3c: {  	s26 =	sadd.s32 $0x5, s23;
	v14 =	vor.u32 v1, v14;
	v18 =	vld.idx.msk [tilespmem:v18+s13+$0x0], $0xffff;
	v5 =	vadd.f32 v6, v5;
	v6 =	vmul.f32 v9, v8  }
0x3d: {  	v9 =	vand.u32 $0x7F, v15;
	v15 =	vadd.s32 s26, v0;
	v8 =	vld.idx.msk [tilespmem:v10+s12+$0x0], $0xffff  }
0x3e: {  	s26 =	sadd.s32 $0x6, s23;
	v20 =	vor.u32 v1, v9;
	v11 =	vmul.f32 v11, v17;
	v19 =	vld.idx.msk [tilespmem:v10+s13+$0x0], $0xffff;
	v6 =	vadd.f32 v6, v5  }
0x3f: {  	v9 =	vand.u32 $0x7F, v15;
	v15 =	vadd.s32 s26, v0;
	v5 =	vld.idx.msk [tilespmem:v12+s12+$0x0], $0xffff  }
0x40: {  	s26 =	sadd.s32 $0x7, s23;
	s23 =	smov.u32 s24;
	v9 =	vor.u32 v1, v9;
	v7 =	vmul.f32 v7, v16;
	v10 =	vld.idx.msk [tilespmem:v12+s13+$0x0], $0xffff;
	v17 =	vadd.f32 v11, v6  }
.Ltmp0:
0x41: {  	v11 =	vand.u32 $0x7F, v15;
	v15 =	vadd.s32 s26, v0;
	v6 =	vld.idx.msk [tilespmem:v14+s12+$0x0], $0xffff;
	(pc) =	sbr.rel @p0 .LBB2_2-.Ltmp0, $4  }
0x42: {  	v13 =	vmul.f32 v18, v13;
	v11 =	vor.u32 v1, v11;
	v12 =	vld.idx.msk [tilespmem:v14+s13+$0x0], $0xffff;
	v14 =	vadd.f32 v7, v17  }
0x43: {  	v18 =	vand.u32 $0x7F, v15;
	v17 =	vadd.s32 s24, v0;
	v7 =	vld.idx.msk [tilespmem:v20+s12+$0x0], $0xffff  }
0x44: {  	s26 =	sadd.s32 $0x1, s24;
	v16 =	vmul.f32 v19, v8;
	v15 =	vadd.f32 v13, v14;
	v14 =	vld.idx.msk [tilespmem:v20+s13+$0x0], $0xffff;
	v13 =	vor.u32 v1, v18  }
0x45: {  	s24 =	sadd.s32 $0x8, s24;
	v18 =	vand.u32 $0x7F, v17;
	v17 =	vadd.s32 s26, v0;
	v8 =	vld.idx.msk [tilespmem:v9+s12+$0x0], $0xffff  }
0x46: {  	_ =	sdelay $0x2  }
0x47: {  	v15 =	vadd.f32 v16, v15;
	v5 =	vmul.f32 v10, v5  }
0x48: {  	v10 =	vor.u32 v1, v18;
	v9 =	vld.idx.msk [tilespmem:v9+s13+$0x0], $0xffff  }
0x49: {  	s24 =	sadd.s32 $0x2, s23;
	v16 =	vand.u32 $0x7F, v17;
	v17 =	vld.idx.msk [tilespmem:v11+s12+$0x0], $0xffff;
	v6 =	vmul.f32 v12, v6;
	v5 =	vadd.f32 v5, v15  }
0x4a: {  	v11 =	vld.idx.msk [tilespmem:v11+s13+$0x0], $0xffff;
	v12 =	vadd.s32 s24, v0;
	v15 =	vor.u32 v1, v16  }
0x4b: {  	s26 =	sadd.s32 $0x3, s23;
	v12 =	vand.u32 $0x7F, v12;
	v16 =	vld.idx.msk [tilespmem:v13+s12+$0x0], $0xffff;
	v5 =	vadd.f32 v6, v5;
	v6 =	vmul.f32 v14, v7  }
0x4c: {  	v13 =	vld.idx.msk [tilespmem:v13+s13+$0x0], $0xffff;
	v12 =	vor.u32 v1, v12;
	v7 =	vadd.s32 s26, v0  }
0x4d: {  	s26 =	sadd.s32 $0x4, s23;
	v14 =	vld.idx.msk [tilespmem:v10+s12+$0x0], $0xffff;
	v7 =	vand.u32 $0x7F, v7;
	v5 =	vadd.f32 v6, v5;
	v6 =	vmul.f32 v9, v8  }
0x4e: {  	v8 =	vadd.s32 s26, v0;
	v9 =	vld.idx.msk [tilespmem:v10+s13+$0x0], $0xffff;
	v7 =	vor.u32 v1, v7  }
0x4f: {  	s26 =	sadd.s32 $0x5, s23;
	v10 =	vld.idx.msk [tilespmem:v15+s12+$0x0], $0xffff;
	v8 =	vand.u32 $0x7F, v8;
	v5 =	vadd.f32 v6, v5;
	v6 =	vmul.f32 v11, v17  }
0x50: {  	v15 =	vld.idx.msk [tilespmem:v15+s13+$0x0], $0xffff;
	v11 =	vadd.s32 s26, v0;
	v8 =	vor.u32 v1, v8  }
0x51: {  	s26 =	sadd.s32 $0x6, s23;
	v17 =	vld.idx.msk [tilespmem:v12+s12+$0x0], $0xffff;
	v11 =	vand.u32 $0x7F, v11;
	v5 =	vadd.f32 v6, v5;
	v6 =	vmul.f32 v13, v16  }
0x52: {  	v12 =	vld.idx.msk [tilespmem:v12+s13+$0x0], $0xffff;
	v13 =	vadd.s32 s26, v0;
	v11 =	vor.u32 v1, v11  }
0x53: {  	v16 =	vld.idx.msk [tilespmem:v7+s12+$0x0], $0xffff;
	v13 =	vand.u32 $0x7F, v13;
	v9 =	vmul.f32 v9, v14;
	v5 =	vadd.f32 v6, v5  }
0x54: {  	s26 =	sadd.s32 $0x7, s23;
	v6 =	vld.idx.msk [tilespmem:v7+s13+$0x0], $0xffff;
	v7 =	vor.u32 v1, v13  }
0x55: {  	v13 =	vadd.s32 s26, v0;
	v14 =	vld.idx.msk [tilespmem:v8+s12+$0x0], $0xffff;
	v5 =	vadd.f32 v9, v5;
	v9 =	vmul.f32 v15, v10  }
0x56: {  	v8 =	vld.idx.msk [tilespmem:v8+s13+$0x0], $0xffff;
	v10 =	vand.u32 $0x7F, v13  }
0x57: {  	v10 =	vor.u32 v1, v10;
	v13 =	vld.idx.msk [tilespmem:v11+s12+$0x0], $0xffff;
	v5 =	vadd.f32 v9, v5;
	v9 =	vmul.f32 v12, v17  }
0x58: {  	v11 =	vld.idx.msk [tilespmem:v11+s13+$0x0], $0xffff  }
0x59: {  	v12 =	vld.idx.msk [tilespmem:v7+s12+$0x0], $0xffff;
	v6 =	vmul.f32 v6, v16;
	v5 =	vadd.f32 v9, v5  }
0x5a: {  	v7 =	vld.idx.msk [tilespmem:v7+s13+$0x0], $0xffff  }
0x5b: {  	v5 =	vadd.f32 v6, v5;
	v6 =	vmul.f32 v8, v14  }
0x5c: {  	v8 =	vld.idx.msk [tilespmem:v10+s12+$0x0], $0xffff  }
0x5d: {  	v9 =	vld.idx.msk [tilespmem:v10+s13+$0x0], $0xffff;
	v5 =	vadd.f32 v6, v5;
	v6 =	vmul.f32 v11, v13;
	_ =	sdelay $0x1  }
0x5e: {  	s24 =	simm.s32 $0x0;
	v5 =	vadd.f32 v6, v5;
	v6 =	vmul.f32 v7, v12  }
0x5f: {  	v7 =	vadd.s32 s24, v0  }
0x60: {  	s26 =	simm.s32 $0x1;
	v5 =	vadd.f32 v6, v5;
	v6 =	vand.u32 $0x7F, v7  }
0x61: {  	v7 =	vmul.f32 v9, v8;
	v8 =	vadd.s32 s26, v0;
	v6 =	vor.u32 v2, v6  }
0x62: {  	s24 =	simm.s32 $0x2;
	v8 =	vand.u32 $0x7F, v8  }
0x63: {  	v5 =	vadd.f32 v7, v5;
	v7 =	vadd.s32 s24, v0;
	v8 =	vor.u32 v2, v8  }
0x64: {  	s26 =	simm.s32 $0x3;
	v7 =	vand.u32 $0x7F, v7  }
0x65: {  	[tilespmem:$0xC800] =	vst v5;
	v5 =	vadd.s32 s26, v0;
	v7 =	vor.u32 v2, v7  }
0x66: {  	s24 =	simm.s32 $0x4;
	v5 =	vand.u32 $0x7F, v5;
	v11 =	vld.idx.msk [tilespmem:v6+s12+$0x0], $0xffff  }
0x67: {  	v9 =	vadd.s32 s24, v0;
	v12 =	vld.idx.msk [tilespmem:v6+s13+$0x0], $0xffff;
	v13 =	vor.u32 v2, v5  }
0x68: {  	s26 =	simm.s32 $0x5;
	v5 =	vand.u32 $0x7F, v9;
	v14 =	vld.idx.msk [tilespmem:v8+s12+$0x0], $0xffff  }
0x69: {  	v6 =	vadd.s32 s26, v0;
	v8 =	vld.idx.msk [tilespmem:v8+s13+$0x0], $0xffff;
	v17 =	vor.u32 v2, v5  }
0x6a: {  	s24 =	simm.s32 $0x6;
	v6 =	vand.u32 $0x7F, v6;
	v5 =	vld.idx.msk [tilespmem:v7+s12+$0x0], $0xffff  }
0x6b: {  	v9 =	vor.u32 v2, v6;
	v10 =	vld.idx.msk [tilespmem:v7+s13+$0x0], $0xffff;
	v7 =	vadd.s32 s24, v0  }
0x6c: {  	s26 =	simm.s32 $0x7;
	v7 =	vand.u32 $0x7F, v7;
	v6 =	vld.idx.msk [tilespmem:v13+s12+$0x0], $0xffff  }
0x6d: {  	s23 =	simm.s32 $0x8;
	v16 =	vmul.f32 v12, v11;
	v12 =	vld.idx.msk [tilespmem:v13+s13+$0x0], $0xffff;
	v13 =	vadd.s32 s26, v0;
	v11 =	vor.u32 v2, v7  }
0x6e: {  	v18 =	vadd.s32 s23, v0;
	v15 =	vimm.f32 $0.0e+00;
	v7 =	vld.idx.msk [tilespmem:v17+s12+$0x0], $0xffff;
	v13 =	vand.u32 $0x7F, v13  }
0x6f: {  	s26 =	simm.s32 $0x9;
	v15 =	vadd.f32 v16, v15;
	v16 =	vmul.f32 v8, v14;
	v14 =	vld.idx.msk [tilespmem:v17+s13+$0x0], $0xffff;
	v13 =	vor.u32 v2, v13  }
0x70: {  	v18 =	vand.u32 $0x7F, v18;
	s24 =	simm.s32 $0x10;
	v17 =	vadd.s32 s26, v0;
	v8 =	vld.idx.msk [tilespmem:v9+s12+$0x0], $0xffff  }
.LBB2_4:
0x71: {  	p0 =	slt.u32 s24, $0x78;
	v18 =	vor.u32 v2, v18;
	s26 =	sadd.s32 $0x2, s23;
	v15 =	vadd.f32 v16, v15;
	v5 =	vmul.f32 v10, v5;
	v9 =	vld.idx.msk [tilespmem:v9+s13+$0x0], $0xffff  }
0x72: {  	v10 =	vand.u32 $0x7F, v17;
	v16 =	vadd.s32 s26, v0;
	v17 =	vld.idx.msk [tilespmem:v11+s12+$0x0], $0xffff  }
0x73: {  	v10 =	vor.u32 v2, v10;
	s26 =	sadd.s32 $0x3, s23;
	v6 =	vmul.f32 v12, v6;
	v5 =	vadd.f32 v5, v15;
	v11 =	vld.idx.msk [tilespmem:v11+s13+$0x0], $0xffff  }
0x74: {  	v12 =	vand.u32 $0x7F, v16;
	v15 =	vadd.s32 s26, v0;
	v16 =	vld.idx.msk [tilespmem:v13+s12+$0x0], $0xffff  }
0x75: {  	s26 =	sadd.s32 $0x4, s23;
	v12 =	vor.u32 v2, v12;
	v5 =	vadd.f32 v6, v5;
	v6 =	vmul.f32 v14, v7;
	v7 =	vld.idx.msk [tilespmem:v13+s13+$0x0], $0xffff  }
0x76: {  	v14 =	vand.u32 $0x7F, v15;
	v15 =	vadd.s32 s26, v0;
	v13 =	vld.idx.msk [tilespmem:v18+s12+$0x0], $0xffff  }
0x77: {  	s26 =	sadd.s32 $0x5, s23;
	v14 =	vor.u32 v2, v14;
	v18 =	vld.idx.msk [tilespmem:v18+s13+$0x0], $0xffff;
	v5 =	vadd.f32 v6, v5;
	v6 =	vmul.f32 v9, v8  }
0x78: {  	v9 =	vand.u32 $0x7F, v15;
	v15 =	vadd.s32 s26, v0;
	v8 =	vld.idx.msk [tilespmem:v10+s12+$0x0], $0xffff  }
0x79: {  	s26 =	sadd.s32 $0x6, s23;
	v20 =	vor.u32 v2, v9;
	v11 =	vmul.f32 v11, v17;
	v19 =	vld.idx.msk [tilespmem:v10+s13+$0x0], $0xffff;
	v6 =	vadd.f32 v6, v5  }
0x7a: {  	v9 =	vand.u32 $0x7F, v15;
	v15 =	vadd.s32 s26, v0;
	v5 =	vld.idx.msk [tilespmem:v12+s12+$0x0], $0xffff  }
0x7b: {  	s26 =	sadd.s32 $0x7, s23;
	s23 =	smov.u32 s24;
	v9 =	vor.u32 v2, v9;
	v7 =	vmul.f32 v7, v16;
	v10 =	vld.idx.msk [tilespmem:v12+s13+$0x0], $0xffff;
	v17 =	vadd.f32 v11, v6  }
.Ltmp1:
0x7c: {  	v11 =	vand.u32 $0x7F, v15;
	v15 =	vadd.s32 s26, v0;
	v6 =	vld.idx.msk [tilespmem:v14+s12+$0x0], $0xffff;
	(pc) =	sbr.rel @p0 .LBB2_4-.Ltmp1, $4  }
0x7d: {  	v13 =	vmul.f32 v18, v13;
	v11 =	vor.u32 v2, v11;
	v12 =	vld.idx.msk [tilespmem:v14+s13+$0x0], $0xffff;
	v14 =	vadd.f32 v7, v17  }
0x7e: {  	v18 =	vand.u32 $0x7F, v15;
	v17 =	vadd.s32 s24, v0;
	v7 =	vld.idx.msk [tilespmem:v20+s12+$0x0], $0xffff  }
0x7f: {  	s26 =	sadd.s32 $0x1, s24;
	v16 =	vmul.f32 v19, v8;
	v15 =	vadd.f32 v13, v14;
	v14 =	vld.idx.msk [tilespmem:v20+s13+$0x0], $0xffff;
	v13 =	vor.u32 v2, v18  }
0x80: {  	s24 =	sadd.s32 $0x8, s24;
	v18 =	vand.u32 $0x7F, v17;
	v17 =	vadd.s32 s26, v0;
	v8 =	vld.idx.msk [tilespmem:v9+s12+$0x0], $0xffff  }
0x81: {  	_ =	sdelay $0x2  }
0x82: {  	v15 =	vadd.f32 v16, v15;
	v5 =	vmul.f32 v10, v5  }
0x83: {  	v10 =	vor.u32 v2, v18;
	v9 =	vld.idx.msk [tilespmem:v9+s13+$0x0], $0xffff  }
0x84: {  	s24 =	sadd.s32 $0x2, s23;
	v16 =	vand.u32 $0x7F, v17;
	v17 =	vld.idx.msk [tilespmem:v11+s12+$0x0], $0xffff;
	v6 =	vmul.f32 v12, v6;
	v5 =	vadd.f32 v5, v15  }
0x85: {  	v11 =	vld.idx.msk [tilespmem:v11+s13+$0x0], $0xffff;
	v12 =	vadd.s32 s24, v0;
	v15 =	vor.u32 v2, v16  }
0x86: {  	s26 =	sadd.s32 $0x3, s23;
	v12 =	vand.u32 $0x7F, v12;
	v16 =	vld.idx.msk [tilespmem:v13+s12+$0x0], $0xffff;
	v5 =	vadd.f32 v6, v5;
	v6 =	vmul.f32 v14, v7  }
0x87: {  	v13 =	vld.idx.msk [tilespmem:v13+s13+$0x0], $0xffff;
	v12 =	vor.u32 v2, v12;
	v7 =	vadd.s32 s26, v0  }
0x88: {  	s26 =	sadd.s32 $0x4, s23;
	v14 =	vld.idx.msk [tilespmem:v10+s12+$0x0], $0xffff;
	v7 =	vand.u32 $0x7F, v7;
	v5 =	vadd.f32 v6, v5;
	v6 =	vmul.f32 v9, v8  }
0x89: {  	v8 =	vadd.s32 s26, v0;
	v9 =	vld.idx.msk [tilespmem:v10+s13+$0x0], $0xffff;
	v7 =	vor.u32 v2, v7  }
0x8a: {  	s26 =	sadd.s32 $0x5, s23;
	v10 =	vld.idx.msk [tilespmem:v15+s12+$0x0], $0xffff;
	v8 =	vand.u32 $0x7F, v8;
	v5 =	vadd.f32 v6, v5;
	v6 =	vmul.f32 v11, v17  }
0x8b: {  	v15 =	vld.idx.msk [tilespmem:v15+s13+$0x0], $0xffff;
	v11 =	vadd.s32 s26, v0;
	v8 =	vor.u32 v2, v8  }
0x8c: {  	s26 =	sadd.s32 $0x6, s23;
	v17 =	vld.idx.msk [tilespmem:v12+s12+$0x0], $0xffff;
	v11 =	vand.u32 $0x7F, v11;
	v5 =	vadd.f32 v6, v5;
	v6 =	vmul.f32 v13, v16  }
0x8d: {  	v12 =	vld.idx.msk [tilespmem:v12+s13+$0x0], $0xffff;
	v13 =	vadd.s32 s26, v0;
	v11 =	vor.u32 v2, v11  }
0x8e: {  	v16 =	vld.idx.msk [tilespmem:v7+s12+$0x0], $0xffff;
	v13 =	vand.u32 $0x7F, v13;
	v9 =	vmul.f32 v9, v14;
	v5 =	vadd.f32 v6, v5  }
0x8f: {  	s26 =	sadd.s32 $0x7, s23;
	v6 =	vld.idx.msk [tilespmem:v7+s13+$0x0], $0xffff;
	v7 =	vor.u32 v2, v13  }
0x90: {  	v13 =	vadd.s32 s26, v0;
	v14 =	vld.idx.msk [tilespmem:v8+s12+$0x0], $0xffff;
	v5 =	vadd.f32 v9, v5;
	v9 =	vmul.f32 v15, v10  }
0x91: {  	v8 =	vld.idx.msk [tilespmem:v8+s13+$0x0], $0xffff;
	v10 =	vand.u32 $0x7F, v13  }
0x92: {  	v10 =	vor.u32 v2, v10;
	v13 =	vld.idx.msk [tilespmem:v11+s12+$0x0], $0xffff;
	v5 =	vadd.f32 v9, v5;
	v9 =	vmul.f32 v12, v17  }
0x93: {  	v11 =	vld.idx.msk [tilespmem:v11+s13+$0x0], $0xffff  }
0x94: {  	v12 =	vld.idx.msk [tilespmem:v7+s12+$0x0], $0xffff;
	v6 =	vmul.f32 v6, v16;
	v5 =	vadd.f32 v9, v5  }
0x95: {  	v7 =	vld.idx.msk [tilespmem:v7+s13+$0x0], $0xffff  }
0x96: {  	v5 =	vadd.f32 v6, v5;
	v6 =	vmul.f32 v8, v14  }
0x97: {  	v8 =	vld.idx.msk [tilespmem:v10+s12+$0x0], $0xffff  }
0x98: {  	v9 =	vld.idx.msk [tilespmem:v10+s13+$0x0], $0xffff;
	v5 =	vadd.f32 v6, v5;
	v6 =	vmul.f32 v11, v13;
	_ =	sdelay $0x1  }
0x99: {  	s24 =	simm.s32 $0x0;
	v5 =	vadd.f32 v6, v5;
	v6 =	vmul.f32 v7, v12  }
0x9a: {  	v7 =	vadd.s32 s24, v0  }
0x9b: {  	s26 =	simm.s32 $0x1;
	v5 =	vadd.f32 v6, v5;
	v6 =	vand.u32 $0x7F, v7  }
0x9c: {  	v7 =	vmul.f32 v9, v8;
	v8 =	vadd.s32 s26, v0;
	v6 =	vor.u32 v3, v6  }
0x9d: {  	s24 =	simm.s32 $0x2;
	v8 =	vand.u32 $0x7F, v8  }
0x9e: {  	v5 =	vadd.f32 v7, v5;
	v7 =	vadd.s32 s24, v0;
	v8 =	vor.u32 v3, v8  }
0x9f: {  	s26 =	simm.s32 $0x3;
	v7 =	vand.u32 $0x7F, v7  }
0xa0: {  	[tilespmem:$0xC810] =	vst v5;
	v5 =	vadd.s32 s26, v0;
	v7 =	vor.u32 v3, v7  }
0xa1: {  	s24 =	simm.s32 $0x4;
	v5 =	vand.u32 $0x7F, v5;
	v11 =	vld.idx.msk [tilespmem:v6+s12+$0x0], $0xffff  }
0xa2: {  	v9 =	vadd.s32 s24, v0;
	v12 =	vld.idx.msk [tilespmem:v6+s13+$0x0], $0xffff;
	v13 =	vor.u32 v3, v5  }
0xa3: {  	s26 =	simm.s32 $0x5;
	v5 =	vand.u32 $0x7F, v9;
	v14 =	vld.idx.msk [tilespmem:v8+s12+$0x0], $0xffff  }
0xa4: {  	v6 =	vadd.s32 s26, v0;
	v8 =	vld.idx.msk [tilespmem:v8+s13+$0x0], $0xffff;
	v17 =	vor.u32 v3, v5  }
0xa5: {  	s24 =	simm.s32 $0x6;
	v6 =	vand.u32 $0x7F, v6;
	v5 =	vld.idx.msk [tilespmem:v7+s12+$0x0], $0xffff  }
0xa6: {  	v9 =	vor.u32 v3, v6;
	v10 =	vld.idx.msk [tilespmem:v7+s13+$0x0], $0xffff;
	v7 =	vadd.s32 s24, v0  }
0xa7: {  	s26 =	simm.s32 $0x7;
	v7 =	vand.u32 $0x7F, v7;
	v6 =	vld.idx.msk [tilespmem:v13+s12+$0x0], $0xffff  }
0xa8: {  	s23 =	simm.s32 $0x8;
	v16 =	vmul.f32 v12, v11;
	v12 =	vld.idx.msk [tilespmem:v13+s13+$0x0], $0xffff;
	v13 =	vadd.s32 s26, v0;
	v11 =	vor.u32 v3, v7  }
0xa9: {  	v18 =	vadd.s32 s23, v0;
	v15 =	vimm.f32 $0.0e+00;
	v7 =	vld.idx.msk [tilespmem:v17+s12+$0x0], $0xffff;
	v13 =	vand.u32 $0x7F, v13  }
0xaa: {  	s26 =	simm.s32 $0x9;
	v15 =	vadd.f32 v16, v15;
	v16 =	vmul.f32 v8, v14;
	v14 =	vld.idx.msk [tilespmem:v17+s13+$0x0], $0xffff;
	v13 =	vor.u32 v3, v13  }
0xab: {  	v18 =	vand.u32 $0x7F, v18;
	s24 =	simm.s32 $0x10;
	v17 =	vadd.s32 s26, v0;
	v8 =	vld.idx.msk [tilespmem:v9+s12+$0x0], $0xffff  }
.LBB2_6:
0xac: {  	p0 =	slt.u32 s24, $0x78;
	v18 =	vor.u32 v3, v18;
	s26 =	sadd.s32 $0x2, s23;
	v15 =	vadd.f32 v16, v15;
	v5 =	vmul.f32 v10, v5;
	v9 =	vld.idx.msk [tilespmem:v9+s13+$0x0], $0xffff  }
0xad: {  	v10 =	vand.u32 $0x7F, v17;
	v16 =	vadd.s32 s26, v0;
	v17 =	vld.idx.msk [tilespmem:v11+s12+$0x0], $0xffff  }
0xae: {  	v10 =	vor.u32 v3, v10;
	s26 =	sadd.s32 $0x3, s23;
	v6 =	vmul.f32 v12, v6;
	v5 =	vadd.f32 v5, v15;
	v11 =	vld.idx.msk [tilespmem:v11+s13+$0x0], $0xffff  }
0xaf: {  	v12 =	vand.u32 $0x7F, v16;
	v15 =	vadd.s32 s26, v0;
	v16 =	vld.idx.msk [tilespmem:v13+s12+$0x0], $0xffff  }
0xb0: {  	s26 =	sadd.s32 $0x4, s23;
	v12 =	vor.u32 v3, v12;
	v5 =	vadd.f32 v6, v5;
	v6 =	vmul.f32 v14, v7;
	v7 =	vld.idx.msk [tilespmem:v13+s13+$0x0], $0xffff  }
0xb1: {  	v14 =	vand.u32 $0x7F, v15;
	v15 =	vadd.s32 s26, v0;
	v13 =	vld.idx.msk [tilespmem:v18+s12+$0x0], $0xffff  }
0xb2: {  	s26 =	sadd.s32 $0x5, s23;
	v14 =	vor.u32 v3, v14;
	v18 =	vld.idx.msk [tilespmem:v18+s13+$0x0], $0xffff;
	v5 =	vadd.f32 v6, v5;
	v6 =	vmul.f32 v9, v8  }
0xb3: {  	v9 =	vand.u32 $0x7F, v15;
	v15 =	vadd.s32 s26, v0;
	v8 =	vld.idx.msk [tilespmem:v10+s12+$0x0], $0xffff  }
0xb4: {  	s26 =	sadd.s32 $0x6, s23;
	v20 =	vor.u32 v3, v9;
	v11 =	vmul.f32 v11, v17;
	v19 =	vld.idx.msk [tilespmem:v10+s13+$0x0], $0xffff;
	v6 =	vadd.f32 v6, v5  }
0xb5: {  	v9 =	vand.u32 $0x7F, v15;
	v15 =	vadd.s32 s26, v0;
	v5 =	vld.idx.msk [tilespmem:v12+s12+$0x0], $0xffff  }
0xb6: {  	s26 =	sadd.s32 $0x7, s23;
	s23 =	smov.u32 s24;
	v9 =	vor.u32 v3, v9;
	v7 =	vmul.f32 v7, v16;
	v10 =	vld.idx.msk [tilespmem:v12+s13+$0x0], $0xffff;
	v17 =	vadd.f32 v11, v6  }
.Ltmp2:
0xb7: {  	v11 =	vand.u32 $0x7F, v15;
	v15 =	vadd.s32 s26, v0;
	v6 =	vld.idx.msk [tilespmem:v14+s12+$0x0], $0xffff;
	(pc) =	sbr.rel @p0 .LBB2_6-.Ltmp2, $4  }
0xb8: {  	v13 =	vmul.f32 v18, v13;
	v11 =	vor.u32 v3, v11;
	v12 =	vld.idx.msk [tilespmem:v14+s13+$0x0], $0xffff;
	v14 =	vadd.f32 v7, v17  }
0xb9: {  	v18 =	vand.u32 $0x7F, v15;
	v17 =	vadd.s32 s24, v0;
	v7 =	vld.idx.msk [tilespmem:v20+s12+$0x0], $0xffff  }
0xba: {  	s26 =	sadd.s32 $0x1, s24;
	v16 =	vmul.f32 v19, v8;
	v15 =	vadd.f32 v13, v14;
	v14 =	vld.idx.msk [tilespmem:v20+s13+$0x0], $0xffff;
	v13 =	vor.u32 v3, v18  }
0xbb: {  	s24 =	sadd.s32 $0x8, s24;
	v18 =	vand.u32 $0x7F, v17;
	v17 =	vadd.s32 s26, v0;
	v8 =	vld.idx.msk [tilespmem:v9+s12+$0x0], $0xffff  }
0xbc: {  	_ =	sdelay $0x2  }
0xbd: {  	v15 =	vadd.f32 v16, v15;
	v5 =	vmul.f32 v10, v5  }
0xbe: {  	v10 =	vor.u32 v3, v18;
	v9 =	vld.idx.msk [tilespmem:v9+s13+$0x0], $0xffff  }
0xbf: {  	s24 =	sadd.s32 $0x2, s23;
	v16 =	vand.u32 $0x7F, v17;
	v17 =	vld.idx.msk [tilespmem:v11+s12+$0x0], $0xffff;
	v6 =	vmul.f32 v12, v6;
	v5 =	vadd.f32 v5, v15  }
0xc0: {  	v11 =	vld.idx.msk [tilespmem:v11+s13+$0x0], $0xffff;
	v12 =	vadd.s32 s24, v0;
	v15 =	vor.u32 v3, v16  }
0xc1: {  	s26 =	sadd.s32 $0x3, s23;
	v12 =	vand.u32 $0x7F, v12;
	v16 =	vld.idx.msk [tilespmem:v13+s12+$0x0], $0xffff;
	v5 =	vadd.f32 v6, v5;
	v6 =	vmul.f32 v14, v7  }
0xc2: {  	v13 =	vld.idx.msk [tilespmem:v13+s13+$0x0], $0xffff;
	v12 =	vor.u32 v3, v12;
	v7 =	vadd.s32 s26, v0  }
0xc3: {  	s26 =	sadd.s32 $0x4, s23;
	v14 =	vld.idx.msk [tilespmem:v10+s12+$0x0], $0xffff;
	v7 =	vand.u32 $0x7F, v7;
	v5 =	vadd.f32 v6, v5;
	v6 =	vmul.f32 v9, v8  }
0xc4: {  	v8 =	vadd.s32 s26, v0;
	v9 =	vld.idx.msk [tilespmem:v10+s13+$0x0], $0xffff;
	v7 =	vor.u32 v3, v7  }
0xc5: {  	s26 =	sadd.s32 $0x5, s23;
	v10 =	vld.idx.msk [tilespmem:v15+s12+$0x0], $0xffff;
	v8 =	vand.u32 $0x7F, v8;
	v5 =	vadd.f32 v6, v5;
	v6 =	vmul.f32 v11, v17  }
0xc6: {  	v15 =	vld.idx.msk [tilespmem:v15+s13+$0x0], $0xffff;
	v11 =	vadd.s32 s26, v0;
	v8 =	vor.u32 v3, v8  }
0xc7: {  	s26 =	sadd.s32 $0x6, s23;
	v17 =	vld.idx.msk [tilespmem:v12+s12+$0x0], $0xffff;
	v11 =	vand.u32 $0x7F, v11;
	v5 =	vadd.f32 v6, v5;
	v6 =	vmul.f32 v13, v16  }
0xc8: {  	v12 =	vld.idx.msk [tilespmem:v12+s13+$0x0], $0xffff;
	v13 =	vadd.s32 s26, v0;
	v11 =	vor.u32 v3, v11  }
0xc9: {  	v16 =	vld.idx.msk [tilespmem:v7+s12+$0x0], $0xffff;
	v13 =	vand.u32 $0x7F, v13;
	v9 =	vmul.f32 v9, v14;
	v5 =	vadd.f32 v6, v5  }
0xca: {  	s26 =	sadd.s32 $0x7, s23;
	v6 =	vld.idx.msk [tilespmem:v7+s13+$0x0], $0xffff;
	v7 =	vor.u32 v3, v13  }
0xcb: {  	v13 =	vadd.s32 s26, v0;
	v14 =	vld.idx.msk [tilespmem:v8+s12+$0x0], $0xffff;
	v5 =	vadd.f32 v9, v5;
	v9 =	vmul.f32 v15, v10  }
0xcc: {  	v8 =	vld.idx.msk [tilespmem:v8+s13+$0x0], $0xffff;
	v10 =	vand.u32 $0x7F, v13  }
0xcd: {  	v10 =	vor.u32 v3, v10;
	v13 =	vld.idx.msk [tilespmem:v11+s12+$0x0], $0xffff;
	v5 =	vadd.f32 v9, v5;
	v9 =	vmul.f32 v12, v17  }
0xce: {  	v11 =	vld.idx.msk [tilespmem:v11+s13+$0x0], $0xffff  }
0xcf: {  	v12 =	vld.idx.msk [tilespmem:v7+s12+$0x0], $0xffff;
	v6 =	vmul.f32 v6, v16;
	v5 =	vadd.f32 v9, v5  }
0xd0: {  	v7 =	vld.idx.msk [tilespmem:v7+s13+$0x0], $0xffff  }
0xd1: {  	v5 =	vadd.f32 v6, v5;
	v6 =	vmul.f32 v8, v14  }
0xd2: {  	v8 =	vld.idx.msk [tilespmem:v10+s12+$0x0], $0xffff  }
0xd3: {  	v9 =	vld.idx.msk [tilespmem:v10+s13+$0x0], $0xffff;
	v5 =	vadd.f32 v6, v5;
	v6 =	vmul.f32 v11, v13;
	_ =	sdelay $0x1  }
0xd4: {  	s24 =	simm.s32 $0x0;
	v5 =	vadd.f32 v6, v5;
	v6 =	vmul.f32 v7, v12  }
0xd5: {  	v7 =	vadd.s32 s24, v0  }
0xd6: {  	s26 =	simm.s32 $0x1;
	v5 =	vadd.f32 v6, v5;
	v6 =	vand.u32 $0x7F, v7  }
0xd7: {  	v7 =	vmul.f32 v9, v8;
	v8 =	vadd.s32 s26, v0;
	v6 =	vor.u32 v4, v6  }
0xd8: {  	s24 =	simm.s32 $0x2;
	v8 =	vand.u32 $0x7F, v8  }
0xd9: {  	v5 =	vadd.f32 v7, v5;
	v7 =	vadd.s32 s24, v0;
	v8 =	vor.u32 v4, v8  }
0xda: {  	s26 =	simm.s32 $0x3;
	v7 =	vand.u32 $0x7F, v7  }
0xdb: {  	[tilespmem:$0xC820] =	vst v5;
	v5 =	vadd.s32 s26, v0;
	v7 =	vor.u32 v4, v7  }
0xdc: {  	s24 =	simm.s32 $0x4;
	v5 =	vand.u32 $0x7F, v5;
	v11 =	vld.idx.msk [tilespmem:v6+s12+$0x0], $0xffff  }
0xdd: {  	v9 =	vadd.s32 s24, v0;
	v12 =	vld.idx.msk [tilespmem:v6+s13+$0x0], $0xffff;
	v13 =	vor.u32 v4, v5  }
0xde: {  	s26 =	simm.s32 $0x5;
	v5 =	vand.u32 $0x7F, v9;
	v14 =	vld.idx.msk [tilespmem:v8+s12+$0x0], $0xffff  }
0xdf: {  	v6 =	vadd.s32 s26, v0;
	v8 =	vld.idx.msk [tilespmem:v8+s13+$0x0], $0xffff;
	v17 =	vor.u32 v4, v5  }
0xe0: {  	s24 =	simm.s32 $0x6;
	v6 =	vand.u32 $0x7F, v6;
	v5 =	vld.idx.msk [tilespmem:v7+s12+$0x0], $0xffff  }
0xe1: {  	v9 =	vor.u32 v4, v6;
	v10 =	vld.idx.msk [tilespmem:v7+s13+$0x0], $0xffff;
	v7 =	vadd.s32 s24, v0  }
0xe2: {  	s26 =	simm.s32 $0x7;
	v7 =	vand.u32 $0x7F, v7;
	v6 =	vld.idx.msk [tilespmem:v13+s12+$0x0], $0xffff  }
0xe3: {  	s23 =	simm.s32 $0x8;
	v16 =	vmul.f32 v12, v11;
	v12 =	vld.idx.msk [tilespmem:v13+s13+$0x0], $0xffff;
	v13 =	vadd.s32 s26, v0;
	v11 =	vor.u32 v4, v7  }
0xe4: {  	v18 =	vadd.s32 s23, v0;
	v15 =	vimm.f32 $0.0e+00;
	v7 =	vld.idx.msk [tilespmem:v17+s12+$0x0], $0xffff;
	v13 =	vand.u32 $0x7F, v13  }
0xe5: {  	s26 =	simm.s32 $0x9;
	v15 =	vadd.f32 v16, v15;
	v16 =	vmul.f32 v8, v14;
	v14 =	vld.idx.msk [tilespmem:v17+s13+$0x0], $0xffff;
	v13 =	vor.u32 v4, v13  }
0xe6: {  	v18 =	vand.u32 $0x7F, v18;
	s24 =	simm.s32 $0x10;
	v17 =	vadd.s32 s26, v0;
	v8 =	vld.idx.msk [tilespmem:v9+s12+$0x0], $0xffff  }
.LBB2_8:
0xe7: {  	p0 =	slt.u32 s24, $0x78;
	v18 =	vor.u32 v4, v18;
	s26 =	sadd.s32 $0x2, s23;
	v15 =	vadd.f32 v16, v15;
	v5 =	vmul.f32 v10, v5;
	v9 =	vld.idx.msk [tilespmem:v9+s13+$0x0], $0xffff  }
0xe8: {  	v10 =	vand.u32 $0x7F, v17;
	v16 =	vadd.s32 s26, v0;
	v17 =	vld.idx.msk [tilespmem:v11+s12+$0x0], $0xffff  }
0xe9: {  	v10 =	vor.u32 v4, v10;
	s26 =	sadd.s32 $0x3, s23;
	v6 =	vmul.f32 v12, v6;
	v5 =	vadd.f32 v5, v15;
	v11 =	vld.idx.msk [tilespmem:v11+s13+$0x0], $0xffff  }
0xea: {  	v12 =	vand.u32 $0x7F, v16;
	v15 =	vadd.s32 s26, v0;
	v16 =	vld.idx.msk [tilespmem:v13+s12+$0x0], $0xffff  }
0xeb: {  	s26 =	sadd.s32 $0x4, s23;
	v12 =	vor.u32 v4, v12;
	v5 =	vadd.f32 v6, v5;
	v6 =	vmul.f32 v14, v7;
	v7 =	vld.idx.msk [tilespmem:v13+s13+$0x0], $0xffff  }
0xec: {  	v14 =	vand.u32 $0x7F, v15;
	v15 =	vadd.s32 s26, v0;
	v13 =	vld.idx.msk [tilespmem:v18+s12+$0x0], $0xffff  }
0xed: {  	s26 =	sadd.s32 $0x5, s23;
	v14 =	vor.u32 v4, v14;
	v18 =	vld.idx.msk [tilespmem:v18+s13+$0x0], $0xffff;
	v5 =	vadd.f32 v6, v5;
	v6 =	vmul.f32 v9, v8  }
0xee: {  	v9 =	vand.u32 $0x7F, v15;
	v15 =	vadd.s32 s26, v0;
	v8 =	vld.idx.msk [tilespmem:v10+s12+$0x0], $0xffff  }
0xef: {  	s26 =	sadd.s32 $0x6, s23;
	v20 =	vor.u32 v4, v9;
	v11 =	vmul.f32 v11, v17;
	v19 =	vld.idx.msk [tilespmem:v10+s13+$0x0], $0xffff;
	v6 =	vadd.f32 v6, v5  }
0xf0: {  	v9 =	vand.u32 $0x7F, v15;
	v15 =	vadd.s32 s26, v0;
	v5 =	vld.idx.msk [tilespmem:v12+s12+$0x0], $0xffff  }
0xf1: {  	s26 =	sadd.s32 $0x7, s23;
	s23 =	smov.u32 s24;
	v9 =	vor.u32 v4, v9;
	v7 =	vmul.f32 v7, v16;
	v10 =	vld.idx.msk [tilespmem:v12+s13+$0x0], $0xffff;
	v17 =	vadd.f32 v11, v6  }
.Ltmp3:
0xf2: {  	v11 =	vand.u32 $0x7F, v15;
	v15 =	vadd.s32 s26, v0;
	v6 =	vld.idx.msk [tilespmem:v14+s12+$0x0], $0xffff;
	(pc) =	sbr.rel @p0 .LBB2_8-.Ltmp3, $4  }
0xf3: {  	v13 =	vmul.f32 v18, v13;
	v11 =	vor.u32 v4, v11;
	v12 =	vld.idx.msk [tilespmem:v14+s13+$0x0], $0xffff;
	v14 =	vadd.f32 v7, v17  }
0xf4: {  	v18 =	vand.u32 $0x7F, v15;
	v17 =	vadd.s32 s24, v0;
	v7 =	vld.idx.msk [tilespmem:v20+s12+$0x0], $0xffff  }
0xf5: {  	s26 =	sadd.s32 $0x1, s24;
	v16 =	vmul.f32 v19, v8;
	v15 =	vadd.f32 v13, v14;
	v14 =	vld.idx.msk [tilespmem:v20+s13+$0x0], $0xffff;
	v13 =	vor.u32 v4, v18  }
0xf6: {  	s24 =	sadd.s32 $0x8, s24;
	v18 =	vand.u32 $0x7F, v17;
	v17 =	vadd.s32 s26, v0;
	v8 =	vld.idx.msk [tilespmem:v9+s12+$0x0], $0xffff  }
0xf7: {  	_ =	sdelay $0x2  }
0xf8: {  	v15 =	vadd.f32 v16, v15;
	v5 =	vmul.f32 v10, v5  }
0xf9: {  	v10 =	vor.u32 v4, v18;
	v9 =	vld.idx.msk [tilespmem:v9+s13+$0x0], $0xffff  }
0xfa: {  	s24 =	sadd.s32 $0x2, s23;
	v16 =	vand.u32 $0x7F, v17;
	v17 =	vld.idx.msk [tilespmem:v11+s12+$0x0], $0xffff;
	v6 =	vmul.f32 v12, v6;
	v5 =	vadd.f32 v5, v15  }
0xfb: {  	v11 =	vld.idx.msk [tilespmem:v11+s13+$0x0], $0xffff;
	v12 =	vadd.s32 s24, v0;
	v15 =	vor.u32 v4, v16  }
0xfc: {  	s26 =	sadd.s32 $0x3, s23;
	v12 =	vand.u32 $0x7F, v12;
	v16 =	vld.idx.msk [tilespmem:v13+s12+$0x0], $0xffff;
	v5 =	vadd.f32 v6, v5;
	v6 =	vmul.f32 v14, v7  }
0xfd: {  	v13 =	vld.idx.msk [tilespmem:v13+s13+$0x0], $0xffff;
	v12 =	vor.u32 v4, v12;
	v7 =	vadd.s32 s26, v0  }
0xfe: {  	s26 =	sadd.s32 $0x4, s23;
	v14 =	vld.idx.msk [tilespmem:v10+s12+$0x0], $0xffff;
	v7 =	vand.u32 $0x7F, v7;
	v5 =	vadd.f32 v6, v5;
	v6 =	vmul.f32 v9, v8  }
0xff: {  	v8 =	vadd.s32 s26, v0;
	v9 =	vld.idx.msk [tilespmem:v10+s13+$0x0], $0xffff;
	v7 =	vor.u32 v4, v7  }
0x100: {  	s26 =	sadd.s32 $0x5, s23;
	v10 =	vld.idx.msk [tilespmem:v15+s12+$0x0], $0xffff;
	v8 =	vand.u32 $0x7F, v8;
	v5 =	vadd.f32 v6, v5;
	v6 =	vmul.f32 v11, v17  }
0x101: {  	v15 =	vld.idx.msk [tilespmem:v15+s13+$0x0], $0xffff;
	v11 =	vadd.s32 s26, v0;
	v8 =	vor.u32 v4, v8  }
0x102: {  	s26 =	sadd.s32 $0x6, s23;
	v17 =	vld.idx.msk [tilespmem:v12+s12+$0x0], $0xffff;
	v11 =	vand.u32 $0x7F, v11;
	v5 =	vadd.f32 v6, v5;
	v6 =	vmul.f32 v13, v16  }
0x103: {  	v12 =	vld.idx.msk [tilespmem:v12+s13+$0x0], $0xffff;
	v13 =	vadd.s32 s26, v0;
	v11 =	vor.u32 v4, v11  }
0x104: {  	s26 =	sadd.s32 $0x7, s23;
	v16 =	vld.idx.msk [tilespmem:v7+s12+$0x0], $0xffff;
	v13 =	vand.u32 $0x7F, v13;
	v9 =	vmul.f32 v9, v14;
	v5 =	vadd.f32 v6, v5  }
0x105: {  	v7 =	vld.idx.msk [tilespmem:v7+s13+$0x0], $0xffff;
	v6 =	vadd.s32 s26, v0;
	v13 =	vor.u32 v4, v13  }
0x106: {  	v14 =	vld.idx.msk [tilespmem:v8+s12+$0x0], $0xffff;
	v6 =	vand.u32 $0x7F, v6;
	v5 =	vadd.f32 v9, v5;
	v9 =	vmul.f32 v15, v10  }
0x107: {  	v8 =	vld.idx.msk [tilespmem:v8+s13+$0x0], $0xffff;
	v6 =	vor.u32 v4, v6  }
0x108: {  	v10 =	vld.idx.msk [tilespmem:v11+s12+$0x0], $0xffff;
	v5 =	vadd.f32 v9, v5;
	v9 =	vmul.f32 v12, v17  }
0x109: {  	v11 =	vld.idx.msk [tilespmem:v11+s13+$0x0], $0xffff  }
0x10a: {  	v7 =	vmul.f32 v7, v16;
	v12 =	vld.idx.msk [tilespmem:v13+s12+$0x0], $0xffff;
	v5 =	vadd.f32 v9, v5  }
0x10b: {  	v9 =	vld.idx.msk [tilespmem:v13+s13+$0x0], $0xffff  }
0x10c: {  	v13 =	vld.idx.msk [tilespmem:v6+s12+$0x0], $0xffff;
	v5 =	vadd.f32 v7, v5;
	v7 =	vmul.f32 v8, v14  }
0x10d: {  	v6 =	vld.idx.msk [tilespmem:v6+s13+$0x0], $0xffff  }
0x10e: {  	v5 =	vadd.f32 v7, v5;
	v7 =	vmul.f32 v11, v10;
	_ =	sdelay $0x1  }
0x10f: {  	v5 =	vadd.f32 v7, v5;
	v7 =	vmul.f32 v9, v12;
	_ =	sdelay $0x1  }
0x110: {  	v6 =	vmul.f32 v6, v13;
	v5 =	vadd.f32 v7, v5;
	_ =	sdelay $0x1  }
0x111: {  	v5 =	vadd.f32 v6, v5;
	_ =	sdelay $0x1  }
0x112: {  	s24 =	simm.s32 $0x180;
	[tilespmem:$0xC830] =	vst v5  }
0x113: {  	[tilespmem:s12], [sflag:$0x1] =	stream.indirect.gather [hbm4b:s2+s11], $0x80, s24, s11, $0xb8;
	[tilespmem:$0xCA00] =	vst v63  }
0x114: {  	s23 =	simm.s32 $0x0;
	s26 =	simm.s32 $0x580  }
0x115: {  	v5 =	vadd.s32 s23, v0;
	[tilespmem:s13], [sflag:$0x1] =	stream.indirect.gather [hbm4b:s3+s11], $0x80, s26, s11, $0xb8;
	[tilespmem:$0xCA00] =	vst v63  }
0x116: {  	v5 =	vand.u32 $0x7F, v5;
	s24 =	simm.s32 $0x2;
	_ =	swait.ge [sflag:s25], $0x2000  }
0x117: {  	v5 =	vor.u32 v1, v5;
	v7 =	vadd.s32 s24, v0;
	s26 =	simm.s32 $0x1;
	[sflag:s25] =	ssyncset.done $0x0  }
0x118: {  	v7 =	vand.u32 $0x7F, v7;
	v6 =	vadd.s32 s26, v0;
	[sflag:s25] =	ssyncadd.s32 $0xFFFFE000  }
0x119: {  	v7 =	vor.u32 v1, v7;
	v6 =	vand.u32 $0x7F, v6;
	_ =	swait.ge [sflag:s25], $0x2000  }
0x11a: {  	s26 =	simm.s32 $0x3;
	v6 =	vor.u32 v1, v6;
	[sflag:s25] =	ssyncset.done $0x0  }
0x11b: {  	v8 =	vadd.s32 s26, v0;
	[sflag:s25] =	ssyncadd.s32 $0xFFFFE000  }
0x11c: {  	s24 =	simm.s32 $0x4;
	v8 =	vand.u32 $0x7F, v8;
	v11 =	vld.idx.msk [tilespmem:v5+s15+$0x0], $0xffff  }
0x11d: {  	v9 =	vadd.s32 s24, v0;
	v8 =	vor.u32 v1, v8;
	v12 =	vld.idx.msk [tilespmem:v5+s17+$0x0], $0xffff  }
0x11e: {  	s26 =	simm.s32 $0x5;
	v5 =	vand.u32 $0x7F, v9;
	v10 =	vld.idx.msk [tilespmem:v7+s17+$0x0], $0xffff  }
0x11f: {  	v9 =	vadd.s32 s26, v0;
	v13 =	vld.idx.msk [tilespmem:v6+s15+$0x0], $0xffff;
	v17 =	vor.u32 v1, v5  }
0x120: {  	s24 =	simm.s32 $0x6;
	v14 =	vld.idx.msk [tilespmem:v6+s17+$0x0], $0xffff;
	v6 =	vand.u32 $0x7F, v9  }
0x121: {  	v5 =	vld.idx.msk [tilespmem:v7+s15+$0x0], $0xffff;
	v7 =	vadd.s32 s24, v0;
	v9 =	vor.u32 v1, v6  }
0x122: {  	s26 =	simm.s32 $0x7;
	v6 =	vld.idx.msk [tilespmem:v8+s15+$0x0], $0xffff;
	v7 =	vand.u32 $0x7F, v7  }
0x123: {  	s23 =	simm.s32 $0x8;
	v16 =	vmul.f32 v12, v11;
	v12 =	vld.idx.msk [tilespmem:v8+s17+$0x0], $0xffff;
	v8 =	vadd.s32 s26, v0;
	v11 =	vor.u32 v1, v7  }
0x124: {  	v15 =	vimm.f32 $0.0e+00;
	v18 =	vadd.s32 s23, v0;
	v7 =	vld.idx.msk [tilespmem:v17+s15+$0x0], $0xffff;
	v8 =	vand.u32 $0x7F, v8  }
0x125: {  	s26 =	simm.s32 $0x9;
	v15 =	vadd.f32 v16, v15;
	v16 =	vmul.f32 v14, v13;
	v14 =	vld.idx.msk [tilespmem:v17+s17+$0x0], $0xffff;
	v13 =	vor.u32 v1, v8  }
0x126: {  	v18 =	vand.u32 $0x7F, v18;
	s24 =	simm.s32 $0x10;
	v17 =	vadd.s32 s26, v0;
	v8 =	vld.idx.msk [tilespmem:v9+s15+$0x0], $0xffff  }
.LBB2_10:
0x127: {  	p0 =	slt.u32 s24, $0x78;
	v18 =	vor.u32 v1, v18;
	s26 =	sadd.s32 $0x2, s23;
	v15 =	vadd.f32 v16, v15;
	v5 =	vmul.f32 v10, v5;
	v9 =	vld.idx.msk [tilespmem:v9+s17+$0x0], $0xffff  }
0x128: {  	v10 =	vand.u32 $0x7F, v17;
	v16 =	vadd.s32 s26, v0;
	v17 =	vld.idx.msk [tilespmem:v11+s15+$0x0], $0xffff  }
0x129: {  	v10 =	vor.u32 v1, v10;
	s26 =	sadd.s32 $0x3, s23;
	v6 =	vmul.f32 v12, v6;
	v5 =	vadd.f32 v5, v15;
	v11 =	vld.idx.msk [tilespmem:v11+s17+$0x0], $0xffff  }
0x12a: {  	v12 =	vand.u32 $0x7F, v16;
	v15 =	vadd.s32 s26, v0;
	v16 =	vld.idx.msk [tilespmem:v13+s15+$0x0], $0xffff  }
0x12b: {  	s26 =	sadd.s32 $0x4, s23;
	v12 =	vor.u32 v1, v12;
	v5 =	vadd.f32 v6, v5;
	v6 =	vmul.f32 v14, v7;
	v7 =	vld.idx.msk [tilespmem:v13+s17+$0x0], $0xffff  }
0x12c: {  	v14 =	vand.u32 $0x7F, v15;
	v15 =	vadd.s32 s26, v0;
	v13 =	vld.idx.msk [tilespmem:v18+s15+$0x0], $0xffff  }
0x12d: {  	s26 =	sadd.s32 $0x5, s23;
	v14 =	vor.u32 v1, v14;
	v18 =	vld.idx.msk [tilespmem:v18+s17+$0x0], $0xffff;
	v5 =	vadd.f32 v6, v5;
	v6 =	vmul.f32 v9, v8  }
0x12e: {  	v9 =	vand.u32 $0x7F, v15;
	v15 =	vadd.s32 s26, v0;
	v8 =	vld.idx.msk [tilespmem:v10+s15+$0x0], $0xffff  }
0x12f: {  	s26 =	sadd.s32 $0x6, s23;
	v20 =	vor.u32 v1, v9;
	v11 =	vmul.f32 v11, v17;
	v19 =	vld.idx.msk [tilespmem:v10+s17+$0x0], $0xffff;
	v6 =	vadd.f32 v6, v5  }
0x130: {  	v9 =	vand.u32 $0x7F, v15;
	v15 =	vadd.s32 s26, v0;
	v5 =	vld.idx.msk [tilespmem:v12+s15+$0x0], $0xffff  }
0x131: {  	s26 =	sadd.s32 $0x7, s23;
	s23 =	smov.u32 s24;
	v9 =	vor.u32 v1, v9;
	v7 =	vmul.f32 v7, v16;
	v10 =	vld.idx.msk [tilespmem:v12+s17+$0x0], $0xffff;
	v17 =	vadd.f32 v11, v6  }
.Ltmp4:
0x132: {  	v11 =	vand.u32 $0x7F, v15;
	v15 =	vadd.s32 s26, v0;
	v6 =	vld.idx.msk [tilespmem:v14+s15+$0x0], $0xffff;
	(pc) =	sbr.rel @p0 .LBB2_10-.Ltmp4, $4  }
0x133: {  	v13 =	vmul.f32 v18, v13;
	v11 =	vor.u32 v1, v11;
	v12 =	vld.idx.msk [tilespmem:v14+s17+$0x0], $0xffff;
	v14 =	vadd.f32 v7, v17  }
0x134: {  	v18 =	vand.u32 $0x7F, v15;
	v17 =	vadd.s32 s24, v0;
	v7 =	vld.idx.msk [tilespmem:v20+s15+$0x0], $0xffff  }
0x135: {  	s26 =	sadd.s32 $0x1, s24;
	v16 =	vmul.f32 v19, v8;
	v15 =	vadd.f32 v13, v14;
	v14 =	vld.idx.msk [tilespmem:v20+s17+$0x0], $0xffff;
	v13 =	vor.u32 v1, v18  }
0x136: {  	s24 =	sadd.s32 $0x8, s24;
	v18 =	vand.u32 $0x7F, v17;
	v17 =	vadd.s32 s26, v0;
	v8 =	vld.idx.msk [tilespmem:v9+s15+$0x0], $0xffff  }
0x137: {  	_ =	sdelay $0x2  }
0x138: {  	v15 =	vadd.f32 v16, v15;
	v5 =	vmul.f32 v10, v5  }
0x139: {  	v10 =	vor.u32 v1, v18;
	v9 =	vld.idx.msk [tilespmem:v9+s17+$0x0], $0xffff  }
0x13a: {  	s24 =	sadd.s32 $0x2, s23;
	v16 =	vand.u32 $0x7F, v17;
	v17 =	vld.idx.msk [tilespmem:v11+s15+$0x0], $0xffff;
	v6 =	vmul.f32 v12, v6;
	v5 =	vadd.f32 v5, v15  }
0x13b: {  	v11 =	vld.idx.msk [tilespmem:v11+s17+$0x0], $0xffff;
	v12 =	vadd.s32 s24, v0;
	v15 =	vor.u32 v1, v16  }
0x13c: {  	s26 =	sadd.s32 $0x3, s23;
	v12 =	vand.u32 $0x7F, v12;
	v16 =	vld.idx.msk [tilespmem:v13+s15+$0x0], $0xffff;
	v5 =	vadd.f32 v6, v5;
	v6 =	vmul.f32 v14, v7  }
0x13d: {  	v13 =	vld.idx.msk [tilespmem:v13+s17+$0x0], $0xffff;
	v12 =	vor.u32 v1, v12;
	v7 =	vadd.s32 s26, v0  }
0x13e: {  	s26 =	sadd.s32 $0x4, s23;
	v14 =	vld.idx.msk [tilespmem:v10+s15+$0x0], $0xffff;
	v7 =	vand.u32 $0x7F, v7;
	v5 =	vadd.f32 v6, v5;
	v6 =	vmul.f32 v9, v8  }
0x13f: {  	v8 =	vadd.s32 s26, v0;
	v9 =	vld.idx.msk [tilespmem:v10+s17+$0x0], $0xffff;
	v7 =	vor.u32 v1, v7  }
0x140: {  	s26 =	sadd.s32 $0x5, s23;
	v10 =	vld.idx.msk [tilespmem:v15+s15+$0x0], $0xffff;
	v8 =	vand.u32 $0x7F, v8;
	v5 =	vadd.f32 v6, v5;
	v6 =	vmul.f32 v11, v17  }
0x141: {  	v15 =	vld.idx.msk [tilespmem:v15+s17+$0x0], $0xffff;
	v11 =	vadd.s32 s26, v0;
	v8 =	vor.u32 v1, v8  }
0x142: {  	s26 =	sadd.s32 $0x6, s23;
	v17 =	vld.idx.msk [tilespmem:v12+s15+$0x0], $0xffff;
	v11 =	vand.u32 $0x7F, v11;
	v5 =	vadd.f32 v6, v5;
	v6 =	vmul.f32 v13, v16  }
0x143: {  	v12 =	vld.idx.msk [tilespmem:v12+s17+$0x0], $0xffff;
	v13 =	vadd.s32 s26, v0;
	v11 =	vor.u32 v1, v11  }
0x144: {  	v16 =	vld.idx.msk [tilespmem:v7+s15+$0x0], $0xffff;
	v13 =	vand.u32 $0x7F, v13;
	v9 =	vmul.f32 v9, v14;
	v5 =	vadd.f32 v6, v5  }
0x145: {  	s26 =	sadd.s32 $0x7, s23;
	v6 =	vld.idx.msk [tilespmem:v7+s17+$0x0], $0xffff;
	v7 =	vor.u32 v1, v13  }
0x146: {  	v13 =	vadd.s32 s26, v0;
	v14 =	vld.idx.msk [tilespmem:v8+s15+$0x0], $0xffff;
	v5 =	vadd.f32 v9, v5;
	v9 =	vmul.f32 v15, v10  }
0x147: {  	v8 =	vld.idx.msk [tilespmem:v8+s17+$0x0], $0xffff;
	v10 =	vand.u32 $0x7F, v13  }
0x148: {  	v10 =	vor.u32 v1, v10;
	v13 =	vld.idx.msk [tilespmem:v11+s15+$0x0], $0xffff;
	v5 =	vadd.f32 v9, v5;
	v9 =	vmul.f32 v12, v17  }
0x149: {  	v11 =	vld.idx.msk [tilespmem:v11+s17+$0x0], $0xffff  }
0x14a: {  	v12 =	vld.idx.msk [tilespmem:v7+s15+$0x0], $0xffff;
	v6 =	vmul.f32 v6, v16;
	v5 =	vadd.f32 v9, v5  }
0x14b: {  	v7 =	vld.idx.msk [tilespmem:v7+s17+$0x0], $0xffff  }
0x14c: {  	v5 =	vadd.f32 v6, v5;
	v6 =	vmul.f32 v8, v14  }
0x14d: {  	v8 =	vld.idx.msk [tilespmem:v10+s15+$0x0], $0xffff  }
0x14e: {  	v9 =	vld.idx.msk [tilespmem:v10+s17+$0x0], $0xffff;
	v5 =	vadd.f32 v6, v5;
	v6 =	vmul.f32 v11, v13;
	_ =	sdelay $0x1  }
0x14f: {  	s24 =	simm.s32 $0x0;
	v5 =	vadd.f32 v6, v5;
	v6 =	vmul.f32 v7, v12  }
0x150: {  	v7 =	vadd.s32 s24, v0  }
0x151: {  	s26 =	simm.s32 $0x1;
	v5 =	vadd.f32 v6, v5;
	v6 =	vand.u32 $0x7F, v7  }
0x152: {  	v7 =	vmul.f32 v9, v8;
	v8 =	vadd.s32 s26, v0;
	v6 =	vor.u32 v2, v6  }
0x153: {  	s24 =	simm.s32 $0x2;
	v8 =	vand.u32 $0x7F, v8  }
0x154: {  	v5 =	vadd.f32 v7, v5;
	v7 =	vadd.s32 s24, v0;
	v8 =	vor.u32 v2, v8  }
0x155: {  	s26 =	simm.s32 $0x3;
	v7 =	vand.u32 $0x7F, v7  }
0x156: {  	[tilespmem:$0xC840] =	vst v5;
	v5 =	vadd.s32 s26, v0;
	v7 =	vor.u32 v2, v7  }
0x157: {  	s24 =	simm.s32 $0x4;
	v5 =	vand.u32 $0x7F, v5;
	v11 =	vld.idx.msk [tilespmem:v6+s15+$0x0], $0xffff  }
0x158: {  	v9 =	vadd.s32 s24, v0;
	v12 =	vld.idx.msk [tilespmem:v6+s17+$0x0], $0xffff;
	v13 =	vor.u32 v2, v5  }
0x159: {  	s26 =	simm.s32 $0x5;
	v5 =	vand.u32 $0x7F, v9;
	v14 =	vld.idx.msk [tilespmem:v8+s15+$0x0], $0xffff  }
0x15a: {  	v6 =	vadd.s32 s26, v0;
	v8 =	vld.idx.msk [tilespmem:v8+s17+$0x0], $0xffff;
	v17 =	vor.u32 v2, v5  }
0x15b: {  	s24 =	simm.s32 $0x6;
	v6 =	vand.u32 $0x7F, v6;
	v5 =	vld.idx.msk [tilespmem:v7+s15+$0x0], $0xffff  }
0x15c: {  	v9 =	vor.u32 v2, v6;
	v10 =	vld.idx.msk [tilespmem:v7+s17+$0x0], $0xffff;
	v7 =	vadd.s32 s24, v0  }
0x15d: {  	s26 =	simm.s32 $0x7;
	v7 =	vand.u32 $0x7F, v7;
	v6 =	vld.idx.msk [tilespmem:v13+s15+$0x0], $0xffff  }
0x15e: {  	s23 =	simm.s32 $0x8;
	v16 =	vmul.f32 v12, v11;
	v12 =	vld.idx.msk [tilespmem:v13+s17+$0x0], $0xffff;
	v13 =	vadd.s32 s26, v0;
	v11 =	vor.u32 v2, v7  }
0x15f: {  	v18 =	vadd.s32 s23, v0;
	v15 =	vimm.f32 $0.0e+00;
	v7 =	vld.idx.msk [tilespmem:v17+s15+$0x0], $0xffff;
	v13 =	vand.u32 $0x7F, v13  }
0x160: {  	s26 =	simm.s32 $0x9;
	v15 =	vadd.f32 v16, v15;
	v16 =	vmul.f32 v8, v14;
	v14 =	vld.idx.msk [tilespmem:v17+s17+$0x0], $0xffff;
	v13 =	vor.u32 v2, v13  }
0x161: {  	v18 =	vand.u32 $0x7F, v18;
	s24 =	simm.s32 $0x10;
	v17 =	vadd.s32 s26, v0;
	v8 =	vld.idx.msk [tilespmem:v9+s15+$0x0], $0xffff  }
.LBB2_12:
0x162: {  	p0 =	slt.u32 s24, $0x78;
	v18 =	vor.u32 v2, v18;
	s26 =	sadd.s32 $0x2, s23;
	v15 =	vadd.f32 v16, v15;
	v5 =	vmul.f32 v10, v5;
	v9 =	vld.idx.msk [tilespmem:v9+s17+$0x0], $0xffff  }
0x163: {  	v10 =	vand.u32 $0x7F, v17;
	v16 =	vadd.s32 s26, v0;
	v17 =	vld.idx.msk [tilespmem:v11+s15+$0x0], $0xffff  }
0x164: {  	v10 =	vor.u32 v2, v10;
	s26 =	sadd.s32 $0x3, s23;
	v6 =	vmul.f32 v12, v6;
	v5 =	vadd.f32 v5, v15;
	v11 =	vld.idx.msk [tilespmem:v11+s17+$0x0], $0xffff  }
0x165: {  	v12 =	vand.u32 $0x7F, v16;
	v15 =	vadd.s32 s26, v0;
	v16 =	vld.idx.msk [tilespmem:v13+s15+$0x0], $0xffff  }
0x166: {  	s26 =	sadd.s32 $0x4, s23;
	v12 =	vor.u32 v2, v12;
	v5 =	vadd.f32 v6, v5;
	v6 =	vmul.f32 v14, v7;
	v7 =	vld.idx.msk [tilespmem:v13+s17+$0x0], $0xffff  }
0x167: {  	v14 =	vand.u32 $0x7F, v15;
	v15 =	vadd.s32 s26, v0;
	v13 =	vld.idx.msk [tilespmem:v18+s15+$0x0], $0xffff  }
0x168: {  	s26 =	sadd.s32 $0x5, s23;
	v14 =	vor.u32 v2, v14;
	v18 =	vld.idx.msk [tilespmem:v18+s17+$0x0], $0xffff;
	v5 =	vadd.f32 v6, v5;
	v6 =	vmul.f32 v9, v8  }
0x169: {  	v9 =	vand.u32 $0x7F, v15;
	v15 =	vadd.s32 s26, v0;
	v8 =	vld.idx.msk [tilespmem:v10+s15+$0x0], $0xffff  }
0x16a: {  	s26 =	sadd.s32 $0x6, s23;
	v20 =	vor.u32 v2, v9;
	v11 =	vmul.f32 v11, v17;
	v19 =	vld.idx.msk [tilespmem:v10+s17+$0x0], $0xffff;
	v6 =	vadd.f32 v6, v5  }
0x16b: {  	v9 =	vand.u32 $0x7F, v15;
	v15 =	vadd.s32 s26, v0;
	v5 =	vld.idx.msk [tilespmem:v12+s15+$0x0], $0xffff  }
0x16c: {  	s26 =	sadd.s32 $0x7, s23;
	s23 =	smov.u32 s24;
	v9 =	vor.u32 v2, v9;
	v7 =	vmul.f32 v7, v16;
	v10 =	vld.idx.msk [tilespmem:v12+s17+$0x0], $0xffff;
	v17 =	vadd.f32 v11, v6  }
.Ltmp5:
0x16d: {  	v11 =	vand.u32 $0x7F, v15;
	v15 =	vadd.s32 s26, v0;
	v6 =	vld.idx.msk [tilespmem:v14+s15+$0x0], $0xffff;
	(pc) =	sbr.rel @p0 .LBB2_12-.Ltmp5, $4  }
0x16e: {  	v13 =	vmul.f32 v18, v13;
	v11 =	vor.u32 v2, v11;
	v12 =	vld.idx.msk [tilespmem:v14+s17+$0x0], $0xffff;
	v14 =	vadd.f32 v7, v17  }
0x16f: {  	v18 =	vand.u32 $0x7F, v15;
	v17 =	vadd.s32 s24, v0;
	v7 =	vld.idx.msk [tilespmem:v20+s15+$0x0], $0xffff  }
0x170: {  	s26 =	sadd.s32 $0x1, s24;
	v16 =	vmul.f32 v19, v8;
	v15 =	vadd.f32 v13, v14;
	v14 =	vld.idx.msk [tilespmem:v20+s17+$0x0], $0xffff;
	v13 =	vor.u32 v2, v18  }
0x171: {  	s24 =	sadd.s32 $0x8, s24;
	v18 =	vand.u32 $0x7F, v17;
	v17 =	vadd.s32 s26, v0;
	v8 =	vld.idx.msk [tilespmem:v9+s15+$0x0], $0xffff  }
0x172: {  	_ =	sdelay $0x2  }
0x173: {  	v15 =	vadd.f32 v16, v15;
	v5 =	vmul.f32 v10, v5  }
0x174: {  	v10 =	vor.u32 v2, v18;
	v9 =	vld.idx.msk [tilespmem:v9+s17+$0x0], $0xffff  }
0x175: {  	s24 =	sadd.s32 $0x2, s23;
	v16 =	vand.u32 $0x7F, v17;
	v17 =	vld.idx.msk [tilespmem:v11+s15+$0x0], $0xffff;
	v6 =	vmul.f32 v12, v6;
	v5 =	vadd.f32 v5, v15  }
0x176: {  	v11 =	vld.idx.msk [tilespmem:v11+s17+$0x0], $0xffff;
	v12 =	vadd.s32 s24, v0;
	v15 =	vor.u32 v2, v16  }
0x177: {  	s26 =	sadd.s32 $0x3, s23;
	v12 =	vand.u32 $0x7F, v12;
	v16 =	vld.idx.msk [tilespmem:v13+s15+$0x0], $0xffff;
	v5 =	vadd.f32 v6, v5;
	v6 =	vmul.f32 v14, v7  }
0x178: {  	v13 =	vld.idx.msk [tilespmem:v13+s17+$0x0], $0xffff;
	v12 =	vor.u32 v2, v12;
	v7 =	vadd.s32 s26, v0  }
0x179: {  	s26 =	sadd.s32 $0x4, s23;
	v14 =	vld.idx.msk [tilespmem:v10+s15+$0x0], $0xffff;
	v7 =	vand.u32 $0x7F, v7;
	v5 =	vadd.f32 v6, v5;
	v6 =	vmul.f32 v9, v8  }
0x17a: {  	v8 =	vadd.s32 s26, v0;
	v9 =	vld.idx.msk [tilespmem:v10+s17+$0x0], $0xffff;
	v7 =	vor.u32 v2, v7  }
0x17b: {  	s26 =	sadd.s32 $0x5, s23;
	v10 =	vld.idx.msk [tilespmem:v15+s15+$0x0], $0xffff;
	v8 =	vand.u32 $0x7F, v8;
	v5 =	vadd.f32 v6, v5;
	v6 =	vmul.f32 v11, v17  }
0x17c: {  	v15 =	vld.idx.msk [tilespmem:v15+s17+$0x0], $0xffff;
	v11 =	vadd.s32 s26, v0;
	v8 =	vor.u32 v2, v8  }
0x17d: {  	s26 =	sadd.s32 $0x6, s23;
	v17 =	vld.idx.msk [tilespmem:v12+s15+$0x0], $0xffff;
	v11 =	vand.u32 $0x7F, v11;
	v5 =	vadd.f32 v6, v5;
	v6 =	vmul.f32 v13, v16  }
0x17e: {  	v12 =	vld.idx.msk [tilespmem:v12+s17+$0x0], $0xffff;
	v13 =	vadd.s32 s26, v0;
	v11 =	vor.u32 v2, v11  }
0x17f: {  	v16 =	vld.idx.msk [tilespmem:v7+s15+$0x0], $0xffff;
	v13 =	vand.u32 $0x7F, v13;
	v9 =	vmul.f32 v9, v14;
	v5 =	vadd.f32 v6, v5  }
0x180: {  	s26 =	sadd.s32 $0x7, s23;
	v6 =	vld.idx.msk [tilespmem:v7+s17+$0x0], $0xffff;
	v7 =	vor.u32 v2, v13  }
0x181: {  	v13 =	vadd.s32 s26, v0;
	v14 =	vld.idx.msk [tilespmem:v8+s15+$0x0], $0xffff;
	v5 =	vadd.f32 v9, v5;
	v9 =	vmul.f32 v15, v10  }
0x182: {  	v8 =	vld.idx.msk [tilespmem:v8+s17+$0x0], $0xffff;
	v10 =	vand.u32 $0x7F, v13  }
0x183: {  	v10 =	vor.u32 v2, v10;
	v13 =	vld.idx.msk [tilespmem:v11+s15+$0x0], $0xffff;
	v5 =	vadd.f32 v9, v5;
	v9 =	vmul.f32 v12, v17  }
0x184: {  	v11 =	vld.idx.msk [tilespmem:v11+s17+$0x0], $0xffff  }
0x185: {  	v12 =	vld.idx.msk [tilespmem:v7+s15+$0x0], $0xffff;
	v6 =	vmul.f32 v6, v16;
	v5 =	vadd.f32 v9, v5  }
0x186: {  	v7 =	vld.idx.msk [tilespmem:v7+s17+$0x0], $0xffff  }
0x187: {  	v5 =	vadd.f32 v6, v5;
	v6 =	vmul.f32 v8, v14  }
0x188: {  	v8 =	vld.idx.msk [tilespmem:v10+s15+$0x0], $0xffff  }
0x189: {  	v9 =	vld.idx.msk [tilespmem:v10+s17+$0x0], $0xffff;
	v5 =	vadd.f32 v6, v5;
	v6 =	vmul.f32 v11, v13;
	_ =	sdelay $0x1  }
0x18a: {  	s24 =	simm.s32 $0x0;
	v5 =	vadd.f32 v6, v5;
	v6 =	vmul.f32 v7, v12  }
0x18b: {  	v7 =	vadd.s32 s24, v0  }
0x18c: {  	s26 =	simm.s32 $0x1;
	v5 =	vadd.f32 v6, v5;
	v6 =	vand.u32 $0x7F, v7  }
0x18d: {  	v7 =	vmul.f32 v9, v8;
	v8 =	vadd.s32 s26, v0;
	v6 =	vor.u32 v3, v6  }
0x18e: {  	s24 =	simm.s32 $0x2;
	v8 =	vand.u32 $0x7F, v8  }
0x18f: {  	v5 =	vadd.f32 v7, v5;
	v7 =	vadd.s32 s24, v0;
	v8 =	vor.u32 v3, v8  }
0x190: {  	s26 =	simm.s32 $0x3;
	v7 =	vand.u32 $0x7F, v7  }
0x191: {  	[tilespmem:$0xC850] =	vst v5;
	v5 =	vadd.s32 s26, v0;
	v7 =	vor.u32 v3, v7  }
0x192: {  	s24 =	simm.s32 $0x4;
	v5 =	vand.u32 $0x7F, v5;
	v11 =	vld.idx.msk [tilespmem:v6+s15+$0x0], $0xffff  }
0x193: {  	v9 =	vadd.s32 s24, v0;
	v12 =	vld.idx.msk [tilespmem:v6+s17+$0x0], $0xffff;
	v13 =	vor.u32 v3, v5  }
0x194: {  	s26 =	simm.s32 $0x5;
	v5 =	vand.u32 $0x7F, v9;
	v14 =	vld.idx.msk [tilespmem:v8+s15+$0x0], $0xffff  }
0x195: {  	v6 =	vadd.s32 s26, v0;
	v8 =	vld.idx.msk [tilespmem:v8+s17+$0x0], $0xffff;
	v17 =	vor.u32 v3, v5  }
0x196: {  	s24 =	simm.s32 $0x6;
	v6 =	vand.u32 $0x7F, v6;
	v5 =	vld.idx.msk [tilespmem:v7+s15+$0x0], $0xffff  }
0x197: {  	v9 =	vor.u32 v3, v6;
	v10 =	vld.idx.msk [tilespmem:v7+s17+$0x0], $0xffff;
	v7 =	vadd.s32 s24, v0  }
0x198: {  	s26 =	simm.s32 $0x7;
	v7 =	vand.u32 $0x7F, v7;
	v6 =	vld.idx.msk [tilespmem:v13+s15+$0x0], $0xffff  }
0x199: {  	s23 =	simm.s32 $0x8;
	v16 =	vmul.f32 v12, v11;
	v12 =	vld.idx.msk [tilespmem:v13+s17+$0x0], $0xffff;
	v13 =	vadd.s32 s26, v0;
	v11 =	vor.u32 v3, v7  }
0x19a: {  	v18 =	vadd.s32 s23, v0;
	v15 =	vimm.f32 $0.0e+00;
	v7 =	vld.idx.msk [tilespmem:v17+s15+$0x0], $0xffff;
	v13 =	vand.u32 $0x7F, v13  }
0x19b: {  	s26 =	simm.s32 $0x9;
	v15 =	vadd.f32 v16, v15;
	v16 =	vmul.f32 v8, v14;
	v14 =	vld.idx.msk [tilespmem:v17+s17+$0x0], $0xffff;
	v13 =	vor.u32 v3, v13  }
0x19c: {  	v18 =	vand.u32 $0x7F, v18;
	s24 =	simm.s32 $0x10;
	v17 =	vadd.s32 s26, v0;
	v8 =	vld.idx.msk [tilespmem:v9+s15+$0x0], $0xffff  }
.LBB2_14:
0x19d: {  	p0 =	slt.u32 s24, $0x78;
	v18 =	vor.u32 v3, v18;
	s26 =	sadd.s32 $0x2, s23;
	v15 =	vadd.f32 v16, v15;
	v5 =	vmul.f32 v10, v5;
	v9 =	vld.idx.msk [tilespmem:v9+s17+$0x0], $0xffff  }
0x19e: {  	v10 =	vand.u32 $0x7F, v17;
	v16 =	vadd.s32 s26, v0;
	v17 =	vld.idx.msk [tilespmem:v11+s15+$0x0], $0xffff  }
0x19f: {  	v10 =	vor.u32 v3, v10;
	s26 =	sadd.s32 $0x3, s23;
	v6 =	vmul.f32 v12, v6;
	v5 =	vadd.f32 v5, v15;
	v11 =	vld.idx.msk [tilespmem:v11+s17+$0x0], $0xffff  }
0x1a0: {  	v12 =	vand.u32 $0x7F, v16;
	v15 =	vadd.s32 s26, v0;
	v16 =	vld.idx.msk [tilespmem:v13+s15+$0x0], $0xffff  }
0x1a1: {  	s26 =	sadd.s32 $0x4, s23;
	v12 =	vor.u32 v3, v12;
	v5 =	vadd.f32 v6, v5;
	v6 =	vmul.f32 v14, v7;
	v7 =	vld.idx.msk [tilespmem:v13+s17+$0x0], $0xffff  }
0x1a2: {  	v14 =	vand.u32 $0x7F, v15;
	v15 =	vadd.s32 s26, v0;
	v13 =	vld.idx.msk [tilespmem:v18+s15+$0x0], $0xffff  }
0x1a3: {  	s26 =	sadd.s32 $0x5, s23;
	v14 =	vor.u32 v3, v14;
	v18 =	vld.idx.msk [tilespmem:v18+s17+$0x0], $0xffff;
	v5 =	vadd.f32 v6, v5;
	v6 =	vmul.f32 v9, v8  }
0x1a4: {  	v9 =	vand.u32 $0x7F, v15;
	v15 =	vadd.s32 s26, v0;
	v8 =	vld.idx.msk [tilespmem:v10+s15+$0x0], $0xffff  }
0x1a5: {  	s26 =	sadd.s32 $0x6, s23;
	v20 =	vor.u32 v3, v9;
	v11 =	vmul.f32 v11, v17;
	v19 =	vld.idx.msk [tilespmem:v10+s17+$0x0], $0xffff;
	v6 =	vadd.f32 v6, v5  }
0x1a6: {  	v9 =	vand.u32 $0x7F, v15;
	v15 =	vadd.s32 s26, v0;
	v5 =	vld.idx.msk [tilespmem:v12+s15+$0x0], $0xffff  }
0x1a7: {  	s26 =	sadd.s32 $0x7, s23;
	s23 =	smov.u32 s24;
	v9 =	vor.u32 v3, v9;
	v7 =	vmul.f32 v7, v16;
	v10 =	vld.idx.msk [tilespmem:v12+s17+$0x0], $0xffff;
	v17 =	vadd.f32 v11, v6  }
.Ltmp6:
0x1a8: {  	v11 =	vand.u32 $0x7F, v15;
	v15 =	vadd.s32 s26, v0;
	v6 =	vld.idx.msk [tilespmem:v14+s15+$0x0], $0xffff;
	(pc) =	sbr.rel @p0 .LBB2_14-.Ltmp6, $4  }
0x1a9: {  	v13 =	vmul.f32 v18, v13;
	v11 =	vor.u32 v3, v11;
	v12 =	vld.idx.msk [tilespmem:v14+s17+$0x0], $0xffff;
	v14 =	vadd.f32 v7, v17  }
0x1aa: {  	v18 =	vand.u32 $0x7F, v15;
	v17 =	vadd.s32 s24, v0;
	v7 =	vld.idx.msk [tilespmem:v20+s15+$0x0], $0xffff  }
0x1ab: {  	s26 =	sadd.s32 $0x1, s24;
	v16 =	vmul.f32 v19, v8;
	v15 =	vadd.f32 v13, v14;
	v14 =	vld.idx.msk [tilespmem:v20+s17+$0x0], $0xffff;
	v13 =	vor.u32 v3, v18  }
0x1ac: {  	s24 =	sadd.s32 $0x8, s24;
	v18 =	vand.u32 $0x7F, v17;
	v17 =	vadd.s32 s26, v0;
	v8 =	vld.idx.msk [tilespmem:v9+s15+$0x0], $0xffff  }
0x1ad: {  	_ =	sdelay $0x2  }
0x1ae: {  	v15 =	vadd.f32 v16, v15;
	v5 =	vmul.f32 v10, v5  }
0x1af: {  	v10 =	vor.u32 v3, v18;
	v9 =	vld.idx.msk [tilespmem:v9+s17+$0x0], $0xffff  }
0x1b0: {  	s24 =	sadd.s32 $0x2, s23;
	v16 =	vand.u32 $0x7F, v17;
	v17 =	vld.idx.msk [tilespmem:v11+s15+$0x0], $0xffff;
	v6 =	vmul.f32 v12, v6;
	v5 =	vadd.f32 v5, v15  }
0x1b1: {  	v11 =	vld.idx.msk [tilespmem:v11+s17+$0x0], $0xffff;
	v12 =	vadd.s32 s24, v0;
	v15 =	vor.u32 v3, v16  }
0x1b2: {  	s26 =	sadd.s32 $0x3, s23;
	v12 =	vand.u32 $0x7F, v12;
	v16 =	vld.idx.msk [tilespmem:v13+s15+$0x0], $0xffff;
	v5 =	vadd.f32 v6, v5;
	v6 =	vmul.f32 v14, v7  }
0x1b3: {  	v13 =	vld.idx.msk [tilespmem:v13+s17+$0x0], $0xffff;
	v12 =	vor.u32 v3, v12;
	v7 =	vadd.s32 s26, v0  }
0x1b4: {  	s26 =	sadd.s32 $0x4, s23;
	v14 =	vld.idx.msk [tilespmem:v10+s15+$0x0], $0xffff;
	v7 =	vand.u32 $0x7F, v7;
	v5 =	vadd.f32 v6, v5;
	v6 =	vmul.f32 v9, v8  }
0x1b5: {  	v8 =	vadd.s32 s26, v0;
	v9 =	vld.idx.msk [tilespmem:v10+s17+$0x0], $0xffff;
	v7 =	vor.u32 v3, v7  }
0x1b6: {  	s26 =	sadd.s32 $0x5, s23;
	v10 =	vld.idx.msk [tilespmem:v15+s15+$0x0], $0xffff;
	v8 =	vand.u32 $0x7F, v8;
	v5 =	vadd.f32 v6, v5;
	v6 =	vmul.f32 v11, v17  }
0x1b7: {  	v15 =	vld.idx.msk [tilespmem:v15+s17+$0x0], $0xffff;
	v11 =	vadd.s32 s26, v0;
	v8 =	vor.u32 v3, v8  }
0x1b8: {  	s26 =	sadd.s32 $0x6, s23;
	v17 =	vld.idx.msk [tilespmem:v12+s15+$0x0], $0xffff;
	v11 =	vand.u32 $0x7F, v11;
	v5 =	vadd.f32 v6, v5;
	v6 =	vmul.f32 v13, v16  }
0x1b9: {  	v12 =	vld.idx.msk [tilespmem:v12+s17+$0x0], $0xffff;
	v13 =	vadd.s32 s26, v0;
	v11 =	vor.u32 v3, v11  }
0x1ba: {  	v16 =	vld.idx.msk [tilespmem:v7+s15+$0x0], $0xffff;
	v13 =	vand.u32 $0x7F, v13;
	v9 =	vmul.f32 v9, v14;
	v5 =	vadd.f32 v6, v5  }
0x1bb: {  	s26 =	sadd.s32 $0x7, s23;
	v6 =	vld.idx.msk [tilespmem:v7+s17+$0x0], $0xffff;
	v7 =	vor.u32 v3, v13  }
0x1bc: {  	v13 =	vadd.s32 s26, v0;
	v14 =	vld.idx.msk [tilespmem:v8+s15+$0x0], $0xffff;
	v5 =	vadd.f32 v9, v5;
	v9 =	vmul.f32 v15, v10  }
0x1bd: {  	v8 =	vld.idx.msk [tilespmem:v8+s17+$0x0], $0xffff;
	v10 =	vand.u32 $0x7F, v13  }
0x1be: {  	v10 =	vor.u32 v3, v10;
	v13 =	vld.idx.msk [tilespmem:v11+s15+$0x0], $0xffff;
	v5 =	vadd.f32 v9, v5;
	v9 =	vmul.f32 v12, v17  }
0x1bf: {  	v11 =	vld.idx.msk [tilespmem:v11+s17+$0x0], $0xffff  }
0x1c0: {  	v12 =	vld.idx.msk [tilespmem:v7+s15+$0x0], $0xffff;
	v6 =	vmul.f32 v6, v16;
	v5 =	vadd.f32 v9, v5  }
0x1c1: {  	v7 =	vld.idx.msk [tilespmem:v7+s17+$0x0], $0xffff  }
0x1c2: {  	v5 =	vadd.f32 v6, v5;
	v6 =	vmul.f32 v8, v14  }
0x1c3: {  	v8 =	vld.idx.msk [tilespmem:v10+s15+$0x0], $0xffff  }
0x1c4: {  	v9 =	vld.idx.msk [tilespmem:v10+s17+$0x0], $0xffff;
	v5 =	vadd.f32 v6, v5;
	v6 =	vmul.f32 v11, v13;
	_ =	sdelay $0x1  }
0x1c5: {  	s24 =	simm.s32 $0x0;
	v5 =	vadd.f32 v6, v5;
	v6 =	vmul.f32 v7, v12  }
0x1c6: {  	v7 =	vadd.s32 s24, v0  }
0x1c7: {  	s26 =	simm.s32 $0x1;
	v5 =	vadd.f32 v6, v5;
	v6 =	vand.u32 $0x7F, v7  }
0x1c8: {  	v7 =	vmul.f32 v9, v8;
	v8 =	vadd.s32 s26, v0;
	v6 =	vor.u32 v4, v6  }
0x1c9: {  	s24 =	simm.s32 $0x2;
	v8 =	vand.u32 $0x7F, v8  }
0x1ca: {  	v5 =	vadd.f32 v7, v5;
	v7 =	vadd.s32 s24, v0;
	v8 =	vor.u32 v4, v8  }
0x1cb: {  	s26 =	simm.s32 $0x3;
	v7 =	vand.u32 $0x7F, v7  }
0x1cc: {  	[tilespmem:$0xC860] =	vst v5;
	v5 =	vadd.s32 s26, v0;
	v7 =	vor.u32 v4, v7  }
0x1cd: {  	s24 =	simm.s32 $0x4;
	v5 =	vand.u32 $0x7F, v5;
	v11 =	vld.idx.msk [tilespmem:v6+s15+$0x0], $0xffff  }
0x1ce: {  	v9 =	vadd.s32 s24, v0;
	v12 =	vld.idx.msk [tilespmem:v6+s17+$0x0], $0xffff;
	v13 =	vor.u32 v4, v5  }
0x1cf: {  	s26 =	simm.s32 $0x5;
	v5 =	vand.u32 $0x7F, v9;
	v14 =	vld.idx.msk [tilespmem:v8+s15+$0x0], $0xffff  }
0x1d0: {  	v6 =	vadd.s32 s26, v0;
	v8 =	vld.idx.msk [tilespmem:v8+s17+$0x0], $0xffff;
	v17 =	vor.u32 v4, v5  }
0x1d1: {  	s24 =	simm.s32 $0x6;
	v6 =	vand.u32 $0x7F, v6;
	v5 =	vld.idx.msk [tilespmem:v7+s15+$0x0], $0xffff  }
0x1d2: {  	v9 =	vor.u32 v4, v6;
	v10 =	vld.idx.msk [tilespmem:v7+s17+$0x0], $0xffff;
	v7 =	vadd.s32 s24, v0  }
0x1d3: {  	s26 =	simm.s32 $0x7;
	v7 =	vand.u32 $0x7F, v7;
	v6 =	vld.idx.msk [tilespmem:v13+s15+$0x0], $0xffff  }
0x1d4: {  	s23 =	simm.s32 $0x8;
	v16 =	vmul.f32 v12, v11;
	v12 =	vld.idx.msk [tilespmem:v13+s17+$0x0], $0xffff;
	v13 =	vadd.s32 s26, v0;
	v11 =	vor.u32 v4, v7  }
0x1d5: {  	v18 =	vadd.s32 s23, v0;
	v15 =	vimm.f32 $0.0e+00;
	v7 =	vld.idx.msk [tilespmem:v17+s15+$0x0], $0xffff;
	v13 =	vand.u32 $0x7F, v13  }
0x1d6: {  	s26 =	simm.s32 $0x9;
	v15 =	vadd.f32 v16, v15;
	v16 =	vmul.f32 v8, v14;
	v14 =	vld.idx.msk [tilespmem:v17+s17+$0x0], $0xffff;
	v13 =	vor.u32 v4, v13  }
0x1d7: {  	v18 =	vand.u32 $0x7F, v18;
	s24 =	simm.s32 $0x10;
	v17 =	vadd.s32 s26, v0;
	v8 =	vld.idx.msk [tilespmem:v9+s15+$0x0], $0xffff  }
.LBB2_16:
0x1d8: {  	p0 =	slt.u32 s24, $0x78;
	v18 =	vor.u32 v4, v18;
	s26 =	sadd.s32 $0x2, s23;
	v15 =	vadd.f32 v16, v15;
	v5 =	vmul.f32 v10, v5;
	v9 =	vld.idx.msk [tilespmem:v9+s17+$0x0], $0xffff  }
0x1d9: {  	v10 =	vand.u32 $0x7F, v17;
	v16 =	vadd.s32 s26, v0;
	v17 =	vld.idx.msk [tilespmem:v11+s15+$0x0], $0xffff  }
0x1da: {  	v10 =	vor.u32 v4, v10;
	s26 =	sadd.s32 $0x3, s23;
	v6 =	vmul.f32 v12, v6;
	v5 =	vadd.f32 v5, v15;
	v11 =	vld.idx.msk [tilespmem:v11+s17+$0x0], $0xffff  }
0x1db: {  	v12 =	vand.u32 $0x7F, v16;
	v15 =	vadd.s32 s26, v0;
	v16 =	vld.idx.msk [tilespmem:v13+s15+$0x0], $0xffff  }
0x1dc: {  	s26 =	sadd.s32 $0x4, s23;
	v12 =	vor.u32 v4, v12;
	v5 =	vadd.f32 v6, v5;
	v6 =	vmul.f32 v14, v7;
	v7 =	vld.idx.msk [tilespmem:v13+s17+$0x0], $0xffff  }
0x1dd: {  	v14 =	vand.u32 $0x7F, v15;
	v15 =	vadd.s32 s26, v0;
	v13 =	vld.idx.msk [tilespmem:v18+s15+$0x0], $0xffff  }
0x1de: {  	s26 =	sadd.s32 $0x5, s23;
	v14 =	vor.u32 v4, v14;
	v18 =	vld.idx.msk [tilespmem:v18+s17+$0x0], $0xffff;
	v5 =	vadd.f32 v6, v5;
	v6 =	vmul.f32 v9, v8  }
0x1df: {  	v9 =	vand.u32 $0x7F, v15;
	v15 =	vadd.s32 s26, v0;
	v8 =	vld.idx.msk [tilespmem:v10+s15+$0x0], $0xffff  }
0x1e0: {  	s26 =	sadd.s32 $0x6, s23;
	v20 =	vor.u32 v4, v9;
	v11 =	vmul.f32 v11, v17;
	v19 =	vld.idx.msk [tilespmem:v10+s17+$0x0], $0xffff;
	v6 =	vadd.f32 v6, v5  }
0x1e1: {  	v9 =	vand.u32 $0x7F, v15;
	v15 =	vadd.s32 s26, v0;
	v5 =	vld.idx.msk [tilespmem:v12+s15+$0x0], $0xffff  }
0x1e2: {  	s26 =	sadd.s32 $0x7, s23;
	s23 =	smov.u32 s24;
	v9 =	vor.u32 v4, v9;
	v7 =	vmul.f32 v7, v16;
	v10 =	vld.idx.msk [tilespmem:v12+s17+$0x0], $0xffff;
	v17 =	vadd.f32 v11, v6  }
.Ltmp7:
0x1e3: {  	v11 =	vand.u32 $0x7F, v15;
	v15 =	vadd.s32 s26, v0;
	v6 =	vld.idx.msk [tilespmem:v14+s15+$0x0], $0xffff;
	(pc) =	sbr.rel @p0 .LBB2_16-.Ltmp7, $4  }
0x1e4: {  	v13 =	vmul.f32 v18, v13;
	v11 =	vor.u32 v4, v11;
	v12 =	vld.idx.msk [tilespmem:v14+s17+$0x0], $0xffff;
	v14 =	vadd.f32 v7, v17  }
0x1e5: {  	v18 =	vand.u32 $0x7F, v15;
	v17 =	vadd.s32 s24, v0;
	v7 =	vld.idx.msk [tilespmem:v20+s15+$0x0], $0xffff  }
0x1e6: {  	s26 =	sadd.s32 $0x1, s24;
	v16 =	vmul.f32 v19, v8;
	v15 =	vadd.f32 v13, v14;
	v14 =	vld.idx.msk [tilespmem:v20+s17+$0x0], $0xffff;
	v13 =	vor.u32 v4, v18  }
0x1e7: {  	s24 =	sadd.s32 $0x8, s24;
	v18 =	vand.u32 $0x7F, v17;
	v17 =	vadd.s32 s26, v0;
	v8 =	vld.idx.msk [tilespmem:v9+s15+$0x0], $0xffff  }
0x1e8: {  	_ =	sdelay $0x2  }
0x1e9: {  	v15 =	vadd.f32 v16, v15;
	v5 =	vmul.f32 v10, v5  }
0x1ea: {  	v10 =	vor.u32 v4, v18;
	v9 =	vld.idx.msk [tilespmem:v9+s17+$0x0], $0xffff  }
0x1eb: {  	s24 =	sadd.s32 $0x2, s23;
	v16 =	vand.u32 $0x7F, v17;
	v17 =	vld.idx.msk [tilespmem:v11+s15+$0x0], $0xffff;
	v6 =	vmul.f32 v12, v6;
	v5 =	vadd.f32 v5, v15  }
0x1ec: {  	v11 =	vld.idx.msk [tilespmem:v11+s17+$0x0], $0xffff;
	v12 =	vadd.s32 s24, v0;
	v15 =	vor.u32 v4, v16  }
0x1ed: {  	s26 =	sadd.s32 $0x3, s23;
	v12 =	vand.u32 $0x7F, v12;
	v16 =	vld.idx.msk [tilespmem:v13+s15+$0x0], $0xffff;
	v5 =	vadd.f32 v6, v5;
	v6 =	vmul.f32 v14, v7  }
0x1ee: {  	v13 =	vld.idx.msk [tilespmem:v13+s17+$0x0], $0xffff;
	v12 =	vor.u32 v4, v12;
	v7 =	vadd.s32 s26, v0  }
0x1ef: {  	s26 =	sadd.s32 $0x4, s23;
	v14 =	vld.idx.msk [tilespmem:v10+s15+$0x0], $0xffff;
	v7 =	vand.u32 $0x7F, v7;
	v5 =	vadd.f32 v6, v5;
	v6 =	vmul.f32 v9, v8  }
0x1f0: {  	v8 =	vadd.s32 s26, v0;
	v9 =	vld.idx.msk [tilespmem:v10+s17+$0x0], $0xffff;
	v7 =	vor.u32 v4, v7  }
0x1f1: {  	s26 =	sadd.s32 $0x5, s23;
	v10 =	vld.idx.msk [tilespmem:v15+s15+$0x0], $0xffff;
	v8 =	vand.u32 $0x7F, v8;
	v5 =	vadd.f32 v6, v5;
	v6 =	vmul.f32 v11, v17  }
0x1f2: {  	v15 =	vld.idx.msk [tilespmem:v15+s17+$0x0], $0xffff;
	v11 =	vadd.s32 s26, v0;
	v8 =	vor.u32 v4, v8  }
0x1f3: {  	s26 =	sadd.s32 $0x6, s23;
	v17 =	vld.idx.msk [tilespmem:v12+s15+$0x0], $0xffff;
	v11 =	vand.u32 $0x7F, v11;
	v5 =	vadd.f32 v6, v5;
	v6 =	vmul.f32 v13, v16  }
0x1f4: {  	v12 =	vld.idx.msk [tilespmem:v12+s17+$0x0], $0xffff;
	v13 =	vadd.s32 s26, v0;
	v11 =	vor.u32 v4, v11  }
0x1f5: {  	s24 =	sadd.s32 $0x7, s23;
	v16 =	vld.idx.msk [tilespmem:v7+s15+$0x0], $0xffff;
	v13 =	vand.u32 $0x7F, v13;
	v9 =	vmul.f32 v9, v14;
	v5 =	vadd.f32 v6, v5  }
0x1f6: {  	v7 =	vld.idx.msk [tilespmem:v7+s17+$0x0], $0xffff;
	v6 =	vadd.s32 s24, v0;
	v13 =	vor.u32 v4, v13  }
0x1f7: {  	v14 =	vld.idx.msk [tilespmem:v8+s15+$0x0], $0xffff;
	v6 =	vand.u32 $0x7F, v6;
	v5 =	vadd.f32 v9, v5;
	v9 =	vmul.f32 v15, v10  }
0x1f8: {  	v8 =	vld.idx.msk [tilespmem:v8+s17+$0x0], $0xffff;
	v6 =	vor.u32 v4, v6  }
0x1f9: {  	v10 =	vld.idx.msk [tilespmem:v11+s15+$0x0], $0xffff;
	v5 =	vadd.f32 v9, v5;
	v9 =	vmul.f32 v12, v17  }
0x1fa: {  	v11 =	vld.idx.msk [tilespmem:v11+s17+$0x0], $0xffff  }
0x1fb: {  	v7 =	vmul.f32 v7, v16;
	v12 =	vld.idx.msk [tilespmem:v13+s15+$0x0], $0xffff;
	v5 =	vadd.f32 v9, v5  }
0x1fc: {  	v9 =	vld.idx.msk [tilespmem:v13+s17+$0x0], $0xffff  }
0x1fd: {  	v13 =	vld.idx.msk [tilespmem:v6+s15+$0x0], $0xffff;
	v5 =	vadd.f32 v7, v5;
	v7 =	vmul.f32 v8, v14  }
0x1fe: {  	v6 =	vld.idx.msk [tilespmem:v6+s17+$0x0], $0xffff  }
0x1ff: {  	v5 =	vadd.f32 v7, v5;
	v7 =	vmul.f32 v11, v10;
	_ =	sdelay $0x1  }
0x200: {  	v5 =	vadd.f32 v7, v5;
	v7 =	vmul.f32 v9, v12;
	_ =	sdelay $0x1  }
0x201: {  	v6 =	vmul.f32 v6, v13;
	v5 =	vadd.f32 v7, v5;
	_ =	sdelay $0x1  }
0x202: {  	v5 =	vadd.f32 v6, v5;
	_ =	sdelay $0x1  }
0x203: {  	s26 =	simm.s32 $0x200;
	[tilespmem:$0xC870] =	vst v5  }
0x204: {  	[tilespmem:s15], [sflag:$0x2] =	stream.indirect.gather [hbm4b:s2+s11], $0x80, s26, s11, $0xb8;
	[tilespmem:$0xCA00] =	vst v63  }
0x205: {  	s24 =	simm.s32 $0x0  }
0x206: {  	v5 =	vadd.s32 s24, v0;
	[tilespmem:s17], [sflag:$0x2] =	stream.indirect.gather [hbm4b:s3+s11], $0x80, s28, s11, $0xb8;
	[tilespmem:$0xCA00] =	vst v63  }
0x207: {  	s26 =	simm.s32 $0x1;
	v5 =	vand.u32 $0x7F, v5;
	_ =	swait.ge [sflag:s29], $0x2000  }
0x208: {  	v6 =	vadd.s32 s26, v0;
	v5 =	vor.u32 v1, v5;
	[sflag:s29] =	ssyncset.done $0x0  }
0x209: {  	s24 =	simm.s32 $0x2;
	v6 =	vand.u32 $0x7F, v6;
	[sflag:s29] =	ssyncadd.s32 $0xFFFFE000  }
0x20a: {  	v7 =	vadd.s32 s24, v0;
	v6 =	vor.u32 v1, v6;
	_ =	swait.ge [sflag:s29], $0x2000  }
0x20b: {  	s26 =	simm.s32 $0x3;
	v7 =	vand.u32 $0x7F, v7;
	[sflag:s29] =	ssyncset.done $0x0  }
0x20c: {  	v8 =	vadd.s32 s26, v0;
	v7 =	vor.u32 v1, v7;
	[sflag:s29] =	ssyncadd.s32 $0xFFFFE000  }
0x20d: {  	s24 =	simm.s32 $0x4;
	v8 =	vand.u32 $0x7F, v8;
	v11 =	vld.idx.msk [tilespmem:v5+s19+$0x0], $0xffff  }
0x20e: {  	v9 =	vadd.s32 s24, v0;
	v8 =	vor.u32 v1, v8;
	v12 =	vld.idx.msk [tilespmem:v5+s21+$0x0], $0xffff  }
0x20f: {  	s26 =	simm.s32 $0x5;
	v13 =	vld.idx.msk [tilespmem:v6+s19+$0x0], $0xffff;
	v5 =	vand.u32 $0x7F, v9  }
0x210: {  	v9 =	vadd.s32 s26, v0;
	v14 =	vld.idx.msk [tilespmem:v6+s21+$0x0], $0xffff;
	v17 =	vor.u32 v1, v5  }
0x211: {  	s24 =	simm.s32 $0x6;
	v10 =	vld.idx.msk [tilespmem:v7+s21+$0x0], $0xffff;
	v6 =	vand.u32 $0x7F, v9  }
0x212: {  	v5 =	vld.idx.msk [tilespmem:v7+s19+$0x0], $0xffff;
	v7 =	vadd.s32 s24, v0;
	v9 =	vor.u32 v1, v6  }
0x213: {  	s26 =	simm.s32 $0x7;
	v6 =	vld.idx.msk [tilespmem:v8+s19+$0x0], $0xffff;
	v7 =	vand.u32 $0x7F, v7  }
0x214: {  	s23 =	simm.s32 $0x8;
	v16 =	vmul.f32 v12, v11;
	v12 =	vld.idx.msk [tilespmem:v8+s21+$0x0], $0xffff;
	v8 =	vadd.s32 s26, v0;
	v11 =	vor.u32 v1, v7  }
0x215: {  	v18 =	vadd.s32 s23, v0;
	v15 =	vimm.f32 $0.0e+00;
	v7 =	vld.idx.msk [tilespmem:v17+s19+$0x0], $0xffff;
	v8 =	vand.u32 $0x7F, v8  }
0x216: {  	s26 =	simm.s32 $0x9;
	v15 =	vadd.f32 v16, v15;
	v16 =	vmul.f32 v14, v13;
	v14 =	vld.idx.msk [tilespmem:v17+s21+$0x0], $0xffff;
	v13 =	vor.u32 v1, v8  }
0x217: {  	v18 =	vand.u32 $0x7F, v18;
	s24 =	simm.s32 $0x10;
	v17 =	vadd.s32 s26, v0;
	v8 =	vld.idx.msk [tilespmem:v9+s19+$0x0], $0xffff  }
.LBB2_18:
0x218: {  	p0 =	slt.u32 s24, $0x78;
	v18 =	vor.u32 v1, v18;
	s26 =	sadd.s32 $0x2, s23;
	v15 =	vadd.f32 v16, v15;
	v5 =	vmul.f32 v10, v5;
	v9 =	vld.idx.msk [tilespmem:v9+s21+$0x0], $0xffff  }
0x219: {  	v10 =	vand.u32 $0x7F, v17;
	v16 =	vadd.s32 s26, v0;
	v17 =	vld.idx.msk [tilespmem:v11+s19+$0x0], $0xffff  }
0x21a: {  	v10 =	vor.u32 v1, v10;
	s26 =	sadd.s32 $0x3, s23;
	v6 =	vmul.f32 v12, v6;
	v5 =	vadd.f32 v5, v15;
	v11 =	vld.idx.msk [tilespmem:v11+s21+$0x0], $0xffff  }
0x21b: {  	v12 =	vand.u32 $0x7F, v16;
	v15 =	vadd.s32 s26, v0;
	v16 =	vld.idx.msk [tilespmem:v13+s19+$0x0], $0xffff  }
0x21c: {  	s26 =	sadd.s32 $0x4, s23;
	v12 =	vor.u32 v1, v12;
	v5 =	vadd.f32 v6, v5;
	v6 =	vmul.f32 v14, v7;
	v7 =	vld.idx.msk [tilespmem:v13+s21+$0x0], $0xffff  }
0x21d: {  	v14 =	vand.u32 $0x7F, v15;
	v15 =	vadd.s32 s26, v0;
	v13 =	vld.idx.msk [tilespmem:v18+s19+$0x0], $0xffff  }
0x21e: {  	s26 =	sadd.s32 $0x5, s23;
	v14 =	vor.u32 v1, v14;
	v18 =	vld.idx.msk [tilespmem:v18+s21+$0x0], $0xffff;
	v5 =	vadd.f32 v6, v5;
	v6 =	vmul.f32 v9, v8  }
0x21f: {  	v9 =	vand.u32 $0x7F, v15;
	v15 =	vadd.s32 s26, v0;
	v8 =	vld.idx.msk [tilespmem:v10+s19+$0x0], $0xffff  }
0x220: {  	s26 =	sadd.s32 $0x6, s23;
	v20 =	vor.u32 v1, v9;
	v11 =	vmul.f32 v11, v17;
	v19 =	vld.idx.msk [tilespmem:v10+s21+$0x0], $0xffff;
	v6 =	vadd.f32 v6, v5  }
0x221: {  	v9 =	vand.u32 $0x7F, v15;
	v15 =	vadd.s32 s26, v0;
	v5 =	vld.idx.msk [tilespmem:v12+s19+$0x0], $0xffff  }
0x222: {  	s26 =	sadd.s32 $0x7, s23;
	s23 =	smov.u32 s24;
	v9 =	vor.u32 v1, v9;
	v7 =	vmul.f32 v7, v16;
	v10 =	vld.idx.msk [tilespmem:v12+s21+$0x0], $0xffff;
	v17 =	vadd.f32 v11, v6  }
.Ltmp8:
0x223: {  	v11 =	vand.u32 $0x7F, v15;
	v15 =	vadd.s32 s26, v0;
	v6 =	vld.idx.msk [tilespmem:v14+s19+$0x0], $0xffff;
	(pc) =	sbr.rel @p0 .LBB2_18-.Ltmp8, $4  }
0x224: {  	v13 =	vmul.f32 v18, v13;
	v11 =	vor.u32 v1, v11;
	v12 =	vld.idx.msk [tilespmem:v14+s21+$0x0], $0xffff;
	v14 =	vadd.f32 v7, v17  }
0x225: {  	v18 =	vand.u32 $0x7F, v15;
	v17 =	vadd.s32 s24, v0;
	v7 =	vld.idx.msk [tilespmem:v20+s19+$0x0], $0xffff  }
0x226: {  	s26 =	sadd.s32 $0x1, s24;
	v16 =	vmul.f32 v19, v8;
	v15 =	vadd.f32 v13, v14;
	v14 =	vld.idx.msk [tilespmem:v20+s21+$0x0], $0xffff;
	v13 =	vor.u32 v1, v18  }
0x227: {  	s24 =	sadd.s32 $0x8, s24;
	v18 =	vand.u32 $0x7F, v17;
	v17 =	vadd.s32 s26, v0;
	v8 =	vld.idx.msk [tilespmem:v9+s19+$0x0], $0xffff  }
0x228: {  	_ =	sdelay $0x2  }
0x229: {  	v15 =	vadd.f32 v16, v15;
	v5 =	vmul.f32 v10, v5  }
0x22a: {  	v10 =	vor.u32 v1, v18;
	v9 =	vld.idx.msk [tilespmem:v9+s21+$0x0], $0xffff  }
0x22b: {  	s24 =	sadd.s32 $0x2, s23;
	v16 =	vand.u32 $0x7F, v17;
	v17 =	vld.idx.msk [tilespmem:v11+s19+$0x0], $0xffff;
	v6 =	vmul.f32 v12, v6;
	v5 =	vadd.f32 v5, v15  }
0x22c: {  	v11 =	vld.idx.msk [tilespmem:v11+s21+$0x0], $0xffff;
	v12 =	vadd.s32 s24, v0;
	v15 =	vor.u32 v1, v16  }
0x22d: {  	s26 =	sadd.s32 $0x3, s23;
	v12 =	vand.u32 $0x7F, v12;
	v16 =	vld.idx.msk [tilespmem:v13+s19+$0x0], $0xffff;
	v5 =	vadd.f32 v6, v5;
	v6 =	vmul.f32 v14, v7  }
0x22e: {  	v13 =	vld.idx.msk [tilespmem:v13+s21+$0x0], $0xffff;
	v12 =	vor.u32 v1, v12;
	v7 =	vadd.s32 s26, v0  }
0x22f: {  	s26 =	sadd.s32 $0x4, s23;
	v14 =	vld.idx.msk [tilespmem:v10+s19+$0x0], $0xffff;
	v7 =	vand.u32 $0x7F, v7;
	v5 =	vadd.f32 v6, v5;
	v6 =	vmul.f32 v9, v8  }
0x230: {  	v8 =	vadd.s32 s26, v0;
	v9 =	vld.idx.msk [tilespmem:v10+s21+$0x0], $0xffff;
	v7 =	vor.u32 v1, v7  }
0x231: {  	s26 =	sadd.s32 $0x5, s23;
	v10 =	vld.idx.msk [tilespmem:v15+s19+$0x0], $0xffff;
	v8 =	vand.u32 $0x7F, v8;
	v5 =	vadd.f32 v6, v5;
	v6 =	vmul.f32 v11, v17  }
0x232: {  	v15 =	vld.idx.msk [tilespmem:v15+s21+$0x0], $0xffff;
	v11 =	vadd.s32 s26, v0;
	v8 =	vor.u32 v1, v8  }
0x233: {  	s26 =	sadd.s32 $0x6, s23;
	v17 =	vld.idx.msk [tilespmem:v12+s19+$0x0], $0xffff;
	v11 =	vand.u32 $0x7F, v11;
	v5 =	vadd.f32 v6, v5;
	v6 =	vmul.f32 v13, v16  }
0x234: {  	v12 =	vld.idx.msk [tilespmem:v12+s21+$0x0], $0xffff;
	v13 =	vadd.s32 s26, v0;
	v11 =	vor.u32 v1, v11  }
0x235: {  	v16 =	vld.idx.msk [tilespmem:v7+s19+$0x0], $0xffff;
	v13 =	vand.u32 $0x7F, v13;
	v9 =	vmul.f32 v9, v14;
	v5 =	vadd.f32 v6, v5  }
0x236: {  	s26 =	sadd.s32 $0x7, s23;
	v6 =	vld.idx.msk [tilespmem:v7+s21+$0x0], $0xffff;
	v7 =	vor.u32 v1, v13  }
0x237: {  	v13 =	vadd.s32 s26, v0;
	v14 =	vld.idx.msk [tilespmem:v8+s19+$0x0], $0xffff;
	v5 =	vadd.f32 v9, v5;
	v9 =	vmul.f32 v15, v10  }
0x238: {  	v8 =	vld.idx.msk [tilespmem:v8+s21+$0x0], $0xffff;
	v10 =	vand.u32 $0x7F, v13  }
0x239: {  	v10 =	vor.u32 v1, v10;
	v13 =	vld.idx.msk [tilespmem:v11+s19+$0x0], $0xffff;
	v5 =	vadd.f32 v9, v5;
	v9 =	vmul.f32 v12, v17  }
0x23a: {  	v11 =	vld.idx.msk [tilespmem:v11+s21+$0x0], $0xffff  }
0x23b: {  	v12 =	vld.idx.msk [tilespmem:v7+s19+$0x0], $0xffff;
	v6 =	vmul.f32 v6, v16;
	v5 =	vadd.f32 v9, v5  }
0x23c: {  	v7 =	vld.idx.msk [tilespmem:v7+s21+$0x0], $0xffff  }
0x23d: {  	v5 =	vadd.f32 v6, v5;
	v6 =	vmul.f32 v8, v14  }
0x23e: {  	v8 =	vld.idx.msk [tilespmem:v10+s19+$0x0], $0xffff  }
0x23f: {  	v9 =	vld.idx.msk [tilespmem:v10+s21+$0x0], $0xffff;
	v5 =	vadd.f32 v6, v5;
	v6 =	vmul.f32 v11, v13;
	_ =	sdelay $0x1  }
0x240: {  	s24 =	simm.s32 $0x0;
	v5 =	vadd.f32 v6, v5;
	v6 =	vmul.f32 v7, v12  }
0x241: {  	v7 =	vadd.s32 s24, v0  }
0x242: {  	s26 =	simm.s32 $0x1;
	v5 =	vadd.f32 v6, v5;
	v6 =	vand.u32 $0x7F, v7  }
0x243: {  	v7 =	vmul.f32 v9, v8;
	v8 =	vadd.s32 s26, v0;
	v6 =	vor.u32 v2, v6  }
0x244: {  	s24 =	simm.s32 $0x2;
	v8 =	vand.u32 $0x7F, v8  }
0x245: {  	v5 =	vadd.f32 v7, v5;
	v7 =	vadd.s32 s24, v0;
	v8 =	vor.u32 v2, v8  }
0x246: {  	s26 =	simm.s32 $0x3;
	v7 =	vand.u32 $0x7F, v7  }
0x247: {  	[tilespmem:$0xC880] =	vst v5;
	v5 =	vadd.s32 s26, v0;
	v7 =	vor.u32 v2, v7  }
0x248: {  	s24 =	simm.s32 $0x4;
	v5 =	vand.u32 $0x7F, v5;
	v11 =	vld.idx.msk [tilespmem:v6+s19+$0x0], $0xffff  }
0x249: {  	v9 =	vadd.s32 s24, v0;
	v12 =	vld.idx.msk [tilespmem:v6+s21+$0x0], $0xffff;
	v13 =	vor.u32 v2, v5  }
0x24a: {  	s26 =	simm.s32 $0x5;
	v5 =	vand.u32 $0x7F, v9;
	v14 =	vld.idx.msk [tilespmem:v8+s19+$0x0], $0xffff  }
0x24b: {  	v6 =	vadd.s32 s26, v0;
	v8 =	vld.idx.msk [tilespmem:v8+s21+$0x0], $0xffff;
	v17 =	vor.u32 v2, v5  }
0x24c: {  	s24 =	simm.s32 $0x6;
	v6 =	vand.u32 $0x7F, v6;
	v5 =	vld.idx.msk [tilespmem:v7+s19+$0x0], $0xffff  }
0x24d: {  	v9 =	vor.u32 v2, v6;
	v10 =	vld.idx.msk [tilespmem:v7+s21+$0x0], $0xffff;
	v7 =	vadd.s32 s24, v0  }
0x24e: {  	s26 =	simm.s32 $0x7;
	v7 =	vand.u32 $0x7F, v7;
	v6 =	vld.idx.msk [tilespmem:v13+s19+$0x0], $0xffff  }
0x24f: {  	s23 =	simm.s32 $0x8;
	v16 =	vmul.f32 v12, v11;
	v12 =	vld.idx.msk [tilespmem:v13+s21+$0x0], $0xffff;
	v13 =	vadd.s32 s26, v0;
	v11 =	vor.u32 v2, v7  }
0x250: {  	v18 =	vadd.s32 s23, v0;
	v15 =	vimm.f32 $0.0e+00;
	v7 =	vld.idx.msk [tilespmem:v17+s19+$0x0], $0xffff;
	v13 =	vand.u32 $0x7F, v13  }
0x251: {  	s26 =	simm.s32 $0x9;
	v15 =	vadd.f32 v16, v15;
	v16 =	vmul.f32 v8, v14;
	v14 =	vld.idx.msk [tilespmem:v17+s21+$0x0], $0xffff;
	v13 =	vor.u32 v2, v13  }
0x252: {  	v18 =	vand.u32 $0x7F, v18;
	s24 =	simm.s32 $0x10;
	v17 =	vadd.s32 s26, v0;
	v8 =	vld.idx.msk [tilespmem:v9+s19+$0x0], $0xffff  }
.LBB2_20:
0x253: {  	p0 =	slt.u32 s24, $0x78;
	v18 =	vor.u32 v2, v18;
	s26 =	sadd.s32 $0x2, s23;
	v15 =	vadd.f32 v16, v15;
	v5 =	vmul.f32 v10, v5;
	v9 =	vld.idx.msk [tilespmem:v9+s21+$0x0], $0xffff  }
0x254: {  	v10 =	vand.u32 $0x7F, v17;
	v16 =	vadd.s32 s26, v0;
	v17 =	vld.idx.msk [tilespmem:v11+s19+$0x0], $0xffff  }
0x255: {  	v10 =	vor.u32 v2, v10;
	s26 =	sadd.s32 $0x3, s23;
	v6 =	vmul.f32 v12, v6;
	v5 =	vadd.f32 v5, v15;
	v11 =	vld.idx.msk [tilespmem:v11+s21+$0x0], $0xffff  }
0x256: {  	v12 =	vand.u32 $0x7F, v16;
	v15 =	vadd.s32 s26, v0;
	v16 =	vld.idx.msk [tilespmem:v13+s19+$0x0], $0xffff  }
0x257: {  	s26 =	sadd.s32 $0x4, s23;
	v12 =	vor.u32 v2, v12;
	v5 =	vadd.f32 v6, v5;
	v6 =	vmul.f32 v14, v7;
	v7 =	vld.idx.msk [tilespmem:v13+s21+$0x0], $0xffff  }
0x258: {  	v14 =	vand.u32 $0x7F, v15;
	v15 =	vadd.s32 s26, v0;
	v13 =	vld.idx.msk [tilespmem:v18+s19+$0x0], $0xffff  }
0x259: {  	s26 =	sadd.s32 $0x5, s23;
	v14 =	vor.u32 v2, v14;
	v18 =	vld.idx.msk [tilespmem:v18+s21+$0x0], $0xffff;
	v5 =	vadd.f32 v6, v5;
	v6 =	vmul.f32 v9, v8  }
0x25a: {  	v9 =	vand.u32 $0x7F, v15;
	v15 =	vadd.s32 s26, v0;
	v8 =	vld.idx.msk [tilespmem:v10+s19+$0x0], $0xffff  }
0x25b: {  	s26 =	sadd.s32 $0x6, s23;
	v20 =	vor.u32 v2, v9;
	v11 =	vmul.f32 v11, v17;
	v19 =	vld.idx.msk [tilespmem:v10+s21+$0x0], $0xffff;
	v6 =	vadd.f32 v6, v5  }
0x25c: {  	v9 =	vand.u32 $0x7F, v15;
	v15 =	vadd.s32 s26, v0;
	v5 =	vld.idx.msk [tilespmem:v12+s19+$0x0], $0xffff  }
0x25d: {  	s26 =	sadd.s32 $0x7, s23;
	s23 =	smov.u32 s24;
	v9 =	vor.u32 v2, v9;
	v7 =	vmul.f32 v7, v16;
	v10 =	vld.idx.msk [tilespmem:v12+s21+$0x0], $0xffff;
	v17 =	vadd.f32 v11, v6  }
.Ltmp9:
0x25e: {  	v11 =	vand.u32 $0x7F, v15;
	v15 =	vadd.s32 s26, v0;
	v6 =	vld.idx.msk [tilespmem:v14+s19+$0x0], $0xffff;
	(pc) =	sbr.rel @p0 .LBB2_20-.Ltmp9, $4  }
0x25f: {  	v13 =	vmul.f32 v18, v13;
	v11 =	vor.u32 v2, v11;
	v12 =	vld.idx.msk [tilespmem:v14+s21+$0x0], $0xffff;
	v14 =	vadd.f32 v7, v17  }
0x260: {  	v18 =	vand.u32 $0x7F, v15;
	v17 =	vadd.s32 s24, v0;
	v7 =	vld.idx.msk [tilespmem:v20+s19+$0x0], $0xffff  }
0x261: {  	s26 =	sadd.s32 $0x1, s24;
	v16 =	vmul.f32 v19, v8;
	v15 =	vadd.f32 v13, v14;
	v14 =	vld.idx.msk [tilespmem:v20+s21+$0x0], $0xffff;
	v13 =	vor.u32 v2, v18  }
0x262: {  	s24 =	sadd.s32 $0x8, s24;
	v18 =	vand.u32 $0x7F, v17;
	v17 =	vadd.s32 s26, v0;
	v8 =	vld.idx.msk [tilespmem:v9+s19+$0x0], $0xffff  }
0x263: {  	_ =	sdelay $0x2  }
0x264: {  	v15 =	vadd.f32 v16, v15;
	v5 =	vmul.f32 v10, v5  }
0x265: {  	v10 =	vor.u32 v2, v18;
	v9 =	vld.idx.msk [tilespmem:v9+s21+$0x0], $0xffff  }
0x266: {  	s24 =	sadd.s32 $0x2, s23;
	v16 =	vand.u32 $0x7F, v17;
	v17 =	vld.idx.msk [tilespmem:v11+s19+$0x0], $0xffff;
	v6 =	vmul.f32 v12, v6;
	v5 =	vadd.f32 v5, v15  }
0x267: {  	v11 =	vld.idx.msk [tilespmem:v11+s21+$0x0], $0xffff;
	v12 =	vadd.s32 s24, v0;
	v15 =	vor.u32 v2, v16  }
0x268: {  	s26 =	sadd.s32 $0x3, s23;
	v12 =	vand.u32 $0x7F, v12;
	v16 =	vld.idx.msk [tilespmem:v13+s19+$0x0], $0xffff;
	v5 =	vadd.f32 v6, v5;
	v6 =	vmul.f32 v14, v7  }
0x269: {  	v13 =	vld.idx.msk [tilespmem:v13+s21+$0x0], $0xffff;
	v12 =	vor.u32 v2, v12;
	v7 =	vadd.s32 s26, v0  }
0x26a: {  	s26 =	sadd.s32 $0x4, s23;
	v14 =	vld.idx.msk [tilespmem:v10+s19+$0x0], $0xffff;
	v7 =	vand.u32 $0x7F, v7;
	v5 =	vadd.f32 v6, v5;
	v6 =	vmul.f32 v9, v8  }
0x26b: {  	v8 =	vadd.s32 s26, v0;
	v9 =	vld.idx.msk [tilespmem:v10+s21+$0x0], $0xffff;
	v7 =	vor.u32 v2, v7  }
0x26c: {  	s26 =	sadd.s32 $0x5, s23;
	v10 =	vld.idx.msk [tilespmem:v15+s19+$0x0], $0xffff;
	v8 =	vand.u32 $0x7F, v8;
	v5 =	vadd.f32 v6, v5;
	v6 =	vmul.f32 v11, v17  }
0x26d: {  	v15 =	vld.idx.msk [tilespmem:v15+s21+$0x0], $0xffff;
	v11 =	vadd.s32 s26, v0;
	v8 =	vor.u32 v2, v8  }
0x26e: {  	s26 =	sadd.s32 $0x6, s23;
	v17 =	vld.idx.msk [tilespmem:v12+s19+$0x0], $0xffff;
	v11 =	vand.u32 $0x7F, v11;
	v5 =	vadd.f32 v6, v5;
	v6 =	vmul.f32 v13, v16  }
0x26f: {  	v12 =	vld.idx.msk [tilespmem:v12+s21+$0x0], $0xffff;
	v13 =	vadd.s32 s26, v0;
	v11 =	vor.u32 v2, v11  }
0x270: {  	v16 =	vld.idx.msk [tilespmem:v7+s19+$0x0], $0xffff;
	v13 =	vand.u32 $0x7F, v13;
	v9 =	vmul.f32 v9, v14;
	v5 =	vadd.f32 v6, v5  }
0x271: {  	s26 =	sadd.s32 $0x7, s23;
	v6 =	vld.idx.msk [tilespmem:v7+s21+$0x0], $0xffff;
	v7 =	vor.u32 v2, v13  }
0x272: {  	v13 =	vadd.s32 s26, v0;
	v14 =	vld.idx.msk [tilespmem:v8+s19+$0x0], $0xffff;
	v5 =	vadd.f32 v9, v5;
	v9 =	vmul.f32 v15, v10  }
0x273: {  	v8 =	vld.idx.msk [tilespmem:v8+s21+$0x0], $0xffff;
	v10 =	vand.u32 $0x7F, v13  }
0x274: {  	v10 =	vor.u32 v2, v10;
	v13 =	vld.idx.msk [tilespmem:v11+s19+$0x0], $0xffff;
	v5 =	vadd.f32 v9, v5;
	v9 =	vmul.f32 v12, v17  }
0x275: {  	v11 =	vld.idx.msk [tilespmem:v11+s21+$0x0], $0xffff  }
0x276: {  	v12 =	vld.idx.msk [tilespmem:v7+s19+$0x0], $0xffff;
	v6 =	vmul.f32 v6, v16;
	v5 =	vadd.f32 v9, v5  }
0x277: {  	v7 =	vld.idx.msk [tilespmem:v7+s21+$0x0], $0xffff  }
0x278: {  	v5 =	vadd.f32 v6, v5;
	v6 =	vmul.f32 v8, v14  }
0x279: {  	v8 =	vld.idx.msk [tilespmem:v10+s19+$0x0], $0xffff  }
0x27a: {  	v9 =	vld.idx.msk [tilespmem:v10+s21+$0x0], $0xffff;
	v5 =	vadd.f32 v6, v5;
	v6 =	vmul.f32 v11, v13;
	_ =	sdelay $0x1  }
0x27b: {  	s24 =	simm.s32 $0x0;
	v5 =	vadd.f32 v6, v5;
	v6 =	vmul.f32 v7, v12  }
0x27c: {  	v7 =	vadd.s32 s24, v0  }
0x27d: {  	s26 =	simm.s32 $0x1;
	v5 =	vadd.f32 v6, v5;
	v6 =	vand.u32 $0x7F, v7  }
0x27e: {  	v7 =	vmul.f32 v9, v8;
	v8 =	vadd.s32 s26, v0;
	v6 =	vor.u32 v3, v6  }
0x27f: {  	s24 =	simm.s32 $0x2;
	v8 =	vand.u32 $0x7F, v8  }
0x280: {  	v5 =	vadd.f32 v7, v5;
	v7 =	vadd.s32 s24, v0;
	v8 =	vor.u32 v3, v8  }
0x281: {  	s26 =	simm.s32 $0x3;
	v7 =	vand.u32 $0x7F, v7  }
0x282: {  	[tilespmem:$0xC890] =	vst v5;
	v5 =	vadd.s32 s26, v0;
	v7 =	vor.u32 v3, v7  }
0x283: {  	s24 =	simm.s32 $0x4;
	v5 =	vand.u32 $0x7F, v5;
	v11 =	vld.idx.msk [tilespmem:v6+s19+$0x0], $0xffff  }
0x284: {  	v9 =	vadd.s32 s24, v0;
	v12 =	vld.idx.msk [tilespmem:v6+s21+$0x0], $0xffff;
	v13 =	vor.u32 v3, v5  }
0x285: {  	s26 =	simm.s32 $0x5;
	v5 =	vand.u32 $0x7F, v9;
	v14 =	vld.idx.msk [tilespmem:v8+s19+$0x0], $0xffff  }
0x286: {  	v6 =	vadd.s32 s26, v0;
	v8 =	vld.idx.msk [tilespmem:v8+s21+$0x0], $0xffff;
	v17 =	vor.u32 v3, v5  }
0x287: {  	s24 =	simm.s32 $0x6;
	v6 =	vand.u32 $0x7F, v6;
	v5 =	vld.idx.msk [tilespmem:v7+s19+$0x0], $0xffff  }
0x288: {  	v9 =	vor.u32 v3, v6;
	v10 =	vld.idx.msk [tilespmem:v7+s21+$0x0], $0xffff;
	v7 =	vadd.s32 s24, v0  }
0x289: {  	s26 =	simm.s32 $0x7;
	v7 =	vand.u32 $0x7F, v7;
	v6 =	vld.idx.msk [tilespmem:v13+s19+$0x0], $0xffff  }
0x28a: {  	s23 =	simm.s32 $0x8;
	v16 =	vmul.f32 v12, v11;
	v12 =	vld.idx.msk [tilespmem:v13+s21+$0x0], $0xffff;
	v13 =	vadd.s32 s26, v0;
	v11 =	vor.u32 v3, v7  }
0x28b: {  	v18 =	vadd.s32 s23, v0;
	v15 =	vimm.f32 $0.0e+00;
	v7 =	vld.idx.msk [tilespmem:v17+s19+$0x0], $0xffff;
	v13 =	vand.u32 $0x7F, v13  }
0x28c: {  	s26 =	simm.s32 $0x9;
	v15 =	vadd.f32 v16, v15;
	v16 =	vmul.f32 v8, v14;
	v14 =	vld.idx.msk [tilespmem:v17+s21+$0x0], $0xffff;
	v13 =	vor.u32 v3, v13  }
0x28d: {  	v18 =	vand.u32 $0x7F, v18;
	s24 =	simm.s32 $0x10;
	v17 =	vadd.s32 s26, v0;
	v8 =	vld.idx.msk [tilespmem:v9+s19+$0x0], $0xffff  }
.LBB2_22:
0x28e: {  	p0 =	slt.u32 s24, $0x78;
	v18 =	vor.u32 v3, v18;
	s26 =	sadd.s32 $0x2, s23;
	v15 =	vadd.f32 v16, v15;
	v5 =	vmul.f32 v10, v5;
	v9 =	vld.idx.msk [tilespmem:v9+s21+$0x0], $0xffff  }
0x28f: {  	v10 =	vand.u32 $0x7F, v17;
	v16 =	vadd.s32 s26, v0;
	v17 =	vld.idx.msk [tilespmem:v11+s19+$0x0], $0xffff  }
0x290: {  	v10 =	vor.u32 v3, v10;
	s26 =	sadd.s32 $0x3, s23;
	v6 =	vmul.f32 v12, v6;
	v5 =	vadd.f32 v5, v15;
	v11 =	vld.idx.msk [tilespmem:v11+s21+$0x0], $0xffff  }
0x291: {  	v12 =	vand.u32 $0x7F, v16;
	v15 =	vadd.s32 s26, v0;
	v16 =	vld.idx.msk [tilespmem:v13+s19+$0x0], $0xffff  }
0x292: {  	s26 =	sadd.s32 $0x4, s23;
	v12 =	vor.u32 v3, v12;
	v5 =	vadd.f32 v6, v5;
	v6 =	vmul.f32 v14, v7;
	v7 =	vld.idx.msk [tilespmem:v13+s21+$0x0], $0xffff  }
0x293: {  	v14 =	vand.u32 $0x7F, v15;
	v15 =	vadd.s32 s26, v0;
	v13 =	vld.idx.msk [tilespmem:v18+s19+$0x0], $0xffff  }
0x294: {  	s26 =	sadd.s32 $0x5, s23;
	v14 =	vor.u32 v3, v14;
	v18 =	vld.idx.msk [tilespmem:v18+s21+$0x0], $0xffff;
	v5 =	vadd.f32 v6, v5;
	v6 =	vmul.f32 v9, v8  }
0x295: {  	v9 =	vand.u32 $0x7F, v15;
	v15 =	vadd.s32 s26, v0;
	v8 =	vld.idx.msk [tilespmem:v10+s19+$0x0], $0xffff  }
0x296: {  	s26 =	sadd.s32 $0x6, s23;
	v20 =	vor.u32 v3, v9;
	v11 =	vmul.f32 v11, v17;
	v19 =	vld.idx.msk [tilespmem:v10+s21+$0x0], $0xffff;
	v6 =	vadd.f32 v6, v5  }
0x297: {  	v9 =	vand.u32 $0x7F, v15;
	v15 =	vadd.s32 s26, v0;
	v5 =	vld.idx.msk [tilespmem:v12+s19+$0x0], $0xffff  }
0x298: {  	s26 =	sadd.s32 $0x7, s23;
	s23 =	smov.u32 s24;
	v9 =	vor.u32 v3, v9;
	v7 =	vmul.f32 v7, v16;
	v10 =	vld.idx.msk [tilespmem:v12+s21+$0x0], $0xffff;
	v17 =	vadd.f32 v11, v6  }
.Ltmp10:
0x299: {  	v11 =	vand.u32 $0x7F, v15;
	v15 =	vadd.s32 s26, v0;
	v6 =	vld.idx.msk [tilespmem:v14+s19+$0x0], $0xffff;
	(pc) =	sbr.rel @p0 .LBB2_22-.Ltmp10, $4  }
0x29a: {  	v13 =	vmul.f32 v18, v13;
	v11 =	vor.u32 v3, v11;
	v12 =	vld.idx.msk [tilespmem:v14+s21+$0x0], $0xffff;
	v14 =	vadd.f32 v7, v17  }
0x29b: {  	v18 =	vand.u32 $0x7F, v15;
	v17 =	vadd.s32 s24, v0;
	v7 =	vld.idx.msk [tilespmem:v20+s19+$0x0], $0xffff  }
0x29c: {  	s26 =	sadd.s32 $0x1, s24;
	v16 =	vmul.f32 v19, v8;
	v15 =	vadd.f32 v13, v14;
	v14 =	vld.idx.msk [tilespmem:v20+s21+$0x0], $0xffff;
	v13 =	vor.u32 v3, v18  }
0x29d: {  	s24 =	sadd.s32 $0x8, s24;
	v18 =	vand.u32 $0x7F, v17;
	v17 =	vadd.s32 s26, v0;
	v8 =	vld.idx.msk [tilespmem:v9+s19+$0x0], $0xffff  }
0x29e: {  	_ =	sdelay $0x2  }
0x29f: {  	v15 =	vadd.f32 v16, v15;
	v5 =	vmul.f32 v10, v5  }
0x2a0: {  	v10 =	vor.u32 v3, v18;
	v9 =	vld.idx.msk [tilespmem:v9+s21+$0x0], $0xffff  }
0x2a1: {  	s24 =	sadd.s32 $0x2, s23;
	v16 =	vand.u32 $0x7F, v17;
	v17 =	vld.idx.msk [tilespmem:v11+s19+$0x0], $0xffff;
	v6 =	vmul.f32 v12, v6;
	v5 =	vadd.f32 v5, v15  }
0x2a2: {  	v11 =	vld.idx.msk [tilespmem:v11+s21+$0x0], $0xffff;
	v12 =	vadd.s32 s24, v0;
	v15 =	vor.u32 v3, v16  }
0x2a3: {  	s26 =	sadd.s32 $0x3, s23;
	v12 =	vand.u32 $0x7F, v12;
	v16 =	vld.idx.msk [tilespmem:v13+s19+$0x0], $0xffff;
	v5 =	vadd.f32 v6, v5;
	v6 =	vmul.f32 v14, v7  }
0x2a4: {  	v13 =	vld.idx.msk [tilespmem:v13+s21+$0x0], $0xffff;
	v12 =	vor.u32 v3, v12;
	v7 =	vadd.s32 s26, v0  }
0x2a5: {  	s26 =	sadd.s32 $0x4, s23;
	v14 =	vld.idx.msk [tilespmem:v10+s19+$0x0], $0xffff;
	v7 =	vand.u32 $0x7F, v7;
	v5 =	vadd.f32 v6, v5;
	v6 =	vmul.f32 v9, v8  }
0x2a6: {  	v8 =	vadd.s32 s26, v0;
	v9 =	vld.idx.msk [tilespmem:v10+s21+$0x0], $0xffff;
	v7 =	vor.u32 v3, v7  }
0x2a7: {  	s26 =	sadd.s32 $0x5, s23;
	v10 =	vld.idx.msk [tilespmem:v15+s19+$0x0], $0xffff;
	v8 =	vand.u32 $0x7F, v8;
	v5 =	vadd.f32 v6, v5;
	v6 =	vmul.f32 v11, v17  }
0x2a8: {  	v15 =	vld.idx.msk [tilespmem:v15+s21+$0x0], $0xffff;
	v11 =	vadd.s32 s26, v0;
	v8 =	vor.u32 v3, v8  }
0x2a9: {  	s26 =	sadd.s32 $0x6, s23;
	v17 =	vld.idx.msk [tilespmem:v12+s19+$0x0], $0xffff;
	v11 =	vand.u32 $0x7F, v11;
	v5 =	vadd.f32 v6, v5;
	v6 =	vmul.f32 v13, v16  }
0x2aa: {  	v12 =	vld.idx.msk [tilespmem:v12+s21+$0x0], $0xffff;
	v13 =	vadd.s32 s26, v0;
	v11 =	vor.u32 v3, v11  }
0x2ab: {  	v16 =	vld.idx.msk [tilespmem:v7+s19+$0x0], $0xffff;
	v13 =	vand.u32 $0x7F, v13;
	v9 =	vmul.f32 v9, v14;
	v5 =	vadd.f32 v6, v5  }
0x2ac: {  	s26 =	sadd.s32 $0x7, s23;
	v6 =	vld.idx.msk [tilespmem:v7+s21+$0x0], $0xffff;
	v7 =	vor.u32 v3, v13  }
0x2ad: {  	v13 =	vadd.s32 s26, v0;
	v14 =	vld.idx.msk [tilespmem:v8+s19+$0x0], $0xffff;
	v5 =	vadd.f32 v9, v5;
	v9 =	vmul.f32 v15, v10  }
0x2ae: {  	v8 =	vld.idx.msk [tilespmem:v8+s21+$0x0], $0xffff;
	v10 =	vand.u32 $0x7F, v13  }
0x2af: {  	v10 =	vor.u32 v3, v10;
	v13 =	vld.idx.msk [tilespmem:v11+s19+$0x0], $0xffff;
	v5 =	vadd.f32 v9, v5;
	v9 =	vmul.f32 v12, v17  }
0x2b0: {  	v11 =	vld.idx.msk [tilespmem:v11+s21+$0x0], $0xffff  }
0x2b1: {  	v12 =	vld.idx.msk [tilespmem:v7+s19+$0x0], $0xffff;
	v6 =	vmul.f32 v6, v16;
	v5 =	vadd.f32 v9, v5  }
0x2b2: {  	v7 =	vld.idx.msk [tilespmem:v7+s21+$0x0], $0xffff  }
0x2b3: {  	v5 =	vadd.f32 v6, v5;
	v6 =	vmul.f32 v8, v14  }
0x2b4: {  	v8 =	vld.idx.msk [tilespmem:v10+s19+$0x0], $0xffff  }
0x2b5: {  	v9 =	vld.idx.msk [tilespmem:v10+s21+$0x0], $0xffff;
	v5 =	vadd.f32 v6, v5;
	v6 =	vmul.f32 v11, v13;
	_ =	sdelay $0x1  }
0x2b6: {  	s24 =	simm.s32 $0x0;
	v5 =	vadd.f32 v6, v5;
	v6 =	vmul.f32 v7, v12  }
0x2b7: {  	v7 =	vadd.s32 s24, v0  }
0x2b8: {  	s26 =	simm.s32 $0x1;
	v5 =	vadd.f32 v6, v5;
	v6 =	vand.u32 $0x7F, v7  }
0x2b9: {  	v7 =	vmul.f32 v9, v8;
	v8 =	vadd.s32 s26, v0;
	v6 =	vor.u32 v4, v6  }
0x2ba: {  	s24 =	simm.s32 $0x2;
	v8 =	vand.u32 $0x7F, v8  }
0x2bb: {  	v5 =	vadd.f32 v7, v5;
	v7 =	vadd.s32 s24, v0;
	v8 =	vor.u32 v4, v8  }
0x2bc: {  	s26 =	simm.s32 $0x3;
	v7 =	vand.u32 $0x7F, v7  }
0x2bd: {  	[tilespmem:$0xC8A0] =	vst v5;
	v5 =	vadd.s32 s26, v0;
	v7 =	vor.u32 v4, v7  }
0x2be: {  	s24 =	simm.s32 $0x4;
	v5 =	vand.u32 $0x7F, v5;
	v11 =	vld.idx.msk [tilespmem:v6+s19+$0x0], $0xffff  }
0x2bf: {  	v9 =	vadd.s32 s24, v0;
	v12 =	vld.idx.msk [tilespmem:v6+s21+$0x0], $0xffff;
	v13 =	vor.u32 v4, v5  }
0x2c0: {  	s26 =	simm.s32 $0x5;
	v5 =	vand.u32 $0x7F, v9;
	v14 =	vld.idx.msk [tilespmem:v8+s19+$0x0], $0xffff  }
0x2c1: {  	v6 =	vadd.s32 s26, v0;
	v8 =	vld.idx.msk [tilespmem:v8+s21+$0x0], $0xffff;
	v17 =	vor.u32 v4, v5  }
0x2c2: {  	s24 =	simm.s32 $0x6;
	v6 =	vand.u32 $0x7F, v6;
	v5 =	vld.idx.msk [tilespmem:v7+s19+$0x0], $0xffff  }
0x2c3: {  	v9 =	vor.u32 v4, v6;
	v10 =	vld.idx.msk [tilespmem:v7+s21+$0x0], $0xffff;
	v7 =	vadd.s32 s24, v0  }
0x2c4: {  	s26 =	simm.s32 $0x7;
	v7 =	vand.u32 $0x7F, v7;
	v6 =	vld.idx.msk [tilespmem:v13+s19+$0x0], $0xffff  }
0x2c5: {  	s23 =	simm.s32 $0x8;
	v16 =	vmul.f32 v12, v11;
	v12 =	vld.idx.msk [tilespmem:v13+s21+$0x0], $0xffff;
	v13 =	vadd.s32 s26, v0;
	v11 =	vor.u32 v4, v7  }
0x2c6: {  	v18 =	vadd.s32 s23, v0;
	v15 =	vimm.f32 $0.0e+00;
	v7 =	vld.idx.msk [tilespmem:v17+s19+$0x0], $0xffff;
	v13 =	vand.u32 $0x7F, v13  }
0x2c7: {  	s26 =	simm.s32 $0x9;
	v15 =	vadd.f32 v16, v15;
	v16 =	vmul.f32 v8, v14;
	v14 =	vld.idx.msk [tilespmem:v17+s21+$0x0], $0xffff;
	v13 =	vor.u32 v4, v13  }
0x2c8: {  	v18 =	vand.u32 $0x7F, v18;
	s24 =	simm.s32 $0x10;
	v17 =	vadd.s32 s26, v0;
	v8 =	vld.idx.msk [tilespmem:v9+s19+$0x0], $0xffff  }
.LBB2_24:
0x2c9: {  	p0 =	slt.u32 s24, $0x78;
	v18 =	vor.u32 v4, v18;
	s26 =	sadd.s32 $0x2, s23;
	v15 =	vadd.f32 v16, v15;
	v5 =	vmul.f32 v10, v5;
	v9 =	vld.idx.msk [tilespmem:v9+s21+$0x0], $0xffff  }
0x2ca: {  	v10 =	vand.u32 $0x7F, v17;
	v16 =	vadd.s32 s26, v0;
	v17 =	vld.idx.msk [tilespmem:v11+s19+$0x0], $0xffff  }
0x2cb: {  	v10 =	vor.u32 v4, v10;
	s26 =	sadd.s32 $0x3, s23;
	v6 =	vmul.f32 v12, v6;
	v5 =	vadd.f32 v5, v15;
	v11 =	vld.idx.msk [tilespmem:v11+s21+$0x0], $0xffff  }
0x2cc: {  	v12 =	vand.u32 $0x7F, v16;
	v15 =	vadd.s32 s26, v0;
	v16 =	vld.idx.msk [tilespmem:v13+s19+$0x0], $0xffff  }
0x2cd: {  	s26 =	sadd.s32 $0x4, s23;
	v12 =	vor.u32 v4, v12;
	v5 =	vadd.f32 v6, v5;
	v6 =	vmul.f32 v14, v7;
	v7 =	vld.idx.msk [tilespmem:v13+s21+$0x0], $0xffff  }
0x2ce: {  	v14 =	vand.u32 $0x7F, v15;
	v15 =	vadd.s32 s26, v0;
	v13 =	vld.idx.msk [tilespmem:v18+s19+$0x0], $0xffff  }
0x2cf: {  	s26 =	sadd.s32 $0x5, s23;
	v14 =	vor.u32 v4, v14;
	v18 =	vld.idx.msk [tilespmem:v18+s21+$0x0], $0xffff;
	v5 =	vadd.f32 v6, v5;
	v6 =	vmul.f32 v9, v8  }
0x2d0: {  	v9 =	vand.u32 $0x7F, v15;
	v15 =	vadd.s32 s26, v0;
	v8 =	vld.idx.msk [tilespmem:v10+s19+$0x0], $0xffff  }
0x2d1: {  	s26 =	sadd.s32 $0x6, s23;
	v20 =	vor.u32 v4, v9;
	v11 =	vmul.f32 v11, v17;
	v19 =	vld.idx.msk [tilespmem:v10+s21+$0x0], $0xffff;
	v6 =	vadd.f32 v6, v5  }
0x2d2: {  	v9 =	vand.u32 $0x7F, v15;
	v15 =	vadd.s32 s26, v0;
	v5 =	vld.idx.msk [tilespmem:v12+s19+$0x0], $0xffff  }
0x2d3: {  	s26 =	sadd.s32 $0x7, s23;
	s23 =	smov.u32 s24;
	v9 =	vor.u32 v4, v9;
	v7 =	vmul.f32 v7, v16;
	v10 =	vld.idx.msk [tilespmem:v12+s21+$0x0], $0xffff;
	v17 =	vadd.f32 v11, v6  }
.Ltmp11:
0x2d4: {  	v11 =	vand.u32 $0x7F, v15;
	v15 =	vadd.s32 s26, v0;
	v6 =	vld.idx.msk [tilespmem:v14+s19+$0x0], $0xffff;
	(pc) =	sbr.rel @p0 .LBB2_24-.Ltmp11, $4  }
0x2d5: {  	v13 =	vmul.f32 v18, v13;
	v11 =	vor.u32 v4, v11;
	v12 =	vld.idx.msk [tilespmem:v14+s21+$0x0], $0xffff;
	v14 =	vadd.f32 v7, v17  }
0x2d6: {  	v18 =	vand.u32 $0x7F, v15;
	v17 =	vadd.s32 s24, v0;
	v7 =	vld.idx.msk [tilespmem:v20+s19+$0x0], $0xffff  }
0x2d7: {  	s26 =	sadd.s32 $0x1, s24;
	v16 =	vmul.f32 v19, v8;
	v15 =	vadd.f32 v13, v14;
	v14 =	vld.idx.msk [tilespmem:v20+s21+$0x0], $0xffff;
	v13 =	vor.u32 v4, v18  }
0x2d8: {  	s24 =	sadd.s32 $0x8, s24;
	v18 =	vand.u32 $0x7F, v17;
	v17 =	vadd.s32 s26, v0;
	v8 =	vld.idx.msk [tilespmem:v9+s19+$0x0], $0xffff  }
0x2d9: {  	_ =	sdelay $0x2  }
0x2da: {  	v15 =	vadd.f32 v16, v15;
	v5 =	vmul.f32 v10, v5  }
0x2db: {  	v10 =	vor.u32 v4, v18;
	v9 =	vld.idx.msk [tilespmem:v9+s21+$0x0], $0xffff  }
0x2dc: {  	s24 =	sadd.s32 $0x2, s23;
	v16 =	vand.u32 $0x7F, v17;
	v17 =	vld.idx.msk [tilespmem:v11+s19+$0x0], $0xffff;
	v6 =	vmul.f32 v12, v6;
	v5 =	vadd.f32 v5, v15  }
0x2dd: {  	v11 =	vld.idx.msk [tilespmem:v11+s21+$0x0], $0xffff;
	v12 =	vadd.s32 s24, v0;
	v15 =	vor.u32 v4, v16  }
0x2de: {  	s26 =	sadd.s32 $0x3, s23;
	v12 =	vand.u32 $0x7F, v12;
	v16 =	vld.idx.msk [tilespmem:v13+s19+$0x0], $0xffff;
	v5 =	vadd.f32 v6, v5;
	v6 =	vmul.f32 v14, v7  }
0x2df: {  	v13 =	vld.idx.msk [tilespmem:v13+s21+$0x0], $0xffff;
	v12 =	vor.u32 v4, v12;
	v7 =	vadd.s32 s26, v0  }
0x2e0: {  	s26 =	sadd.s32 $0x4, s23;
	v14 =	vld.idx.msk [tilespmem:v10+s19+$0x0], $0xffff;
	v7 =	vand.u32 $0x7F, v7;
	v5 =	vadd.f32 v6, v5;
	v6 =	vmul.f32 v9, v8  }
0x2e1: {  	v8 =	vadd.s32 s26, v0;
	v9 =	vld.idx.msk [tilespmem:v10+s21+$0x0], $0xffff;
	v7 =	vor.u32 v4, v7  }
0x2e2: {  	s26 =	sadd.s32 $0x5, s23;
	v10 =	vld.idx.msk [tilespmem:v15+s19+$0x0], $0xffff;
	v8 =	vand.u32 $0x7F, v8;
	v5 =	vadd.f32 v6, v5;
	v6 =	vmul.f32 v11, v17  }
0x2e3: {  	v15 =	vld.idx.msk [tilespmem:v15+s21+$0x0], $0xffff;
	v11 =	vadd.s32 s26, v0;
	v8 =	vor.u32 v4, v8  }
0x2e4: {  	s26 =	sadd.s32 $0x6, s23;
	v17 =	vld.idx.msk [tilespmem:v12+s19+$0x0], $0xffff;
	v11 =	vand.u32 $0x7F, v11;
	v5 =	vadd.f32 v6, v5;
	v6 =	vmul.f32 v13, v16  }
0x2e5: {  	v12 =	vld.idx.msk [tilespmem:v12+s21+$0x0], $0xffff;
	v13 =	vadd.s32 s26, v0;
	v11 =	vor.u32 v4, v11  }
0x2e6: {  	s26 =	sadd.s32 $0x7, s23;
	v16 =	vld.idx.msk [tilespmem:v7+s19+$0x0], $0xffff;
	v13 =	vand.u32 $0x7F, v13;
	v9 =	vmul.f32 v9, v14;
	v5 =	vadd.f32 v6, v5  }
0x2e7: {  	v7 =	vld.idx.msk [tilespmem:v7+s21+$0x0], $0xffff;
	v6 =	vadd.s32 s26, v0;
	v13 =	vor.u32 v4, v13  }
0x2e8: {  	v14 =	vld.idx.msk [tilespmem:v8+s19+$0x0], $0xffff;
	v6 =	vand.u32 $0x7F, v6;
	v5 =	vadd.f32 v9, v5;
	v9 =	vmul.f32 v15, v10  }
0x2e9: {  	v8 =	vld.idx.msk [tilespmem:v8+s21+$0x0], $0xffff;
	v6 =	vor.u32 v4, v6  }
0x2ea: {  	v10 =	vld.idx.msk [tilespmem:v11+s19+$0x0], $0xffff;
	v5 =	vadd.f32 v9, v5;
	v9 =	vmul.f32 v12, v17  }
0x2eb: {  	v11 =	vld.idx.msk [tilespmem:v11+s21+$0x0], $0xffff  }
0x2ec: {  	v7 =	vmul.f32 v7, v16;
	v12 =	vld.idx.msk [tilespmem:v13+s19+$0x0], $0xffff;
	v5 =	vadd.f32 v9, v5  }
0x2ed: {  	v9 =	vld.idx.msk [tilespmem:v13+s21+$0x0], $0xffff  }
0x2ee: {  	v13 =	vld.idx.msk [tilespmem:v6+s19+$0x0], $0xffff;
	v5 =	vadd.f32 v7, v5;
	v7 =	vmul.f32 v8, v14  }
0x2ef: {  	v6 =	vld.idx.msk [tilespmem:v6+s21+$0x0], $0xffff  }
0x2f0: {  	v5 =	vadd.f32 v7, v5;
	v7 =	vmul.f32 v11, v10;
	_ =	sdelay $0x1  }
0x2f1: {  	v5 =	vadd.f32 v7, v5;
	v7 =	vmul.f32 v9, v12;
	_ =	sdelay $0x1  }
0x2f2: {  	v6 =	vmul.f32 v6, v13;
	v5 =	vadd.f32 v7, v5;
	_ =	sdelay $0x1  }
0x2f3: {  	v5 =	vadd.f32 v6, v5;
	_ =	sdelay $0x1  }
0x2f4: {  	[tilespmem:$0xC8B0] =	vst v5  }
0x2f5: {  	[tilespmem:s19], [sflag:$0x3] =	stream.indirect.gather [hbm4b:s2+s11], $0x80, s30, s11, $0xb8;
	[tilespmem:$0xCA00] =	vst v63  }
0x2f6: {  	s24 =	simm.s32 $0x0  }
0x2f7: {  	v5 =	vadd.s32 s24, v0;
	[tilespmem:s21], [sflag:$0x3] =	stream.indirect.gather [hbm4b:s3+s11], $0x80, s31, s11, $0xb8;
	[tilespmem:$0xCA00] =	vst v63  }
0x2f8: {  	s26 =	simm.s32 $0x1;
	v5 =	vand.u32 $0x7F, v5;
	_ =	swait.ge [sflag:s22], $0x2000  }
0x2f9: {  	v6 =	vadd.s32 s26, v0;
	v5 =	vor.u32 v1, v5;
	[sflag:s22] =	ssyncset.done $0x0  }
0x2fa: {  	v6 =	vand.u32 $0x7F, v6;
	s24 =	simm.s32 $0x2;
	[sflag:s22] =	ssyncadd.s32 $0xFFFFE000  }
0x2fb: {  	v6 =	vor.u32 v1, v6;
	v7 =	vadd.s32 s24, v0;
	_ =	swait.ge [sflag:s22], $0x2000  }
0x2fc: {  	s26 =	simm.s32 $0x3;
	v7 =	vand.u32 $0x7F, v7;
	[sflag:s22] =	ssyncset.done $0x0  }
0x2fd: {  	v8 =	vadd.s32 s26, v0;
	v7 =	vor.u32 v1, v7;
	[sflag:s22] =	ssyncadd.s32 $0xFFFFE000  }
0x2fe: {  	v8 =	vand.u32 $0x7F, v8;
	s24 =	simm.s32 $0x4;
	v11 =	vld.idx.msk [tilespmem:v5+s12+$0x0], $0xffff  }
0x2ff: {  	v8 =	vor.u32 v1, v8;
	v9 =	vadd.s32 s24, v0;
	v12 =	vld.idx.msk [tilespmem:v5+s13+$0x0], $0xffff  }
0x300: {  	s26 =	simm.s32 $0x5;
	v13 =	vld.idx.msk [tilespmem:v6+s12+$0x0], $0xffff;
	v5 =	vand.u32 $0x7F, v9  }
0x301: {  	v9 =	vadd.s32 s26, v0;
	v14 =	vld.idx.msk [tilespmem:v6+s13+$0x0], $0xffff;
	v17 =	vor.u32 v1, v5  }
0x302: {  	s24 =	simm.s32 $0x6;
	v10 =	vld.idx.msk [tilespmem:v7+s13+$0x0], $0xffff;
	v6 =	vand.u32 $0x7F, v9  }
0x303: {  	v5 =	vld.idx.msk [tilespmem:v7+s12+$0x0], $0xffff;
	v7 =	vadd.s32 s24, v0;
	v9 =	vor.u32 v1, v6  }
0x304: {  	s26 =	simm.s32 $0x7;
	v6 =	vld.idx.msk [tilespmem:v8+s12+$0x0], $0xffff;
	v7 =	vand.u32 $0x7F, v7  }
0x305: {  	s23 =	simm.s32 $0x8;
	v16 =	vmul.f32 v12, v11;
	v12 =	vld.idx.msk [tilespmem:v8+s13+$0x0], $0xffff;
	v8 =	vadd.s32 s26, v0;
	v11 =	vor.u32 v1, v7  }
0x306: {  	v18 =	vadd.s32 s23, v0;
	v15 =	vimm.f32 $0.0e+00;
	v7 =	vld.idx.msk [tilespmem:v17+s12+$0x0], $0xffff;
	v8 =	vand.u32 $0x7F, v8  }
0x307: {  	s26 =	simm.s32 $0x9;
	v15 =	vadd.f32 v16, v15;
	v16 =	vmul.f32 v14, v13;
	v14 =	vld.idx.msk [tilespmem:v17+s13+$0x0], $0xffff;
	v13 =	vor.u32 v1, v8  }
0x308: {  	v18 =	vand.u32 $0x7F, v18;
	s24 =	simm.s32 $0x10;
	v17 =	vadd.s32 s26, v0;
	v8 =	vld.idx.msk [tilespmem:v9+s12+$0x0], $0xffff  }
.LBB2_26:
0x309: {  	p0 =	slt.u32 s24, $0x78;
	v18 =	vor.u32 v1, v18;
	s26 =	sadd.s32 $0x2, s23;
	v15 =	vadd.f32 v16, v15;
	v5 =	vmul.f32 v10, v5;
	v9 =	vld.idx.msk [tilespmem:v9+s13+$0x0], $0xffff  }
0x30a: {  	v10 =	vand.u32 $0x7F, v17;
	v16 =	vadd.s32 s26, v0;
	v17 =	vld.idx.msk [tilespmem:v11+s12+$0x0], $0xffff  }
0x30b: {  	v10 =	vor.u32 v1, v10;
	s26 =	sadd.s32 $0x3, s23;
	v6 =	vmul.f32 v12, v6;
	v5 =	vadd.f32 v5, v15;
	v11 =	vld.idx.msk [tilespmem:v11+s13+$0x0], $0xffff  }
0x30c: {  	v12 =	vand.u32 $0x7F, v16;
	v15 =	vadd.s32 s26, v0;
	v16 =	vld.idx.msk [tilespmem:v13+s12+$0x0], $0xffff  }
0x30d: {  	s26 =	sadd.s32 $0x4, s23;
	v12 =	vor.u32 v1, v12;
	v5 =	vadd.f32 v6, v5;
	v6 =	vmul.f32 v14, v7;
	v7 =	vld.idx.msk [tilespmem:v13+s13+$0x0], $0xffff  }
0x30e: {  	v14 =	vand.u32 $0x7F, v15;
	v15 =	vadd.s32 s26, v0;
	v13 =	vld.idx.msk [tilespmem:v18+s12+$0x0], $0xffff  }
0x30f: {  	s26 =	sadd.s32 $0x5, s23;
	v14 =	vor.u32 v1, v14;
	v18 =	vld.idx.msk [tilespmem:v18+s13+$0x0], $0xffff;
	v5 =	vadd.f32 v6, v5;
	v6 =	vmul.f32 v9, v8  }
0x310: {  	v9 =	vand.u32 $0x7F, v15;
	v15 =	vadd.s32 s26, v0;
	v8 =	vld.idx.msk [tilespmem:v10+s12+$0x0], $0xffff  }
0x311: {  	s26 =	sadd.s32 $0x6, s23;
	v20 =	vor.u32 v1, v9;
	v11 =	vmul.f32 v11, v17;
	v19 =	vld.idx.msk [tilespmem:v10+s13+$0x0], $0xffff;
	v6 =	vadd.f32 v6, v5  }
0x312: {  	v9 =	vand.u32 $0x7F, v15;
	v15 =	vadd.s32 s26, v0;
	v5 =	vld.idx.msk [tilespmem:v12+s12+$0x0], $0xffff  }
0x313: {  	s26 =	sadd.s32 $0x7, s23;
	s23 =	smov.u32 s24;
	v9 =	vor.u32 v1, v9;
	v7 =	vmul.f32 v7, v16;
	v10 =	vld.idx.msk [tilespmem:v12+s13+$0x0], $0xffff;
	v17 =	vadd.f32 v11, v6  }
.Ltmp12:
0x314: {  	v11 =	vand.u32 $0x7F, v15;
	v15 =	vadd.s32 s26, v0;
	v6 =	vld.idx.msk [tilespmem:v14+s12+$0x0], $0xffff;
	(pc) =	sbr.rel @p0 .LBB2_26-.Ltmp12, $4  }
0x315: {  	v13 =	vmul.f32 v18, v13;
	v11 =	vor.u32 v1, v11;
	v12 =	vld.idx.msk [tilespmem:v14+s13+$0x0], $0xffff;
	v14 =	vadd.f32 v7, v17  }
0x316: {  	v18 =	vand.u32 $0x7F, v15;
	v17 =	vadd.s32 s24, v0;
	v7 =	vld.idx.msk [tilespmem:v20+s12+$0x0], $0xffff  }
0x317: {  	s26 =	sadd.s32 $0x1, s24;
	v16 =	vmul.f32 v19, v8;
	v15 =	vadd.f32 v13, v14;
	v14 =	vld.idx.msk [tilespmem:v20+s13+$0x0], $0xffff;
	v13 =	vor.u32 v1, v18  }
0x318: {  	s24 =	sadd.s32 $0x8, s24;
	v18 =	vand.u32 $0x7F, v17;
	v17 =	vadd.s32 s26, v0;
	v8 =	vld.idx.msk [tilespmem:v9+s12+$0x0], $0xffff  }
0x319: {  	_ =	sdelay $0x2  }
0x31a: {  	v15 =	vadd.f32 v16, v15;
	v5 =	vmul.f32 v10, v5  }
0x31b: {  	v10 =	vor.u32 v1, v18;
	v9 =	vld.idx.msk [tilespmem:v9+s13+$0x0], $0xffff  }
0x31c: {  	s24 =	sadd.s32 $0x2, s23;
	v16 =	vand.u32 $0x7F, v17;
	v17 =	vld.idx.msk [tilespmem:v11+s12+$0x0], $0xffff;
	v6 =	vmul.f32 v12, v6;
	v5 =	vadd.f32 v5, v15  }
0x31d: {  	v11 =	vld.idx.msk [tilespmem:v11+s13+$0x0], $0xffff;
	v12 =	vadd.s32 s24, v0;
	v15 =	vor.u32 v1, v16  }
0x31e: {  	s26 =	sadd.s32 $0x3, s23;
	v12 =	vand.u32 $0x7F, v12;
	v16 =	vld.idx.msk [tilespmem:v13+s12+$0x0], $0xffff;
	v5 =	vadd.f32 v6, v5;
	v6 =	vmul.f32 v14, v7  }
0x31f: {  	v13 =	vld.idx.msk [tilespmem:v13+s13+$0x0], $0xffff;
	v12 =	vor.u32 v1, v12;
	v7 =	vadd.s32 s26, v0  }
0x320: {  	s26 =	sadd.s32 $0x4, s23;
	v14 =	vld.idx.msk [tilespmem:v10+s12+$0x0], $0xffff;
	v7 =	vand.u32 $0x7F, v7;
	v5 =	vadd.f32 v6, v5;
	v6 =	vmul.f32 v9, v8  }
0x321: {  	v8 =	vadd.s32 s26, v0;
	v9 =	vld.idx.msk [tilespmem:v10+s13+$0x0], $0xffff;
	v7 =	vor.u32 v1, v7  }
0x322: {  	s26 =	sadd.s32 $0x5, s23;
	v10 =	vld.idx.msk [tilespmem:v15+s12+$0x0], $0xffff;
	v8 =	vand.u32 $0x7F, v8;
	v5 =	vadd.f32 v6, v5;
	v6 =	vmul.f32 v11, v17  }
0x323: {  	v15 =	vld.idx.msk [tilespmem:v15+s13+$0x0], $0xffff;
	v11 =	vadd.s32 s26, v0;
	v8 =	vor.u32 v1, v8  }
0x324: {  	s26 =	sadd.s32 $0x6, s23;
	v17 =	vld.idx.msk [tilespmem:v12+s12+$0x0], $0xffff;
	v11 =	vand.u32 $0x7F, v11;
	v5 =	vadd.f32 v6, v5;
	v6 =	vmul.f32 v13, v16  }
0x325: {  	v12 =	vld.idx.msk [tilespmem:v12+s13+$0x0], $0xffff;
	v13 =	vadd.s32 s26, v0;
	v11 =	vor.u32 v1, v11  }
0x326: {  	v16 =	vld.idx.msk [tilespmem:v7+s12+$0x0], $0xffff;
	v13 =	vand.u32 $0x7F, v13;
	v9 =	vmul.f32 v9, v14;
	v5 =	vadd.f32 v6, v5  }
0x327: {  	s26 =	sadd.s32 $0x7, s23;
	v6 =	vld.idx.msk [tilespmem:v7+s13+$0x0], $0xffff;
	v7 =	vor.u32 v1, v13  }
0x328: {  	v13 =	vadd.s32 s26, v0;
	v14 =	vld.idx.msk [tilespmem:v8+s12+$0x0], $0xffff;
	v5 =	vadd.f32 v9, v5;
	v9 =	vmul.f32 v15, v10  }
0x329: {  	v8 =	vld.idx.msk [tilespmem:v8+s13+$0x0], $0xffff;
	v10 =	vand.u32 $0x7F, v13  }
0x32a: {  	v10 =	vor.u32 v1, v10;
	v13 =	vld.idx.msk [tilespmem:v11+s12+$0x0], $0xffff;
	v5 =	vadd.f32 v9, v5;
	v9 =	vmul.f32 v12, v17  }
0x32b: {  	v11 =	vld.idx.msk [tilespmem:v11+s13+$0x0], $0xffff  }
0x32c: {  	v12 =	vld.idx.msk [tilespmem:v7+s12+$0x0], $0xffff;
	v6 =	vmul.f32 v6, v16;
	v5 =	vadd.f32 v9, v5  }
0x32d: {  	v7 =	vld.idx.msk [tilespmem:v7+s13+$0x0], $0xffff  }
0x32e: {  	v5 =	vadd.f32 v6, v5;
	v6 =	vmul.f32 v8, v14  }
0x32f: {  	v8 =	vld.idx.msk [tilespmem:v10+s12+$0x0], $0xffff  }
0x330: {  	v9 =	vld.idx.msk [tilespmem:v10+s13+$0x0], $0xffff;
	v5 =	vadd.f32 v6, v5;
	v6 =	vmul.f32 v11, v13;
	_ =	sdelay $0x1  }
0x331: {  	s24 =	simm.s32 $0x0;
	v5 =	vadd.f32 v6, v5;
	v6 =	vmul.f32 v7, v12  }
0x332: {  	v7 =	vadd.s32 s24, v0  }
0x333: {  	s26 =	simm.s32 $0x1;
	v5 =	vadd.f32 v6, v5;
	v6 =	vand.u32 $0x7F, v7  }
0x334: {  	v7 =	vmul.f32 v9, v8;
	v8 =	vadd.s32 s26, v0;
	v6 =	vor.u32 v2, v6  }
0x335: {  	s24 =	simm.s32 $0x2;
	v8 =	vand.u32 $0x7F, v8  }
0x336: {  	v5 =	vadd.f32 v7, v5;
	v7 =	vadd.s32 s24, v0;
	v8 =	vor.u32 v2, v8  }
0x337: {  	s26 =	simm.s32 $0x3;
	v7 =	vand.u32 $0x7F, v7  }
0x338: {  	[tilespmem:$0xC8C0] =	vst v5;
	v5 =	vadd.s32 s26, v0;
	v7 =	vor.u32 v2, v7  }
0x339: {  	s24 =	simm.s32 $0x4;
	v5 =	vand.u32 $0x7F, v5;
	v11 =	vld.idx.msk [tilespmem:v6+s12+$0x0], $0xffff  }
0x33a: {  	v9 =	vadd.s32 s24, v0;
	v12 =	vld.idx.msk [tilespmem:v6+s13+$0x0], $0xffff;
	v13 =	vor.u32 v2, v5  }
0x33b: {  	s26 =	simm.s32 $0x5;
	v5 =	vand.u32 $0x7F, v9;
	v14 =	vld.idx.msk [tilespmem:v8+s12+$0x0], $0xffff  }
0x33c: {  	v6 =	vadd.s32 s26, v0;
	v8 =	vld.idx.msk [tilespmem:v8+s13+$0x0], $0xffff;
	v17 =	vor.u32 v2, v5  }
0x33d: {  	s24 =	simm.s32 $0x6;
	v6 =	vand.u32 $0x7F, v6;
	v5 =	vld.idx.msk [tilespmem:v7+s12+$0x0], $0xffff  }
0x33e: {  	v9 =	vor.u32 v2, v6;
	v10 =	vld.idx.msk [tilespmem:v7+s13+$0x0], $0xffff;
	v7 =	vadd.s32 s24, v0  }
0x33f: {  	s26 =	simm.s32 $0x7;
	v7 =	vand.u32 $0x7F, v7;
	v6 =	vld.idx.msk [tilespmem:v13+s12+$0x0], $0xffff  }
0x340: {  	s23 =	simm.s32 $0x8;
	v16 =	vmul.f32 v12, v11;
	v12 =	vld.idx.msk [tilespmem:v13+s13+$0x0], $0xffff;
	v13 =	vadd.s32 s26, v0;
	v11 =	vor.u32 v2, v7  }
0x341: {  	v18 =	vadd.s32 s23, v0;
	v15 =	vimm.f32 $0.0e+00;
	v7 =	vld.idx.msk [tilespmem:v17+s12+$0x0], $0xffff;
	v13 =	vand.u32 $0x7F, v13  }
0x342: {  	s26 =	simm.s32 $0x9;
	v15 =	vadd.f32 v16, v15;
	v16 =	vmul.f32 v8, v14;
	v14 =	vld.idx.msk [tilespmem:v17+s13+$0x0], $0xffff;
	v13 =	vor.u32 v2, v13  }
0x343: {  	v18 =	vand.u32 $0x7F, v18;
	s24 =	simm.s32 $0x10;
	v17 =	vadd.s32 s26, v0;
	v8 =	vld.idx.msk [tilespmem:v9+s12+$0x0], $0xffff  }
.LBB2_28:
0x344: {  	p0 =	slt.u32 s24, $0x78;
	v18 =	vor.u32 v2, v18;
	s26 =	sadd.s32 $0x2, s23;
	v15 =	vadd.f32 v16, v15;
	v5 =	vmul.f32 v10, v5;
	v9 =	vld.idx.msk [tilespmem:v9+s13+$0x0], $0xffff  }
0x345: {  	v10 =	vand.u32 $0x7F, v17;
	v16 =	vadd.s32 s26, v0;
	v17 =	vld.idx.msk [tilespmem:v11+s12+$0x0], $0xffff  }
0x346: {  	v10 =	vor.u32 v2, v10;
	s26 =	sadd.s32 $0x3, s23;
	v6 =	vmul.f32 v12, v6;
	v5 =	vadd.f32 v5, v15;
	v11 =	vld.idx.msk [tilespmem:v11+s13+$0x0], $0xffff  }
0x347: {  	v12 =	vand.u32 $0x7F, v16;
	v15 =	vadd.s32 s26, v0;
	v16 =	vld.idx.msk [tilespmem:v13+s12+$0x0], $0xffff  }
0x348: {  	s26 =	sadd.s32 $0x4, s23;
	v12 =	vor.u32 v2, v12;
	v5 =	vadd.f32 v6, v5;
	v6 =	vmul.f32 v14, v7;
	v7 =	vld.idx.msk [tilespmem:v13+s13+$0x0], $0xffff  }
0x349: {  	v14 =	vand.u32 $0x7F, v15;
	v15 =	vadd.s32 s26, v0;
	v13 =	vld.idx.msk [tilespmem:v18+s12+$0x0], $0xffff  }
0x34a: {  	s26 =	sadd.s32 $0x5, s23;
	v14 =	vor.u32 v2, v14;
	v18 =	vld.idx.msk [tilespmem:v18+s13+$0x0], $0xffff;
	v5 =	vadd.f32 v6, v5;
	v6 =	vmul.f32 v9, v8  }
0x34b: {  	v9 =	vand.u32 $0x7F, v15;
	v15 =	vadd.s32 s26, v0;
	v8 =	vld.idx.msk [tilespmem:v10+s12+$0x0], $0xffff  }
0x34c: {  	s26 =	sadd.s32 $0x6, s23;
	v20 =	vor.u32 v2, v9;
	v11 =	vmul.f32 v11, v17;
	v19 =	vld.idx.msk [tilespmem:v10+s13+$0x0], $0xffff;
	v6 =	vadd.f32 v6, v5  }
0x34d: {  	v9 =	vand.u32 $0x7F, v15;
	v15 =	vadd.s32 s26, v0;
	v5 =	vld.idx.msk [tilespmem:v12+s12+$0x0], $0xffff  }
0x34e: {  	s26 =	sadd.s32 $0x7, s23;
	s23 =	smov.u32 s24;
	v9 =	vor.u32 v2, v9;
	v7 =	vmul.f32 v7, v16;
	v10 =	vld.idx.msk [tilespmem:v12+s13+$0x0], $0xffff;
	v17 =	vadd.f32 v11, v6  }
.Ltmp13:
0x34f: {  	v11 =	vand.u32 $0x7F, v15;
	v15 =	vadd.s32 s26, v0;
	v6 =	vld.idx.msk [tilespmem:v14+s12+$0x0], $0xffff;
	(pc) =	sbr.rel @p0 .LBB2_28-.Ltmp13, $4  }
0x350: {  	v13 =	vmul.f32 v18, v13;
	v11 =	vor.u32 v2, v11;
	v12 =	vld.idx.msk [tilespmem:v14+s13+$0x0], $0xffff;
	v14 =	vadd.f32 v7, v17  }
0x351: {  	v18 =	vand.u32 $0x7F, v15;
	v17 =	vadd.s32 s24, v0;
	v7 =	vld.idx.msk [tilespmem:v20+s12+$0x0], $0xffff  }
0x352: {  	s26 =	sadd.s32 $0x1, s24;
	v16 =	vmul.f32 v19, v8;
	v15 =	vadd.f32 v13, v14;
	v14 =	vld.idx.msk [tilespmem:v20+s13+$0x0], $0xffff;
	v13 =	vor.u32 v2, v18  }
0x353: {  	s24 =	sadd.s32 $0x8, s24;
	v18 =	vand.u32 $0x7F, v17;
	v17 =	vadd.s32 s26, v0;
	v8 =	vld.idx.msk [tilespmem:v9+s12+$0x0], $0xffff  }
0x354: {  	_ =	sdelay $0x2  }
0x355: {  	v15 =	vadd.f32 v16, v15;
	v5 =	vmul.f32 v10, v5  }
0x356: {  	v10 =	vor.u32 v2, v18;
	v9 =	vld.idx.msk [tilespmem:v9+s13+$0x0], $0xffff  }
0x357: {  	s24 =	sadd.s32 $0x2, s23;
	v16 =	vand.u32 $0x7F, v17;
	v17 =	vld.idx.msk [tilespmem:v11+s12+$0x0], $0xffff;
	v6 =	vmul.f32 v12, v6;
	v5 =	vadd.f32 v5, v15  }
0x358: {  	v11 =	vld.idx.msk [tilespmem:v11+s13+$0x0], $0xffff;
	v12 =	vadd.s32 s24, v0;
	v15 =	vor.u32 v2, v16  }
0x359: {  	s26 =	sadd.s32 $0x3, s23;
	v12 =	vand.u32 $0x7F, v12;
	v16 =	vld.idx.msk [tilespmem:v13+s12+$0x0], $0xffff;
	v5 =	vadd.f32 v6, v5;
	v6 =	vmul.f32 v14, v7  }
0x35a: {  	v13 =	vld.idx.msk [tilespmem:v13+s13+$0x0], $0xffff;
	v12 =	vor.u32 v2, v12;
	v7 =	vadd.s32 s26, v0  }
0x35b: {  	s26 =	sadd.s32 $0x4, s23;
	v14 =	vld.idx.msk [tilespmem:v10+s12+$0x0], $0xffff;
	v7 =	vand.u32 $0x7F, v7;
	v5 =	vadd.f32 v6, v5;
	v6 =	vmul.f32 v9, v8  }
0x35c: {  	v8 =	vadd.s32 s26, v0;
	v9 =	vld.idx.msk [tilespmem:v10+s13+$0x0], $0xffff;
	v7 =	vor.u32 v2, v7  }
0x35d: {  	s26 =	sadd.s32 $0x5, s23;
	v10 =	vld.idx.msk [tilespmem:v15+s12+$0x0], $0xffff;
	v8 =	vand.u32 $0x7F, v8;
	v5 =	vadd.f32 v6, v5;
	v6 =	vmul.f32 v11, v17  }
0x35e: {  	v15 =	vld.idx.msk [tilespmem:v15+s13+$0x0], $0xffff;
	v11 =	vadd.s32 s26, v0;
	v8 =	vor.u32 v2, v8  }
0x35f: {  	s26 =	sadd.s32 $0x6, s23;
	v17 =	vld.idx.msk [tilespmem:v12+s12+$0x0], $0xffff;
	v11 =	vand.u32 $0x7F, v11;
	v5 =	vadd.f32 v6, v5;
	v6 =	vmul.f32 v13, v16  }
0x360: {  	v12 =	vld.idx.msk [tilespmem:v12+s13+$0x0], $0xffff;
	v13 =	vadd.s32 s26, v0;
	v11 =	vor.u32 v2, v11  }
0x361: {  	v16 =	vld.idx.msk [tilespmem:v7+s12+$0x0], $0xffff;
	v13 =	vand.u32 $0x7F, v13;
	v9 =	vmul.f32 v9, v14;
	v5 =	vadd.f32 v6, v5  }
0x362: {  	s26 =	sadd.s32 $0x7, s23;
	v6 =	vld.idx.msk [tilespmem:v7+s13+$0x0], $0xffff;
	v7 =	vor.u32 v2, v13  }
0x363: {  	v13 =	vadd.s32 s26, v0;
	v14 =	vld.idx.msk [tilespmem:v8+s12+$0x0], $0xffff;
	v5 =	vadd.f32 v9, v5;
	v9 =	vmul.f32 v15, v10  }
0x364: {  	v8 =	vld.idx.msk [tilespmem:v8+s13+$0x0], $0xffff;
	v10 =	vand.u32 $0x7F, v13  }
0x365: {  	v10 =	vor.u32 v2, v10;
	v13 =	vld.idx.msk [tilespmem:v11+s12+$0x0], $0xffff;
	v5 =	vadd.f32 v9, v5;
	v9 =	vmul.f32 v12, v17  }
0x366: {  	v11 =	vld.idx.msk [tilespmem:v11+s13+$0x0], $0xffff  }
0x367: {  	v12 =	vld.idx.msk [tilespmem:v7+s12+$0x0], $0xffff;
	v6 =	vmul.f32 v6, v16;
	v5 =	vadd.f32 v9, v5  }
0x368: {  	v7 =	vld.idx.msk [tilespmem:v7+s13+$0x0], $0xffff  }
0x369: {  	v5 =	vadd.f32 v6, v5;
	v6 =	vmul.f32 v8, v14  }
0x36a: {  	v8 =	vld.idx.msk [tilespmem:v10+s12+$0x0], $0xffff  }
0x36b: {  	v9 =	vld.idx.msk [tilespmem:v10+s13+$0x0], $0xffff;
	v5 =	vadd.f32 v6, v5;
	v6 =	vmul.f32 v11, v13;
	_ =	sdelay $0x1  }
0x36c: {  	s24 =	simm.s32 $0x0;
	v5 =	vadd.f32 v6, v5;
	v6 =	vmul.f32 v7, v12  }
0x36d: {  	v7 =	vadd.s32 s24, v0  }
0x36e: {  	s26 =	simm.s32 $0x1;
	v5 =	vadd.f32 v6, v5;
	v6 =	vand.u32 $0x7F, v7  }
0x36f: {  	v7 =	vmul.f32 v9, v8;
	v8 =	vadd.s32 s26, v0;
	v6 =	vor.u32 v3, v6  }
0x370: {  	s24 =	simm.s32 $0x2;
	v8 =	vand.u32 $0x7F, v8  }
0x371: {  	v5 =	vadd.f32 v7, v5;
	v7 =	vadd.s32 s24, v0;
	v8 =	vor.u32 v3, v8  }
0x372: {  	s26 =	simm.s32 $0x3;
	v7 =	vand.u32 $0x7F, v7  }
0x373: {  	[tilespmem:$0xC8D0] =	vst v5;
	v5 =	vadd.s32 s26, v0;
	v7 =	vor.u32 v3, v7  }
0x374: {  	s24 =	simm.s32 $0x4;
	v5 =	vand.u32 $0x7F, v5;
	v11 =	vld.idx.msk [tilespmem:v6+s12+$0x0], $0xffff  }
0x375: {  	v9 =	vadd.s32 s24, v0;
	v12 =	vld.idx.msk [tilespmem:v6+s13+$0x0], $0xffff;
	v13 =	vor.u32 v3, v5  }
0x376: {  	s26 =	simm.s32 $0x5;
	v5 =	vand.u32 $0x7F, v9;
	v14 =	vld.idx.msk [tilespmem:v8+s12+$0x0], $0xffff  }
0x377: {  	v6 =	vadd.s32 s26, v0;
	v8 =	vld.idx.msk [tilespmem:v8+s13+$0x0], $0xffff;
	v17 =	vor.u32 v3, v5  }
0x378: {  	s24 =	simm.s32 $0x6;
	v6 =	vand.u32 $0x7F, v6;
	v5 =	vld.idx.msk [tilespmem:v7+s12+$0x0], $0xffff  }
0x379: {  	v9 =	vor.u32 v3, v6;
	v10 =	vld.idx.msk [tilespmem:v7+s13+$0x0], $0xffff;
	v7 =	vadd.s32 s24, v0  }
0x37a: {  	s26 =	simm.s32 $0x7;
	v7 =	vand.u32 $0x7F, v7;
	v6 =	vld.idx.msk [tilespmem:v13+s12+$0x0], $0xffff  }
0x37b: {  	s23 =	simm.s32 $0x8;
	v16 =	vmul.f32 v12, v11;
	v12 =	vld.idx.msk [tilespmem:v13+s13+$0x0], $0xffff;
	v13 =	vadd.s32 s26, v0;
	v11 =	vor.u32 v3, v7  }
0x37c: {  	v18 =	vadd.s32 s23, v0;
	v15 =	vimm.f32 $0.0e+00;
	v7 =	vld.idx.msk [tilespmem:v17+s12+$0x0], $0xffff;
	v13 =	vand.u32 $0x7F, v13  }
0x37d: {  	s26 =	simm.s32 $0x9;
	v15 =	vadd.f32 v16, v15;
	v16 =	vmul.f32 v8, v14;
	v14 =	vld.idx.msk [tilespmem:v17+s13+$0x0], $0xffff;
	v13 =	vor.u32 v3, v13  }
0x37e: {  	v18 =	vand.u32 $0x7F, v18;
	s24 =	simm.s32 $0x10;
	v17 =	vadd.s32 s26, v0;
	v8 =	vld.idx.msk [tilespmem:v9+s12+$0x0], $0xffff  }
.LBB2_30:
0x37f: {  	p0 =	slt.u32 s24, $0x78;
	v18 =	vor.u32 v3, v18;
	s26 =	sadd.s32 $0x2, s23;
	v15 =	vadd.f32 v16, v15;
	v5 =	vmul.f32 v10, v5;
	v9 =	vld.idx.msk [tilespmem:v9+s13+$0x0], $0xffff  }
0x380: {  	v10 =	vand.u32 $0x7F, v17;
	v16 =	vadd.s32 s26, v0;
	v17 =	vld.idx.msk [tilespmem:v11+s12+$0x0], $0xffff  }
0x381: {  	v10 =	vor.u32 v3, v10;
	s26 =	sadd.s32 $0x3, s23;
	v6 =	vmul.f32 v12, v6;
	v5 =	vadd.f32 v5, v15;
	v11 =	vld.idx.msk [tilespmem:v11+s13+$0x0], $0xffff  }
0x382: {  	v12 =	vand.u32 $0x7F, v16;
	v15 =	vadd.s32 s26, v0;
	v16 =	vld.idx.msk [tilespmem:v13+s12+$0x0], $0xffff  }
0x383: {  	s26 =	sadd.s32 $0x4, s23;
	v12 =	vor.u32 v3, v12;
	v5 =	vadd.f32 v6, v5;
	v6 =	vmul.f32 v14, v7;
	v7 =	vld.idx.msk [tilespmem:v13+s13+$0x0], $0xffff  }
0x384: {  	v14 =	vand.u32 $0x7F, v15;
	v15 =	vadd.s32 s26, v0;
	v13 =	vld.idx.msk [tilespmem:v18+s12+$0x0], $0xffff  }
0x385: {  	s26 =	sadd.s32 $0x5, s23;
	v14 =	vor.u32 v3, v14;
	v18 =	vld.idx.msk [tilespmem:v18+s13+$0x0], $0xffff;
	v5 =	vadd.f32 v6, v5;
	v6 =	vmul.f32 v9, v8  }
0x386: {  	v9 =	vand.u32 $0x7F, v15;
	v15 =	vadd.s32 s26, v0;
	v8 =	vld.idx.msk [tilespmem:v10+s12+$0x0], $0xffff  }
0x387: {  	s26 =	sadd.s32 $0x6, s23;
	v20 =	vor.u32 v3, v9;
	v11 =	vmul.f32 v11, v17;
	v19 =	vld.idx.msk [tilespmem:v10+s13+$0x0], $0xffff;
	v6 =	vadd.f32 v6, v5  }
0x388: {  	v9 =	vand.u32 $0x7F, v15;
	v15 =	vadd.s32 s26, v0;
	v5 =	vld.idx.msk [tilespmem:v12+s12+$0x0], $0xffff  }
0x389: {  	s26 =	sadd.s32 $0x7, s23;
	s23 =	smov.u32 s24;
	v9 =	vor.u32 v3, v9;
	v7 =	vmul.f32 v7, v16;
	v10 =	vld.idx.msk [tilespmem:v12+s13+$0x0], $0xffff;
	v17 =	vadd.f32 v11, v6  }
.Ltmp14:
0x38a: {  	v11 =	vand.u32 $0x7F, v15;
	v15 =	vadd.s32 s26, v0;
	v6 =	vld.idx.msk [tilespmem:v14+s12+$0x0], $0xffff;
	(pc) =	sbr.rel @p0 .LBB2_30-.Ltmp14, $4  }
0x38b: {  	v13 =	vmul.f32 v18, v13;
	v11 =	vor.u32 v3, v11;
	v12 =	vld.idx.msk [tilespmem:v14+s13+$0x0], $0xffff;
	v14 =	vadd.f32 v7, v17  }
0x38c: {  	v18 =	vand.u32 $0x7F, v15;
	v17 =	vadd.s32 s24, v0;
	v7 =	vld.idx.msk [tilespmem:v20+s12+$0x0], $0xffff  }
0x38d: {  	s26 =	sadd.s32 $0x1, s24;
	v16 =	vmul.f32 v19, v8;
	v15 =	vadd.f32 v13, v14;
	v14 =	vld.idx.msk [tilespmem:v20+s13+$0x0], $0xffff;
	v13 =	vor.u32 v3, v18  }
0x38e: {  	s24 =	sadd.s32 $0x8, s24;
	v18 =	vand.u32 $0x7F, v17;
	v17 =	vadd.s32 s26, v0;
	v8 =	vld.idx.msk [tilespmem:v9+s12+$0x0], $0xffff  }
0x38f: {  	_ =	sdelay $0x2  }
0x390: {  	v15 =	vadd.f32 v16, v15;
	v5 =	vmul.f32 v10, v5  }
0x391: {  	v10 =	vor.u32 v3, v18;
	v9 =	vld.idx.msk [tilespmem:v9+s13+$0x0], $0xffff  }
0x392: {  	s24 =	sadd.s32 $0x2, s23;
	v16 =	vand.u32 $0x7F, v17;
	v17 =	vld.idx.msk [tilespmem:v11+s12+$0x0], $0xffff;
	v6 =	vmul.f32 v12, v6;
	v5 =	vadd.f32 v5, v15  }
0x393: {  	v11 =	vld.idx.msk [tilespmem:v11+s13+$0x0], $0xffff;
	v12 =	vadd.s32 s24, v0;
	v15 =	vor.u32 v3, v16  }
0x394: {  	s26 =	sadd.s32 $0x3, s23;
	v12 =	vand.u32 $0x7F, v12;
	v16 =	vld.idx.msk [tilespmem:v13+s12+$0x0], $0xffff;
	v5 =	vadd.f32 v6, v5;
	v6 =	vmul.f32 v14, v7  }
0x395: {  	v13 =	vld.idx.msk [tilespmem:v13+s13+$0x0], $0xffff;
	v12 =	vor.u32 v3, v12;
	v7 =	vadd.s32 s26, v0  }
0x396: {  	s26 =	sadd.s32 $0x4, s23;
	v14 =	vld.idx.msk [tilespmem:v10+s12+$0x0], $0xffff;
	v7 =	vand.u32 $0x7F, v7;
	v5 =	vadd.f32 v6, v5;
	v6 =	vmul.f32 v9, v8  }
0x397: {  	v8 =	vadd.s32 s26, v0;
	v9 =	vld.idx.msk [tilespmem:v10+s13+$0x0], $0xffff;
	v7 =	vor.u32 v3, v7  }
0x398: {  	s26 =	sadd.s32 $0x5, s23;
	v10 =	vld.idx.msk [tilespmem:v15+s12+$0x0], $0xffff;
	v8 =	vand.u32 $0x7F, v8;
	v5 =	vadd.f32 v6, v5;
	v6 =	vmul.f32 v11, v17  }
0x399: {  	v15 =	vld.idx.msk [tilespmem:v15+s13+$0x0], $0xffff;
	v11 =	vadd.s32 s26, v0;
	v8 =	vor.u32 v3, v8  }
0x39a: {  	s26 =	sadd.s32 $0x6, s23;
	v17 =	vld.idx.msk [tilespmem:v12+s12+$0x0], $0xffff;
	v11 =	vand.u32 $0x7F, v11;
	v5 =	vadd.f32 v6, v5;
	v6 =	vmul.f32 v13, v16  }
0x39b: {  	v12 =	vld.idx.msk [tilespmem:v12+s13+$0x0], $0xffff;
	v13 =	vadd.s32 s26, v0;
	v11 =	vor.u32 v3, v11  }
0x39c: {  	v16 =	vld.idx.msk [tilespmem:v7+s12+$0x0], $0xffff;
	v13 =	vand.u32 $0x7F, v13;
	v9 =	vmul.f32 v9, v14;
	v5 =	vadd.f32 v6, v5  }
0x39d: {  	s26 =	sadd.s32 $0x7, s23;
	v6 =	vld.idx.msk [tilespmem:v7+s13+$0x0], $0xffff;
	v7 =	vor.u32 v3, v13  }
0x39e: {  	v13 =	vadd.s32 s26, v0;
	v14 =	vld.idx.msk [tilespmem:v8+s12+$0x0], $0xffff;
	v5 =	vadd.f32 v9, v5;
	v9 =	vmul.f32 v15, v10  }
0x39f: {  	v8 =	vld.idx.msk [tilespmem:v8+s13+$0x0], $0xffff;
	v10 =	vand.u32 $0x7F, v13  }
0x3a0: {  	v10 =	vor.u32 v3, v10;
	v13 =	vld.idx.msk [tilespmem:v11+s12+$0x0], $0xffff;
	v5 =	vadd.f32 v9, v5;
	v9 =	vmul.f32 v12, v17  }
0x3a1: {  	v11 =	vld.idx.msk [tilespmem:v11+s13+$0x0], $0xffff  }
0x3a2: {  	v12 =	vld.idx.msk [tilespmem:v7+s12+$0x0], $0xffff;
	v6 =	vmul.f32 v6, v16;
	v5 =	vadd.f32 v9, v5  }
0x3a3: {  	v7 =	vld.idx.msk [tilespmem:v7+s13+$0x0], $0xffff  }
0x3a4: {  	v5 =	vadd.f32 v6, v5;
	v6 =	vmul.f32 v8, v14  }
0x3a5: {  	v8 =	vld.idx.msk [tilespmem:v10+s12+$0x0], $0xffff  }
0x3a6: {  	v9 =	vld.idx.msk [tilespmem:v10+s13+$0x0], $0xffff;
	v5 =	vadd.f32 v6, v5;
	v6 =	vmul.f32 v11, v13;
	_ =	sdelay $0x1  }
0x3a7: {  	s24 =	simm.s32 $0x0;
	v5 =	vadd.f32 v6, v5;
	v6 =	vmul.f32 v7, v12  }
0x3a8: {  	v7 =	vadd.s32 s24, v0  }
0x3a9: {  	s26 =	simm.s32 $0x1;
	v5 =	vadd.f32 v6, v5;
	v6 =	vand.u32 $0x7F, v7  }
0x3aa: {  	v7 =	vmul.f32 v9, v8;
	v8 =	vadd.s32 s26, v0;
	v6 =	vor.u32 v4, v6  }
0x3ab: {  	s24 =	simm.s32 $0x2;
	v8 =	vand.u32 $0x7F, v8  }
0x3ac: {  	v5 =	vadd.f32 v7, v5;
	v7 =	vadd.s32 s24, v0;
	v8 =	vor.u32 v4, v8  }
0x3ad: {  	s26 =	simm.s32 $0x3;
	v7 =	vand.u32 $0x7F, v7  }
0x3ae: {  	[tilespmem:$0xC8E0] =	vst v5;
	v5 =	vadd.s32 s26, v0;
	v7 =	vor.u32 v4, v7  }
0x3af: {  	s24 =	simm.s32 $0x4;
	v5 =	vand.u32 $0x7F, v5;
	v11 =	vld.idx.msk [tilespmem:v6+s12+$0x0], $0xffff  }
0x3b0: {  	v9 =	vadd.s32 s24, v0;
	v12 =	vld.idx.msk [tilespmem:v6+s13+$0x0], $0xffff;
	v13 =	vor.u32 v4, v5  }
0x3b1: {  	s26 =	simm.s32 $0x5;
	v5 =	vand.u32 $0x7F, v9;
	v14 =	vld.idx.msk [tilespmem:v8+s12+$0x0], $0xffff  }
0x3b2: {  	v6 =	vadd.s32 s26, v0;
	v8 =	vld.idx.msk [tilespmem:v8+s13+$0x0], $0xffff;
	v17 =	vor.u32 v4, v5  }
0x3b3: {  	s24 =	simm.s32 $0x6;
	v6 =	vand.u32 $0x7F, v6;
	v5 =	vld.idx.msk [tilespmem:v7+s12+$0x0], $0xffff  }
0x3b4: {  	v9 =	vor.u32 v4, v6;
	v10 =	vld.idx.msk [tilespmem:v7+s13+$0x0], $0xffff;
	v7 =	vadd.s32 s24, v0  }
0x3b5: {  	s26 =	simm.s32 $0x7;
	v7 =	vand.u32 $0x7F, v7;
	v6 =	vld.idx.msk [tilespmem:v13+s12+$0x0], $0xffff  }
0x3b6: {  	s23 =	simm.s32 $0x8;
	v16 =	vmul.f32 v12, v11;
	v12 =	vld.idx.msk [tilespmem:v13+s13+$0x0], $0xffff;
	v13 =	vadd.s32 s26, v0;
	v11 =	vor.u32 v4, v7  }
0x3b7: {  	v18 =	vadd.s32 s23, v0;
	v15 =	vimm.f32 $0.0e+00;
	v7 =	vld.idx.msk [tilespmem:v17+s12+$0x0], $0xffff;
	v13 =	vand.u32 $0x7F, v13  }
0x3b8: {  	s26 =	simm.s32 $0x9;
	v15 =	vadd.f32 v16, v15;
	v16 =	vmul.f32 v8, v14;
	v14 =	vld.idx.msk [tilespmem:v17+s13+$0x0], $0xffff;
	v13 =	vor.u32 v4, v13  }
0x3b9: {  	v18 =	vand.u32 $0x7F, v18;
	s24 =	simm.s32 $0x10;
	v17 =	vadd.s32 s26, v0;
	v8 =	vld.idx.msk [tilespmem:v9+s12+$0x0], $0xffff  }
.LBB2_32:
0x3ba: {  	p0 =	slt.u32 s24, $0x78;
	v18 =	vor.u32 v4, v18;
	s26 =	sadd.s32 $0x2, s23;
	v15 =	vadd.f32 v16, v15;
	v5 =	vmul.f32 v10, v5;
	v9 =	vld.idx.msk [tilespmem:v9+s13+$0x0], $0xffff  }
0x3bb: {  	v10 =	vand.u32 $0x7F, v17;
	v16 =	vadd.s32 s26, v0;
	v17 =	vld.idx.msk [tilespmem:v11+s12+$0x0], $0xffff  }
0x3bc: {  	v10 =	vor.u32 v4, v10;
	s26 =	sadd.s32 $0x3, s23;
	v6 =	vmul.f32 v12, v6;
	v5 =	vadd.f32 v5, v15;
	v11 =	vld.idx.msk [tilespmem:v11+s13+$0x0], $0xffff  }
0x3bd: {  	v12 =	vand.u32 $0x7F, v16;
	v15 =	vadd.s32 s26, v0;
	v16 =	vld.idx.msk [tilespmem:v13+s12+$0x0], $0xffff  }
0x3be: {  	s26 =	sadd.s32 $0x4, s23;
	v12 =	vor.u32 v4, v12;
	v5 =	vadd.f32 v6, v5;
	v6 =	vmul.f32 v14, v7;
	v7 =	vld.idx.msk [tilespmem:v13+s13+$0x0], $0xffff  }
0x3bf: {  	v14 =	vand.u32 $0x7F, v15;
	v15 =	vadd.s32 s26, v0;
	v13 =	vld.idx.msk [tilespmem:v18+s12+$0x0], $0xffff  }
0x3c0: {  	s26 =	sadd.s32 $0x5, s23;
	v14 =	vor.u32 v4, v14;
	v18 =	vld.idx.msk [tilespmem:v18+s13+$0x0], $0xffff;
	v5 =	vadd.f32 v6, v5;
	v6 =	vmul.f32 v9, v8  }
0x3c1: {  	v9 =	vand.u32 $0x7F, v15;
	v15 =	vadd.s32 s26, v0;
	v8 =	vld.idx.msk [tilespmem:v10+s12+$0x0], $0xffff  }
0x3c2: {  	s26 =	sadd.s32 $0x6, s23;
	v20 =	vor.u32 v4, v9;
	v11 =	vmul.f32 v11, v17;
	v19 =	vld.idx.msk [tilespmem:v10+s13+$0x0], $0xffff;
	v6 =	vadd.f32 v6, v5  }
0x3c3: {  	v9 =	vand.u32 $0x7F, v15;
	v15 =	vadd.s32 s26, v0;
	v5 =	vld.idx.msk [tilespmem:v12+s12+$0x0], $0xffff  }
0x3c4: {  	s26 =	sadd.s32 $0x7, s23;
	s23 =	smov.u32 s24;
	v9 =	vor.u32 v4, v9;
	v7 =	vmul.f32 v7, v16;
	v10 =	vld.idx.msk [tilespmem:v12+s13+$0x0], $0xffff;
	v17 =	vadd.f32 v11, v6  }
.Ltmp15:
0x3c5: {  	v11 =	vand.u32 $0x7F, v15;
	v15 =	vadd.s32 s26, v0;
	v6 =	vld.idx.msk [tilespmem:v14+s12+$0x0], $0xffff;
	(pc) =	sbr.rel @p0 .LBB2_32-.Ltmp15, $4  }
0x3c6: {  	v13 =	vmul.f32 v18, v13;
	v11 =	vor.u32 v4, v11;
	v12 =	vld.idx.msk [tilespmem:v14+s13+$0x0], $0xffff;
	v14 =	vadd.f32 v7, v17  }
0x3c7: {  	v18 =	vand.u32 $0x7F, v15;
	v17 =	vadd.s32 s24, v0;
	v7 =	vld.idx.msk [tilespmem:v20+s12+$0x0], $0xffff  }
0x3c8: {  	s26 =	sadd.s32 $0x1, s24;
	v16 =	vmul.f32 v19, v8;
	v15 =	vadd.f32 v13, v14;
	v14 =	vld.idx.msk [tilespmem:v20+s13+$0x0], $0xffff;
	v13 =	vor.u32 v4, v18  }
0x3c9: {  	s24 =	sadd.s32 $0x8, s24;
	v18 =	vand.u32 $0x7F, v17;
	v17 =	vadd.s32 s26, v0;
	v8 =	vld.idx.msk [tilespmem:v9+s12+$0x0], $0xffff  }
0x3ca: {  	_ =	sdelay $0x2  }
0x3cb: {  	v15 =	vadd.f32 v16, v15;
	v5 =	vmul.f32 v10, v5  }
0x3cc: {  	v10 =	vor.u32 v4, v18;
	v9 =	vld.idx.msk [tilespmem:v9+s13+$0x0], $0xffff  }
0x3cd: {  	s24 =	sadd.s32 $0x2, s23;
	v16 =	vand.u32 $0x7F, v17;
	v17 =	vld.idx.msk [tilespmem:v11+s12+$0x0], $0xffff;
	v6 =	vmul.f32 v12, v6;
	v5 =	vadd.f32 v5, v15  }
0x3ce: {  	v11 =	vld.idx.msk [tilespmem:v11+s13+$0x0], $0xffff;
	v12 =	vadd.s32 s24, v0;
	v15 =	vor.u32 v4, v16  }
0x3cf: {  	s26 =	sadd.s32 $0x3, s23;
	v12 =	vand.u32 $0x7F, v12;
	v16 =	vld.idx.msk [tilespmem:v13+s12+$0x0], $0xffff;
	v5 =	vadd.f32 v6, v5;
	v6 =	vmul.f32 v14, v7  }
0x3d0: {  	v13 =	vld.idx.msk [tilespmem:v13+s13+$0x0], $0xffff;
	v12 =	vor.u32 v4, v12;
	v7 =	vadd.s32 s26, v0  }
0x3d1: {  	s26 =	sadd.s32 $0x4, s23;
	v14 =	vld.idx.msk [tilespmem:v10+s12+$0x0], $0xffff;
	v7 =	vand.u32 $0x7F, v7;
	v5 =	vadd.f32 v6, v5;
	v6 =	vmul.f32 v9, v8  }
0x3d2: {  	v8 =	vadd.s32 s26, v0;
	v9 =	vld.idx.msk [tilespmem:v10+s13+$0x0], $0xffff;
	v7 =	vor.u32 v4, v7  }
0x3d3: {  	s26 =	sadd.s32 $0x5, s23;
	v10 =	vld.idx.msk [tilespmem:v15+s12+$0x0], $0xffff;
	v8 =	vand.u32 $0x7F, v8;
	v5 =	vadd.f32 v6, v5;
	v6 =	vmul.f32 v11, v17  }
0x3d4: {  	v15 =	vld.idx.msk [tilespmem:v15+s13+$0x0], $0xffff;
	v11 =	vadd.s32 s26, v0;
	v8 =	vor.u32 v4, v8  }
0x3d5: {  	s26 =	sadd.s32 $0x6, s23;
	v17 =	vld.idx.msk [tilespmem:v12+s12+$0x0], $0xffff;
	v11 =	vand.u32 $0x7F, v11;
	v5 =	vadd.f32 v6, v5;
	v6 =	vmul.f32 v13, v16  }
0x3d6: {  	v12 =	vld.idx.msk [tilespmem:v12+s13+$0x0], $0xffff;
	v13 =	vadd.s32 s26, v0;
	v11 =	vor.u32 v4, v11  }
0x3d7: {  	s26 =	sadd.s32 $0x7, s23;
	v16 =	vld.idx.msk [tilespmem:v7+s12+$0x0], $0xffff;
	v13 =	vand.u32 $0x7F, v13;
	v9 =	vmul.f32 v9, v14;
	v5 =	vadd.f32 v6, v5  }
0x3d8: {  	v7 =	vld.idx.msk [tilespmem:v7+s13+$0x0], $0xffff;
	v6 =	vadd.s32 s26, v0;
	v13 =	vor.u32 v4, v13  }
0x3d9: {  	v14 =	vld.idx.msk [tilespmem:v8+s12+$0x0], $0xffff;
	v6 =	vand.u32 $0x7F, v6;
	v5 =	vadd.f32 v9, v5;
	v9 =	vmul.f32 v15, v10  }
0x3da: {  	v8 =	vld.idx.msk [tilespmem:v8+s13+$0x0], $0xffff;
	v6 =	vor.u32 v4, v6  }
0x3db: {  	v10 =	vld.idx.msk [tilespmem:v11+s12+$0x0], $0xffff;
	v5 =	vadd.f32 v9, v5;
	v9 =	vmul.f32 v12, v17  }
0x3dc: {  	v11 =	vld.idx.msk [tilespmem:v11+s13+$0x0], $0xffff  }
0x3dd: {  	v7 =	vmul.f32 v7, v16;
	v12 =	vld.idx.msk [tilespmem:v13+s12+$0x0], $0xffff;
	v5 =	vadd.f32 v9, v5  }
0x3de: {  	v9 =	vld.idx.msk [tilespmem:v13+s13+$0x0], $0xffff  }
0x3df: {  	v13 =	vld.idx.msk [tilespmem:v6+s12+$0x0], $0xffff;
	v5 =	vadd.f32 v7, v5;
	v7 =	vmul.f32 v8, v14  }
0x3e0: {  	v6 =	vld.idx.msk [tilespmem:v6+s13+$0x0], $0xffff  }
0x3e1: {  	v5 =	vadd.f32 v7, v5;
	v7 =	vmul.f32 v11, v10;
	_ =	sdelay $0x1  }
0x3e2: {  	v5 =	vadd.f32 v7, v5;
	v7 =	vmul.f32 v9, v12;
	_ =	sdelay $0x1  }
0x3e3: {  	v6 =	vmul.f32 v6, v13;
	v5 =	vadd.f32 v7, v5;
	_ =	sdelay $0x1  }
0x3e4: {  	v5 =	vadd.f32 v6, v5;
	_ =	sdelay $0x1  }
0x3e5: {  	[tilespmem:$0xC8F0] =	vst v5  }
0x3e6: {  	[tilespmem:s12], [sflag:$0x1] =	stream.indirect.gather [hbm4b:s2+s11], $0x80, s0, s11, $0xb8;
	[tilespmem:$0xCA00] =	vst v63  }
0x3e7: {  	s24 =	simm.s32 $0x0  }
0x3e8: {  	v5 =	vadd.s32 s24, v0;
	[tilespmem:s13], [sflag:$0x1] =	stream.indirect.gather [hbm4b:s3+s11], $0x80, s1, s11, $0xb8;
	[tilespmem:$0xCA00] =	vst v63  }
0x3e9: {  	s26 =	simm.s32 $0x1;
	v5 =	vand.u32 $0x7F, v5;
	_ =	swait.ge [sflag:s25], $0x2000  }
0x3ea: {  	v6 =	vadd.s32 s26, v0;
	v5 =	vor.u32 v1, v5;
	[sflag:s25] =	ssyncset.done $0x0  }
0x3eb: {  	v6 =	vand.u32 $0x7F, v6;
	s24 =	simm.s32 $0x2;
	[sflag:s25] =	ssyncadd.s32 $0xFFFFE000  }
0x3ec: {  	v6 =	vor.u32 v1, v6;
	v7 =	vadd.s32 s24, v0;
	_ =	swait.ge [sflag:s25], $0x2000  }
0x3ed: {  	s26 =	simm.s32 $0x3;
	v7 =	vand.u32 $0x7F, v7;
	[sflag:s25] =	ssyncset.done $0x0  }
0x3ee: {  	v8 =	vadd.s32 s26, v0;
	v7 =	vor.u32 v1, v7;
	[sflag:s25] =	ssyncadd.s32 $0xFFFFE000  }
0x3ef: {  	v8 =	vand.u32 $0x7F, v8;
	s24 =	simm.s32 $0x4;
	v11 =	vld.idx.msk [tilespmem:v5+s15+$0x0], $0xffff  }
0x3f0: {  	v8 =	vor.u32 v1, v8;
	v9 =	vadd.s32 s24, v0;
	v12 =	vld.idx.msk [tilespmem:v5+s17+$0x0], $0xffff  }
0x3f1: {  	s26 =	simm.s32 $0x5;
	v13 =	vld.idx.msk [tilespmem:v6+s15+$0x0], $0xffff;
	v5 =	vand.u32 $0x7F, v9  }
0x3f2: {  	v9 =	vadd.s32 s26, v0;
	v14 =	vld.idx.msk [tilespmem:v6+s17+$0x0], $0xffff;
	v17 =	vor.u32 v1, v5  }
0x3f3: {  	s24 =	simm.s32 $0x6;
	v10 =	vld.idx.msk [tilespmem:v7+s17+$0x0], $0xffff;
	v6 =	vand.u32 $0x7F, v9  }
0x3f4: {  	v5 =	vld.idx.msk [tilespmem:v7+s15+$0x0], $0xffff;
	v7 =	vadd.s32 s24, v0;
	v9 =	vor.u32 v1, v6  }
0x3f5: {  	s26 =	simm.s32 $0x7;
	v6 =	vld.idx.msk [tilespmem:v8+s15+$0x0], $0xffff;
	v7 =	vand.u32 $0x7F, v7  }
0x3f6: {  	s23 =	simm.s32 $0x8;
	v16 =	vmul.f32 v12, v11;
	v12 =	vld.idx.msk [tilespmem:v8+s17+$0x0], $0xffff;
	v8 =	vadd.s32 s26, v0;
	v11 =	vor.u32 v1, v7  }
0x3f7: {  	v18 =	vadd.s32 s23, v0;
	v15 =	vimm.f32 $0.0e+00;
	v7 =	vld.idx.msk [tilespmem:v17+s15+$0x0], $0xffff;
	v8 =	vand.u32 $0x7F, v8  }
0x3f8: {  	s26 =	simm.s32 $0x9;
	v15 =	vadd.f32 v16, v15;
	v16 =	vmul.f32 v14, v13;
	v14 =	vld.idx.msk [tilespmem:v17+s17+$0x0], $0xffff;
	v13 =	vor.u32 v1, v8  }
0x3f9: {  	v18 =	vand.u32 $0x7F, v18;
	s24 =	simm.s32 $0x10;
	v17 =	vadd.s32 s26, v0;
	v8 =	vld.idx.msk [tilespmem:v9+s15+$0x0], $0xffff  }
.LBB2_34:
0x3fa: {  	p0 =	slt.u32 s24, $0x78;
	v18 =	vor.u32 v1, v18;
	s26 =	sadd.s32 $0x2, s23;
	v15 =	vadd.f32 v16, v15;
	v5 =	vmul.f32 v10, v5;
	v9 =	vld.idx.msk [tilespmem:v9+s17+$0x0], $0xffff  }
0x3fb: {  	v10 =	vand.u32 $0x7F, v17;
	v16 =	vadd.s32 s26, v0;
	v17 =	vld.idx.msk [tilespmem:v11+s15+$0x0], $0xffff  }
0x3fc: {  	v10 =	vor.u32 v1, v10;
	s26 =	sadd.s32 $0x3, s23;
	v6 =	vmul.f32 v12, v6;
	v5 =	vadd.f32 v5, v15;
	v11 =	vld.idx.msk [tilespmem:v11+s17+$0x0], $0xffff  }
0x3fd: {  	v12 =	vand.u32 $0x7F, v16;
	v15 =	vadd.s32 s26, v0;
	v16 =	vld.idx.msk [tilespmem:v13+s15+$0x0], $0xffff  }
0x3fe: {  	s26 =	sadd.s32 $0x4, s23;
	v12 =	vor.u32 v1, v12;
	v5 =	vadd.f32 v6, v5;
	v6 =	vmul.f32 v14, v7;
	v7 =	vld.idx.msk [tilespmem:v13+s17+$0x0], $0xffff  }
0x3ff: {  	v14 =	vand.u32 $0x7F, v15;
	v15 =	vadd.s32 s26, v0;
	v13 =	vld.idx.msk [tilespmem:v18+s15+$0x0], $0xffff  }
0x400: {  	s26 =	sadd.s32 $0x5, s23;
	v14 =	vor.u32 v1, v14;
	v18 =	vld.idx.msk [tilespmem:v18+s17+$0x0], $0xffff;
	v5 =	vadd.f32 v6, v5;
	v6 =	vmul.f32 v9, v8  }
0x401: {  	v9 =	vand.u32 $0x7F, v15;
	v15 =	vadd.s32 s26, v0;
	v8 =	vld.idx.msk [tilespmem:v10+s15+$0x0], $0xffff  }
0x402: {  	s26 =	sadd.s32 $0x6, s23;
	v20 =	vor.u32 v1, v9;
	v11 =	vmul.f32 v11, v17;
	v19 =	vld.idx.msk [tilespmem:v10+s17+$0x0], $0xffff;
	v6 =	vadd.f32 v6, v5  }
0x403: {  	v9 =	vand.u32 $0x7F, v15;
	v15 =	vadd.s32 s26, v0;
	v5 =	vld.idx.msk [tilespmem:v12+s15+$0x0], $0xffff  }
0x404: {  	s26 =	sadd.s32 $0x7, s23;
	s23 =	smov.u32 s24;
	v9 =	vor.u32 v1, v9;
	v7 =	vmul.f32 v7, v16;
	v10 =	vld.idx.msk [tilespmem:v12+s17+$0x0], $0xffff;
	v17 =	vadd.f32 v11, v6  }
.Ltmp16:
0x405: {  	v11 =	vand.u32 $0x7F, v15;
	v15 =	vadd.s32 s26, v0;
	v6 =	vld.idx.msk [tilespmem:v14+s15+$0x0], $0xffff;
	(pc) =	sbr.rel @p0 .LBB2_34-.Ltmp16, $4  }
0x406: {  	v13 =	vmul.f32 v18, v13;
	v11 =	vor.u32 v1, v11;
	v12 =	vld.idx.msk [tilespmem:v14+s17+$0x0], $0xffff;
	v14 =	vadd.f32 v7, v17  }
0x407: {  	v18 =	vand.u32 $0x7F, v15;
	v17 =	vadd.s32 s24, v0;
	v7 =	vld.idx.msk [tilespmem:v20+s15+$0x0], $0xffff  }
0x408: {  	s26 =	sadd.s32 $0x1, s24;
	v16 =	vmul.f32 v19, v8;
	v15 =	vadd.f32 v13, v14;
	v14 =	vld.idx.msk [tilespmem:v20+s17+$0x0], $0xffff;
	v13 =	vor.u32 v1, v18  }
0x409: {  	s24 =	sadd.s32 $0x8, s24;
	v18 =	vand.u32 $0x7F, v17;
	v17 =	vadd.s32 s26, v0;
	v8 =	vld.idx.msk [tilespmem:v9+s15+$0x0], $0xffff  }
0x40a: {  	_ =	sdelay $0x2  }
0x40b: {  	v15 =	vadd.f32 v16, v15;
	v5 =	vmul.f32 v10, v5  }
0x40c: {  	v10 =	vor.u32 v1, v18;
	v9 =	vld.idx.msk [tilespmem:v9+s17+$0x0], $0xffff  }
0x40d: {  	s24 =	sadd.s32 $0x2, s23;
	v16 =	vand.u32 $0x7F, v17;
	v17 =	vld.idx.msk [tilespmem:v11+s15+$0x0], $0xffff;
	v6 =	vmul.f32 v12, v6;
	v5 =	vadd.f32 v5, v15  }
0x40e: {  	v11 =	vld.idx.msk [tilespmem:v11+s17+$0x0], $0xffff;
	v12 =	vadd.s32 s24, v0;
	v15 =	vor.u32 v1, v16  }
0x40f: {  	s26 =	sadd.s32 $0x3, s23;
	v12 =	vand.u32 $0x7F, v12;
	v16 =	vld.idx.msk [tilespmem:v13+s15+$0x0], $0xffff;
	v5 =	vadd.f32 v6, v5;
	v6 =	vmul.f32 v14, v7  }
0x410: {  	v13 =	vld.idx.msk [tilespmem:v13+s17+$0x0], $0xffff;
	v12 =	vor.u32 v1, v12;
	v7 =	vadd.s32 s26, v0  }
0x411: {  	s26 =	sadd.s32 $0x4, s23;
	v14 =	vld.idx.msk [tilespmem:v10+s15+$0x0], $0xffff;
	v7 =	vand.u32 $0x7F, v7;
	v5 =	vadd.f32 v6, v5;
	v6 =	vmul.f32 v9, v8  }
0x412: {  	v8 =	vadd.s32 s26, v0;
	v9 =	vld.idx.msk [tilespmem:v10+s17+$0x0], $0xffff;
	v7 =	vor.u32 v1, v7  }
0x413: {  	s26 =	sadd.s32 $0x5, s23;
	v10 =	vld.idx.msk [tilespmem:v15+s15+$0x0], $0xffff;
	v8 =	vand.u32 $0x7F, v8;
	v5 =	vadd.f32 v6, v5;
	v6 =	vmul.f32 v11, v17  }
0x414: {  	v15 =	vld.idx.msk [tilespmem:v15+s17+$0x0], $0xffff;
	v11 =	vadd.s32 s26, v0;
	v8 =	vor.u32 v1, v8  }
0x415: {  	s26 =	sadd.s32 $0x6, s23;
	v17 =	vld.idx.msk [tilespmem:v12+s15+$0x0], $0xffff;
	v11 =	vand.u32 $0x7F, v11;
	v5 =	vadd.f32 v6, v5;
	v6 =	vmul.f32 v13, v16  }
0x416: {  	v12 =	vld.idx.msk [tilespmem:v12+s17+$0x0], $0xffff;
	v13 =	vadd.s32 s26, v0;
	v11 =	vor.u32 v1, v11  }
0x417: {  	v16 =	vld.idx.msk [tilespmem:v7+s15+$0x0], $0xffff;
	v13 =	vand.u32 $0x7F, v13;
	v9 =	vmul.f32 v9, v14;
	v5 =	vadd.f32 v6, v5  }
0x418: {  	s26 =	sadd.s32 $0x7, s23;
	v6 =	vld.idx.msk [tilespmem:v7+s17+$0x0], $0xffff;
	v7 =	vor.u32 v1, v13  }
0x419: {  	v13 =	vadd.s32 s26, v0;
	v14 =	vld.idx.msk [tilespmem:v8+s15+$0x0], $0xffff;
	v5 =	vadd.f32 v9, v5;
	v9 =	vmul.f32 v15, v10  }
0x41a: {  	v8 =	vld.idx.msk [tilespmem:v8+s17+$0x0], $0xffff;
	v10 =	vand.u32 $0x7F, v13  }
0x41b: {  	v10 =	vor.u32 v1, v10;
	v13 =	vld.idx.msk [tilespmem:v11+s15+$0x0], $0xffff;
	v5 =	vadd.f32 v9, v5;
	v9 =	vmul.f32 v12, v17  }
0x41c: {  	v11 =	vld.idx.msk [tilespmem:v11+s17+$0x0], $0xffff  }
0x41d: {  	v12 =	vld.idx.msk [tilespmem:v7+s15+$0x0], $0xffff;
	v6 =	vmul.f32 v6, v16;
	v5 =	vadd.f32 v9, v5  }
0x41e: {  	v7 =	vld.idx.msk [tilespmem:v7+s17+$0x0], $0xffff  }
0x41f: {  	v5 =	vadd.f32 v6, v5;
	v6 =	vmul.f32 v8, v14  }
0x420: {  	v8 =	vld.idx.msk [tilespmem:v10+s15+$0x0], $0xffff  }
0x421: {  	v9 =	vld.idx.msk [tilespmem:v10+s17+$0x0], $0xffff;
	v5 =	vadd.f32 v6, v5;
	v6 =	vmul.f32 v11, v13;
	_ =	sdelay $0x1  }
0x422: {  	s24 =	simm.s32 $0x0;
	v5 =	vadd.f32 v6, v5;
	v6 =	vmul.f32 v7, v12  }
0x423: {  	v7 =	vadd.s32 s24, v0  }
0x424: {  	s26 =	simm.s32 $0x1;
	v5 =	vadd.f32 v6, v5;
	v6 =	vand.u32 $0x7F, v7  }
0x425: {  	v7 =	vmul.f32 v9, v8;
	v8 =	vadd.s32 s26, v0;
	v6 =	vor.u32 v2, v6  }
0x426: {  	s24 =	simm.s32 $0x2;
	v8 =	vand.u32 $0x7F, v8  }
0x427: {  	v5 =	vadd.f32 v7, v5;
	v7 =	vadd.s32 s24, v0;
	v8 =	vor.u32 v2, v8  }
0x428: {  	s26 =	simm.s32 $0x3;
	v7 =	vand.u32 $0x7F, v7  }
0x429: {  	[tilespmem:$0xC900] =	vst v5;
	v5 =	vadd.s32 s26, v0;
	v7 =	vor.u32 v2, v7  }
0x42a: {  	s24 =	simm.s32 $0x4;
	v5 =	vand.u32 $0x7F, v5;
	v11 =	vld.idx.msk [tilespmem:v6+s15+$0x0], $0xffff  }
0x42b: {  	v9 =	vadd.s32 s24, v0;
	v12 =	vld.idx.msk [tilespmem:v6+s17+$0x0], $0xffff;
	v13 =	vor.u32 v2, v5  }
0x42c: {  	s26 =	simm.s32 $0x5;
	v5 =	vand.u32 $0x7F, v9;
	v14 =	vld.idx.msk [tilespmem:v8+s15+$0x0], $0xffff  }
0x42d: {  	v6 =	vadd.s32 s26, v0;
	v8 =	vld.idx.msk [tilespmem:v8+s17+$0x0], $0xffff;
	v17 =	vor.u32 v2, v5  }
0x42e: {  	s24 =	simm.s32 $0x6;
	v6 =	vand.u32 $0x7F, v6;
	v5 =	vld.idx.msk [tilespmem:v7+s15+$0x0], $0xffff  }
0x42f: {  	v9 =	vor.u32 v2, v6;
	v10 =	vld.idx.msk [tilespmem:v7+s17+$0x0], $0xffff;
	v7 =	vadd.s32 s24, v0  }
0x430: {  	s26 =	simm.s32 $0x7;
	v7 =	vand.u32 $0x7F, v7;
	v6 =	vld.idx.msk [tilespmem:v13+s15+$0x0], $0xffff  }
0x431: {  	s23 =	simm.s32 $0x8;
	v16 =	vmul.f32 v12, v11;
	v12 =	vld.idx.msk [tilespmem:v13+s17+$0x0], $0xffff;
	v13 =	vadd.s32 s26, v0;
	v11 =	vor.u32 v2, v7  }
0x432: {  	v18 =	vadd.s32 s23, v0;
	v15 =	vimm.f32 $0.0e+00;
	v7 =	vld.idx.msk [tilespmem:v17+s15+$0x0], $0xffff;
	v13 =	vand.u32 $0x7F, v13  }
0x433: {  	s26 =	simm.s32 $0x9;
	v15 =	vadd.f32 v16, v15;
	v16 =	vmul.f32 v8, v14;
	v14 =	vld.idx.msk [tilespmem:v17+s17+$0x0], $0xffff;
	v13 =	vor.u32 v2, v13  }
0x434: {  	v18 =	vand.u32 $0x7F, v18;
	s24 =	simm.s32 $0x10;
	v17 =	vadd.s32 s26, v0;
	v8 =	vld.idx.msk [tilespmem:v9+s15+$0x0], $0xffff  }
.LBB2_36:
0x435: {  	p0 =	slt.u32 s24, $0x78;
	v18 =	vor.u32 v2, v18;
	s26 =	sadd.s32 $0x2, s23;
	v15 =	vadd.f32 v16, v15;
	v5 =	vmul.f32 v10, v5;
	v9 =	vld.idx.msk [tilespmem:v9+s17+$0x0], $0xffff  }
0x436: {  	v10 =	vand.u32 $0x7F, v17;
	v16 =	vadd.s32 s26, v0;
	v17 =	vld.idx.msk [tilespmem:v11+s15+$0x0], $0xffff  }
0x437: {  	v10 =	vor.u32 v2, v10;
	s26 =	sadd.s32 $0x3, s23;
	v6 =	vmul.f32 v12, v6;
	v5 =	vadd.f32 v5, v15;
	v11 =	vld.idx.msk [tilespmem:v11+s17+$0x0], $0xffff  }
0x438: {  	v12 =	vand.u32 $0x7F, v16;
	v15 =	vadd.s32 s26, v0;
	v16 =	vld.idx.msk [tilespmem:v13+s15+$0x0], $0xffff  }
0x439: {  	s26 =	sadd.s32 $0x4, s23;
	v12 =	vor.u32 v2, v12;
	v5 =	vadd.f32 v6, v5;
	v6 =	vmul.f32 v14, v7;
	v7 =	vld.idx.msk [tilespmem:v13+s17+$0x0], $0xffff  }
0x43a: {  	v14 =	vand.u32 $0x7F, v15;
	v15 =	vadd.s32 s26, v0;
	v13 =	vld.idx.msk [tilespmem:v18+s15+$0x0], $0xffff  }
0x43b: {  	s26 =	sadd.s32 $0x5, s23;
	v14 =	vor.u32 v2, v14;
	v18 =	vld.idx.msk [tilespmem:v18+s17+$0x0], $0xffff;
	v5 =	vadd.f32 v6, v5;
	v6 =	vmul.f32 v9, v8  }
0x43c: {  	v9 =	vand.u32 $0x7F, v15;
	v15 =	vadd.s32 s26, v0;
	v8 =	vld.idx.msk [tilespmem:v10+s15+$0x0], $0xffff  }
0x43d: {  	s26 =	sadd.s32 $0x6, s23;
	v20 =	vor.u32 v2, v9;
	v11 =	vmul.f32 v11, v17;
	v19 =	vld.idx.msk [tilespmem:v10+s17+$0x0], $0xffff;
	v6 =	vadd.f32 v6, v5  }
0x43e: {  	v9 =	vand.u32 $0x7F, v15;
	v15 =	vadd.s32 s26, v0;
	v5 =	vld.idx.msk [tilespmem:v12+s15+$0x0], $0xffff  }
0x43f: {  	s26 =	sadd.s32 $0x7, s23;
	s23 =	smov.u32 s24;
	v9 =	vor.u32 v2, v9;
	v7 =	vmul.f32 v7, v16;
	v10 =	vld.idx.msk [tilespmem:v12+s17+$0x0], $0xffff;
	v17 =	vadd.f32 v11, v6  }
.Ltmp17:
0x440: {  	v11 =	vand.u32 $0x7F, v15;
	v15 =	vadd.s32 s26, v0;
	v6 =	vld.idx.msk [tilespmem:v14+s15+$0x0], $0xffff;
	(pc) =	sbr.rel @p0 .LBB2_36-.Ltmp17, $4  }
0x441: {  	v13 =	vmul.f32 v18, v13;
	v11 =	vor.u32 v2, v11;
	v12 =	vld.idx.msk [tilespmem:v14+s17+$0x0], $0xffff;
	v14 =	vadd.f32 v7, v17  }
0x442: {  	v18 =	vand.u32 $0x7F, v15;
	v17 =	vadd.s32 s24, v0;
	v7 =	vld.idx.msk [tilespmem:v20+s15+$0x0], $0xffff  }
0x443: {  	s26 =	sadd.s32 $0x1, s24;
	v16 =	vmul.f32 v19, v8;
	v15 =	vadd.f32 v13, v14;
	v14 =	vld.idx.msk [tilespmem:v20+s17+$0x0], $0xffff;
	v13 =	vor.u32 v2, v18  }
0x444: {  	s24 =	sadd.s32 $0x8, s24;
	v18 =	vand.u32 $0x7F, v17;
	v17 =	vadd.s32 s26, v0;
	v8 =	vld.idx.msk [tilespmem:v9+s15+$0x0], $0xffff  }
0x445: {  	_ =	sdelay $0x2  }
0x446: {  	v15 =	vadd.f32 v16, v15;
	v5 =	vmul.f32 v10, v5  }
0x447: {  	v10 =	vor.u32 v2, v18;
	v9 =	vld.idx.msk [tilespmem:v9+s17+$0x0], $0xffff  }
0x448: {  	s24 =	sadd.s32 $0x2, s23;
	v16 =	vand.u32 $0x7F, v17;
	v17 =	vld.idx.msk [tilespmem:v11+s15+$0x0], $0xffff;
	v6 =	vmul.f32 v12, v6;
	v5 =	vadd.f32 v5, v15  }
0x449: {  	v11 =	vld.idx.msk [tilespmem:v11+s17+$0x0], $0xffff;
	v12 =	vadd.s32 s24, v0;
	v15 =	vor.u32 v2, v16  }
0x44a: {  	s26 =	sadd.s32 $0x3, s23;
	v12 =	vand.u32 $0x7F, v12;
	v16 =	vld.idx.msk [tilespmem:v13+s15+$0x0], $0xffff;
	v5 =	vadd.f32 v6, v5;
	v6 =	vmul.f32 v14, v7  }
0x44b: {  	v13 =	vld.idx.msk [tilespmem:v13+s17+$0x0], $0xffff;
	v12 =	vor.u32 v2, v12;
	v7 =	vadd.s32 s26, v0  }
0x44c: {  	s26 =	sadd.s32 $0x4, s23;
	v14 =	vld.idx.msk [tilespmem:v10+s15+$0x0], $0xffff;
	v7 =	vand.u32 $0x7F, v7;
	v5 =	vadd.f32 v6, v5;
	v6 =	vmul.f32 v9, v8  }
0x44d: {  	v8 =	vadd.s32 s26, v0;
	v9 =	vld.idx.msk [tilespmem:v10+s17+$0x0], $0xffff;
	v7 =	vor.u32 v2, v7  }
0x44e: {  	s26 =	sadd.s32 $0x5, s23;
	v10 =	vld.idx.msk [tilespmem:v15+s15+$0x0], $0xffff;
	v8 =	vand.u32 $0x7F, v8;
	v5 =	vadd.f32 v6, v5;
	v6 =	vmul.f32 v11, v17  }
0x44f: {  	v15 =	vld.idx.msk [tilespmem:v15+s17+$0x0], $0xffff;
	v11 =	vadd.s32 s26, v0;
	v8 =	vor.u32 v2, v8  }
0x450: {  	s26 =	sadd.s32 $0x6, s23;
	v17 =	vld.idx.msk [tilespmem:v12+s15+$0x0], $0xffff;
	v11 =	vand.u32 $0x7F, v11;
	v5 =	vadd.f32 v6, v5;
	v6 =	vmul.f32 v13, v16  }
0x451: {  	v12 =	vld.idx.msk [tilespmem:v12+s17+$0x0], $0xffff;
	v13 =	vadd.s32 s26, v0;
	v11 =	vor.u32 v2, v11  }
0x452: {  	v16 =	vld.idx.msk [tilespmem:v7+s15+$0x0], $0xffff;
	v13 =	vand.u32 $0x7F, v13;
	v9 =	vmul.f32 v9, v14;
	v5 =	vadd.f32 v6, v5  }
0x453: {  	s26 =	sadd.s32 $0x7, s23;
	v6 =	vld.idx.msk [tilespmem:v7+s17+$0x0], $0xffff;
	v7 =	vor.u32 v2, v13  }
0x454: {  	v13 =	vadd.s32 s26, v0;
	v14 =	vld.idx.msk [tilespmem:v8+s15+$0x0], $0xffff;
	v5 =	vadd.f32 v9, v5;
	v9 =	vmul.f32 v15, v10  }
0x455: {  	v8 =	vld.idx.msk [tilespmem:v8+s17+$0x0], $0xffff;
	v10 =	vand.u32 $0x7F, v13  }
0x456: {  	v10 =	vor.u32 v2, v10;
	v13 =	vld.idx.msk [tilespmem:v11+s15+$0x0], $0xffff;
	v5 =	vadd.f32 v9, v5;
	v9 =	vmul.f32 v12, v17  }
0x457: {  	v11 =	vld.idx.msk [tilespmem:v11+s17+$0x0], $0xffff  }
0x458: {  	v12 =	vld.idx.msk [tilespmem:v7+s15+$0x0], $0xffff;
	v6 =	vmul.f32 v6, v16;
	v5 =	vadd.f32 v9, v5  }
0x459: {  	v7 =	vld.idx.msk [tilespmem:v7+s17+$0x0], $0xffff  }
0x45a: {  	v5 =	vadd.f32 v6, v5;
	v6 =	vmul.f32 v8, v14  }
0x45b: {  	v8 =	vld.idx.msk [tilespmem:v10+s15+$0x0], $0xffff  }
0x45c: {  	v9 =	vld.idx.msk [tilespmem:v10+s17+$0x0], $0xffff;
	v5 =	vadd.f32 v6, v5;
	v6 =	vmul.f32 v11, v13;
	_ =	sdelay $0x1  }
0x45d: {  	s24 =	simm.s32 $0x0;
	v5 =	vadd.f32 v6, v5;
	v6 =	vmul.f32 v7, v12  }
0x45e: {  	v7 =	vadd.s32 s24, v0  }
0x45f: {  	s26 =	simm.s32 $0x1;
	v5 =	vadd.f32 v6, v5;
	v6 =	vand.u32 $0x7F, v7  }
0x460: {  	v7 =	vmul.f32 v9, v8;
	v8 =	vadd.s32 s26, v0;
	v6 =	vor.u32 v3, v6  }
0x461: {  	s24 =	simm.s32 $0x2;
	v8 =	vand.u32 $0x7F, v8  }
0x462: {  	v5 =	vadd.f32 v7, v5;
	v7 =	vadd.s32 s24, v0;
	v8 =	vor.u32 v3, v8  }
0x463: {  	s26 =	simm.s32 $0x3;
	v7 =	vand.u32 $0x7F, v7  }
0x464: {  	[tilespmem:$0xC910] =	vst v5;
	v5 =	vadd.s32 s26, v0;
	v7 =	vor.u32 v3, v7  }
0x465: {  	s24 =	simm.s32 $0x4;
	v5 =	vand.u32 $0x7F, v5;
	v11 =	vld.idx.msk [tilespmem:v6+s15+$0x0], $0xffff  }
0x466: {  	v9 =	vadd.s32 s24, v0;
	v12 =	vld.idx.msk [tilespmem:v6+s17+$0x0], $0xffff;
	v13 =	vor.u32 v3, v5  }
0x467: {  	s26 =	simm.s32 $0x5;
	v5 =	vand.u32 $0x7F, v9;
	v14 =	vld.idx.msk [tilespmem:v8+s15+$0x0], $0xffff  }
0x468: {  	v6 =	vadd.s32 s26, v0;
	v8 =	vld.idx.msk [tilespmem:v8+s17+$0x0], $0xffff;
	v17 =	vor.u32 v3, v5  }
0x469: {  	s24 =	simm.s32 $0x6;
	v6 =	vand.u32 $0x7F, v6;
	v5 =	vld.idx.msk [tilespmem:v7+s15+$0x0], $0xffff  }
0x46a: {  	v9 =	vor.u32 v3, v6;
	v10 =	vld.idx.msk [tilespmem:v7+s17+$0x0], $0xffff;
	v7 =	vadd.s32 s24, v0  }
0x46b: {  	s26 =	simm.s32 $0x7;
	v7 =	vand.u32 $0x7F, v7;
	v6 =	vld.idx.msk [tilespmem:v13+s15+$0x0], $0xffff  }
0x46c: {  	s23 =	simm.s32 $0x8;
	v16 =	vmul.f32 v12, v11;
	v12 =	vld.idx.msk [tilespmem:v13+s17+$0x0], $0xffff;
	v13 =	vadd.s32 s26, v0;
	v11 =	vor.u32 v3, v7  }
0x46d: {  	v18 =	vadd.s32 s23, v0;
	v15 =	vimm.f32 $0.0e+00;
	v7 =	vld.idx.msk [tilespmem:v17+s15+$0x0], $0xffff;
	v13 =	vand.u32 $0x7F, v13  }
0x46e: {  	s26 =	simm.s32 $0x9;
	v15 =	vadd.f32 v16, v15;
	v16 =	vmul.f32 v8, v14;
	v14 =	vld.idx.msk [tilespmem:v17+s17+$0x0], $0xffff;
	v13 =	vor.u32 v3, v13  }
0x46f: {  	v18 =	vand.u32 $0x7F, v18;
	s24 =	simm.s32 $0x10;
	v17 =	vadd.s32 s26, v0;
	v8 =	vld.idx.msk [tilespmem:v9+s15+$0x0], $0xffff  }
.LBB2_38:
0x470: {  	p0 =	slt.u32 s24, $0x78;
	v18 =	vor.u32 v3, v18;
	s26 =	sadd.s32 $0x2, s23;
	v15 =	vadd.f32 v16, v15;
	v5 =	vmul.f32 v10, v5;
	v9 =	vld.idx.msk [tilespmem:v9+s17+$0x0], $0xffff  }
0x471: {  	v10 =	vand.u32 $0x7F, v17;
	v16 =	vadd.s32 s26, v0;
	v17 =	vld.idx.msk [tilespmem:v11+s15+$0x0], $0xffff  }
0x472: {  	v10 =	vor.u32 v3, v10;
	s26 =	sadd.s32 $0x3, s23;
	v6 =	vmul.f32 v12, v6;
	v5 =	vadd.f32 v5, v15;
	v11 =	vld.idx.msk [tilespmem:v11+s17+$0x0], $0xffff  }
0x473: {  	v12 =	vand.u32 $0x7F, v16;
	v15 =	vadd.s32 s26, v0;
	v16 =	vld.idx.msk [tilespmem:v13+s15+$0x0], $0xffff  }
0x474: {  	s26 =	sadd.s32 $0x4, s23;
	v12 =	vor.u32 v3, v12;
	v5 =	vadd.f32 v6, v5;
	v6 =	vmul.f32 v14, v7;
	v7 =	vld.idx.msk [tilespmem:v13+s17+$0x0], $0xffff  }
0x475: {  	v14 =	vand.u32 $0x7F, v15;
	v15 =	vadd.s32 s26, v0;
	v13 =	vld.idx.msk [tilespmem:v18+s15+$0x0], $0xffff  }
0x476: {  	s26 =	sadd.s32 $0x5, s23;
	v14 =	vor.u32 v3, v14;
	v18 =	vld.idx.msk [tilespmem:v18+s17+$0x0], $0xffff;
	v5 =	vadd.f32 v6, v5;
	v6 =	vmul.f32 v9, v8  }
0x477: {  	v9 =	vand.u32 $0x7F, v15;
	v15 =	vadd.s32 s26, v0;
	v8 =	vld.idx.msk [tilespmem:v10+s15+$0x0], $0xffff  }
0x478: {  	s26 =	sadd.s32 $0x6, s23;
	v20 =	vor.u32 v3, v9;
	v11 =	vmul.f32 v11, v17;
	v19 =	vld.idx.msk [tilespmem:v10+s17+$0x0], $0xffff;
	v6 =	vadd.f32 v6, v5  }
0x479: {  	v9 =	vand.u32 $0x7F, v15;
	v15 =	vadd.s32 s26, v0;
	v5 =	vld.idx.msk [tilespmem:v12+s15+$0x0], $0xffff  }
0x47a: {  	s26 =	sadd.s32 $0x7, s23;
	s23 =	smov.u32 s24;
	v9 =	vor.u32 v3, v9;
	v7 =	vmul.f32 v7, v16;
	v10 =	vld.idx.msk [tilespmem:v12+s17+$0x0], $0xffff;
	v17 =	vadd.f32 v11, v6  }
.Ltmp18:
0x47b: {  	v11 =	vand.u32 $0x7F, v15;
	v15 =	vadd.s32 s26, v0;
	v6 =	vld.idx.msk [tilespmem:v14+s15+$0x0], $0xffff;
	(pc) =	sbr.rel @p0 .LBB2_38-.Ltmp18, $4  }
0x47c: {  	v13 =	vmul.f32 v18, v13;
	v11 =	vor.u32 v3, v11;
	v12 =	vld.idx.msk [tilespmem:v14+s17+$0x0], $0xffff;
	v14 =	vadd.f32 v7, v17  }
0x47d: {  	v18 =	vand.u32 $0x7F, v15;
	v17 =	vadd.s32 s24, v0;
	v7 =	vld.idx.msk [tilespmem:v20+s15+$0x0], $0xffff  }
0x47e: {  	s26 =	sadd.s32 $0x1, s24;
	v16 =	vmul.f32 v19, v8;
	v15 =	vadd.f32 v13, v14;
	v14 =	vld.idx.msk [tilespmem:v20+s17+$0x0], $0xffff;
	v13 =	vor.u32 v3, v18  }
0x47f: {  	s24 =	sadd.s32 $0x8, s24;
	v18 =	vand.u32 $0x7F, v17;
	v17 =	vadd.s32 s26, v0;
	v8 =	vld.idx.msk [tilespmem:v9+s15+$0x0], $0xffff  }
0x480: {  	_ =	sdelay $0x2  }
0x481: {  	v15 =	vadd.f32 v16, v15;
	v5 =	vmul.f32 v10, v5  }
0x482: {  	v10 =	vor.u32 v3, v18;
	v9 =	vld.idx.msk [tilespmem:v9+s17+$0x0], $0xffff  }
0x483: {  	s24 =	sadd.s32 $0x2, s23;
	v16 =	vand.u32 $0x7F, v17;
	v17 =	vld.idx.msk [tilespmem:v11+s15+$0x0], $0xffff;
	v6 =	vmul.f32 v12, v6;
	v5 =	vadd.f32 v5, v15  }
0x484: {  	v11 =	vld.idx.msk [tilespmem:v11+s17+$0x0], $0xffff;
	v12 =	vadd.s32 s24, v0;
	v15 =	vor.u32 v3, v16  }
0x485: {  	s26 =	sadd.s32 $0x3, s23;
	v12 =	vand.u32 $0x7F, v12;
	v16 =	vld.idx.msk [tilespmem:v13+s15+$0x0], $0xffff;
	v5 =	vadd.f32 v6, v5;
	v6 =	vmul.f32 v14, v7  }
0x486: {  	v13 =	vld.idx.msk [tilespmem:v13+s17+$0x0], $0xffff;
	v12 =	vor.u32 v3, v12;
	v7 =	vadd.s32 s26, v0  }
0x487: {  	s26 =	sadd.s32 $0x4, s23;
	v14 =	vld.idx.msk [tilespmem:v10+s15+$0x0], $0xffff;
	v7 =	vand.u32 $0x7F, v7;
	v5 =	vadd.f32 v6, v5;
	v6 =	vmul.f32 v9, v8  }
0x488: {  	v8 =	vadd.s32 s26, v0;
	v9 =	vld.idx.msk [tilespmem:v10+s17+$0x0], $0xffff;
	v7 =	vor.u32 v3, v7  }
0x489: {  	s26 =	sadd.s32 $0x5, s23;
	v10 =	vld.idx.msk [tilespmem:v15+s15+$0x0], $0xffff;
	v8 =	vand.u32 $0x7F, v8;
	v5 =	vadd.f32 v6, v5;
	v6 =	vmul.f32 v11, v17  }
0x48a: {  	v15 =	vld.idx.msk [tilespmem:v15+s17+$0x0], $0xffff;
	v11 =	vadd.s32 s26, v0;
	v8 =	vor.u32 v3, v8  }
0x48b: {  	s26 =	sadd.s32 $0x6, s23;
	v17 =	vld.idx.msk [tilespmem:v12+s15+$0x0], $0xffff;
	v11 =	vand.u32 $0x7F, v11;
	v5 =	vadd.f32 v6, v5;
	v6 =	vmul.f32 v13, v16  }
0x48c: {  	v12 =	vld.idx.msk [tilespmem:v12+s17+$0x0], $0xffff;
	v13 =	vadd.s32 s26, v0;
	v11 =	vor.u32 v3, v11  }
0x48d: {  	v16 =	vld.idx.msk [tilespmem:v7+s15+$0x0], $0xffff;
	v13 =	vand.u32 $0x7F, v13;
	v9 =	vmul.f32 v9, v14;
	v5 =	vadd.f32 v6, v5  }
0x48e: {  	s26 =	sadd.s32 $0x7, s23;
	v6 =	vld.idx.msk [tilespmem:v7+s17+$0x0], $0xffff;
	v7 =	vor.u32 v3, v13  }
0x48f: {  	v13 =	vadd.s32 s26, v0;
	v14 =	vld.idx.msk [tilespmem:v8+s15+$0x0], $0xffff;
	v5 =	vadd.f32 v9, v5;
	v9 =	vmul.f32 v15, v10  }
0x490: {  	v8 =	vld.idx.msk [tilespmem:v8+s17+$0x0], $0xffff;
	v10 =	vand.u32 $0x7F, v13  }
0x491: {  	v10 =	vor.u32 v3, v10;
	v13 =	vld.idx.msk [tilespmem:v11+s15+$0x0], $0xffff;
	v5 =	vadd.f32 v9, v5;
	v9 =	vmul.f32 v12, v17  }
0x492: {  	v11 =	vld.idx.msk [tilespmem:v11+s17+$0x0], $0xffff  }
0x493: {  	v12 =	vld.idx.msk [tilespmem:v7+s15+$0x0], $0xffff;
	v6 =	vmul.f32 v6, v16;
	v5 =	vadd.f32 v9, v5  }
0x494: {  	v7 =	vld.idx.msk [tilespmem:v7+s17+$0x0], $0xffff  }
0x495: {  	v5 =	vadd.f32 v6, v5;
	v6 =	vmul.f32 v8, v14  }
0x496: {  	v8 =	vld.idx.msk [tilespmem:v10+s15+$0x0], $0xffff  }
0x497: {  	v9 =	vld.idx.msk [tilespmem:v10+s17+$0x0], $0xffff;
	v5 =	vadd.f32 v6, v5;
	v6 =	vmul.f32 v11, v13;
	_ =	sdelay $0x1  }
0x498: {  	s24 =	simm.s32 $0x0;
	v5 =	vadd.f32 v6, v5;
	v6 =	vmul.f32 v7, v12  }
0x499: {  	v7 =	vadd.s32 s24, v0  }
0x49a: {  	s26 =	simm.s32 $0x1;
	v5 =	vadd.f32 v6, v5;
	v6 =	vand.u32 $0x7F, v7  }
0x49b: {  	v7 =	vmul.f32 v9, v8;
	v8 =	vadd.s32 s26, v0;
	v6 =	vor.u32 v4, v6  }
0x49c: {  	s24 =	simm.s32 $0x2;
	v8 =	vand.u32 $0x7F, v8  }
0x49d: {  	v5 =	vadd.f32 v7, v5;
	v7 =	vadd.s32 s24, v0;
	v8 =	vor.u32 v4, v8  }
0x49e: {  	s26 =	simm.s32 $0x3;
	v7 =	vand.u32 $0x7F, v7  }
0x49f: {  	[tilespmem:$0xC920] =	vst v5;
	v5 =	vadd.s32 s26, v0;
	v7 =	vor.u32 v4, v7  }
0x4a0: {  	s24 =	simm.s32 $0x4;
	v5 =	vand.u32 $0x7F, v5;
	v11 =	vld.idx.msk [tilespmem:v6+s15+$0x0], $0xffff  }
0x4a1: {  	v9 =	vadd.s32 s24, v0;
	v12 =	vld.idx.msk [tilespmem:v6+s17+$0x0], $0xffff;
	v13 =	vor.u32 v4, v5  }
0x4a2: {  	s26 =	simm.s32 $0x5;
	v5 =	vand.u32 $0x7F, v9;
	v14 =	vld.idx.msk [tilespmem:v8+s15+$0x0], $0xffff  }
0x4a3: {  	v6 =	vadd.s32 s26, v0;
	v8 =	vld.idx.msk [tilespmem:v8+s17+$0x0], $0xffff;
	v17 =	vor.u32 v4, v5  }
0x4a4: {  	s24 =	simm.s32 $0x6;
	v6 =	vand.u32 $0x7F, v6;
	v5 =	vld.idx.msk [tilespmem:v7+s15+$0x0], $0xffff  }
0x4a5: {  	v9 =	vor.u32 v4, v6;
	v10 =	vld.idx.msk [tilespmem:v7+s17+$0x0], $0xffff;
	v7 =	vadd.s32 s24, v0  }
0x4a6: {  	s26 =	simm.s32 $0x7;
	v7 =	vand.u32 $0x7F, v7;
	v6 =	vld.idx.msk [tilespmem:v13+s15+$0x0], $0xffff  }
0x4a7: {  	s23 =	simm.s32 $0x8;
	v16 =	vmul.f32 v12, v11;
	v12 =	vld.idx.msk [tilespmem:v13+s17+$0x0], $0xffff;
	v13 =	vadd.s32 s26, v0;
	v11 =	vor.u32 v4, v7  }
0x4a8: {  	v18 =	vadd.s32 s23, v0;
	v15 =	vimm.f32 $0.0e+00;
	v7 =	vld.idx.msk [tilespmem:v17+s15+$0x0], $0xffff;
	v13 =	vand.u32 $0x7F, v13  }
0x4a9: {  	s26 =	simm.s32 $0x9;
	v15 =	vadd.f32 v16, v15;
	v16 =	vmul.f32 v8, v14;
	v14 =	vld.idx.msk [tilespmem:v17+s17+$0x0], $0xffff;
	v13 =	vor.u32 v4, v13  }
0x4aa: {  	v18 =	vand.u32 $0x7F, v18;
	s24 =	simm.s32 $0x10;
	v17 =	vadd.s32 s26, v0;
	v8 =	vld.idx.msk [tilespmem:v9+s15+$0x0], $0xffff  }
.LBB2_40:
0x4ab: {  	p0 =	slt.u32 s24, $0x78;
	v18 =	vor.u32 v4, v18;
	s26 =	sadd.s32 $0x2, s23;
	v15 =	vadd.f32 v16, v15;
	v5 =	vmul.f32 v10, v5;
	v9 =	vld.idx.msk [tilespmem:v9+s17+$0x0], $0xffff  }
0x4ac: {  	v10 =	vand.u32 $0x7F, v17;
	v16 =	vadd.s32 s26, v0;
	v17 =	vld.idx.msk [tilespmem:v11+s15+$0x0], $0xffff  }
0x4ad: {  	v10 =	vor.u32 v4, v10;
	s26 =	sadd.s32 $0x3, s23;
	v6 =	vmul.f32 v12, v6;
	v5 =	vadd.f32 v5, v15;
	v11 =	vld.idx.msk [tilespmem:v11+s17+$0x0], $0xffff  }
0x4ae: {  	v12 =	vand.u32 $0x7F, v16;
	v15 =	vadd.s32 s26, v0;
	v16 =	vld.idx.msk [tilespmem:v13+s15+$0x0], $0xffff  }
0x4af: {  	s26 =	sadd.s32 $0x4, s23;
	v12 =	vor.u32 v4, v12;
	v5 =	vadd.f32 v6, v5;
	v6 =	vmul.f32 v14, v7;
	v7 =	vld.idx.msk [tilespmem:v13+s17+$0x0], $0xffff  }
0x4b0: {  	v14 =	vand.u32 $0x7F, v15;
	v15 =	vadd.s32 s26, v0;
	v13 =	vld.idx.msk [tilespmem:v18+s15+$0x0], $0xffff  }
0x4b1: {  	s26 =	sadd.s32 $0x5, s23;
	v14 =	vor.u32 v4, v14;
	v18 =	vld.idx.msk [tilespmem:v18+s17+$0x0], $0xffff;
	v5 =	vadd.f32 v6, v5;
	v6 =	vmul.f32 v9, v8  }
0x4b2: {  	v9 =	vand.u32 $0x7F, v15;
	v15 =	vadd.s32 s26, v0;
	v8 =	vld.idx.msk [tilespmem:v10+s15+$0x0], $0xffff  }
0x4b3: {  	s26 =	sadd.s32 $0x6, s23;
	v20 =	vor.u32 v4, v9;
	v11 =	vmul.f32 v11, v17;
	v19 =	vld.idx.msk [tilespmem:v10+s17+$0x0], $0xffff;
	v6 =	vadd.f32 v6, v5  }
0x4b4: {  	v9 =	vand.u32 $0x7F, v15;
	v15 =	vadd.s32 s26, v0;
	v5 =	vld.idx.msk [tilespmem:v12+s15+$0x0], $0xffff  }
0x4b5: {  	s26 =	sadd.s32 $0x7, s23;
	s23 =	smov.u32 s24;
	v9 =	vor.u32 v4, v9;
	v7 =	vmul.f32 v7, v16;
	v10 =	vld.idx.msk [tilespmem:v12+s17+$0x0], $0xffff;
	v17 =	vadd.f32 v11, v6  }
.Ltmp19:
0x4b6: {  	v11 =	vand.u32 $0x7F, v15;
	v15 =	vadd.s32 s26, v0;
	v6 =	vld.idx.msk [tilespmem:v14+s15+$0x0], $0xffff;
	(pc) =	sbr.rel @p0 .LBB2_40-.Ltmp19, $4  }
0x4b7: {  	v13 =	vmul.f32 v18, v13;
	v11 =	vor.u32 v4, v11;
	v12 =	vld.idx.msk [tilespmem:v14+s17+$0x0], $0xffff;
	v14 =	vadd.f32 v7, v17  }
0x4b8: {  	v18 =	vand.u32 $0x7F, v15;
	v17 =	vadd.s32 s24, v0;
	v7 =	vld.idx.msk [tilespmem:v20+s15+$0x0], $0xffff  }
0x4b9: {  	s26 =	sadd.s32 $0x1, s24;
	v16 =	vmul.f32 v19, v8;
	v15 =	vadd.f32 v13, v14;
	v14 =	vld.idx.msk [tilespmem:v20+s17+$0x0], $0xffff;
	v13 =	vor.u32 v4, v18  }
0x4ba: {  	s24 =	sadd.s32 $0x8, s24;
	v18 =	vand.u32 $0x7F, v17;
	v17 =	vadd.s32 s26, v0;
	v8 =	vld.idx.msk [tilespmem:v9+s15+$0x0], $0xffff  }
0x4bb: {  	_ =	sdelay $0x2  }
0x4bc: {  	v15 =	vadd.f32 v16, v15;
	v5 =	vmul.f32 v10, v5  }
0x4bd: {  	v10 =	vor.u32 v4, v18;
	v9 =	vld.idx.msk [tilespmem:v9+s17+$0x0], $0xffff  }
0x4be: {  	s24 =	sadd.s32 $0x2, s23;
	v16 =	vand.u32 $0x7F, v17;
	v17 =	vld.idx.msk [tilespmem:v11+s15+$0x0], $0xffff;
	v6 =	vmul.f32 v12, v6;
	v5 =	vadd.f32 v5, v15  }
0x4bf: {  	v11 =	vld.idx.msk [tilespmem:v11+s17+$0x0], $0xffff;
	v12 =	vadd.s32 s24, v0;
	v15 =	vor.u32 v4, v16  }
0x4c0: {  	s26 =	sadd.s32 $0x3, s23;
	v12 =	vand.u32 $0x7F, v12;
	v16 =	vld.idx.msk [tilespmem:v13+s15+$0x0], $0xffff;
	v5 =	vadd.f32 v6, v5;
	v6 =	vmul.f32 v14, v7  }
0x4c1: {  	v13 =	vld.idx.msk [tilespmem:v13+s17+$0x0], $0xffff;
	v12 =	vor.u32 v4, v12;
	v7 =	vadd.s32 s26, v0  }
0x4c2: {  	s26 =	sadd.s32 $0x4, s23;
	v14 =	vld.idx.msk [tilespmem:v10+s15+$0x0], $0xffff;
	v7 =	vand.u32 $0x7F, v7;
	v5 =	vadd.f32 v6, v5;
	v6 =	vmul.f32 v9, v8  }
0x4c3: {  	v8 =	vadd.s32 s26, v0;
	v9 =	vld.idx.msk [tilespmem:v10+s17+$0x0], $0xffff;
	v7 =	vor.u32 v4, v7  }
0x4c4: {  	s26 =	sadd.s32 $0x5, s23;
	v10 =	vld.idx.msk [tilespmem:v15+s15+$0x0], $0xffff;
	v8 =	vand.u32 $0x7F, v8;
	v5 =	vadd.f32 v6, v5;
	v6 =	vmul.f32 v11, v17  }
0x4c5: {  	v15 =	vld.idx.msk [tilespmem:v15+s17+$0x0], $0xffff;
	v11 =	vadd.s32 s26, v0;
	v8 =	vor.u32 v4, v8  }
0x4c6: {  	s26 =	sadd.s32 $0x6, s23;
	v17 =	vld.idx.msk [tilespmem:v12+s15+$0x0], $0xffff;
	v11 =	vand.u32 $0x7F, v11;
	v5 =	vadd.f32 v6, v5;
	v6 =	vmul.f32 v13, v16  }
0x4c7: {  	v12 =	vld.idx.msk [tilespmem:v12+s17+$0x0], $0xffff;
	v13 =	vadd.s32 s26, v0;
	v11 =	vor.u32 v4, v11  }
0x4c8: {  	s26 =	sadd.s32 $0x7, s23;
	v16 =	vld.idx.msk [tilespmem:v7+s15+$0x0], $0xffff;
	v13 =	vand.u32 $0x7F, v13;
	v9 =	vmul.f32 v9, v14;
	v5 =	vadd.f32 v6, v5  }
0x4c9: {  	v7 =	vld.idx.msk [tilespmem:v7+s17+$0x0], $0xffff;
	v6 =	vadd.s32 s26, v0;
	v13 =	vor.u32 v4, v13  }
0x4ca: {  	v14 =	vld.idx.msk [tilespmem:v8+s15+$0x0], $0xffff;
	v6 =	vand.u32 $0x7F, v6;
	v5 =	vadd.f32 v9, v5;
	v9 =	vmul.f32 v15, v10  }
0x4cb: {  	v8 =	vld.idx.msk [tilespmem:v8+s17+$0x0], $0xffff;
	v6 =	vor.u32 v4, v6  }
0x4cc: {  	v10 =	vld.idx.msk [tilespmem:v11+s15+$0x0], $0xffff;
	v5 =	vadd.f32 v9, v5;
	v9 =	vmul.f32 v12, v17  }
0x4cd: {  	v11 =	vld.idx.msk [tilespmem:v11+s17+$0x0], $0xffff  }
0x4ce: {  	v7 =	vmul.f32 v7, v16;
	v12 =	vld.idx.msk [tilespmem:v13+s15+$0x0], $0xffff;
	v5 =	vadd.f32 v9, v5  }
0x4cf: {  	v9 =	vld.idx.msk [tilespmem:v13+s17+$0x0], $0xffff  }
0x4d0: {  	v13 =	vld.idx.msk [tilespmem:v6+s15+$0x0], $0xffff;
	v5 =	vadd.f32 v7, v5;
	v7 =	vmul.f32 v8, v14  }
0x4d1: {  	v6 =	vld.idx.msk [tilespmem:v6+s17+$0x0], $0xffff  }
0x4d2: {  	v5 =	vadd.f32 v7, v5;
	v7 =	vmul.f32 v11, v10;
	_ =	sdelay $0x1  }
0x4d3: {  	v5 =	vadd.f32 v7, v5;
	v7 =	vmul.f32 v9, v12;
	_ =	sdelay $0x1  }
0x4d4: {  	v6 =	vmul.f32 v6, v13;
	v5 =	vadd.f32 v7, v5;
	_ =	sdelay $0x1  }
0x4d5: {  	v5 =	vadd.f32 v6, v5;
	_ =	sdelay $0x1  }
0x4d6: {  	[tilespmem:$0xC930] =	vst v5  }
0x4d7: {  	[tilespmem:s15], [sflag:$0x2] =	stream.indirect.gather [hbm4b:s2+s11], $0x80, s14, s11, $0xb8;
	[tilespmem:$0xCA00] =	vst v63  }
0x4d8: {  	s24 =	simm.s32 $0x0  }
0x4d9: {  	v5 =	vadd.s32 s24, v0;
	[tilespmem:s17], [sflag:$0x2] =	stream.indirect.gather [hbm4b:s3+s11], $0x80, s16, s11, $0xb8;
	[tilespmem:$0xCA00] =	vst v63  }
0x4da: {  	s26 =	simm.s32 $0x1;
	v5 =	vand.u32 $0x7F, v5;
	_ =	swait.ge [sflag:s29], $0x2000  }
0x4db: {  	v6 =	vadd.s32 s26, v0;
	v5 =	vor.u32 v1, v5;
	[sflag:s29] =	ssyncset.done $0x0  }
0x4dc: {  	v6 =	vand.u32 $0x7F, v6;
	s24 =	simm.s32 $0x2;
	[sflag:s29] =	ssyncadd.s32 $0xFFFFE000  }
0x4dd: {  	v6 =	vor.u32 v1, v6;
	v7 =	vadd.s32 s24, v0;
	_ =	swait.ge [sflag:s29], $0x2000  }
0x4de: {  	s26 =	simm.s32 $0x3;
	v7 =	vand.u32 $0x7F, v7;
	[sflag:s29] =	ssyncset.done $0x0  }
0x4df: {  	v8 =	vadd.s32 s26, v0;
	v7 =	vor.u32 v1, v7;
	[sflag:s29] =	ssyncadd.s32 $0xFFFFE000  }
0x4e0: {  	v8 =	vand.u32 $0x7F, v8;
	s24 =	simm.s32 $0x4;
	v11 =	vld.idx.msk [tilespmem:v5+s19+$0x0], $0xffff  }
0x4e1: {  	v8 =	vor.u32 v1, v8;
	v9 =	vadd.s32 s24, v0;
	v12 =	vld.idx.msk [tilespmem:v5+s21+$0x0], $0xffff  }
0x4e2: {  	s26 =	simm.s32 $0x5;
	v13 =	vld.idx.msk [tilespmem:v6+s19+$0x0], $0xffff;
	v5 =	vand.u32 $0x7F, v9  }
0x4e3: {  	v9 =	vadd.s32 s26, v0;
	v14 =	vld.idx.msk [tilespmem:v6+s21+$0x0], $0xffff;
	v17 =	vor.u32 v1, v5  }
0x4e4: {  	s24 =	simm.s32 $0x6;
	v10 =	vld.idx.msk [tilespmem:v7+s21+$0x0], $0xffff;
	v6 =	vand.u32 $0x7F, v9  }
0x4e5: {  	v5 =	vld.idx.msk [tilespmem:v7+s19+$0x0], $0xffff;
	v7 =	vadd.s32 s24, v0;
	v9 =	vor.u32 v1, v6  }
0x4e6: {  	s26 =	simm.s32 $0x7;
	v6 =	vld.idx.msk [tilespmem:v8+s19+$0x0], $0xffff;
	v7 =	vand.u32 $0x7F, v7  }
0x4e7: {  	s23 =	simm.s32 $0x8;
	v16 =	vmul.f32 v12, v11;
	v12 =	vld.idx.msk [tilespmem:v8+s21+$0x0], $0xffff;
	v8 =	vadd.s32 s26, v0;
	v11 =	vor.u32 v1, v7  }
0x4e8: {  	v18 =	vadd.s32 s23, v0;
	v15 =	vimm.f32 $0.0e+00;
	v7 =	vld.idx.msk [tilespmem:v17+s19+$0x0], $0xffff;
	v8 =	vand.u32 $0x7F, v8  }
0x4e9: {  	s26 =	simm.s32 $0x9;
	v15 =	vadd.f32 v16, v15;
	v16 =	vmul.f32 v14, v13;
	v14 =	vld.idx.msk [tilespmem:v17+s21+$0x0], $0xffff;
	v13 =	vor.u32 v1, v8  }
0x4ea: {  	v18 =	vand.u32 $0x7F, v18;
	s24 =	simm.s32 $0x10;
	v17 =	vadd.s32 s26, v0;
	v8 =	vld.idx.msk [tilespmem:v9+s19+$0x0], $0xffff  }
.LBB2_42:
0x4eb: {  	p0 =	slt.u32 s24, $0x78;
	v18 =	vor.u32 v1, v18;
	s26 =	sadd.s32 $0x2, s23;
	v15 =	vadd.f32 v16, v15;
	v5 =	vmul.f32 v10, v5;
	v9 =	vld.idx.msk [tilespmem:v9+s21+$0x0], $0xffff  }
0x4ec: {  	v10 =	vand.u32 $0x7F, v17;
	v16 =	vadd.s32 s26, v0;
	v17 =	vld.idx.msk [tilespmem:v11+s19+$0x0], $0xffff  }
0x4ed: {  	v10 =	vor.u32 v1, v10;
	s26 =	sadd.s32 $0x3, s23;
	v6 =	vmul.f32 v12, v6;
	v5 =	vadd.f32 v5, v15;
	v11 =	vld.idx.msk [tilespmem:v11+s21+$0x0], $0xffff  }
0x4ee: {  	v12 =	vand.u32 $0x7F, v16;
	v15 =	vadd.s32 s26, v0;
	v16 =	vld.idx.msk [tilespmem:v13+s19+$0x0], $0xffff  }
0x4ef: {  	s26 =	sadd.s32 $0x4, s23;
	v12 =	vor.u32 v1, v12;
	v5 =	vadd.f32 v6, v5;
	v6 =	vmul.f32 v14, v7;
	v7 =	vld.idx.msk [tilespmem:v13+s21+$0x0], $0xffff  }
0x4f0: {  	v14 =	vand.u32 $0x7F, v15;
	v15 =	vadd.s32 s26, v0;
	v13 =	vld.idx.msk [tilespmem:v18+s19+$0x0], $0xffff  }
0x4f1: {  	s26 =	sadd.s32 $0x5, s23;
	v14 =	vor.u32 v1, v14;
	v18 =	vld.idx.msk [tilespmem:v18+s21+$0x0], $0xffff;
	v5 =	vadd.f32 v6, v5;
	v6 =	vmul.f32 v9, v8  }
0x4f2: {  	v9 =	vand.u32 $0x7F, v15;
	v15 =	vadd.s32 s26, v0;
	v8 =	vld.idx.msk [tilespmem:v10+s19+$0x0], $0xffff  }
0x4f3: {  	s26 =	sadd.s32 $0x6, s23;
	v20 =	vor.u32 v1, v9;
	v11 =	vmul.f32 v11, v17;
	v19 =	vld.idx.msk [tilespmem:v10+s21+$0x0], $0xffff;
	v6 =	vadd.f32 v6, v5  }
0x4f4: {  	v9 =	vand.u32 $0x7F, v15;
	v15 =	vadd.s32 s26, v0;
	v5 =	vld.idx.msk [tilespmem:v12+s19+$0x0], $0xffff  }
0x4f5: {  	s26 =	sadd.s32 $0x7, s23;
	s23 =	smov.u32 s24;
	v9 =	vor.u32 v1, v9;
	v7 =	vmul.f32 v7, v16;
	v10 =	vld.idx.msk [tilespmem:v12+s21+$0x0], $0xffff;
	v17 =	vadd.f32 v11, v6  }
.Ltmp20:
0x4f6: {  	v11 =	vand.u32 $0x7F, v15;
	v15 =	vadd.s32 s26, v0;
	v6 =	vld.idx.msk [tilespmem:v14+s19+$0x0], $0xffff;
	(pc) =	sbr.rel @p0 .LBB2_42-.Ltmp20, $4  }
0x4f7: {  	v13 =	vmul.f32 v18, v13;
	v11 =	vor.u32 v1, v11;
	v12 =	vld.idx.msk [tilespmem:v14+s21+$0x0], $0xffff;
	v14 =	vadd.f32 v7, v17  }
0x4f8: {  	v18 =	vand.u32 $0x7F, v15;
	v17 =	vadd.s32 s24, v0;
	v7 =	vld.idx.msk [tilespmem:v20+s19+$0x0], $0xffff  }
0x4f9: {  	s26 =	sadd.s32 $0x1, s24;
	v16 =	vmul.f32 v19, v8;
	v15 =	vadd.f32 v13, v14;
	v14 =	vld.idx.msk [tilespmem:v20+s21+$0x0], $0xffff;
	v13 =	vor.u32 v1, v18  }
0x4fa: {  	s24 =	sadd.s32 $0x8, s24;
	v18 =	vand.u32 $0x7F, v17;
	v17 =	vadd.s32 s26, v0;
	v8 =	vld.idx.msk [tilespmem:v9+s19+$0x0], $0xffff  }
0x4fb: {  	_ =	sdelay $0x2  }
0x4fc: {  	v15 =	vadd.f32 v16, v15;
	v5 =	vmul.f32 v10, v5  }
0x4fd: {  	v10 =	vor.u32 v1, v18;
	v9 =	vld.idx.msk [tilespmem:v9+s21+$0x0], $0xffff  }
0x4fe: {  	s24 =	sadd.s32 $0x2, s23;
	v16 =	vand.u32 $0x7F, v17;
	v17 =	vld.idx.msk [tilespmem:v11+s19+$0x0], $0xffff;
	v6 =	vmul.f32 v12, v6;
	v5 =	vadd.f32 v5, v15  }
0x4ff: {  	v11 =	vld.idx.msk [tilespmem:v11+s21+$0x0], $0xffff;
	v12 =	vadd.s32 s24, v0;
	v15 =	vor.u32 v1, v16  }
0x500: {  	s26 =	sadd.s32 $0x3, s23;
	v12 =	vand.u32 $0x7F, v12;
	v16 =	vld.idx.msk [tilespmem:v13+s19+$0x0], $0xffff;
	v5 =	vadd.f32 v6, v5;
	v6 =	vmul.f32 v14, v7  }
0x501: {  	v13 =	vld.idx.msk [tilespmem:v13+s21+$0x0], $0xffff;
	v12 =	vor.u32 v1, v12;
	v7 =	vadd.s32 s26, v0  }
0x502: {  	s26 =	sadd.s32 $0x4, s23;
	v14 =	vld.idx.msk [tilespmem:v10+s19+$0x0], $0xffff;
	v7 =	vand.u32 $0x7F, v7;
	v5 =	vadd.f32 v6, v5;
	v6 =	vmul.f32 v9, v8  }
0x503: {  	v8 =	vadd.s32 s26, v0;
	v9 =	vld.idx.msk [tilespmem:v10+s21+$0x0], $0xffff;
	v7 =	vor.u32 v1, v7  }
0x504: {  	s26 =	sadd.s32 $0x5, s23;
	v10 =	vld.idx.msk [tilespmem:v15+s19+$0x0], $0xffff;
	v8 =	vand.u32 $0x7F, v8;
	v5 =	vadd.f32 v6, v5;
	v6 =	vmul.f32 v11, v17  }
0x505: {  	v15 =	vld.idx.msk [tilespmem:v15+s21+$0x0], $0xffff;
	v11 =	vadd.s32 s26, v0;
	v8 =	vor.u32 v1, v8  }
0x506: {  	s26 =	sadd.s32 $0x6, s23;
	v17 =	vld.idx.msk [tilespmem:v12+s19+$0x0], $0xffff;
	v11 =	vand.u32 $0x7F, v11;
	v5 =	vadd.f32 v6, v5;
	v6 =	vmul.f32 v13, v16  }
0x507: {  	v12 =	vld.idx.msk [tilespmem:v12+s21+$0x0], $0xffff;
	v13 =	vadd.s32 s26, v0;
	v11 =	vor.u32 v1, v11  }
0x508: {  	v16 =	vld.idx.msk [tilespmem:v7+s19+$0x0], $0xffff;
	v13 =	vand.u32 $0x7F, v13;
	v9 =	vmul.f32 v9, v14;
	v5 =	vadd.f32 v6, v5  }
0x509: {  	s26 =	sadd.s32 $0x7, s23;
	v6 =	vld.idx.msk [tilespmem:v7+s21+$0x0], $0xffff;
	v7 =	vor.u32 v1, v13  }
0x50a: {  	v13 =	vadd.s32 s26, v0;
	v14 =	vld.idx.msk [tilespmem:v8+s19+$0x0], $0xffff;
	v5 =	vadd.f32 v9, v5;
	v9 =	vmul.f32 v15, v10  }
0x50b: {  	v8 =	vld.idx.msk [tilespmem:v8+s21+$0x0], $0xffff;
	v10 =	vand.u32 $0x7F, v13  }
0x50c: {  	v10 =	vor.u32 v1, v10;
	v13 =	vld.idx.msk [tilespmem:v11+s19+$0x0], $0xffff;
	v5 =	vadd.f32 v9, v5;
	v9 =	vmul.f32 v12, v17  }
0x50d: {  	v11 =	vld.idx.msk [tilespmem:v11+s21+$0x0], $0xffff  }
0x50e: {  	v12 =	vld.idx.msk [tilespmem:v7+s19+$0x0], $0xffff;
	v6 =	vmul.f32 v6, v16;
	v5 =	vadd.f32 v9, v5  }
0x50f: {  	v7 =	vld.idx.msk [tilespmem:v7+s21+$0x0], $0xffff  }
0x510: {  	v5 =	vadd.f32 v6, v5;
	v6 =	vmul.f32 v8, v14  }
0x511: {  	v8 =	vld.idx.msk [tilespmem:v10+s19+$0x0], $0xffff  }
0x512: {  	v9 =	vld.idx.msk [tilespmem:v10+s21+$0x0], $0xffff;
	v5 =	vadd.f32 v6, v5;
	v6 =	vmul.f32 v11, v13;
	_ =	sdelay $0x1  }
0x513: {  	s24 =	simm.s32 $0x0;
	v5 =	vadd.f32 v6, v5;
	v6 =	vmul.f32 v7, v12  }
0x514: {  	v7 =	vadd.s32 s24, v0  }
0x515: {  	s26 =	simm.s32 $0x1;
	v5 =	vadd.f32 v6, v5;
	v6 =	vand.u32 $0x7F, v7  }
0x516: {  	v7 =	vmul.f32 v9, v8;
	v8 =	vadd.s32 s26, v0;
	v6 =	vor.u32 v2, v6  }
0x517: {  	s24 =	simm.s32 $0x2;
	v8 =	vand.u32 $0x7F, v8  }
0x518: {  	v5 =	vadd.f32 v7, v5;
	v7 =	vadd.s32 s24, v0;
	v8 =	vor.u32 v2, v8  }
0x519: {  	s26 =	simm.s32 $0x3;
	v7 =	vand.u32 $0x7F, v7  }
0x51a: {  	[tilespmem:$0xC940] =	vst v5;
	v5 =	vadd.s32 s26, v0;
	v7 =	vor.u32 v2, v7  }
0x51b: {  	s24 =	simm.s32 $0x4;
	v5 =	vand.u32 $0x7F, v5;
	v11 =	vld.idx.msk [tilespmem:v6+s19+$0x0], $0xffff  }
0x51c: {  	v9 =	vadd.s32 s24, v0;
	v12 =	vld.idx.msk [tilespmem:v6+s21+$0x0], $0xffff;
	v13 =	vor.u32 v2, v5  }
0x51d: {  	s26 =	simm.s32 $0x5;
	v5 =	vand.u32 $0x7F, v9;
	v14 =	vld.idx.msk [tilespmem:v8+s19+$0x0], $0xffff  }
0x51e: {  	v6 =	vadd.s32 s26, v0;
	v8 =	vld.idx.msk [tilespmem:v8+s21+$0x0], $0xffff;
	v17 =	vor.u32 v2, v5  }
0x51f: {  	s24 =	simm.s32 $0x6;
	v6 =	vand.u32 $0x7F, v6;
	v5 =	vld.idx.msk [tilespmem:v7+s19+$0x0], $0xffff  }
0x520: {  	v9 =	vor.u32 v2, v6;
	v10 =	vld.idx.msk [tilespmem:v7+s21+$0x0], $0xffff;
	v7 =	vadd.s32 s24, v0  }
0x521: {  	s26 =	simm.s32 $0x7;
	v7 =	vand.u32 $0x7F, v7;
	v6 =	vld.idx.msk [tilespmem:v13+s19+$0x0], $0xffff  }
0x522: {  	s23 =	simm.s32 $0x8;
	v16 =	vmul.f32 v12, v11;
	v12 =	vld.idx.msk [tilespmem:v13+s21+$0x0], $0xffff;
	v13 =	vadd.s32 s26, v0;
	v11 =	vor.u32 v2, v7  }
0x523: {  	v18 =	vadd.s32 s23, v0;
	v15 =	vimm.f32 $0.0e+00;
	v7 =	vld.idx.msk [tilespmem:v17+s19+$0x0], $0xffff;
	v13 =	vand.u32 $0x7F, v13  }
0x524: {  	s26 =	simm.s32 $0x9;
	v15 =	vadd.f32 v16, v15;
	v16 =	vmul.f32 v8, v14;
	v14 =	vld.idx.msk [tilespmem:v17+s21+$0x0], $0xffff;
	v13 =	vor.u32 v2, v13  }
0x525: {  	v18 =	vand.u32 $0x7F, v18;
	s24 =	simm.s32 $0x10;
	v17 =	vadd.s32 s26, v0;
	v8 =	vld.idx.msk [tilespmem:v9+s19+$0x0], $0xffff  }
.LBB2_44:
0x526: {  	p0 =	slt.u32 s24, $0x78;
	v18 =	vor.u32 v2, v18;
	s26 =	sadd.s32 $0x2, s23;
	v15 =	vadd.f32 v16, v15;
	v5 =	vmul.f32 v10, v5;
	v9 =	vld.idx.msk [tilespmem:v9+s21+$0x0], $0xffff  }
0x527: {  	v10 =	vand.u32 $0x7F, v17;
	v16 =	vadd.s32 s26, v0;
	v17 =	vld.idx.msk [tilespmem:v11+s19+$0x0], $0xffff  }
0x528: {  	v10 =	vor.u32 v2, v10;
	s26 =	sadd.s32 $0x3, s23;
	v6 =	vmul.f32 v12, v6;
	v5 =	vadd.f32 v5, v15;
	v11 =	vld.idx.msk [tilespmem:v11+s21+$0x0], $0xffff  }
0x529: {  	v12 =	vand.u32 $0x7F, v16;
	v15 =	vadd.s32 s26, v0;
	v16 =	vld.idx.msk [tilespmem:v13+s19+$0x0], $0xffff  }
0x52a: {  	s26 =	sadd.s32 $0x4, s23;
	v12 =	vor.u32 v2, v12;
	v5 =	vadd.f32 v6, v5;
	v6 =	vmul.f32 v14, v7;
	v7 =	vld.idx.msk [tilespmem:v13+s21+$0x0], $0xffff  }
0x52b: {  	v14 =	vand.u32 $0x7F, v15;
	v15 =	vadd.s32 s26, v0;
	v13 =	vld.idx.msk [tilespmem:v18+s19+$0x0], $0xffff  }
0x52c: {  	s26 =	sadd.s32 $0x5, s23;
	v14 =	vor.u32 v2, v14;
	v18 =	vld.idx.msk [tilespmem:v18+s21+$0x0], $0xffff;
	v5 =	vadd.f32 v6, v5;
	v6 =	vmul.f32 v9, v8  }
0x52d: {  	v9 =	vand.u32 $0x7F, v15;
	v15 =	vadd.s32 s26, v0;
	v8 =	vld.idx.msk [tilespmem:v10+s19+$0x0], $0xffff  }
0x52e: {  	s26 =	sadd.s32 $0x6, s23;
	v20 =	vor.u32 v2, v9;
	v11 =	vmul.f32 v11, v17;
	v19 =	vld.idx.msk [tilespmem:v10+s21+$0x0], $0xffff;
	v6 =	vadd.f32 v6, v5  }
0x52f: {  	v9 =	vand.u32 $0x7F, v15;
	v15 =	vadd.s32 s26, v0;
	v5 =	vld.idx.msk [tilespmem:v12+s19+$0x0], $0xffff  }
0x530: {  	s26 =	sadd.s32 $0x7, s23;
	s23 =	smov.u32 s24;
	v9 =	vor.u32 v2, v9;
	v7 =	vmul.f32 v7, v16;
	v10 =	vld.idx.msk [tilespmem:v12+s21+$0x0], $0xffff;
	v17 =	vadd.f32 v11, v6  }
.Ltmp21:
0x531: {  	v11 =	vand.u32 $0x7F, v15;
	v15 =	vadd.s32 s26, v0;
	v6 =	vld.idx.msk [tilespmem:v14+s19+$0x0], $0xffff;
	(pc) =	sbr.rel @p0 .LBB2_44-.Ltmp21, $4  }
0x532: {  	v13 =	vmul.f32 v18, v13;
	v11 =	vor.u32 v2, v11;
	v12 =	vld.idx.msk [tilespmem:v14+s21+$0x0], $0xffff;
	v14 =	vadd.f32 v7, v17  }
0x533: {  	v18 =	vand.u32 $0x7F, v15;
	v17 =	vadd.s32 s24, v0;
	v7 =	vld.idx.msk [tilespmem:v20+s19+$0x0], $0xffff  }
0x534: {  	s26 =	sadd.s32 $0x1, s24;
	v16 =	vmul.f32 v19, v8;
	v15 =	vadd.f32 v13, v14;
	v14 =	vld.idx.msk [tilespmem:v20+s21+$0x0], $0xffff;
	v13 =	vor.u32 v2, v18  }
0x535: {  	s24 =	sadd.s32 $0x8, s24;
	v18 =	vand.u32 $0x7F, v17;
	v17 =	vadd.s32 s26, v0;
	v8 =	vld.idx.msk [tilespmem:v9+s19+$0x0], $0xffff  }
0x536: {  	_ =	sdelay $0x2  }
0x537: {  	v15 =	vadd.f32 v16, v15;
	v5 =	vmul.f32 v10, v5  }
0x538: {  	v10 =	vor.u32 v2, v18;
	v9 =	vld.idx.msk [tilespmem:v9+s21+$0x0], $0xffff  }
0x539: {  	s24 =	sadd.s32 $0x2, s23;
	v16 =	vand.u32 $0x7F, v17;
	v17 =	vld.idx.msk [tilespmem:v11+s19+$0x0], $0xffff;
	v6 =	vmul.f32 v12, v6;
	v5 =	vadd.f32 v5, v15  }
0x53a: {  	v11 =	vld.idx.msk [tilespmem:v11+s21+$0x0], $0xffff;
	v12 =	vadd.s32 s24, v0;
	v15 =	vor.u32 v2, v16  }
0x53b: {  	s26 =	sadd.s32 $0x3, s23;
	v12 =	vand.u32 $0x7F, v12;
	v16 =	vld.idx.msk [tilespmem:v13+s19+$0x0], $0xffff;
	v5 =	vadd.f32 v6, v5;
	v6 =	vmul.f32 v14, v7  }
0x53c: {  	v13 =	vld.idx.msk [tilespmem:v13+s21+$0x0], $0xffff;
	v12 =	vor.u32 v2, v12;
	v7 =	vadd.s32 s26, v0  }
0x53d: {  	s26 =	sadd.s32 $0x4, s23;
	v14 =	vld.idx.msk [tilespmem:v10+s19+$0x0], $0xffff;
	v7 =	vand.u32 $0x7F, v7;
	v5 =	vadd.f32 v6, v5;
	v6 =	vmul.f32 v9, v8  }
0x53e: {  	v8 =	vadd.s32 s26, v0;
	v9 =	vld.idx.msk [tilespmem:v10+s21+$0x0], $0xffff;
	v7 =	vor.u32 v2, v7  }
0x53f: {  	s26 =	sadd.s32 $0x5, s23;
	v10 =	vld.idx.msk [tilespmem:v15+s19+$0x0], $0xffff;
	v8 =	vand.u32 $0x7F, v8;
	v5 =	vadd.f32 v6, v5;
	v6 =	vmul.f32 v11, v17  }
0x540: {  	v15 =	vld.idx.msk [tilespmem:v15+s21+$0x0], $0xffff;
	v11 =	vadd.s32 s26, v0;
	v8 =	vor.u32 v2, v8  }
0x541: {  	s26 =	sadd.s32 $0x6, s23;
	v17 =	vld.idx.msk [tilespmem:v12+s19+$0x0], $0xffff;
	v11 =	vand.u32 $0x7F, v11;
	v5 =	vadd.f32 v6, v5;
	v6 =	vmul.f32 v13, v16  }
0x542: {  	v12 =	vld.idx.msk [tilespmem:v12+s21+$0x0], $0xffff;
	v13 =	vadd.s32 s26, v0;
	v11 =	vor.u32 v2, v11  }
0x543: {  	v16 =	vld.idx.msk [tilespmem:v7+s19+$0x0], $0xffff;
	v13 =	vand.u32 $0x7F, v13;
	v9 =	vmul.f32 v9, v14;
	v5 =	vadd.f32 v6, v5  }
0x544: {  	s26 =	sadd.s32 $0x7, s23;
	v6 =	vld.idx.msk [tilespmem:v7+s21+$0x0], $0xffff;
	v7 =	vor.u32 v2, v13  }
0x545: {  	v13 =	vadd.s32 s26, v0;
	v14 =	vld.idx.msk [tilespmem:v8+s19+$0x0], $0xffff;
	v5 =	vadd.f32 v9, v5;
	v9 =	vmul.f32 v15, v10  }
0x546: {  	v8 =	vld.idx.msk [tilespmem:v8+s21+$0x0], $0xffff;
	v10 =	vand.u32 $0x7F, v13  }
0x547: {  	v10 =	vor.u32 v2, v10;
	v13 =	vld.idx.msk [tilespmem:v11+s19+$0x0], $0xffff;
	v5 =	vadd.f32 v9, v5;
	v9 =	vmul.f32 v12, v17  }
0x548: {  	v11 =	vld.idx.msk [tilespmem:v11+s21+$0x0], $0xffff  }
0x549: {  	v12 =	vld.idx.msk [tilespmem:v7+s19+$0x0], $0xffff;
	v6 =	vmul.f32 v6, v16;
	v5 =	vadd.f32 v9, v5  }
0x54a: {  	v7 =	vld.idx.msk [tilespmem:v7+s21+$0x0], $0xffff  }
0x54b: {  	v5 =	vadd.f32 v6, v5;
	v6 =	vmul.f32 v8, v14  }
0x54c: {  	v8 =	vld.idx.msk [tilespmem:v10+s19+$0x0], $0xffff  }
0x54d: {  	v9 =	vld.idx.msk [tilespmem:v10+s21+$0x0], $0xffff;
	v5 =	vadd.f32 v6, v5;
	v6 =	vmul.f32 v11, v13;
	_ =	sdelay $0x1  }
0x54e: {  	s24 =	simm.s32 $0x0;
	v5 =	vadd.f32 v6, v5;
	v6 =	vmul.f32 v7, v12  }
0x54f: {  	v7 =	vadd.s32 s24, v0  }
0x550: {  	s26 =	simm.s32 $0x1;
	v5 =	vadd.f32 v6, v5;
	v6 =	vand.u32 $0x7F, v7  }
0x551: {  	v7 =	vmul.f32 v9, v8;
	v8 =	vadd.s32 s26, v0;
	v6 =	vor.u32 v3, v6  }
0x552: {  	s24 =	simm.s32 $0x2;
	v8 =	vand.u32 $0x7F, v8  }
0x553: {  	v5 =	vadd.f32 v7, v5;
	v7 =	vadd.s32 s24, v0;
	v8 =	vor.u32 v3, v8  }
0x554: {  	s26 =	simm.s32 $0x3;
	v7 =	vand.u32 $0x7F, v7  }
0x555: {  	[tilespmem:$0xC950] =	vst v5;
	v5 =	vadd.s32 s26, v0;
	v7 =	vor.u32 v3, v7  }
0x556: {  	s24 =	simm.s32 $0x4;
	v5 =	vand.u32 $0x7F, v5;
	v11 =	vld.idx.msk [tilespmem:v6+s19+$0x0], $0xffff  }
0x557: {  	v9 =	vadd.s32 s24, v0;
	v12 =	vld.idx.msk [tilespmem:v6+s21+$0x0], $0xffff;
	v13 =	vor.u32 v3, v5  }
0x558: {  	s26 =	simm.s32 $0x5;
	v5 =	vand.u32 $0x7F, v9;
	v14 =	vld.idx.msk [tilespmem:v8+s19+$0x0], $0xffff  }
0x559: {  	v6 =	vadd.s32 s26, v0;
	v8 =	vld.idx.msk [tilespmem:v8+s21+$0x0], $0xffff;
	v17 =	vor.u32 v3, v5  }
0x55a: {  	s24 =	simm.s32 $0x6;
	v6 =	vand.u32 $0x7F, v6;
	v5 =	vld.idx.msk [tilespmem:v7+s19+$0x0], $0xffff  }
0x55b: {  	v9 =	vor.u32 v3, v6;
	v10 =	vld.idx.msk [tilespmem:v7+s21+$0x0], $0xffff;
	v7 =	vadd.s32 s24, v0  }
0x55c: {  	s26 =	simm.s32 $0x7;
	v7 =	vand.u32 $0x7F, v7;
	v6 =	vld.idx.msk [tilespmem:v13+s19+$0x0], $0xffff  }
0x55d: {  	s23 =	simm.s32 $0x8;
	v16 =	vmul.f32 v12, v11;
	v12 =	vld.idx.msk [tilespmem:v13+s21+$0x0], $0xffff;
	v13 =	vadd.s32 s26, v0;
	v11 =	vor.u32 v3, v7  }
0x55e: {  	v18 =	vadd.s32 s23, v0;
	v15 =	vimm.f32 $0.0e+00;
	v7 =	vld.idx.msk [tilespmem:v17+s19+$0x0], $0xffff;
	v13 =	vand.u32 $0x7F, v13  }
0x55f: {  	s26 =	simm.s32 $0x9;
	v15 =	vadd.f32 v16, v15;
	v16 =	vmul.f32 v8, v14;
	v14 =	vld.idx.msk [tilespmem:v17+s21+$0x0], $0xffff;
	v13 =	vor.u32 v3, v13  }
0x560: {  	v18 =	vand.u32 $0x7F, v18;
	s24 =	simm.s32 $0x10;
	v17 =	vadd.s32 s26, v0;
	v8 =	vld.idx.msk [tilespmem:v9+s19+$0x0], $0xffff  }
.LBB2_46:
0x561: {  	p0 =	slt.u32 s24, $0x78;
	v18 =	vor.u32 v3, v18;
	s26 =	sadd.s32 $0x2, s23;
	v15 =	vadd.f32 v16, v15;
	v5 =	vmul.f32 v10, v5;
	v9 =	vld.idx.msk [tilespmem:v9+s21+$0x0], $0xffff  }
0x562: {  	v10 =	vand.u32 $0x7F, v17;
	v16 =	vadd.s32 s26, v0;
	v17 =	vld.idx.msk [tilespmem:v11+s19+$0x0], $0xffff  }
0x563: {  	v10 =	vor.u32 v3, v10;
	s26 =	sadd.s32 $0x3, s23;
	v6 =	vmul.f32 v12, v6;
	v5 =	vadd.f32 v5, v15;
	v11 =	vld.idx.msk [tilespmem:v11+s21+$0x0], $0xffff  }
0x564: {  	v12 =	vand.u32 $0x7F, v16;
	v15 =	vadd.s32 s26, v0;
	v16 =	vld.idx.msk [tilespmem:v13+s19+$0x0], $0xffff  }
0x565: {  	s26 =	sadd.s32 $0x4, s23;
	v12 =	vor.u32 v3, v12;
	v5 =	vadd.f32 v6, v5;
	v6 =	vmul.f32 v14, v7;
	v7 =	vld.idx.msk [tilespmem:v13+s21+$0x0], $0xffff  }
0x566: {  	v14 =	vand.u32 $0x7F, v15;
	v15 =	vadd.s32 s26, v0;
	v13 =	vld.idx.msk [tilespmem:v18+s19+$0x0], $0xffff  }
0x567: {  	s26 =	sadd.s32 $0x5, s23;
	v14 =	vor.u32 v3, v14;
	v18 =	vld.idx.msk [tilespmem:v18+s21+$0x0], $0xffff;
	v5 =	vadd.f32 v6, v5;
	v6 =	vmul.f32 v9, v8  }
0x568: {  	v9 =	vand.u32 $0x7F, v15;
	v15 =	vadd.s32 s26, v0;
	v8 =	vld.idx.msk [tilespmem:v10+s19+$0x0], $0xffff  }
0x569: {  	s26 =	sadd.s32 $0x6, s23;
	v20 =	vor.u32 v3, v9;
	v11 =	vmul.f32 v11, v17;
	v19 =	vld.idx.msk [tilespmem:v10+s21+$0x0], $0xffff;
	v6 =	vadd.f32 v6, v5  }
0x56a: {  	v9 =	vand.u32 $0x7F, v15;
	v15 =	vadd.s32 s26, v0;
	v5 =	vld.idx.msk [tilespmem:v12+s19+$0x0], $0xffff  }
0x56b: {  	s26 =	sadd.s32 $0x7, s23;
	s23 =	smov.u32 s24;
	v9 =	vor.u32 v3, v9;
	v7 =	vmul.f32 v7, v16;
	v10 =	vld.idx.msk [tilespmem:v12+s21+$0x0], $0xffff;
	v17 =	vadd.f32 v11, v6  }
.Ltmp22:
0x56c: {  	v11 =	vand.u32 $0x7F, v15;
	v15 =	vadd.s32 s26, v0;
	v6 =	vld.idx.msk [tilespmem:v14+s19+$0x0], $0xffff;
	(pc) =	sbr.rel @p0 .LBB2_46-.Ltmp22, $4  }
0x56d: {  	v13 =	vmul.f32 v18, v13;
	v11 =	vor.u32 v3, v11;
	v12 =	vld.idx.msk [tilespmem:v14+s21+$0x0], $0xffff;
	v14 =	vadd.f32 v7, v17  }
0x56e: {  	v18 =	vand.u32 $0x7F, v15;
	v17 =	vadd.s32 s24, v0;
	v7 =	vld.idx.msk [tilespmem:v20+s19+$0x0], $0xffff  }
0x56f: {  	s26 =	sadd.s32 $0x1, s24;
	v16 =	vmul.f32 v19, v8;
	v15 =	vadd.f32 v13, v14;
	v14 =	vld.idx.msk [tilespmem:v20+s21+$0x0], $0xffff;
	v13 =	vor.u32 v3, v18  }
0x570: {  	s24 =	sadd.s32 $0x8, s24;
	v18 =	vand.u32 $0x7F, v17;
	v17 =	vadd.s32 s26, v0;
	v8 =	vld.idx.msk [tilespmem:v9+s19+$0x0], $0xffff  }
0x571: {  	_ =	sdelay $0x2  }
0x572: {  	v15 =	vadd.f32 v16, v15;
	v5 =	vmul.f32 v10, v5  }
0x573: {  	v10 =	vor.u32 v3, v18;
	v9 =	vld.idx.msk [tilespmem:v9+s21+$0x0], $0xffff  }
0x574: {  	s24 =	sadd.s32 $0x2, s23;
	v16 =	vand.u32 $0x7F, v17;
	v17 =	vld.idx.msk [tilespmem:v11+s19+$0x0], $0xffff;
	v6 =	vmul.f32 v12, v6;
	v5 =	vadd.f32 v5, v15  }
0x575: {  	v11 =	vld.idx.msk [tilespmem:v11+s21+$0x0], $0xffff;
	v12 =	vadd.s32 s24, v0;
	v15 =	vor.u32 v3, v16  }
0x576: {  	s26 =	sadd.s32 $0x3, s23;
	v12 =	vand.u32 $0x7F, v12;
	v16 =	vld.idx.msk [tilespmem:v13+s19+$0x0], $0xffff;
	v5 =	vadd.f32 v6, v5;
	v6 =	vmul.f32 v14, v7  }
0x577: {  	v13 =	vld.idx.msk [tilespmem:v13+s21+$0x0], $0xffff;
	v12 =	vor.u32 v3, v12;
	v7 =	vadd.s32 s26, v0  }
0x578: {  	s26 =	sadd.s32 $0x4, s23;
	v14 =	vld.idx.msk [tilespmem:v10+s19+$0x0], $0xffff;
	v7 =	vand.u32 $0x7F, v7;
	v5 =	vadd.f32 v6, v5;
	v6 =	vmul.f32 v9, v8  }
0x579: {  	v8 =	vadd.s32 s26, v0;
	v9 =	vld.idx.msk [tilespmem:v10+s21+$0x0], $0xffff;
	v7 =	vor.u32 v3, v7  }
0x57a: {  	s26 =	sadd.s32 $0x5, s23;
	v10 =	vld.idx.msk [tilespmem:v15+s19+$0x0], $0xffff;
	v8 =	vand.u32 $0x7F, v8;
	v5 =	vadd.f32 v6, v5;
	v6 =	vmul.f32 v11, v17  }
0x57b: {  	v15 =	vld.idx.msk [tilespmem:v15+s21+$0x0], $0xffff;
	v11 =	vadd.s32 s26, v0;
	v8 =	vor.u32 v3, v8  }
0x57c: {  	s26 =	sadd.s32 $0x6, s23;
	v17 =	vld.idx.msk [tilespmem:v12+s19+$0x0], $0xffff;
	v11 =	vand.u32 $0x7F, v11;
	v5 =	vadd.f32 v6, v5;
	v6 =	vmul.f32 v13, v16  }
0x57d: {  	v12 =	vld.idx.msk [tilespmem:v12+s21+$0x0], $0xffff;
	v13 =	vadd.s32 s26, v0;
	v11 =	vor.u32 v3, v11  }
0x57e: {  	v16 =	vld.idx.msk [tilespmem:v7+s19+$0x0], $0xffff;
	v13 =	vand.u32 $0x7F, v13;
	v9 =	vmul.f32 v9, v14;
	v5 =	vadd.f32 v6, v5  }
0x57f: {  	s26 =	sadd.s32 $0x7, s23;
	v6 =	vld.idx.msk [tilespmem:v7+s21+$0x0], $0xffff;
	v7 =	vor.u32 v3, v13  }
0x580: {  	v13 =	vadd.s32 s26, v0;
	v14 =	vld.idx.msk [tilespmem:v8+s19+$0x0], $0xffff;
	v5 =	vadd.f32 v9, v5;
	v9 =	vmul.f32 v15, v10  }
0x581: {  	v8 =	vld.idx.msk [tilespmem:v8+s21+$0x0], $0xffff;
	v10 =	vand.u32 $0x7F, v13  }
0x582: {  	v10 =	vor.u32 v3, v10;
	v13 =	vld.idx.msk [tilespmem:v11+s19+$0x0], $0xffff;
	v5 =	vadd.f32 v9, v5;
	v9 =	vmul.f32 v12, v17  }
0x583: {  	v11 =	vld.idx.msk [tilespmem:v11+s21+$0x0], $0xffff  }
0x584: {  	v12 =	vld.idx.msk [tilespmem:v7+s19+$0x0], $0xffff;
	v6 =	vmul.f32 v6, v16;
	v5 =	vadd.f32 v9, v5  }
0x585: {  	v7 =	vld.idx.msk [tilespmem:v7+s21+$0x0], $0xffff  }
0x586: {  	v5 =	vadd.f32 v6, v5;
	v6 =	vmul.f32 v8, v14  }
0x587: {  	v8 =	vld.idx.msk [tilespmem:v10+s19+$0x0], $0xffff  }
0x588: {  	v9 =	vld.idx.msk [tilespmem:v10+s21+$0x0], $0xffff;
	v5 =	vadd.f32 v6, v5;
	v6 =	vmul.f32 v11, v13;
	_ =	sdelay $0x1  }
0x589: {  	s24 =	simm.s32 $0x0;
	v5 =	vadd.f32 v6, v5;
	v6 =	vmul.f32 v7, v12  }
0x58a: {  	v7 =	vadd.s32 s24, v0  }
0x58b: {  	s26 =	simm.s32 $0x1;
	v5 =	vadd.f32 v6, v5;
	v6 =	vand.u32 $0x7F, v7  }
0x58c: {  	v7 =	vmul.f32 v9, v8;
	v8 =	vadd.s32 s26, v0;
	v6 =	vor.u32 v4, v6  }
0x58d: {  	s24 =	simm.s32 $0x2;
	v8 =	vand.u32 $0x7F, v8  }
0x58e: {  	v5 =	vadd.f32 v7, v5;
	v7 =	vadd.s32 s24, v0;
	v8 =	vor.u32 v4, v8  }
0x58f: {  	s26 =	simm.s32 $0x3;
	v7 =	vand.u32 $0x7F, v7  }
0x590: {  	[tilespmem:$0xC960] =	vst v5;
	v5 =	vadd.s32 s26, v0;
	v7 =	vor.u32 v4, v7  }
0x591: {  	s24 =	simm.s32 $0x4;
	v5 =	vand.u32 $0x7F, v5;
	v11 =	vld.idx.msk [tilespmem:v6+s19+$0x0], $0xffff  }
0x592: {  	v9 =	vadd.s32 s24, v0;
	v12 =	vld.idx.msk [tilespmem:v6+s21+$0x0], $0xffff;
	v13 =	vor.u32 v4, v5  }
0x593: {  	s26 =	simm.s32 $0x5;
	v5 =	vand.u32 $0x7F, v9;
	v14 =	vld.idx.msk [tilespmem:v8+s19+$0x0], $0xffff  }
0x594: {  	v6 =	vadd.s32 s26, v0;
	v8 =	vld.idx.msk [tilespmem:v8+s21+$0x0], $0xffff;
	v17 =	vor.u32 v4, v5  }
0x595: {  	s24 =	simm.s32 $0x6;
	v6 =	vand.u32 $0x7F, v6;
	v5 =	vld.idx.msk [tilespmem:v7+s19+$0x0], $0xffff  }
0x596: {  	v9 =	vor.u32 v4, v6;
	v10 =	vld.idx.msk [tilespmem:v7+s21+$0x0], $0xffff;
	v7 =	vadd.s32 s24, v0  }
0x597: {  	s26 =	simm.s32 $0x7;
	v7 =	vand.u32 $0x7F, v7;
	v6 =	vld.idx.msk [tilespmem:v13+s19+$0x0], $0xffff  }
0x598: {  	s23 =	simm.s32 $0x8;
	v16 =	vmul.f32 v12, v11;
	v12 =	vld.idx.msk [tilespmem:v13+s21+$0x0], $0xffff;
	v13 =	vadd.s32 s26, v0;
	v11 =	vor.u32 v4, v7  }
0x599: {  	v18 =	vadd.s32 s23, v0;
	v15 =	vimm.f32 $0.0e+00;
	v7 =	vld.idx.msk [tilespmem:v17+s19+$0x0], $0xffff;
	v13 =	vand.u32 $0x7F, v13  }
0x59a: {  	s26 =	simm.s32 $0x9;
	v15 =	vadd.f32 v16, v15;
	v16 =	vmul.f32 v8, v14;
	v14 =	vld.idx.msk [tilespmem:v17+s21+$0x0], $0xffff;
	v13 =	vor.u32 v4, v13  }
0x59b: {  	v18 =	vand.u32 $0x7F, v18;
	s24 =	simm.s32 $0x10;
	v17 =	vadd.s32 s26, v0;
	v8 =	vld.idx.msk [tilespmem:v9+s19+$0x0], $0xffff  }
.LBB2_48:
0x59c: {  	p0 =	slt.u32 s24, $0x78;
	v18 =	vor.u32 v4, v18;
	s26 =	sadd.s32 $0x2, s23;
	v15 =	vadd.f32 v16, v15;
	v5 =	vmul.f32 v10, v5;
	v9 =	vld.idx.msk [tilespmem:v9+s21+$0x0], $0xffff  }
0x59d: {  	v10 =	vand.u32 $0x7F, v17;
	v16 =	vadd.s32 s26, v0;
	v17 =	vld.idx.msk [tilespmem:v11+s19+$0x0], $0xffff  }
0x59e: {  	v10 =	vor.u32 v4, v10;
	s26 =	sadd.s32 $0x3, s23;
	v6 =	vmul.f32 v12, v6;
	v5 =	vadd.f32 v5, v15;
	v11 =	vld.idx.msk [tilespmem:v11+s21+$0x0], $0xffff  }
0x59f: {  	v12 =	vand.u32 $0x7F, v16;
	v15 =	vadd.s32 s26, v0;
	v16 =	vld.idx.msk [tilespmem:v13+s19+$0x0], $0xffff  }
0x5a0: {  	s26 =	sadd.s32 $0x4, s23;
	v12 =	vor.u32 v4, v12;
	v5 =	vadd.f32 v6, v5;
	v6 =	vmul.f32 v14, v7;
	v7 =	vld.idx.msk [tilespmem:v13+s21+$0x0], $0xffff  }
0x5a1: {  	v14 =	vand.u32 $0x7F, v15;
	v15 =	vadd.s32 s26, v0;
	v13 =	vld.idx.msk [tilespmem:v18+s19+$0x0], $0xffff  }
0x5a2: {  	s26 =	sadd.s32 $0x5, s23;
	v14 =	vor.u32 v4, v14;
	v18 =	vld.idx.msk [tilespmem:v18+s21+$0x0], $0xffff;
	v5 =	vadd.f32 v6, v5;
	v6 =	vmul.f32 v9, v8  }
0x5a3: {  	v9 =	vand.u32 $0x7F, v15;
	v15 =	vadd.s32 s26, v0;
	v8 =	vld.idx.msk [tilespmem:v10+s19+$0x0], $0xffff  }
0x5a4: {  	s26 =	sadd.s32 $0x6, s23;
	v20 =	vor.u32 v4, v9;
	v11 =	vmul.f32 v11, v17;
	v19 =	vld.idx.msk [tilespmem:v10+s21+$0x0], $0xffff;
	v6 =	vadd.f32 v6, v5  }
0x5a5: {  	v9 =	vand.u32 $0x7F, v15;
	v15 =	vadd.s32 s26, v0;
	v5 =	vld.idx.msk [tilespmem:v12+s19+$0x0], $0xffff  }
0x5a6: {  	s26 =	sadd.s32 $0x7, s23;
	s23 =	smov.u32 s24;
	v9 =	vor.u32 v4, v9;
	v7 =	vmul.f32 v7, v16;
	v10 =	vld.idx.msk [tilespmem:v12+s21+$0x0], $0xffff;
	v17 =	vadd.f32 v11, v6  }
.Ltmp23:
0x5a7: {  	v11 =	vand.u32 $0x7F, v15;
	v15 =	vadd.s32 s26, v0;
	v6 =	vld.idx.msk [tilespmem:v14+s19+$0x0], $0xffff;
	(pc) =	sbr.rel @p0 .LBB2_48-.Ltmp23, $4  }
0x5a8: {  	v13 =	vmul.f32 v18, v13;
	v11 =	vor.u32 v4, v11;
	v12 =	vld.idx.msk [tilespmem:v14+s21+$0x0], $0xffff;
	v14 =	vadd.f32 v7, v17  }
0x5a9: {  	v18 =	vand.u32 $0x7F, v15;
	v17 =	vadd.s32 s24, v0;
	v7 =	vld.idx.msk [tilespmem:v20+s19+$0x0], $0xffff  }
0x5aa: {  	s26 =	sadd.s32 $0x1, s24;
	v16 =	vmul.f32 v19, v8;
	v15 =	vadd.f32 v13, v14;
	v14 =	vld.idx.msk [tilespmem:v20+s21+$0x0], $0xffff;
	v13 =	vor.u32 v4, v18  }
0x5ab: {  	s24 =	sadd.s32 $0x8, s24;
	v18 =	vand.u32 $0x7F, v17;
	v17 =	vadd.s32 s26, v0;
	v8 =	vld.idx.msk [tilespmem:v9+s19+$0x0], $0xffff  }
0x5ac: {  	_ =	sdelay $0x2  }
0x5ad: {  	v15 =	vadd.f32 v16, v15;
	v5 =	vmul.f32 v10, v5  }
0x5ae: {  	v10 =	vor.u32 v4, v18;
	v9 =	vld.idx.msk [tilespmem:v9+s21+$0x0], $0xffff  }
0x5af: {  	s24 =	sadd.s32 $0x2, s23;
	v16 =	vand.u32 $0x7F, v17;
	v17 =	vld.idx.msk [tilespmem:v11+s19+$0x0], $0xffff;
	v6 =	vmul.f32 v12, v6;
	v5 =	vadd.f32 v5, v15  }
0x5b0: {  	v11 =	vld.idx.msk [tilespmem:v11+s21+$0x0], $0xffff;
	v12 =	vadd.s32 s24, v0;
	v15 =	vor.u32 v4, v16  }
0x5b1: {  	s26 =	sadd.s32 $0x3, s23;
	v12 =	vand.u32 $0x7F, v12;
	v16 =	vld.idx.msk [tilespmem:v13+s19+$0x0], $0xffff;
	v5 =	vadd.f32 v6, v5;
	v6 =	vmul.f32 v14, v7  }
0x5b2: {  	v13 =	vld.idx.msk [tilespmem:v13+s21+$0x0], $0xffff;
	v12 =	vor.u32 v4, v12;
	v7 =	vadd.s32 s26, v0  }
0x5b3: {  	s26 =	sadd.s32 $0x4, s23;
	v14 =	vld.idx.msk [tilespmem:v10+s19+$0x0], $0xffff;
	v7 =	vand.u32 $0x7F, v7;
	v5 =	vadd.f32 v6, v5;
	v6 =	vmul.f32 v9, v8  }
0x5b4: {  	v8 =	vadd.s32 s26, v0;
	v9 =	vld.idx.msk [tilespmem:v10+s21+$0x0], $0xffff;
	v7 =	vor.u32 v4, v7  }
0x5b5: {  	s26 =	sadd.s32 $0x5, s23;
	v10 =	vld.idx.msk [tilespmem:v15+s19+$0x0], $0xffff;
	v8 =	vand.u32 $0x7F, v8;
	v5 =	vadd.f32 v6, v5;
	v6 =	vmul.f32 v11, v17  }
0x5b6: {  	v15 =	vld.idx.msk [tilespmem:v15+s21+$0x0], $0xffff;
	v11 =	vadd.s32 s26, v0;
	v8 =	vor.u32 v4, v8  }
0x5b7: {  	s26 =	sadd.s32 $0x6, s23;
	v17 =	vld.idx.msk [tilespmem:v12+s19+$0x0], $0xffff;
	v11 =	vand.u32 $0x7F, v11;
	v5 =	vadd.f32 v6, v5;
	v6 =	vmul.f32 v13, v16  }
0x5b8: {  	v12 =	vld.idx.msk [tilespmem:v12+s21+$0x0], $0xffff;
	v13 =	vadd.s32 s26, v0;
	v11 =	vor.u32 v4, v11  }
0x5b9: {  	s26 =	sadd.s32 $0x7, s23;
	v16 =	vld.idx.msk [tilespmem:v7+s19+$0x0], $0xffff;
	v13 =	vand.u32 $0x7F, v13;
	v9 =	vmul.f32 v9, v14;
	v5 =	vadd.f32 v6, v5  }
0x5ba: {  	v7 =	vld.idx.msk [tilespmem:v7+s21+$0x0], $0xffff;
	v6 =	vadd.s32 s26, v0;
	v13 =	vor.u32 v4, v13  }
0x5bb: {  	v14 =	vld.idx.msk [tilespmem:v8+s19+$0x0], $0xffff;
	v6 =	vand.u32 $0x7F, v6;
	v5 =	vadd.f32 v9, v5;
	v9 =	vmul.f32 v15, v10  }
0x5bc: {  	v8 =	vld.idx.msk [tilespmem:v8+s21+$0x0], $0xffff;
	v6 =	vor.u32 v4, v6  }
0x5bd: {  	v10 =	vld.idx.msk [tilespmem:v11+s19+$0x0], $0xffff;
	v5 =	vadd.f32 v9, v5;
	v9 =	vmul.f32 v12, v17  }
0x5be: {  	v11 =	vld.idx.msk [tilespmem:v11+s21+$0x0], $0xffff  }
0x5bf: {  	v7 =	vmul.f32 v7, v16;
	v12 =	vld.idx.msk [tilespmem:v13+s19+$0x0], $0xffff;
	v5 =	vadd.f32 v9, v5  }
0x5c0: {  	v9 =	vld.idx.msk [tilespmem:v13+s21+$0x0], $0xffff  }
0x5c1: {  	v13 =	vld.idx.msk [tilespmem:v6+s19+$0x0], $0xffff;
	v5 =	vadd.f32 v7, v5;
	v7 =	vmul.f32 v8, v14  }
0x5c2: {  	v6 =	vld.idx.msk [tilespmem:v6+s21+$0x0], $0xffff  }
0x5c3: {  	v5 =	vadd.f32 v7, v5;
	v7 =	vmul.f32 v11, v10;
	_ =	sdelay $0x1  }
0x5c4: {  	v5 =	vadd.f32 v7, v5;
	v7 =	vmul.f32 v9, v12;
	_ =	sdelay $0x1  }
0x5c5: {  	v6 =	vmul.f32 v6, v13;
	v5 =	vadd.f32 v7, v5;
	_ =	sdelay $0x1  }
0x5c6: {  	v5 =	vadd.f32 v6, v5  }
0x5c7: {  	s24 =	simm.s32 $0x0  }
0x5c8: {  	[tilespmem:$0xC970] =	vst v5;
	v5 =	vadd.s32 s24, v0  }
0x5c9: {  	s26 =	simm.s32 $0x1;
	_ =	swait.ge [sflag:s22], $0x2000;
	v5 =	vand.u32 $0x7F, v5  }
0x5ca: {  	v6 =	vadd.s32 s26, v0;
	[sflag:s22] =	ssyncset.done $0x0;
	v5 =	vor.u32 v1, v5  }
0x5cb: {  	v6 =	vand.u32 $0x7F, v6;
	s24 =	simm.s32 $0x2;
	[sflag:s22] =	ssyncadd.s32 $0xFFFFE000  }
0x5cc: {  	v6 =	vor.u32 v1, v6;
	v7 =	vadd.s32 s24, v0;
	_ =	swait.ge [sflag:s22], $0x2000  }
0x5cd: {  	s26 =	simm.s32 $0x3;
	v7 =	vand.u32 $0x7F, v7;
	[sflag:s22] =	ssyncset.done $0x0  }
0x5ce: {  	v8 =	vadd.s32 s26, v0;
	v7 =	vor.u32 v1, v7;
	[sflag:s22] =	ssyncadd.s32 $0xFFFFE000  }
0x5cf: {  	v8 =	vand.u32 $0x7F, v8;
	s24 =	simm.s32 $0x4;
	v11 =	vld.idx.msk [tilespmem:v5+s12+$0x0], $0xffff  }
0x5d0: {  	v8 =	vor.u32 v1, v8;
	v9 =	vadd.s32 s24, v0;
	v12 =	vld.idx.msk [tilespmem:v5+s13+$0x0], $0xffff  }
0x5d1: {  	s26 =	simm.s32 $0x5;
	v13 =	vld.idx.msk [tilespmem:v6+s12+$0x0], $0xffff;
	v5 =	vand.u32 $0x7F, v9  }
0x5d2: {  	v9 =	vadd.s32 s26, v0;
	v14 =	vld.idx.msk [tilespmem:v6+s13+$0x0], $0xffff;
	v17 =	vor.u32 v1, v5  }
0x5d3: {  	s24 =	simm.s32 $0x6;
	v5 =	vld.idx.msk [tilespmem:v7+s12+$0x0], $0xffff;
	v6 =	vand.u32 $0x7F, v9  }
0x5d4: {  	v10 =	vld.idx.msk [tilespmem:v7+s13+$0x0], $0xffff;
	v7 =	vadd.s32 s24, v0;
	v9 =	vor.u32 v1, v6  }
0x5d5: {  	s26 =	simm.s32 $0x7;
	v6 =	vld.idx.msk [tilespmem:v8+s12+$0x0], $0xffff;
	v7 =	vand.u32 $0x7F, v7  }
0x5d6: {  	s23 =	simm.s32 $0x8;
	v16 =	vmul.f32 v12, v11;
	v12 =	vld.idx.msk [tilespmem:v8+s13+$0x0], $0xffff;
	v8 =	vadd.s32 s26, v0;
	v11 =	vor.u32 v1, v7  }
0x5d7: {  	v18 =	vadd.s32 s23, v0;
	v15 =	vimm.f32 $0.0e+00;
	v7 =	vld.idx.msk [tilespmem:v17+s12+$0x0], $0xffff;
	v8 =	vand.u32 $0x7F, v8  }
0x5d8: {  	s26 =	simm.s32 $0x9;
	v15 =	vadd.f32 v16, v15;
	v16 =	vmul.f32 v14, v13;
	v14 =	vld.idx.msk [tilespmem:v17+s13+$0x0], $0xffff;
	v13 =	vor.u32 v1, v8  }
0x5d9: {  	v18 =	vand.u32 $0x7F, v18;
	s24 =	simm.s32 $0x10;
	v17 =	vadd.s32 s26, v0;
	v8 =	vld.idx.msk [tilespmem:v9+s12+$0x0], $0xffff  }
.LBB2_50:
0x5da: {  	p0 =	slt.u32 s24, $0x78;
	v18 =	vor.u32 v1, v18;
	s26 =	sadd.s32 $0x2, s23;
	v15 =	vadd.f32 v16, v15;
	v5 =	vmul.f32 v10, v5;
	v9 =	vld.idx.msk [tilespmem:v9+s13+$0x0], $0xffff  }
0x5db: {  	v10 =	vand.u32 $0x7F, v17;
	v16 =	vadd.s32 s26, v0;
	v17 =	vld.idx.msk [tilespmem:v11+s12+$0x0], $0xffff  }
0x5dc: {  	v10 =	vor.u32 v1, v10;
	s26 =	sadd.s32 $0x3, s23;
	v6 =	vmul.f32 v12, v6;
	v5 =	vadd.f32 v5, v15;
	v11 =	vld.idx.msk [tilespmem:v11+s13+$0x0], $0xffff  }
0x5dd: {  	v12 =	vand.u32 $0x7F, v16;
	v15 =	vadd.s32 s26, v0;
	v16 =	vld.idx.msk [tilespmem:v13+s12+$0x0], $0xffff  }
0x5de: {  	s26 =	sadd.s32 $0x4, s23;
	v12 =	vor.u32 v1, v12;
	v5 =	vadd.f32 v6, v5;
	v6 =	vmul.f32 v14, v7;
	v7 =	vld.idx.msk [tilespmem:v13+s13+$0x0], $0xffff  }
0x5df: {  	v14 =	vand.u32 $0x7F, v15;
	v15 =	vadd.s32 s26, v0;
	v13 =	vld.idx.msk [tilespmem:v18+s12+$0x0], $0xffff  }
0x5e0: {  	s26 =	sadd.s32 $0x5, s23;
	v14 =	vor.u32 v1, v14;
	v18 =	vld.idx.msk [tilespmem:v18+s13+$0x0], $0xffff;
	v5 =	vadd.f32 v6, v5;
	v6 =	vmul.f32 v9, v8  }
0x5e1: {  	v9 =	vand.u32 $0x7F, v15;
	v15 =	vadd.s32 s26, v0;
	v8 =	vld.idx.msk [tilespmem:v10+s12+$0x0], $0xffff  }
0x5e2: {  	s26 =	sadd.s32 $0x6, s23;
	v20 =	vor.u32 v1, v9;
	v11 =	vmul.f32 v11, v17;
	v19 =	vld.idx.msk [tilespmem:v10+s13+$0x0], $0xffff;
	v6 =	vadd.f32 v6, v5  }
0x5e3: {  	v9 =	vand.u32 $0x7F, v15;
	v15 =	vadd.s32 s26, v0;
	v5 =	vld.idx.msk [tilespmem:v12+s12+$0x0], $0xffff  }
0x5e4: {  	s26 =	sadd.s32 $0x7, s23;
	s23 =	smov.u32 s24;
	v9 =	vor.u32 v1, v9;
	v7 =	vmul.f32 v7, v16;
	v10 =	vld.idx.msk [tilespmem:v12+s13+$0x0], $0xffff;
	v17 =	vadd.f32 v11, v6  }
.Ltmp24:
0x5e5: {  	v11 =	vand.u32 $0x7F, v15;
	v15 =	vadd.s32 s26, v0;
	v6 =	vld.idx.msk [tilespmem:v14+s12+$0x0], $0xffff;
	(pc) =	sbr.rel @p0 .LBB2_50-.Ltmp24, $4  }
0x5e6: {  	v13 =	vmul.f32 v18, v13;
	v11 =	vor.u32 v1, v11;
	v12 =	vld.idx.msk [tilespmem:v14+s13+$0x0], $0xffff;
	v14 =	vadd.f32 v7, v17  }
0x5e7: {  	v18 =	vand.u32 $0x7F, v15;
	v17 =	vadd.s32 s24, v0;
	v7 =	vld.idx.msk [tilespmem:v20+s12+$0x0], $0xffff  }
0x5e8: {  	s26 =	sadd.s32 $0x1, s24;
	v16 =	vmul.f32 v19, v8;
	v15 =	vadd.f32 v13, v14;
	v14 =	vld.idx.msk [tilespmem:v20+s13+$0x0], $0xffff;
	v13 =	vor.u32 v1, v18  }
0x5e9: {  	s24 =	sadd.s32 $0x8, s24;
	v18 =	vand.u32 $0x7F, v17;
	v17 =	vadd.s32 s26, v0;
	v8 =	vld.idx.msk [tilespmem:v9+s12+$0x0], $0xffff  }
0x5ea: {  	_ =	sdelay $0x2  }
0x5eb: {  	v15 =	vadd.f32 v16, v15;
	v5 =	vmul.f32 v10, v5  }
0x5ec: {  	v10 =	vor.u32 v1, v18;
	v9 =	vld.idx.msk [tilespmem:v9+s13+$0x0], $0xffff  }
0x5ed: {  	s24 =	sadd.s32 $0x2, s23;
	v16 =	vand.u32 $0x7F, v17;
	v17 =	vld.idx.msk [tilespmem:v11+s12+$0x0], $0xffff;
	v6 =	vmul.f32 v12, v6;
	v5 =	vadd.f32 v5, v15  }
0x5ee: {  	v11 =	vld.idx.msk [tilespmem:v11+s13+$0x0], $0xffff;
	v12 =	vadd.s32 s24, v0;
	v15 =	vor.u32 v1, v16  }
0x5ef: {  	s26 =	sadd.s32 $0x3, s23;
	v12 =	vand.u32 $0x7F, v12;
	v16 =	vld.idx.msk [tilespmem:v13+s12+$0x0], $0xffff;
	v5 =	vadd.f32 v6, v5;
	v6 =	vmul.f32 v14, v7  }
0x5f0: {  	v13 =	vld.idx.msk [tilespmem:v13+s13+$0x0], $0xffff;
	v12 =	vor.u32 v1, v12;
	v7 =	vadd.s32 s26, v0  }
0x5f1: {  	s26 =	sadd.s32 $0x4, s23;
	v14 =	vld.idx.msk [tilespmem:v10+s12+$0x0], $0xffff;
	v7 =	vand.u32 $0x7F, v7;
	v5 =	vadd.f32 v6, v5;
	v6 =	vmul.f32 v9, v8  }
0x5f2: {  	v8 =	vadd.s32 s26, v0;
	v9 =	vld.idx.msk [tilespmem:v10+s13+$0x0], $0xffff;
	v7 =	vor.u32 v1, v7  }
0x5f3: {  	s26 =	sadd.s32 $0x5, s23;
	v10 =	vld.idx.msk [tilespmem:v15+s12+$0x0], $0xffff;
	v8 =	vand.u32 $0x7F, v8;
	v5 =	vadd.f32 v6, v5;
	v6 =	vmul.f32 v11, v17  }
0x5f4: {  	v15 =	vld.idx.msk [tilespmem:v15+s13+$0x0], $0xffff;
	v11 =	vadd.s32 s26, v0;
	v8 =	vor.u32 v1, v8  }
0x5f5: {  	s26 =	sadd.s32 $0x6, s23;
	v17 =	vld.idx.msk [tilespmem:v12+s12+$0x0], $0xffff;
	v11 =	vand.u32 $0x7F, v11;
	v5 =	vadd.f32 v6, v5;
	v6 =	vmul.f32 v13, v16  }
0x5f6: {  	v12 =	vld.idx.msk [tilespmem:v12+s13+$0x0], $0xffff;
	v13 =	vadd.s32 s26, v0;
	v11 =	vor.u32 v1, v11  }
0x5f7: {  	v16 =	vld.idx.msk [tilespmem:v7+s12+$0x0], $0xffff;
	v13 =	vand.u32 $0x7F, v13;
	v9 =	vmul.f32 v9, v14;
	v5 =	vadd.f32 v6, v5  }
0x5f8: {  	s26 =	sadd.s32 $0x7, s23;
	v6 =	vld.idx.msk [tilespmem:v7+s13+$0x0], $0xffff;
	v7 =	vor.u32 v1, v13  }
0x5f9: {  	v13 =	vadd.s32 s26, v0;
	v14 =	vld.idx.msk [tilespmem:v8+s12+$0x0], $0xffff;
	v5 =	vadd.f32 v9, v5;
	v9 =	vmul.f32 v15, v10  }
0x5fa: {  	v8 =	vld.idx.msk [tilespmem:v8+s13+$0x0], $0xffff;
	v10 =	vand.u32 $0x7F, v13  }
0x5fb: {  	v10 =	vor.u32 v1, v10;
	v13 =	vld.idx.msk [tilespmem:v11+s12+$0x0], $0xffff;
	v5 =	vadd.f32 v9, v5;
	v9 =	vmul.f32 v12, v17  }
0x5fc: {  	v11 =	vld.idx.msk [tilespmem:v11+s13+$0x0], $0xffff  }
0x5fd: {  	v12 =	vld.idx.msk [tilespmem:v7+s12+$0x0], $0xffff;
	v6 =	vmul.f32 v6, v16;
	v5 =	vadd.f32 v9, v5  }
0x5fe: {  	v7 =	vld.idx.msk [tilespmem:v7+s13+$0x0], $0xffff  }
0x5ff: {  	v5 =	vadd.f32 v6, v5;
	v6 =	vmul.f32 v8, v14  }
0x600: {  	v8 =	vld.idx.msk [tilespmem:v10+s12+$0x0], $0xffff  }
0x601: {  	v9 =	vld.idx.msk [tilespmem:v10+s13+$0x0], $0xffff;
	v5 =	vadd.f32 v6, v5;
	v6 =	vmul.f32 v11, v13;
	_ =	sdelay $0x1  }
0x602: {  	s24 =	simm.s32 $0x0;
	v5 =	vadd.f32 v6, v5;
	v6 =	vmul.f32 v7, v12  }
0x603: {  	v7 =	vadd.s32 s24, v0  }
0x604: {  	s26 =	simm.s32 $0x1;
	v5 =	vadd.f32 v6, v5;
	v6 =	vand.u32 $0x7F, v7  }
0x605: {  	v7 =	vmul.f32 v9, v8;
	v8 =	vadd.s32 s26, v0;
	v6 =	vor.u32 v2, v6  }
0x606: {  	s24 =	simm.s32 $0x2;
	v8 =	vand.u32 $0x7F, v8  }
0x607: {  	v5 =	vadd.f32 v7, v5;
	v7 =	vadd.s32 s24, v0;
	v8 =	vor.u32 v2, v8  }
0x608: {  	s26 =	simm.s32 $0x3;
	v7 =	vand.u32 $0x7F, v7  }
0x609: {  	[tilespmem:$0xC980] =	vst v5;
	v5 =	vadd.s32 s26, v0;
	v7 =	vor.u32 v2, v7  }
0x60a: {  	s24 =	simm.s32 $0x4;
	v5 =	vand.u32 $0x7F, v5;
	v11 =	vld.idx.msk [tilespmem:v6+s12+$0x0], $0xffff  }
0x60b: {  	v9 =	vadd.s32 s24, v0;
	v12 =	vld.idx.msk [tilespmem:v6+s13+$0x0], $0xffff;
	v13 =	vor.u32 v2, v5  }
0x60c: {  	s26 =	simm.s32 $0x5;
	v5 =	vand.u32 $0x7F, v9;
	v14 =	vld.idx.msk [tilespmem:v8+s12+$0x0], $0xffff  }
0x60d: {  	v6 =	vadd.s32 s26, v0;
	v8 =	vld.idx.msk [tilespmem:v8+s13+$0x0], $0xffff;
	v17 =	vor.u32 v2, v5  }
0x60e: {  	s24 =	simm.s32 $0x6;
	v6 =	vand.u32 $0x7F, v6;
	v5 =	vld.idx.msk [tilespmem:v7+s12+$0x0], $0xffff  }
0x60f: {  	v9 =	vor.u32 v2, v6;
	v10 =	vld.idx.msk [tilespmem:v7+s13+$0x0], $0xffff;
	v7 =	vadd.s32 s24, v0  }
0x610: {  	s26 =	simm.s32 $0x7;
	v7 =	vand.u32 $0x7F, v7;
	v6 =	vld.idx.msk [tilespmem:v13+s12+$0x0], $0xffff  }
0x611: {  	s23 =	simm.s32 $0x8;
	v16 =	vmul.f32 v12, v11;
	v12 =	vld.idx.msk [tilespmem:v13+s13+$0x0], $0xffff;
	v13 =	vadd.s32 s26, v0;
	v11 =	vor.u32 v2, v7  }
0x612: {  	v18 =	vadd.s32 s23, v0;
	v15 =	vimm.f32 $0.0e+00;
	v7 =	vld.idx.msk [tilespmem:v17+s12+$0x0], $0xffff;
	v13 =	vand.u32 $0x7F, v13  }
0x613: {  	s26 =	simm.s32 $0x9;
	v15 =	vadd.f32 v16, v15;
	v16 =	vmul.f32 v8, v14;
	v14 =	vld.idx.msk [tilespmem:v17+s13+$0x0], $0xffff;
	v13 =	vor.u32 v2, v13  }
0x614: {  	v18 =	vand.u32 $0x7F, v18;
	s24 =	simm.s32 $0x10;
	v17 =	vadd.s32 s26, v0;
	v8 =	vld.idx.msk [tilespmem:v9+s12+$0x0], $0xffff  }
.LBB2_52:
0x615: {  	p0 =	slt.u32 s24, $0x78;
	v18 =	vor.u32 v2, v18;
	s26 =	sadd.s32 $0x2, s23;
	v15 =	vadd.f32 v16, v15;
	v5 =	vmul.f32 v10, v5;
	v9 =	vld.idx.msk [tilespmem:v9+s13+$0x0], $0xffff  }
0x616: {  	v10 =	vand.u32 $0x7F, v17;
	v16 =	vadd.s32 s26, v0;
	v17 =	vld.idx.msk [tilespmem:v11+s12+$0x0], $0xffff  }
0x617: {  	v10 =	vor.u32 v2, v10;
	s26 =	sadd.s32 $0x3, s23;
	v6 =	vmul.f32 v12, v6;
	v5 =	vadd.f32 v5, v15;
	v11 =	vld.idx.msk [tilespmem:v11+s13+$0x0], $0xffff  }
0x618: {  	v12 =	vand.u32 $0x7F, v16;
	v15 =	vadd.s32 s26, v0;
	v16 =	vld.idx.msk [tilespmem:v13+s12+$0x0], $0xffff  }
0x619: {  	s26 =	sadd.s32 $0x4, s23;
	v12 =	vor.u32 v2, v12;
	v5 =	vadd.f32 v6, v5;
	v6 =	vmul.f32 v14, v7;
	v7 =	vld.idx.msk [tilespmem:v13+s13+$0x0], $0xffff  }
0x61a: {  	v14 =	vand.u32 $0x7F, v15;
	v15 =	vadd.s32 s26, v0;
	v13 =	vld.idx.msk [tilespmem:v18+s12+$0x0], $0xffff  }
0x61b: {  	s26 =	sadd.s32 $0x5, s23;
	v14 =	vor.u32 v2, v14;
	v18 =	vld.idx.msk [tilespmem:v18+s13+$0x0], $0xffff;
	v5 =	vadd.f32 v6, v5;
	v6 =	vmul.f32 v9, v8  }
0x61c: {  	v9 =	vand.u32 $0x7F, v15;
	v15 =	vadd.s32 s26, v0;
	v8 =	vld.idx.msk [tilespmem:v10+s12+$0x0], $0xffff  }
0x61d: {  	s26 =	sadd.s32 $0x6, s23;
	v20 =	vor.u32 v2, v9;
	v11 =	vmul.f32 v11, v17;
	v19 =	vld.idx.msk [tilespmem:v10+s13+$0x0], $0xffff;
	v6 =	vadd.f32 v6, v5  }
0x61e: {  	v9 =	vand.u32 $0x7F, v15;
	v15 =	vadd.s32 s26, v0;
	v5 =	vld.idx.msk [tilespmem:v12+s12+$0x0], $0xffff  }
0x61f: {  	s26 =	sadd.s32 $0x7, s23;
	s23 =	smov.u32 s24;
	v9 =	vor.u32 v2, v9;
	v7 =	vmul.f32 v7, v16;
	v10 =	vld.idx.msk [tilespmem:v12+s13+$0x0], $0xffff;
	v17 =	vadd.f32 v11, v6  }
.Ltmp25:
0x620: {  	v11 =	vand.u32 $0x7F, v15;
	v15 =	vadd.s32 s26, v0;
	v6 =	vld.idx.msk [tilespmem:v14+s12+$0x0], $0xffff;
	(pc) =	sbr.rel @p0 .LBB2_52-.Ltmp25, $4  }
0x621: {  	v13 =	vmul.f32 v18, v13;
	v11 =	vor.u32 v2, v11;
	v12 =	vld.idx.msk [tilespmem:v14+s13+$0x0], $0xffff;
	v14 =	vadd.f32 v7, v17  }
0x622: {  	v18 =	vand.u32 $0x7F, v15;
	v17 =	vadd.s32 s24, v0;
	v7 =	vld.idx.msk [tilespmem:v20+s12+$0x0], $0xffff  }
0x623: {  	s26 =	sadd.s32 $0x1, s24;
	v16 =	vmul.f32 v19, v8;
	v15 =	vadd.f32 v13, v14;
	v14 =	vld.idx.msk [tilespmem:v20+s13+$0x0], $0xffff;
	v13 =	vor.u32 v2, v18  }
0x624: {  	s24 =	sadd.s32 $0x8, s24;
	v18 =	vand.u32 $0x7F, v17;
	v17 =	vadd.s32 s26, v0;
	v8 =	vld.idx.msk [tilespmem:v9+s12+$0x0], $0xffff  }
0x625: {  	_ =	sdelay $0x2  }
0x626: {  	v15 =	vadd.f32 v16, v15;
	v5 =	vmul.f32 v10, v5  }
0x627: {  	v10 =	vor.u32 v2, v18;
	v9 =	vld.idx.msk [tilespmem:v9+s13+$0x0], $0xffff  }
0x628: {  	s24 =	sadd.s32 $0x2, s23;
	v16 =	vand.u32 $0x7F, v17;
	v17 =	vld.idx.msk [tilespmem:v11+s12+$0x0], $0xffff;
	v6 =	vmul.f32 v12, v6;
	v5 =	vadd.f32 v5, v15  }
0x629: {  	v11 =	vld.idx.msk [tilespmem:v11+s13+$0x0], $0xffff;
	v12 =	vadd.s32 s24, v0;
	v15 =	vor.u32 v2, v16  }
0x62a: {  	s26 =	sadd.s32 $0x3, s23;
	v12 =	vand.u32 $0x7F, v12;
	v16 =	vld.idx.msk [tilespmem:v13+s12+$0x0], $0xffff;
	v5 =	vadd.f32 v6, v5;
	v6 =	vmul.f32 v14, v7  }
0x62b: {  	v13 =	vld.idx.msk [tilespmem:v13+s13+$0x0], $0xffff;
	v12 =	vor.u32 v2, v12;
	v7 =	vadd.s32 s26, v0  }
0x62c: {  	s26 =	sadd.s32 $0x4, s23;
	v14 =	vld.idx.msk [tilespmem:v10+s12+$0x0], $0xffff;
	v7 =	vand.u32 $0x7F, v7;
	v5 =	vadd.f32 v6, v5;
	v6 =	vmul.f32 v9, v8  }
0x62d: {  	v8 =	vadd.s32 s26, v0;
	v9 =	vld.idx.msk [tilespmem:v10+s13+$0x0], $0xffff;
	v7 =	vor.u32 v2, v7  }
0x62e: {  	s26 =	sadd.s32 $0x5, s23;
	v10 =	vld.idx.msk [tilespmem:v15+s12+$0x0], $0xffff;
	v8 =	vand.u32 $0x7F, v8;
	v5 =	vadd.f32 v6, v5;
	v6 =	vmul.f32 v11, v17  }
0x62f: {  	v15 =	vld.idx.msk [tilespmem:v15+s13+$0x0], $0xffff;
	v11 =	vadd.s32 s26, v0;
	v8 =	vor.u32 v2, v8  }
0x630: {  	s26 =	sadd.s32 $0x6, s23;
	v17 =	vld.idx.msk [tilespmem:v12+s12+$0x0], $0xffff;
	v11 =	vand.u32 $0x7F, v11;
	v5 =	vadd.f32 v6, v5;
	v6 =	vmul.f32 v13, v16  }
0x631: {  	v12 =	vld.idx.msk [tilespmem:v12+s13+$0x0], $0xffff;
	v13 =	vadd.s32 s26, v0;
	v11 =	vor.u32 v2, v11  }
0x632: {  	v16 =	vld.idx.msk [tilespmem:v7+s12+$0x0], $0xffff;
	v13 =	vand.u32 $0x7F, v13;
	v9 =	vmul.f32 v9, v14;
	v5 =	vadd.f32 v6, v5  }
0x633: {  	s26 =	sadd.s32 $0x7, s23;
	v6 =	vld.idx.msk [tilespmem:v7+s13+$0x0], $0xffff;
	v7 =	vor.u32 v2, v13  }
0x634: {  	v13 =	vadd.s32 s26, v0;
	v14 =	vld.idx.msk [tilespmem:v8+s12+$0x0], $0xffff;
	v5 =	vadd.f32 v9, v5;
	v9 =	vmul.f32 v15, v10  }
0x635: {  	v8 =	vld.idx.msk [tilespmem:v8+s13+$0x0], $0xffff;
	v10 =	vand.u32 $0x7F, v13  }
0x636: {  	v10 =	vor.u32 v2, v10;
	v13 =	vld.idx.msk [tilespmem:v11+s12+$0x0], $0xffff;
	v5 =	vadd.f32 v9, v5;
	v9 =	vmul.f32 v12, v17  }
0x637: {  	v11 =	vld.idx.msk [tilespmem:v11+s13+$0x0], $0xffff  }
0x638: {  	v12 =	vld.idx.msk [tilespmem:v7+s12+$0x0], $0xffff;
	v6 =	vmul.f32 v6, v16;
	v5 =	vadd.f32 v9, v5  }
0x639: {  	v7 =	vld.idx.msk [tilespmem:v7+s13+$0x0], $0xffff  }
0x63a: {  	v5 =	vadd.f32 v6, v5;
	v6 =	vmul.f32 v8, v14  }
0x63b: {  	v8 =	vld.idx.msk [tilespmem:v10+s12+$0x0], $0xffff  }
0x63c: {  	v9 =	vld.idx.msk [tilespmem:v10+s13+$0x0], $0xffff;
	v5 =	vadd.f32 v6, v5;
	v6 =	vmul.f32 v11, v13;
	_ =	sdelay $0x1  }
0x63d: {  	s24 =	simm.s32 $0x0;
	v5 =	vadd.f32 v6, v5;
	v6 =	vmul.f32 v7, v12  }
0x63e: {  	v7 =	vadd.s32 s24, v0  }
0x63f: {  	s26 =	simm.s32 $0x1;
	v5 =	vadd.f32 v6, v5;
	v6 =	vand.u32 $0x7F, v7  }
0x640: {  	v7 =	vmul.f32 v9, v8;
	v8 =	vadd.s32 s26, v0;
	v6 =	vor.u32 v3, v6  }
0x641: {  	s24 =	simm.s32 $0x2;
	v8 =	vand.u32 $0x7F, v8  }
0x642: {  	v5 =	vadd.f32 v7, v5;
	v7 =	vadd.s32 s24, v0;
	v8 =	vor.u32 v3, v8  }
0x643: {  	s26 =	simm.s32 $0x3;
	v7 =	vand.u32 $0x7F, v7  }
0x644: {  	[tilespmem:$0xC990] =	vst v5;
	v5 =	vadd.s32 s26, v0;
	v7 =	vor.u32 v3, v7  }
0x645: {  	s24 =	simm.s32 $0x4;
	v5 =	vand.u32 $0x7F, v5;
	v11 =	vld.idx.msk [tilespmem:v6+s12+$0x0], $0xffff  }
0x646: {  	v9 =	vadd.s32 s24, v0;
	v12 =	vld.idx.msk [tilespmem:v6+s13+$0x0], $0xffff;
	v13 =	vor.u32 v3, v5  }
0x647: {  	s26 =	simm.s32 $0x5;
	v5 =	vand.u32 $0x7F, v9;
	v14 =	vld.idx.msk [tilespmem:v8+s12+$0x0], $0xffff  }
0x648: {  	v6 =	vadd.s32 s26, v0;
	v8 =	vld.idx.msk [tilespmem:v8+s13+$0x0], $0xffff;
	v17 =	vor.u32 v3, v5  }
0x649: {  	s24 =	simm.s32 $0x6;
	v6 =	vand.u32 $0x7F, v6;
	v5 =	vld.idx.msk [tilespmem:v7+s12+$0x0], $0xffff  }
0x64a: {  	v9 =	vor.u32 v3, v6;
	v10 =	vld.idx.msk [tilespmem:v7+s13+$0x0], $0xffff;
	v7 =	vadd.s32 s24, v0  }
0x64b: {  	s26 =	simm.s32 $0x7;
	v7 =	vand.u32 $0x7F, v7;
	v6 =	vld.idx.msk [tilespmem:v13+s12+$0x0], $0xffff  }
0x64c: {  	s23 =	simm.s32 $0x8;
	v16 =	vmul.f32 v12, v11;
	v12 =	vld.idx.msk [tilespmem:v13+s13+$0x0], $0xffff;
	v13 =	vadd.s32 s26, v0;
	v11 =	vor.u32 v3, v7  }
0x64d: {  	v18 =	vadd.s32 s23, v0;
	v15 =	vimm.f32 $0.0e+00;
	v7 =	vld.idx.msk [tilespmem:v17+s12+$0x0], $0xffff;
	v13 =	vand.u32 $0x7F, v13  }
0x64e: {  	s26 =	simm.s32 $0x9;
	v15 =	vadd.f32 v16, v15;
	v16 =	vmul.f32 v8, v14;
	v14 =	vld.idx.msk [tilespmem:v17+s13+$0x0], $0xffff;
	v13 =	vor.u32 v3, v13  }
0x64f: {  	v18 =	vand.u32 $0x7F, v18;
	s24 =	simm.s32 $0x10;
	v17 =	vadd.s32 s26, v0;
	v8 =	vld.idx.msk [tilespmem:v9+s12+$0x0], $0xffff  }
.LBB2_54:
0x650: {  	p0 =	slt.u32 s24, $0x78;
	v18 =	vor.u32 v3, v18;
	s26 =	sadd.s32 $0x2, s23;
	v15 =	vadd.f32 v16, v15;
	v5 =	vmul.f32 v10, v5;
	v9 =	vld.idx.msk [tilespmem:v9+s13+$0x0], $0xffff  }
0x651: {  	v10 =	vand.u32 $0x7F, v17;
	v16 =	vadd.s32 s26, v0;
	v17 =	vld.idx.msk [tilespmem:v11+s12+$0x0], $0xffff  }
0x652: {  	v10 =	vor.u32 v3, v10;
	s26 =	sadd.s32 $0x3, s23;
	v6 =	vmul.f32 v12, v6;
	v5 =	vadd.f32 v5, v15;
	v11 =	vld.idx.msk [tilespmem:v11+s13+$0x0], $0xffff  }
0x653: {  	v12 =	vand.u32 $0x7F, v16;
	v15 =	vadd.s32 s26, v0;
	v16 =	vld.idx.msk [tilespmem:v13+s12+$0x0], $0xffff  }
0x654: {  	s26 =	sadd.s32 $0x4, s23;
	v12 =	vor.u32 v3, v12;
	v5 =	vadd.f32 v6, v5;
	v6 =	vmul.f32 v14, v7;
	v7 =	vld.idx.msk [tilespmem:v13+s13+$0x0], $0xffff  }
0x655: {  	v14 =	vand.u32 $0x7F, v15;
	v15 =	vadd.s32 s26, v0;
	v13 =	vld.idx.msk [tilespmem:v18+s12+$0x0], $0xffff  }
0x656: {  	s26 =	sadd.s32 $0x5, s23;
	v14 =	vor.u32 v3, v14;
	v18 =	vld.idx.msk [tilespmem:v18+s13+$0x0], $0xffff;
	v5 =	vadd.f32 v6, v5;
	v6 =	vmul.f32 v9, v8  }
0x657: {  	v9 =	vand.u32 $0x7F, v15;
	v15 =	vadd.s32 s26, v0;
	v8 =	vld.idx.msk [tilespmem:v10+s12+$0x0], $0xffff  }
0x658: {  	s26 =	sadd.s32 $0x6, s23;
	v20 =	vor.u32 v3, v9;
	v11 =	vmul.f32 v11, v17;
	v19 =	vld.idx.msk [tilespmem:v10+s13+$0x0], $0xffff;
	v6 =	vadd.f32 v6, v5  }
0x659: {  	v9 =	vand.u32 $0x7F, v15;
	v15 =	vadd.s32 s26, v0;
	v5 =	vld.idx.msk [tilespmem:v12+s12+$0x0], $0xffff  }
0x65a: {  	s26 =	sadd.s32 $0x7, s23;
	s23 =	smov.u32 s24;
	v9 =	vor.u32 v3, v9;
	v7 =	vmul.f32 v7, v16;
	v10 =	vld.idx.msk [tilespmem:v12+s13+$0x0], $0xffff;
	v17 =	vadd.f32 v11, v6  }
.Ltmp26:
0x65b: {  	v11 =	vand.u32 $0x7F, v15;
	v15 =	vadd.s32 s26, v0;
	v6 =	vld.idx.msk [tilespmem:v14+s12+$0x0], $0xffff;
	(pc) =	sbr.rel @p0 .LBB2_54-.Ltmp26, $4  }
0x65c: {  	v13 =	vmul.f32 v18, v13;
	v11 =	vor.u32 v3, v11;
	v12 =	vld.idx.msk [tilespmem:v14+s13+$0x0], $0xffff;
	v14 =	vadd.f32 v7, v17  }
0x65d: {  	v18 =	vand.u32 $0x7F, v15;
	v17 =	vadd.s32 s24, v0;
	v7 =	vld.idx.msk [tilespmem:v20+s12+$0x0], $0xffff  }
0x65e: {  	s26 =	sadd.s32 $0x1, s24;
	v16 =	vmul.f32 v19, v8;
	v15 =	vadd.f32 v13, v14;
	v14 =	vld.idx.msk [tilespmem:v20+s13+$0x0], $0xffff;
	v13 =	vor.u32 v3, v18  }
0x65f: {  	s24 =	sadd.s32 $0x8, s24;
	v18 =	vand.u32 $0x7F, v17;
	v17 =	vadd.s32 s26, v0;
	v8 =	vld.idx.msk [tilespmem:v9+s12+$0x0], $0xffff  }
0x660: {  	_ =	sdelay $0x2  }
0x661: {  	v15 =	vadd.f32 v16, v15;
	v5 =	vmul.f32 v10, v5  }
0x662: {  	v10 =	vor.u32 v3, v18;
	v9 =	vld.idx.msk [tilespmem:v9+s13+$0x0], $0xffff  }
0x663: {  	s24 =	sadd.s32 $0x2, s23;
	v16 =	vand.u32 $0x7F, v17;
	v17 =	vld.idx.msk [tilespmem:v11+s12+$0x0], $0xffff;
	v6 =	vmul.f32 v12, v6;
	v5 =	vadd.f32 v5, v15  }
0x664: {  	v11 =	vld.idx.msk [tilespmem:v11+s13+$0x0], $0xffff;
	v12 =	vadd.s32 s24, v0;
	v15 =	vor.u32 v3, v16  }
0x665: {  	s26 =	sadd.s32 $0x3, s23;
	v12 =	vand.u32 $0x7F, v12;
	v16 =	vld.idx.msk [tilespmem:v13+s12+$0x0], $0xffff;
	v5 =	vadd.f32 v6, v5;
	v6 =	vmul.f32 v14, v7  }
0x666: {  	v13 =	vld.idx.msk [tilespmem:v13+s13+$0x0], $0xffff;
	v12 =	vor.u32 v3, v12;
	v7 =	vadd.s32 s26, v0  }
0x667: {  	s26 =	sadd.s32 $0x4, s23;
	v14 =	vld.idx.msk [tilespmem:v10+s12+$0x0], $0xffff;
	v7 =	vand.u32 $0x7F, v7;
	v5 =	vadd.f32 v6, v5;
	v6 =	vmul.f32 v9, v8  }
0x668: {  	v8 =	vadd.s32 s26, v0;
	v9 =	vld.idx.msk [tilespmem:v10+s13+$0x0], $0xffff;
	v7 =	vor.u32 v3, v7  }
0x669: {  	s26 =	sadd.s32 $0x5, s23;
	v10 =	vld.idx.msk [tilespmem:v15+s12+$0x0], $0xffff;
	v8 =	vand.u32 $0x7F, v8;
	v5 =	vadd.f32 v6, v5;
	v6 =	vmul.f32 v11, v17  }
0x66a: {  	v15 =	vld.idx.msk [tilespmem:v15+s13+$0x0], $0xffff;
	v11 =	vadd.s32 s26, v0;
	v8 =	vor.u32 v3, v8  }
0x66b: {  	s26 =	sadd.s32 $0x6, s23;
	v17 =	vld.idx.msk [tilespmem:v12+s12+$0x0], $0xffff;
	v11 =	vand.u32 $0x7F, v11;
	v5 =	vadd.f32 v6, v5;
	v6 =	vmul.f32 v13, v16  }
0x66c: {  	v12 =	vld.idx.msk [tilespmem:v12+s13+$0x0], $0xffff;
	v13 =	vadd.s32 s26, v0;
	v11 =	vor.u32 v3, v11  }
0x66d: {  	v16 =	vld.idx.msk [tilespmem:v7+s12+$0x0], $0xffff;
	v13 =	vand.u32 $0x7F, v13;
	v9 =	vmul.f32 v9, v14;
	v5 =	vadd.f32 v6, v5  }
0x66e: {  	s26 =	sadd.s32 $0x7, s23;
	v6 =	vld.idx.msk [tilespmem:v7+s13+$0x0], $0xffff;
	v7 =	vor.u32 v3, v13  }
0x66f: {  	v13 =	vadd.s32 s26, v0;
	v14 =	vld.idx.msk [tilespmem:v8+s12+$0x0], $0xffff;
	v5 =	vadd.f32 v9, v5;
	v9 =	vmul.f32 v15, v10  }
0x670: {  	v8 =	vld.idx.msk [tilespmem:v8+s13+$0x0], $0xffff;
	v10 =	vand.u32 $0x7F, v13  }
0x671: {  	v10 =	vor.u32 v3, v10;
	v13 =	vld.idx.msk [tilespmem:v11+s12+$0x0], $0xffff;
	v5 =	vadd.f32 v9, v5;
	v9 =	vmul.f32 v12, v17  }
0x672: {  	v11 =	vld.idx.msk [tilespmem:v11+s13+$0x0], $0xffff  }
0x673: {  	v12 =	vld.idx.msk [tilespmem:v7+s12+$0x0], $0xffff;
	v6 =	vmul.f32 v6, v16;
	v5 =	vadd.f32 v9, v5  }
0x674: {  	v7 =	vld.idx.msk [tilespmem:v7+s13+$0x0], $0xffff  }
0x675: {  	v5 =	vadd.f32 v6, v5;
	v6 =	vmul.f32 v8, v14  }
0x676: {  	v8 =	vld.idx.msk [tilespmem:v10+s12+$0x0], $0xffff  }
0x677: {  	v9 =	vld.idx.msk [tilespmem:v10+s13+$0x0], $0xffff;
	v5 =	vadd.f32 v6, v5;
	v6 =	vmul.f32 v11, v13;
	_ =	sdelay $0x1  }
0x678: {  	s24 =	simm.s32 $0x0;
	v5 =	vadd.f32 v6, v5;
	v6 =	vmul.f32 v7, v12  }
0x679: {  	v7 =	vadd.s32 s24, v0  }
0x67a: {  	s26 =	simm.s32 $0x1;
	v5 =	vadd.f32 v6, v5;
	v6 =	vand.u32 $0x7F, v7  }
0x67b: {  	v7 =	vmul.f32 v9, v8;
	v8 =	vadd.s32 s26, v0;
	v6 =	vor.u32 v4, v6  }
0x67c: {  	s24 =	simm.s32 $0x2;
	v8 =	vand.u32 $0x7F, v8  }
0x67d: {  	v5 =	vadd.f32 v7, v5;
	v7 =	vadd.s32 s24, v0;
	v8 =	vor.u32 v4, v8  }
0x67e: {  	s26 =	simm.s32 $0x3;
	v7 =	vand.u32 $0x7F, v7  }
0x67f: {  	[tilespmem:$0xC9A0] =	vst v5;
	v5 =	vadd.s32 s26, v0;
	v7 =	vor.u32 v4, v7  }
0x680: {  	s24 =	simm.s32 $0x4;
	v5 =	vand.u32 $0x7F, v5;
	v11 =	vld.idx.msk [tilespmem:v6+s12+$0x0], $0xffff  }
0x681: {  	v9 =	vadd.s32 s24, v0;
	v12 =	vld.idx.msk [tilespmem:v6+s13+$0x0], $0xffff;
	v13 =	vor.u32 v4, v5  }
0x682: {  	s26 =	simm.s32 $0x5;
	v5 =	vand.u32 $0x7F, v9;
	v14 =	vld.idx.msk [tilespmem:v8+s12+$0x0], $0xffff  }
0x683: {  	v6 =	vadd.s32 s26, v0;
	v8 =	vld.idx.msk [tilespmem:v8+s13+$0x0], $0xffff;
	v17 =	vor.u32 v4, v5  }
0x684: {  	s24 =	simm.s32 $0x6;
	v6 =	vand.u32 $0x7F, v6;
	v5 =	vld.idx.msk [tilespmem:v7+s12+$0x0], $0xffff  }
0x685: {  	v9 =	vor.u32 v4, v6;
	v10 =	vld.idx.msk [tilespmem:v7+s13+$0x0], $0xffff;
	v7 =	vadd.s32 s24, v0  }
0x686: {  	s26 =	simm.s32 $0x7;
	v7 =	vand.u32 $0x7F, v7;
	v6 =	vld.idx.msk [tilespmem:v13+s12+$0x0], $0xffff  }
0x687: {  	s23 =	simm.s32 $0x8;
	v16 =	vmul.f32 v12, v11;
	v12 =	vld.idx.msk [tilespmem:v13+s13+$0x0], $0xffff;
	v13 =	vadd.s32 s26, v0;
	v11 =	vor.u32 v4, v7  }
0x688: {  	v18 =	vadd.s32 s23, v0;
	v15 =	vimm.f32 $0.0e+00;
	v7 =	vld.idx.msk [tilespmem:v17+s12+$0x0], $0xffff;
	v13 =	vand.u32 $0x7F, v13  }
0x689: {  	s26 =	simm.s32 $0x9;
	v15 =	vadd.f32 v16, v15;
	v16 =	vmul.f32 v8, v14;
	v14 =	vld.idx.msk [tilespmem:v17+s13+$0x0], $0xffff;
	v13 =	vor.u32 v4, v13  }
0x68a: {  	v18 =	vand.u32 $0x7F, v18;
	s24 =	simm.s32 $0x10;
	v17 =	vadd.s32 s26, v0;
	v8 =	vld.idx.msk [tilespmem:v9+s12+$0x0], $0xffff  }
.LBB2_56:
0x68b: {  	p0 =	slt.u32 s24, $0x78;
	v18 =	vor.u32 v4, v18;
	s26 =	sadd.s32 $0x2, s23;
	v15 =	vadd.f32 v16, v15;
	v5 =	vmul.f32 v10, v5;
	v9 =	vld.idx.msk [tilespmem:v9+s13+$0x0], $0xffff  }
0x68c: {  	v10 =	vand.u32 $0x7F, v17;
	v16 =	vadd.s32 s26, v0;
	v17 =	vld.idx.msk [tilespmem:v11+s12+$0x0], $0xffff  }
0x68d: {  	v10 =	vor.u32 v4, v10;
	s26 =	sadd.s32 $0x3, s23;
	v6 =	vmul.f32 v12, v6;
	v5 =	vadd.f32 v5, v15;
	v11 =	vld.idx.msk [tilespmem:v11+s13+$0x0], $0xffff  }
0x68e: {  	v12 =	vand.u32 $0x7F, v16;
	v15 =	vadd.s32 s26, v0;
	v16 =	vld.idx.msk [tilespmem:v13+s12+$0x0], $0xffff  }
0x68f: {  	s26 =	sadd.s32 $0x4, s23;
	v12 =	vor.u32 v4, v12;
	v5 =	vadd.f32 v6, v5;
	v6 =	vmul.f32 v14, v7;
	v7 =	vld.idx.msk [tilespmem:v13+s13+$0x0], $0xffff  }
0x690: {  	v14 =	vand.u32 $0x7F, v15;
	v15 =	vadd.s32 s26, v0;
	v13 =	vld.idx.msk [tilespmem:v18+s12+$0x0], $0xffff  }
0x691: {  	s26 =	sadd.s32 $0x5, s23;
	v14 =	vor.u32 v4, v14;
	v18 =	vld.idx.msk [tilespmem:v18+s13+$0x0], $0xffff;
	v5 =	vadd.f32 v6, v5;
	v6 =	vmul.f32 v9, v8  }
0x692: {  	v9 =	vand.u32 $0x7F, v15;
	v15 =	vadd.s32 s26, v0;
	v8 =	vld.idx.msk [tilespmem:v10+s12+$0x0], $0xffff  }
0x693: {  	s26 =	sadd.s32 $0x6, s23;
	v20 =	vor.u32 v4, v9;
	v11 =	vmul.f32 v11, v17;
	v19 =	vld.idx.msk [tilespmem:v10+s13+$0x0], $0xffff;
	v6 =	vadd.f32 v6, v5  }
0x694: {  	v9 =	vand.u32 $0x7F, v15;
	v15 =	vadd.s32 s26, v0;
	v5 =	vld.idx.msk [tilespmem:v12+s12+$0x0], $0xffff  }
0x695: {  	s26 =	sadd.s32 $0x7, s23;
	s23 =	smov.u32 s24;
	v9 =	vor.u32 v4, v9;
	v7 =	vmul.f32 v7, v16;
	v10 =	vld.idx.msk [tilespmem:v12+s13+$0x0], $0xffff;
	v17 =	vadd.f32 v11, v6  }
.Ltmp27:
0x696: {  	v11 =	vand.u32 $0x7F, v15;
	v15 =	vadd.s32 s26, v0;
	v6 =	vld.idx.msk [tilespmem:v14+s12+$0x0], $0xffff;
	(pc) =	sbr.rel @p0 .LBB2_56-.Ltmp27, $4  }
0x697: {  	v13 =	vmul.f32 v18, v13;
	v11 =	vor.u32 v4, v11;
	v12 =	vld.idx.msk [tilespmem:v14+s13+$0x0], $0xffff;
	v14 =	vadd.f32 v7, v17  }
0x698: {  	v18 =	vand.u32 $0x7F, v15;
	v17 =	vadd.s32 s24, v0;
	v7 =	vld.idx.msk [tilespmem:v20+s12+$0x0], $0xffff  }
0x699: {  	s26 =	sadd.s32 $0x1, s24;
	v16 =	vmul.f32 v19, v8;
	v15 =	vadd.f32 v13, v14;
	v14 =	vld.idx.msk [tilespmem:v20+s13+$0x0], $0xffff;
	v13 =	vor.u32 v4, v18  }
0x69a: {  	s24 =	sadd.s32 $0x8, s24;
	v18 =	vand.u32 $0x7F, v17;
	v17 =	vadd.s32 s26, v0;
	v8 =	vld.idx.msk [tilespmem:v9+s12+$0x0], $0xffff  }
0x69b: {  	_ =	sdelay $0x2  }
0x69c: {  	v15 =	vadd.f32 v16, v15;
	v5 =	vmul.f32 v10, v5  }
0x69d: {  	v10 =	vor.u32 v4, v18;
	v9 =	vld.idx.msk [tilespmem:v9+s13+$0x0], $0xffff  }
0x69e: {  	s24 =	sadd.s32 $0x2, s23;
	v16 =	vand.u32 $0x7F, v17;
	v17 =	vld.idx.msk [tilespmem:v11+s12+$0x0], $0xffff;
	v6 =	vmul.f32 v12, v6;
	v5 =	vadd.f32 v5, v15  }
0x69f: {  	v11 =	vld.idx.msk [tilespmem:v11+s13+$0x0], $0xffff;
	v12 =	vadd.s32 s24, v0;
	v15 =	vor.u32 v4, v16  }
0x6a0: {  	s26 =	sadd.s32 $0x3, s23;
	v12 =	vand.u32 $0x7F, v12;
	v16 =	vld.idx.msk [tilespmem:v13+s12+$0x0], $0xffff;
	v5 =	vadd.f32 v6, v5;
	v6 =	vmul.f32 v14, v7  }
0x6a1: {  	v13 =	vld.idx.msk [tilespmem:v13+s13+$0x0], $0xffff;
	v12 =	vor.u32 v4, v12;
	v7 =	vadd.s32 s26, v0  }
0x6a2: {  	s26 =	sadd.s32 $0x4, s23;
	v14 =	vld.idx.msk [tilespmem:v10+s12+$0x0], $0xffff;
	v7 =	vand.u32 $0x7F, v7;
	v5 =	vadd.f32 v6, v5;
	v6 =	vmul.f32 v9, v8  }
0x6a3: {  	v8 =	vadd.s32 s26, v0;
	v9 =	vld.idx.msk [tilespmem:v10+s13+$0x0], $0xffff;
	v7 =	vor.u32 v4, v7  }
0x6a4: {  	s26 =	sadd.s32 $0x5, s23;
	v10 =	vld.idx.msk [tilespmem:v15+s12+$0x0], $0xffff;
	v8 =	vand.u32 $0x7F, v8;
	v5 =	vadd.f32 v6, v5;
	v6 =	vmul.f32 v11, v17  }
0x6a5: {  	v15 =	vld.idx.msk [tilespmem:v15+s13+$0x0], $0xffff;
	v11 =	vadd.s32 s26, v0;
	v8 =	vor.u32 v4, v8  }
0x6a6: {  	s26 =	sadd.s32 $0x6, s23;
	v17 =	vld.idx.msk [tilespmem:v12+s12+$0x0], $0xffff;
	v11 =	vand.u32 $0x7F, v11;
	v5 =	vadd.f32 v6, v5;
	v6 =	vmul.f32 v13, v16  }
0x6a7: {  	v12 =	vld.idx.msk [tilespmem:v12+s13+$0x0], $0xffff;
	v13 =	vadd.s32 s26, v0;
	v11 =	vor.u32 v4, v11  }
0x6a8: {  	s26 =	sadd.s32 $0x7, s23;
	v16 =	vld.idx.msk [tilespmem:v7+s12+$0x0], $0xffff;
	v13 =	vand.u32 $0x7F, v13;
	v9 =	vmul.f32 v9, v14;
	v5 =	vadd.f32 v6, v5  }
0x6a9: {  	v7 =	vld.idx.msk [tilespmem:v7+s13+$0x0], $0xffff;
	v6 =	vadd.s32 s26, v0;
	v13 =	vor.u32 v4, v13  }
0x6aa: {  	v14 =	vld.idx.msk [tilespmem:v8+s12+$0x0], $0xffff;
	v6 =	vand.u32 $0x7F, v6;
	v5 =	vadd.f32 v9, v5;
	v9 =	vmul.f32 v15, v10  }
0x6ab: {  	v8 =	vld.idx.msk [tilespmem:v8+s13+$0x0], $0xffff;
	v6 =	vor.u32 v4, v6  }
0x6ac: {  	v10 =	vld.idx.msk [tilespmem:v11+s12+$0x0], $0xffff;
	v5 =	vadd.f32 v9, v5;
	v9 =	vmul.f32 v12, v17  }
0x6ad: {  	v11 =	vld.idx.msk [tilespmem:v11+s13+$0x0], $0xffff  }
0x6ae: {  	v7 =	vmul.f32 v7, v16;
	v12 =	vld.idx.msk [tilespmem:v13+s12+$0x0], $0xffff;
	v5 =	vadd.f32 v9, v5  }
0x6af: {  	v9 =	vld.idx.msk [tilespmem:v13+s13+$0x0], $0xffff  }
0x6b0: {  	v13 =	vld.idx.msk [tilespmem:v6+s12+$0x0], $0xffff;
	v5 =	vadd.f32 v7, v5;
	v7 =	vmul.f32 v8, v14  }
0x6b1: {  	v6 =	vld.idx.msk [tilespmem:v6+s13+$0x0], $0xffff  }
0x6b2: {  	v5 =	vadd.f32 v7, v5;
	v7 =	vmul.f32 v11, v10;
	_ =	sdelay $0x1  }
0x6b3: {  	v5 =	vadd.f32 v7, v5;
	v7 =	vmul.f32 v9, v12;
	_ =	sdelay $0x1  }
0x6b4: {  	v6 =	vmul.f32 v6, v13;
	v5 =	vadd.f32 v7, v5;
	_ =	sdelay $0x1  }
0x6b5: {  	v5 =	vadd.f32 v6, v5  }
0x6b6: {  	s24 =	simm.s32 $0x0  }
0x6b7: {  	[tilespmem:$0xC9B0] =	vst v5;
	v5 =	vadd.s32 s24, v0  }
0x6b8: {  	s26 =	simm.s32 $0x1;
	_ =	swait.ge [sflag:s25], $0x2000;
	v5 =	vand.u32 $0x7F, v5  }
0x6b9: {  	v6 =	vadd.s32 s26, v0;
	[sflag:s25] =	ssyncset.done $0x0;
	v5 =	vor.u32 v1, v5  }
0x6ba: {  	v6 =	vand.u32 $0x7F, v6;
	s24 =	simm.s32 $0x2;
	[sflag:s25] =	ssyncadd.s32 $0xFFFFE000  }
0x6bb: {  	v6 =	vor.u32 v1, v6;
	v7 =	vadd.s32 s24, v0;
	_ =	swait.ge [sflag:s25], $0x2000  }
0x6bc: {  	s26 =	simm.s32 $0x3;
	v7 =	vand.u32 $0x7F, v7;
	[sflag:s25] =	ssyncset.done $0x0  }
0x6bd: {  	v8 =	vadd.s32 s26, v0;
	v7 =	vor.u32 v1, v7;
	[sflag:s25] =	ssyncadd.s32 $0xFFFFE000  }
0x6be: {  	v8 =	vand.u32 $0x7F, v8;
	s24 =	simm.s32 $0x4;
	v11 =	vld.idx.msk [tilespmem:v5+s15+$0x0], $0xffff  }
0x6bf: {  	v8 =	vor.u32 v1, v8;
	v9 =	vadd.s32 s24, v0;
	v12 =	vld.idx.msk [tilespmem:v5+s17+$0x0], $0xffff  }
0x6c0: {  	s26 =	simm.s32 $0x5;
	v13 =	vld.idx.msk [tilespmem:v6+s15+$0x0], $0xffff;
	v5 =	vand.u32 $0x7F, v9  }
0x6c1: {  	v9 =	vadd.s32 s26, v0;
	v14 =	vld.idx.msk [tilespmem:v6+s17+$0x0], $0xffff;
	v17 =	vor.u32 v1, v5  }
0x6c2: {  	s24 =	simm.s32 $0x6;
	v5 =	vld.idx.msk [tilespmem:v7+s15+$0x0], $0xffff;
	v6 =	vand.u32 $0x7F, v9  }
0x6c3: {  	v10 =	vld.idx.msk [tilespmem:v7+s17+$0x0], $0xffff;
	v7 =	vadd.s32 s24, v0;
	v9 =	vor.u32 v1, v6  }
0x6c4: {  	s26 =	simm.s32 $0x7;
	v6 =	vld.idx.msk [tilespmem:v8+s15+$0x0], $0xffff;
	v7 =	vand.u32 $0x7F, v7  }
0x6c5: {  	s23 =	simm.s32 $0x8;
	v16 =	vmul.f32 v12, v11;
	v12 =	vld.idx.msk [tilespmem:v8+s17+$0x0], $0xffff;
	v8 =	vadd.s32 s26, v0;
	v11 =	vor.u32 v1, v7  }
0x6c6: {  	v18 =	vadd.s32 s23, v0;
	v15 =	vimm.f32 $0.0e+00;
	v7 =	vld.idx.msk [tilespmem:v17+s15+$0x0], $0xffff;
	v8 =	vand.u32 $0x7F, v8  }
0x6c7: {  	s26 =	simm.s32 $0x9;
	v15 =	vadd.f32 v16, v15;
	v16 =	vmul.f32 v14, v13;
	v14 =	vld.idx.msk [tilespmem:v17+s17+$0x0], $0xffff;
	v13 =	vor.u32 v1, v8  }
0x6c8: {  	v18 =	vand.u32 $0x7F, v18;
	s24 =	simm.s32 $0x10;
	v17 =	vadd.s32 s26, v0;
	v8 =	vld.idx.msk [tilespmem:v9+s15+$0x0], $0xffff  }
.LBB2_58:
0x6c9: {  	p0 =	slt.u32 s24, $0x78;
	v18 =	vor.u32 v1, v18;
	s26 =	sadd.s32 $0x2, s23;
	v15 =	vadd.f32 v16, v15;
	v5 =	vmul.f32 v10, v5;
	v9 =	vld.idx.msk [tilespmem:v9+s17+$0x0], $0xffff  }
0x6ca: {  	v10 =	vand.u32 $0x7F, v17;
	v16 =	vadd.s32 s26, v0;
	v17 =	vld.idx.msk [tilespmem:v11+s15+$0x0], $0xffff  }
0x6cb: {  	v10 =	vor.u32 v1, v10;
	s26 =	sadd.s32 $0x3, s23;
	v6 =	vmul.f32 v12, v6;
	v5 =	vadd.f32 v5, v15;
	v11 =	vld.idx.msk [tilespmem:v11+s17+$0x0], $0xffff  }
0x6cc: {  	v12 =	vand.u32 $0x7F, v16;
	v15 =	vadd.s32 s26, v0;
	v16 =	vld.idx.msk [tilespmem:v13+s15+$0x0], $0xffff  }
0x6cd: {  	s26 =	sadd.s32 $0x4, s23;
	v12 =	vor.u32 v1, v12;
	v5 =	vadd.f32 v6, v5;
	v6 =	vmul.f32 v14, v7;
	v7 =	vld.idx.msk [tilespmem:v13+s17+$0x0], $0xffff  }
0x6ce: {  	v14 =	vand.u32 $0x7F, v15;
	v15 =	vadd.s32 s26, v0;
	v13 =	vld.idx.msk [tilespmem:v18+s15+$0x0], $0xffff  }
0x6cf: {  	s26 =	sadd.s32 $0x5, s23;
	v14 =	vor.u32 v1, v14;
	v18 =	vld.idx.msk [tilespmem:v18+s17+$0x0], $0xffff;
	v5 =	vadd.f32 v6, v5;
	v6 =	vmul.f32 v9, v8  }
0x6d0: {  	v9 =	vand.u32 $0x7F, v15;
	v15 =	vadd.s32 s26, v0;
	v8 =	vld.idx.msk [tilespmem:v10+s15+$0x0], $0xffff  }
0x6d1: {  	s26 =	sadd.s32 $0x6, s23;
	v20 =	vor.u32 v1, v9;
	v11 =	vmul.f32 v11, v17;
	v19 =	vld.idx.msk [tilespmem:v10+s17+$0x0], $0xffff;
	v6 =	vadd.f32 v6, v5  }
0x6d2: {  	v9 =	vand.u32 $0x7F, v15;
	v15 =	vadd.s32 s26, v0;
	v5 =	vld.idx.msk [tilespmem:v12+s15+$0x0], $0xffff  }
0x6d3: {  	s26 =	sadd.s32 $0x7, s23;
	s23 =	smov.u32 s24;
	v9 =	vor.u32 v1, v9;
	v7 =	vmul.f32 v7, v16;
	v10 =	vld.idx.msk [tilespmem:v12+s17+$0x0], $0xffff;
	v17 =	vadd.f32 v11, v6  }
.Ltmp28:
0x6d4: {  	v11 =	vand.u32 $0x7F, v15;
	v15 =	vadd.s32 s26, v0;
	v6 =	vld.idx.msk [tilespmem:v14+s15+$0x0], $0xffff;
	(pc) =	sbr.rel @p0 .LBB2_58-.Ltmp28, $4  }
0x6d5: {  	v13 =	vmul.f32 v18, v13;
	v11 =	vor.u32 v1, v11;
	v12 =	vld.idx.msk [tilespmem:v14+s17+$0x0], $0xffff;
	v14 =	vadd.f32 v7, v17  }
0x6d6: {  	v18 =	vand.u32 $0x7F, v15;
	v17 =	vadd.s32 s24, v0;
	v7 =	vld.idx.msk [tilespmem:v20+s15+$0x0], $0xffff  }
0x6d7: {  	s26 =	sadd.s32 $0x1, s24;
	v16 =	vmul.f32 v19, v8;
	v15 =	vadd.f32 v13, v14;
	v14 =	vld.idx.msk [tilespmem:v20+s17+$0x0], $0xffff;
	v13 =	vor.u32 v1, v18  }
0x6d8: {  	s24 =	sadd.s32 $0x8, s24;
	v18 =	vand.u32 $0x7F, v17;
	v17 =	vadd.s32 s26, v0;
	v8 =	vld.idx.msk [tilespmem:v9+s15+$0x0], $0xffff  }
0x6d9: {  	_ =	sdelay $0x2  }
0x6da: {  	v15 =	vadd.f32 v16, v15;
	v5 =	vmul.f32 v10, v5  }
0x6db: {  	v10 =	vor.u32 v1, v18;
	v9 =	vld.idx.msk [tilespmem:v9+s17+$0x0], $0xffff  }
0x6dc: {  	s24 =	sadd.s32 $0x2, s23;
	v16 =	vand.u32 $0x7F, v17;
	v17 =	vld.idx.msk [tilespmem:v11+s15+$0x0], $0xffff;
	v6 =	vmul.f32 v12, v6;
	v5 =	vadd.f32 v5, v15  }
0x6dd: {  	v11 =	vld.idx.msk [tilespmem:v11+s17+$0x0], $0xffff;
	v12 =	vadd.s32 s24, v0;
	v15 =	vor.u32 v1, v16  }
0x6de: {  	s26 =	sadd.s32 $0x3, s23;
	v12 =	vand.u32 $0x7F, v12;
	v16 =	vld.idx.msk [tilespmem:v13+s15+$0x0], $0xffff;
	v5 =	vadd.f32 v6, v5;
	v6 =	vmul.f32 v14, v7  }
0x6df: {  	v13 =	vld.idx.msk [tilespmem:v13+s17+$0x0], $0xffff;
	v12 =	vor.u32 v1, v12;
	v7 =	vadd.s32 s26, v0  }
0x6e0: {  	s26 =	sadd.s32 $0x4, s23;
	v14 =	vld.idx.msk [tilespmem:v10+s15+$0x0], $0xffff;
	v7 =	vand.u32 $0x7F, v7;
	v5 =	vadd.f32 v6, v5;
	v6 =	vmul.f32 v9, v8  }
0x6e1: {  	v8 =	vadd.s32 s26, v0;
	v9 =	vld.idx.msk [tilespmem:v10+s17+$0x0], $0xffff;
	v7 =	vor.u32 v1, v7  }
0x6e2: {  	s26 =	sadd.s32 $0x5, s23;
	v10 =	vld.idx.msk [tilespmem:v15+s15+$0x0], $0xffff;
	v8 =	vand.u32 $0x7F, v8;
	v5 =	vadd.f32 v6, v5;
	v6 =	vmul.f32 v11, v17  }
0x6e3: {  	v15 =	vld.idx.msk [tilespmem:v15+s17+$0x0], $0xffff;
	v11 =	vadd.s32 s26, v0;
	v8 =	vor.u32 v1, v8  }
0x6e4: {  	s26 =	sadd.s32 $0x6, s23;
	v17 =	vld.idx.msk [tilespmem:v12+s15+$0x0], $0xffff;
	v11 =	vand.u32 $0x7F, v11;
	v5 =	vadd.f32 v6, v5;
	v6 =	vmul.f32 v13, v16  }
0x6e5: {  	v12 =	vld.idx.msk [tilespmem:v12+s17+$0x0], $0xffff;
	v13 =	vadd.s32 s26, v0;
	v11 =	vor.u32 v1, v11  }
0x6e6: {  	v16 =	vld.idx.msk [tilespmem:v7+s15+$0x0], $0xffff;
	v13 =	vand.u32 $0x7F, v13;
	v9 =	vmul.f32 v9, v14;
	v5 =	vadd.f32 v6, v5  }
0x6e7: {  	s26 =	sadd.s32 $0x7, s23;
	v6 =	vld.idx.msk [tilespmem:v7+s17+$0x0], $0xffff;
	v7 =	vor.u32 v1, v13  }
0x6e8: {  	v13 =	vadd.s32 s26, v0;
	v14 =	vld.idx.msk [tilespmem:v8+s15+$0x0], $0xffff;
	v5 =	vadd.f32 v9, v5;
	v9 =	vmul.f32 v15, v10  }
0x6e9: {  	v8 =	vld.idx.msk [tilespmem:v8+s17+$0x0], $0xffff;
	v10 =	vand.u32 $0x7F, v13  }
0x6ea: {  	v10 =	vor.u32 v1, v10;
	v13 =	vld.idx.msk [tilespmem:v11+s15+$0x0], $0xffff;
	v5 =	vadd.f32 v9, v5;
	v9 =	vmul.f32 v12, v17  }
0x6eb: {  	v11 =	vld.idx.msk [tilespmem:v11+s17+$0x0], $0xffff  }
0x6ec: {  	v12 =	vld.idx.msk [tilespmem:v7+s15+$0x0], $0xffff;
	v6 =	vmul.f32 v6, v16;
	v5 =	vadd.f32 v9, v5  }
0x6ed: {  	v7 =	vld.idx.msk [tilespmem:v7+s17+$0x0], $0xffff  }
0x6ee: {  	v5 =	vadd.f32 v6, v5;
	v6 =	vmul.f32 v8, v14  }
0x6ef: {  	v8 =	vld.idx.msk [tilespmem:v10+s15+$0x0], $0xffff  }
0x6f0: {  	v9 =	vld.idx.msk [tilespmem:v10+s17+$0x0], $0xffff;
	v5 =	vadd.f32 v6, v5;
	v6 =	vmul.f32 v11, v13;
	_ =	sdelay $0x1  }
0x6f1: {  	s24 =	simm.s32 $0x0;
	v5 =	vadd.f32 v6, v5;
	v6 =	vmul.f32 v7, v12  }
0x6f2: {  	v7 =	vadd.s32 s24, v0  }
0x6f3: {  	s26 =	simm.s32 $0x1;
	v5 =	vadd.f32 v6, v5;
	v6 =	vand.u32 $0x7F, v7  }
0x6f4: {  	v7 =	vmul.f32 v9, v8;
	v8 =	vadd.s32 s26, v0;
	v6 =	vor.u32 v2, v6  }
0x6f5: {  	s24 =	simm.s32 $0x2;
	v8 =	vand.u32 $0x7F, v8  }
0x6f6: {  	v5 =	vadd.f32 v7, v5;
	v7 =	vadd.s32 s24, v0;
	v8 =	vor.u32 v2, v8  }
0x6f7: {  	s26 =	simm.s32 $0x3;
	v7 =	vand.u32 $0x7F, v7  }
0x6f8: {  	[tilespmem:$0xC9C0] =	vst v5;
	v5 =	vadd.s32 s26, v0;
	v7 =	vor.u32 v2, v7  }
0x6f9: {  	s24 =	simm.s32 $0x4;
	v5 =	vand.u32 $0x7F, v5;
	v11 =	vld.idx.msk [tilespmem:v6+s15+$0x0], $0xffff  }
0x6fa: {  	v9 =	vadd.s32 s24, v0;
	v12 =	vld.idx.msk [tilespmem:v6+s17+$0x0], $0xffff;
	v13 =	vor.u32 v2, v5  }
0x6fb: {  	s26 =	simm.s32 $0x5;
	v5 =	vand.u32 $0x7F, v9;
	v14 =	vld.idx.msk [tilespmem:v8+s15+$0x0], $0xffff  }
0x6fc: {  	v6 =	vadd.s32 s26, v0;
	v8 =	vld.idx.msk [tilespmem:v8+s17+$0x0], $0xffff;
	v17 =	vor.u32 v2, v5  }
0x6fd: {  	s24 =	simm.s32 $0x6;
	v6 =	vand.u32 $0x7F, v6;
	v5 =	vld.idx.msk [tilespmem:v7+s15+$0x0], $0xffff  }
0x6fe: {  	v9 =	vor.u32 v2, v6;
	v10 =	vld.idx.msk [tilespmem:v7+s17+$0x0], $0xffff;
	v7 =	vadd.s32 s24, v0  }
0x6ff: {  	s26 =	simm.s32 $0x7;
	v7 =	vand.u32 $0x7F, v7;
	v6 =	vld.idx.msk [tilespmem:v13+s15+$0x0], $0xffff  }
0x700: {  	s23 =	simm.s32 $0x8;
	v16 =	vmul.f32 v12, v11;
	v12 =	vld.idx.msk [tilespmem:v13+s17+$0x0], $0xffff;
	v13 =	vadd.s32 s26, v0;
	v11 =	vor.u32 v2, v7  }
0x701: {  	v18 =	vadd.s32 s23, v0;
	v15 =	vimm.f32 $0.0e+00;
	v7 =	vld.idx.msk [tilespmem:v17+s15+$0x0], $0xffff;
	v13 =	vand.u32 $0x7F, v13  }
0x702: {  	s26 =	simm.s32 $0x9;
	v15 =	vadd.f32 v16, v15;
	v16 =	vmul.f32 v8, v14;
	v14 =	vld.idx.msk [tilespmem:v17+s17+$0x0], $0xffff;
	v13 =	vor.u32 v2, v13  }
0x703: {  	v18 =	vand.u32 $0x7F, v18;
	s24 =	simm.s32 $0x10;
	v17 =	vadd.s32 s26, v0;
	v8 =	vld.idx.msk [tilespmem:v9+s15+$0x0], $0xffff  }
.LBB2_60:
0x704: {  	p0 =	slt.u32 s24, $0x78;
	v18 =	vor.u32 v2, v18;
	s26 =	sadd.s32 $0x2, s23;
	v15 =	vadd.f32 v16, v15;
	v5 =	vmul.f32 v10, v5;
	v9 =	vld.idx.msk [tilespmem:v9+s17+$0x0], $0xffff  }
0x705: {  	v10 =	vand.u32 $0x7F, v17;
	v16 =	vadd.s32 s26, v0;
	v17 =	vld.idx.msk [tilespmem:v11+s15+$0x0], $0xffff  }
0x706: {  	v10 =	vor.u32 v2, v10;
	s26 =	sadd.s32 $0x3, s23;
	v6 =	vmul.f32 v12, v6;
	v5 =	vadd.f32 v5, v15;
	v11 =	vld.idx.msk [tilespmem:v11+s17+$0x0], $0xffff  }
0x707: {  	v12 =	vand.u32 $0x7F, v16;
	v15 =	vadd.s32 s26, v0;
	v16 =	vld.idx.msk [tilespmem:v13+s15+$0x0], $0xffff  }
0x708: {  	s26 =	sadd.s32 $0x4, s23;
	v12 =	vor.u32 v2, v12;
	v5 =	vadd.f32 v6, v5;
	v6 =	vmul.f32 v14, v7;
	v7 =	vld.idx.msk [tilespmem:v13+s17+$0x0], $0xffff  }
0x709: {  	v14 =	vand.u32 $0x7F, v15;
	v15 =	vadd.s32 s26, v0;
	v13 =	vld.idx.msk [tilespmem:v18+s15+$0x0], $0xffff  }
0x70a: {  	s26 =	sadd.s32 $0x5, s23;
	v14 =	vor.u32 v2, v14;
	v18 =	vld.idx.msk [tilespmem:v18+s17+$0x0], $0xffff;
	v5 =	vadd.f32 v6, v5;
	v6 =	vmul.f32 v9, v8  }
0x70b: {  	v9 =	vand.u32 $0x7F, v15;
	v15 =	vadd.s32 s26, v0;
	v8 =	vld.idx.msk [tilespmem:v10+s15+$0x0], $0xffff  }
0x70c: {  	s26 =	sadd.s32 $0x6, s23;
	v20 =	vor.u32 v2, v9;
	v11 =	vmul.f32 v11, v17;
	v19 =	vld.idx.msk [tilespmem:v10+s17+$0x0], $0xffff;
	v6 =	vadd.f32 v6, v5  }
0x70d: {  	v9 =	vand.u32 $0x7F, v15;
	v15 =	vadd.s32 s26, v0;
	v5 =	vld.idx.msk [tilespmem:v12+s15+$0x0], $0xffff  }
0x70e: {  	s26 =	sadd.s32 $0x7, s23;
	s23 =	smov.u32 s24;
	v9 =	vor.u32 v2, v9;
	v7 =	vmul.f32 v7, v16;
	v10 =	vld.idx.msk [tilespmem:v12+s17+$0x0], $0xffff;
	v17 =	vadd.f32 v11, v6  }
.Ltmp29:
0x70f: {  	v11 =	vand.u32 $0x7F, v15;
	v15 =	vadd.s32 s26, v0;
	v6 =	vld.idx.msk [tilespmem:v14+s15+$0x0], $0xffff;
	(pc) =	sbr.rel @p0 .LBB2_60-.Ltmp29, $4  }
0x710: {  	v13 =	vmul.f32 v18, v13;
	v11 =	vor.u32 v2, v11;
	v12 =	vld.idx.msk [tilespmem:v14+s17+$0x0], $0xffff;
	v14 =	vadd.f32 v7, v17  }
0x711: {  	v18 =	vand.u32 $0x7F, v15;
	v17 =	vadd.s32 s24, v0;
	v7 =	vld.idx.msk [tilespmem:v20+s15+$0x0], $0xffff  }
0x712: {  	s26 =	sadd.s32 $0x1, s24;
	v16 =	vmul.f32 v19, v8;
	v15 =	vadd.f32 v13, v14;
	v14 =	vld.idx.msk [tilespmem:v20+s17+$0x0], $0xffff;
	v13 =	vor.u32 v2, v18  }
0x713: {  	s24 =	sadd.s32 $0x8, s24;
	v18 =	vand.u32 $0x7F, v17;
	v17 =	vadd.s32 s26, v0;
	v8 =	vld.idx.msk [tilespmem:v9+s15+$0x0], $0xffff  }
0x714: {  	_ =	sdelay $0x2  }
0x715: {  	v15 =	vadd.f32 v16, v15;
	v5 =	vmul.f32 v10, v5  }
0x716: {  	v10 =	vor.u32 v2, v18;
	v9 =	vld.idx.msk [tilespmem:v9+s17+$0x0], $0xffff  }
0x717: {  	s24 =	sadd.s32 $0x2, s23;
	v16 =	vand.u32 $0x7F, v17;
	v17 =	vld.idx.msk [tilespmem:v11+s15+$0x0], $0xffff;
	v6 =	vmul.f32 v12, v6;
	v5 =	vadd.f32 v5, v15  }
0x718: {  	v11 =	vld.idx.msk [tilespmem:v11+s17+$0x0], $0xffff;
	v12 =	vadd.s32 s24, v0;
	v15 =	vor.u32 v2, v16  }
0x719: {  	s26 =	sadd.s32 $0x3, s23;
	v12 =	vand.u32 $0x7F, v12;
	v16 =	vld.idx.msk [tilespmem:v13+s15+$0x0], $0xffff;
	v5 =	vadd.f32 v6, v5;
	v6 =	vmul.f32 v14, v7  }
0x71a: {  	v13 =	vld.idx.msk [tilespmem:v13+s17+$0x0], $0xffff;
	v12 =	vor.u32 v2, v12;
	v7 =	vadd.s32 s26, v0  }
0x71b: {  	s26 =	sadd.s32 $0x4, s23;
	v14 =	vld.idx.msk [tilespmem:v10+s15+$0x0], $0xffff;
	v7 =	vand.u32 $0x7F, v7;
	v5 =	vadd.f32 v6, v5;
	v6 =	vmul.f32 v9, v8  }
0x71c: {  	v8 =	vadd.s32 s26, v0;
	v9 =	vld.idx.msk [tilespmem:v10+s17+$0x0], $0xffff;
	v7 =	vor.u32 v2, v7  }
0x71d: {  	s26 =	sadd.s32 $0x5, s23;
	v10 =	vld.idx.msk [tilespmem:v15+s15+$0x0], $0xffff;
	v8 =	vand.u32 $0x7F, v8;
	v5 =	vadd.f32 v6, v5;
	v6 =	vmul.f32 v11, v17  }
0x71e: {  	v15 =	vld.idx.msk [tilespmem:v15+s17+$0x0], $0xffff;
	v11 =	vadd.s32 s26, v0;
	v8 =	vor.u32 v2, v8  }
0x71f: {  	s26 =	sadd.s32 $0x6, s23;
	v17 =	vld.idx.msk [tilespmem:v12+s15+$0x0], $0xffff;
	v11 =	vand.u32 $0x7F, v11;
	v5 =	vadd.f32 v6, v5;
	v6 =	vmul.f32 v13, v16  }
0x720: {  	v12 =	vld.idx.msk [tilespmem:v12+s17+$0x0], $0xffff;
	v13 =	vadd.s32 s26, v0;
	v11 =	vor.u32 v2, v11  }
0x721: {  	v16 =	vld.idx.msk [tilespmem:v7+s15+$0x0], $0xffff;
	v13 =	vand.u32 $0x7F, v13;
	v9 =	vmul.f32 v9, v14;
	v5 =	vadd.f32 v6, v5  }
0x722: {  	s26 =	sadd.s32 $0x7, s23;
	v6 =	vld.idx.msk [tilespmem:v7+s17+$0x0], $0xffff;
	v7 =	vor.u32 v2, v13  }
0x723: {  	v13 =	vadd.s32 s26, v0;
	v14 =	vld.idx.msk [tilespmem:v8+s15+$0x0], $0xffff;
	v5 =	vadd.f32 v9, v5;
	v9 =	vmul.f32 v15, v10  }
0x724: {  	v8 =	vld.idx.msk [tilespmem:v8+s17+$0x0], $0xffff;
	v10 =	vand.u32 $0x7F, v13  }
0x725: {  	v10 =	vor.u32 v2, v10;
	v13 =	vld.idx.msk [tilespmem:v11+s15+$0x0], $0xffff;
	v5 =	vadd.f32 v9, v5;
	v9 =	vmul.f32 v12, v17  }
0x726: {  	v11 =	vld.idx.msk [tilespmem:v11+s17+$0x0], $0xffff  }
0x727: {  	v12 =	vld.idx.msk [tilespmem:v7+s15+$0x0], $0xffff;
	v6 =	vmul.f32 v6, v16;
	v5 =	vadd.f32 v9, v5  }
0x728: {  	v7 =	vld.idx.msk [tilespmem:v7+s17+$0x0], $0xffff  }
0x729: {  	v5 =	vadd.f32 v6, v5;
	v6 =	vmul.f32 v8, v14  }
0x72a: {  	v8 =	vld.idx.msk [tilespmem:v10+s15+$0x0], $0xffff  }
0x72b: {  	v9 =	vld.idx.msk [tilespmem:v10+s17+$0x0], $0xffff;
	v5 =	vadd.f32 v6, v5;
	v6 =	vmul.f32 v11, v13;
	_ =	sdelay $0x1  }
0x72c: {  	s24 =	simm.s32 $0x0;
	v5 =	vadd.f32 v6, v5;
	v6 =	vmul.f32 v7, v12  }
0x72d: {  	v7 =	vadd.s32 s24, v0  }
0x72e: {  	s26 =	simm.s32 $0x1;
	v5 =	vadd.f32 v6, v5;
	v6 =	vand.u32 $0x7F, v7  }
0x72f: {  	v7 =	vmul.f32 v9, v8;
	v8 =	vadd.s32 s26, v0;
	v6 =	vor.u32 v3, v6  }
0x730: {  	s24 =	simm.s32 $0x2;
	v8 =	vand.u32 $0x7F, v8  }
0x731: {  	v5 =	vadd.f32 v7, v5;
	v7 =	vadd.s32 s24, v0;
	v8 =	vor.u32 v3, v8  }
0x732: {  	s26 =	simm.s32 $0x3;
	v7 =	vand.u32 $0x7F, v7  }
0x733: {  	[tilespmem:$0xC9D0] =	vst v5;
	v5 =	vadd.s32 s26, v0;
	v7 =	vor.u32 v3, v7  }
0x734: {  	s24 =	simm.s32 $0x4;
	v5 =	vand.u32 $0x7F, v5;
	v11 =	vld.idx.msk [tilespmem:v6+s15+$0x0], $0xffff  }
0x735: {  	v9 =	vadd.s32 s24, v0;
	v12 =	vld.idx.msk [tilespmem:v6+s17+$0x0], $0xffff;
	v13 =	vor.u32 v3, v5  }
0x736: {  	s26 =	simm.s32 $0x5;
	v5 =	vand.u32 $0x7F, v9;
	v14 =	vld.idx.msk [tilespmem:v8+s15+$0x0], $0xffff  }
0x737: {  	v6 =	vadd.s32 s26, v0;
	v8 =	vld.idx.msk [tilespmem:v8+s17+$0x0], $0xffff;
	v17 =	vor.u32 v3, v5  }
0x738: {  	s24 =	simm.s32 $0x6;
	v6 =	vand.u32 $0x7F, v6;
	v5 =	vld.idx.msk [tilespmem:v7+s15+$0x0], $0xffff  }
0x739: {  	v9 =	vor.u32 v3, v6;
	v10 =	vld.idx.msk [tilespmem:v7+s17+$0x0], $0xffff;
	v7 =	vadd.s32 s24, v0  }
0x73a: {  	s26 =	simm.s32 $0x7;
	v7 =	vand.u32 $0x7F, v7;
	v6 =	vld.idx.msk [tilespmem:v13+s15+$0x0], $0xffff  }
0x73b: {  	s23 =	simm.s32 $0x8;
	v16 =	vmul.f32 v12, v11;
	v12 =	vld.idx.msk [tilespmem:v13+s17+$0x0], $0xffff;
	v13 =	vadd.s32 s26, v0;
	v11 =	vor.u32 v3, v7  }
0x73c: {  	v18 =	vadd.s32 s23, v0;
	v15 =	vimm.f32 $0.0e+00;
	v7 =	vld.idx.msk [tilespmem:v17+s15+$0x0], $0xffff;
	v13 =	vand.u32 $0x7F, v13  }
0x73d: {  	s26 =	simm.s32 $0x9;
	v15 =	vadd.f32 v16, v15;
	v16 =	vmul.f32 v8, v14;
	v14 =	vld.idx.msk [tilespmem:v17+s17+$0x0], $0xffff;
	v13 =	vor.u32 v3, v13  }
0x73e: {  	v18 =	vand.u32 $0x7F, v18;
	s24 =	simm.s32 $0x10;
	v17 =	vadd.s32 s26, v0;
	v8 =	vld.idx.msk [tilespmem:v9+s15+$0x0], $0xffff  }
.LBB2_62:
0x73f: {  	p0 =	slt.u32 s24, $0x78;
	v18 =	vor.u32 v3, v18;
	s26 =	sadd.s32 $0x2, s23;
	v15 =	vadd.f32 v16, v15;
	v5 =	vmul.f32 v10, v5;
	v9 =	vld.idx.msk [tilespmem:v9+s17+$0x0], $0xffff  }
0x740: {  	v10 =	vand.u32 $0x7F, v17;
	v16 =	vadd.s32 s26, v0;
	v17 =	vld.idx.msk [tilespmem:v11+s15+$0x0], $0xffff  }
0x741: {  	v10 =	vor.u32 v3, v10;
	s26 =	sadd.s32 $0x3, s23;
	v6 =	vmul.f32 v12, v6;
	v5 =	vadd.f32 v5, v15;
	v11 =	vld.idx.msk [tilespmem:v11+s17+$0x0], $0xffff  }
0x742: {  	v12 =	vand.u32 $0x7F, v16;
	v15 =	vadd.s32 s26, v0;
	v16 =	vld.idx.msk [tilespmem:v13+s15+$0x0], $0xffff  }
0x743: {  	s26 =	sadd.s32 $0x4, s23;
	v12 =	vor.u32 v3, v12;
	v5 =	vadd.f32 v6, v5;
	v6 =	vmul.f32 v14, v7;
	v7 =	vld.idx.msk [tilespmem:v13+s17+$0x0], $0xffff  }
0x744: {  	v14 =	vand.u32 $0x7F, v15;
	v15 =	vadd.s32 s26, v0;
	v13 =	vld.idx.msk [tilespmem:v18+s15+$0x0], $0xffff  }
0x745: {  	s26 =	sadd.s32 $0x5, s23;
	v14 =	vor.u32 v3, v14;
	v18 =	vld.idx.msk [tilespmem:v18+s17+$0x0], $0xffff;
	v5 =	vadd.f32 v6, v5;
	v6 =	vmul.f32 v9, v8  }
0x746: {  	v9 =	vand.u32 $0x7F, v15;
	v15 =	vadd.s32 s26, v0;
	v8 =	vld.idx.msk [tilespmem:v10+s15+$0x0], $0xffff  }
0x747: {  	s26 =	sadd.s32 $0x6, s23;
	v20 =	vor.u32 v3, v9;
	v11 =	vmul.f32 v11, v17;
	v19 =	vld.idx.msk [tilespmem:v10+s17+$0x0], $0xffff;
	v6 =	vadd.f32 v6, v5  }
0x748: {  	v9 =	vand.u32 $0x7F, v15;
	v15 =	vadd.s32 s26, v0;
	v5 =	vld.idx.msk [tilespmem:v12+s15+$0x0], $0xffff  }
0x749: {  	s26 =	sadd.s32 $0x7, s23;
	s23 =	smov.u32 s24;
	v9 =	vor.u32 v3, v9;
	v7 =	vmul.f32 v7, v16;
	v10 =	vld.idx.msk [tilespmem:v12+s17+$0x0], $0xffff;
	v17 =	vadd.f32 v11, v6  }
.Ltmp30:
0x74a: {  	v11 =	vand.u32 $0x7F, v15;
	v15 =	vadd.s32 s26, v0;
	v6 =	vld.idx.msk [tilespmem:v14+s15+$0x0], $0xffff;
	(pc) =	sbr.rel @p0 .LBB2_62-.Ltmp30, $4  }
0x74b: {  	v13 =	vmul.f32 v18, v13;
	v11 =	vor.u32 v3, v11;
	v12 =	vld.idx.msk [tilespmem:v14+s17+$0x0], $0xffff;
	v14 =	vadd.f32 v7, v17  }
0x74c: {  	v18 =	vand.u32 $0x7F, v15;
	v17 =	vadd.s32 s24, v0;
	v7 =	vld.idx.msk [tilespmem:v20+s15+$0x0], $0xffff  }
0x74d: {  	s26 =	sadd.s32 $0x1, s24;
	v16 =	vmul.f32 v19, v8;
	v15 =	vadd.f32 v13, v14;
	v14 =	vld.idx.msk [tilespmem:v20+s17+$0x0], $0xffff;
	v13 =	vor.u32 v3, v18  }
0x74e: {  	s24 =	sadd.s32 $0x8, s24;
	v18 =	vand.u32 $0x7F, v17;
	v17 =	vadd.s32 s26, v0;
	v8 =	vld.idx.msk [tilespmem:v9+s15+$0x0], $0xffff  }
0x74f: {  	_ =	sdelay $0x2  }
0x750: {  	v15 =	vadd.f32 v16, v15;
	v5 =	vmul.f32 v10, v5  }
0x751: {  	v10 =	vor.u32 v3, v18;
	v9 =	vld.idx.msk [tilespmem:v9+s17+$0x0], $0xffff  }
0x752: {  	s24 =	sadd.s32 $0x2, s23;
	v16 =	vand.u32 $0x7F, v17;
	v17 =	vld.idx.msk [tilespmem:v11+s15+$0x0], $0xffff;
	v6 =	vmul.f32 v12, v6;
	v5 =	vadd.f32 v5, v15  }
0x753: {  	v11 =	vld.idx.msk [tilespmem:v11+s17+$0x0], $0xffff;
	v12 =	vadd.s32 s24, v0;
	v15 =	vor.u32 v3, v16  }
0x754: {  	s26 =	sadd.s32 $0x3, s23;
	v12 =	vand.u32 $0x7F, v12;
	v16 =	vld.idx.msk [tilespmem:v13+s15+$0x0], $0xffff;
	v5 =	vadd.f32 v6, v5;
	v6 =	vmul.f32 v14, v7  }
0x755: {  	v13 =	vld.idx.msk [tilespmem:v13+s17+$0x0], $0xffff;
	v12 =	vor.u32 v3, v12;
	v7 =	vadd.s32 s26, v0  }
0x756: {  	s26 =	sadd.s32 $0x4, s23;
	v14 =	vld.idx.msk [tilespmem:v10+s15+$0x0], $0xffff;
	v7 =	vand.u32 $0x7F, v7;
	v5 =	vadd.f32 v6, v5;
	v6 =	vmul.f32 v9, v8  }
0x757: {  	v8 =	vadd.s32 s26, v0;
	v9 =	vld.idx.msk [tilespmem:v10+s17+$0x0], $0xffff;
	v7 =	vor.u32 v3, v7  }
0x758: {  	s26 =	sadd.s32 $0x5, s23;
	v10 =	vld.idx.msk [tilespmem:v15+s15+$0x0], $0xffff;
	v8 =	vand.u32 $0x7F, v8;
	v5 =	vadd.f32 v6, v5;
	v6 =	vmul.f32 v11, v17  }
0x759: {  	v15 =	vld.idx.msk [tilespmem:v15+s17+$0x0], $0xffff;
	v11 =	vadd.s32 s26, v0;
	v8 =	vor.u32 v3, v8  }
0x75a: {  	s26 =	sadd.s32 $0x6, s23;
	v17 =	vld.idx.msk [tilespmem:v12+s15+$0x0], $0xffff;
	v11 =	vand.u32 $0x7F, v11;
	v5 =	vadd.f32 v6, v5;
	v6 =	vmul.f32 v13, v16  }
0x75b: {  	v12 =	vld.idx.msk [tilespmem:v12+s17+$0x0], $0xffff;
	v13 =	vadd.s32 s26, v0;
	v11 =	vor.u32 v3, v11  }
0x75c: {  	v16 =	vld.idx.msk [tilespmem:v7+s15+$0x0], $0xffff;
	v13 =	vand.u32 $0x7F, v13;
	v9 =	vmul.f32 v9, v14;
	v5 =	vadd.f32 v6, v5  }
0x75d: {  	s26 =	sadd.s32 $0x7, s23;
	v6 =	vld.idx.msk [tilespmem:v7+s17+$0x0], $0xffff;
	v7 =	vor.u32 v3, v13  }
0x75e: {  	v13 =	vadd.s32 s26, v0;
	v14 =	vld.idx.msk [tilespmem:v8+s15+$0x0], $0xffff;
	v5 =	vadd.f32 v9, v5;
	v9 =	vmul.f32 v15, v10  }
0x75f: {  	v8 =	vld.idx.msk [tilespmem:v8+s17+$0x0], $0xffff;
	v10 =	vand.u32 $0x7F, v13  }
0x760: {  	v10 =	vor.u32 v3, v10;
	v13 =	vld.idx.msk [tilespmem:v11+s15+$0x0], $0xffff;
	v5 =	vadd.f32 v9, v5;
	v9 =	vmul.f32 v12, v17  }
0x761: {  	v11 =	vld.idx.msk [tilespmem:v11+s17+$0x0], $0xffff  }
0x762: {  	v12 =	vld.idx.msk [tilespmem:v7+s15+$0x0], $0xffff;
	v6 =	vmul.f32 v6, v16;
	v5 =	vadd.f32 v9, v5  }
0x763: {  	v7 =	vld.idx.msk [tilespmem:v7+s17+$0x0], $0xffff  }
0x764: {  	v5 =	vadd.f32 v6, v5;
	v6 =	vmul.f32 v8, v14  }
0x765: {  	v8 =	vld.idx.msk [tilespmem:v10+s15+$0x0], $0xffff  }
0x766: {  	v9 =	vld.idx.msk [tilespmem:v10+s17+$0x0], $0xffff;
	v5 =	vadd.f32 v6, v5;
	v6 =	vmul.f32 v11, v13;
	_ =	sdelay $0x1  }
0x767: {  	s24 =	simm.s32 $0x0;
	v5 =	vadd.f32 v6, v5;
	v6 =	vmul.f32 v7, v12  }
0x768: {  	v7 =	vadd.s32 s24, v0  }
0x769: {  	s26 =	simm.s32 $0x1;
	v5 =	vadd.f32 v6, v5;
	v6 =	vand.u32 $0x7F, v7  }
0x76a: {  	v7 =	vmul.f32 v9, v8;
	v8 =	vadd.s32 s26, v0;
	v6 =	vor.u32 v4, v6  }
0x76b: {  	s24 =	simm.s32 $0x2;
	v8 =	vand.u32 $0x7F, v8  }
0x76c: {  	v5 =	vadd.f32 v7, v5;
	v7 =	vadd.s32 s24, v0;
	v8 =	vor.u32 v4, v8  }
0x76d: {  	s26 =	simm.s32 $0x3;
	v7 =	vand.u32 $0x7F, v7  }
0x76e: {  	[tilespmem:$0xC9E0] =	vst v5;
	v5 =	vadd.s32 s26, v0;
	v7 =	vor.u32 v4, v7  }
0x76f: {  	s24 =	simm.s32 $0x4;
	v5 =	vand.u32 $0x7F, v5;
	v11 =	vld.idx.msk [tilespmem:v6+s15+$0x0], $0xffff  }
0x770: {  	v9 =	vadd.s32 s24, v0;
	v12 =	vld.idx.msk [tilespmem:v6+s17+$0x0], $0xffff;
	v13 =	vor.u32 v4, v5  }
0x771: {  	s26 =	simm.s32 $0x5;
	v5 =	vand.u32 $0x7F, v9;
	v14 =	vld.idx.msk [tilespmem:v8+s15+$0x0], $0xffff  }
0x772: {  	v6 =	vadd.s32 s26, v0;
	v8 =	vld.idx.msk [tilespmem:v8+s17+$0x0], $0xffff;
	v17 =	vor.u32 v4, v5  }
0x773: {  	s24 =	simm.s32 $0x6;
	v6 =	vand.u32 $0x7F, v6;
	v5 =	vld.idx.msk [tilespmem:v7+s15+$0x0], $0xffff  }
0x774: {  	v9 =	vor.u32 v4, v6;
	v10 =	vld.idx.msk [tilespmem:v7+s17+$0x0], $0xffff;
	v7 =	vadd.s32 s24, v0  }
0x775: {  	s26 =	simm.s32 $0x7;
	v7 =	vand.u32 $0x7F, v7;
	v6 =	vld.idx.msk [tilespmem:v13+s15+$0x0], $0xffff  }
0x776: {  	s23 =	simm.s32 $0x8;
	v16 =	vmul.f32 v12, v11;
	v12 =	vld.idx.msk [tilespmem:v13+s17+$0x0], $0xffff;
	v13 =	vadd.s32 s26, v0;
	v11 =	vor.u32 v4, v7  }
0x777: {  	v18 =	vadd.s32 s23, v0;
	v15 =	vimm.f32 $0.0e+00;
	v7 =	vld.idx.msk [tilespmem:v17+s15+$0x0], $0xffff;
	v13 =	vand.u32 $0x7F, v13  }
0x778: {  	s26 =	simm.s32 $0x9;
	v15 =	vadd.f32 v16, v15;
	v16 =	vmul.f32 v8, v14;
	v14 =	vld.idx.msk [tilespmem:v17+s17+$0x0], $0xffff;
	v13 =	vor.u32 v4, v13  }
0x779: {  	v18 =	vand.u32 $0x7F, v18;
	s24 =	simm.s32 $0x10;
	v17 =	vadd.s32 s26, v0;
	v8 =	vld.idx.msk [tilespmem:v9+s15+$0x0], $0xffff  }
.LBB2_64:
0x77a: {  	p0 =	slt.u32 s24, $0x78;
	v18 =	vor.u32 v4, v18;
	s26 =	sadd.s32 $0x2, s23;
	v15 =	vadd.f32 v16, v15;
	v5 =	vmul.f32 v10, v5;
	v9 =	vld.idx.msk [tilespmem:v9+s17+$0x0], $0xffff  }
0x77b: {  	v10 =	vand.u32 $0x7F, v17;
	v16 =	vadd.s32 s26, v0;
	v17 =	vld.idx.msk [tilespmem:v11+s15+$0x0], $0xffff  }
0x77c: {  	v10 =	vor.u32 v4, v10;
	s26 =	sadd.s32 $0x3, s23;
	v6 =	vmul.f32 v12, v6;
	v5 =	vadd.f32 v5, v15;
	v11 =	vld.idx.msk [tilespmem:v11+s17+$0x0], $0xffff  }
0x77d: {  	v12 =	vand.u32 $0x7F, v16;
	v15 =	vadd.s32 s26, v0;
	v16 =	vld.idx.msk [tilespmem:v13+s15+$0x0], $0xffff  }
0x77e: {  	s26 =	sadd.s32 $0x4, s23;
	v12 =	vor.u32 v4, v12;
	v5 =	vadd.f32 v6, v5;
	v6 =	vmul.f32 v14, v7;
	v7 =	vld.idx.msk [tilespmem:v13+s17+$0x0], $0xffff  }
0x77f: {  	v14 =	vand.u32 $0x7F, v15;
	v15 =	vadd.s32 s26, v0;
	v13 =	vld.idx.msk [tilespmem:v18+s15+$0x0], $0xffff  }
0x780: {  	s26 =	sadd.s32 $0x5, s23;
	v14 =	vor.u32 v4, v14;
	v18 =	vld.idx.msk [tilespmem:v18+s17+$0x0], $0xffff;
	v5 =	vadd.f32 v6, v5;
	v6 =	vmul.f32 v9, v8  }
0x781: {  	v9 =	vand.u32 $0x7F, v15;
	v15 =	vadd.s32 s26, v0;
	v8 =	vld.idx.msk [tilespmem:v10+s15+$0x0], $0xffff  }
0x782: {  	s26 =	sadd.s32 $0x6, s23;
	v20 =	vor.u32 v4, v9;
	v11 =	vmul.f32 v11, v17;
	v19 =	vld.idx.msk [tilespmem:v10+s17+$0x0], $0xffff;
	v6 =	vadd.f32 v6, v5  }
0x783: {  	v9 =	vand.u32 $0x7F, v15;
	v15 =	vadd.s32 s26, v0;
	v5 =	vld.idx.msk [tilespmem:v12+s15+$0x0], $0xffff  }
0x784: {  	s26 =	sadd.s32 $0x7, s23;
	s23 =	smov.u32 s24;
	v9 =	vor.u32 v4, v9;
	v7 =	vmul.f32 v7, v16;
	v10 =	vld.idx.msk [tilespmem:v12+s17+$0x0], $0xffff;
	v17 =	vadd.f32 v11, v6  }
.Ltmp31:
0x785: {  	v11 =	vand.u32 $0x7F, v15;
	v15 =	vadd.s32 s26, v0;
	v6 =	vld.idx.msk [tilespmem:v14+s15+$0x0], $0xffff;
	(pc) =	sbr.rel @p0 .LBB2_64-.Ltmp31, $4  }
0x786: {  	v13 =	vmul.f32 v18, v13;
	v11 =	vor.u32 v4, v11;
	v12 =	vld.idx.msk [tilespmem:v14+s17+$0x0], $0xffff;
	v14 =	vadd.f32 v7, v17  }
0x787: {  	v18 =	vand.u32 $0x7F, v15;
	v17 =	vadd.s32 s24, v0;
	v7 =	vld.idx.msk [tilespmem:v20+s15+$0x0], $0xffff  }
0x788: {  	s26 =	sadd.s32 $0x1, s24;
	v16 =	vmul.f32 v19, v8;
	v15 =	vadd.f32 v13, v14;
	v14 =	vld.idx.msk [tilespmem:v20+s17+$0x0], $0xffff;
	v13 =	vor.u32 v4, v18  }
0x789: {  	s24 =	sadd.s32 $0x8, s24;
	v18 =	vand.u32 $0x7F, v17;
	v17 =	vadd.s32 s26, v0;
	v8 =	vld.idx.msk [tilespmem:v9+s15+$0x0], $0xffff  }
0x78a: {  	_ =	sdelay $0x2  }
0x78b: {  	v15 =	vadd.f32 v16, v15;
	v5 =	vmul.f32 v10, v5  }
0x78c: {  	v41 =	vor.u32 v4, v18;
	v9 =	vld.idx.msk [tilespmem:v9+s17+$0x0], $0xffff  }
0x78d: {  	s24 =	sadd.s32 $0x2, s23;
	v42 =	vand.u32 $0x7F, v17;
	v43 =	vld.idx.msk [tilespmem:v11+s15+$0x0], $0xffff;
	v6 =	vmul.f32 v12, v6;
	v5 =	vadd.f32 v5, v15  }
0x78e: {  	v46 =	vld.idx.msk [tilespmem:v11+s17+$0x0], $0xffff;
	v44 =	vadd.s32 s24, v0;
	v45 =	vor.u32 v4, v42  }
0x78f: {  	s26 =	sadd.s32 $0x3, s23;
	v47 =	vld.idx.msk [tilespmem:v13+s15+$0x0], $0xffff;
	v12 =	vand.u32 $0x7F, v44;
	v5 =	vadd.f32 v6, v5;
	v6 =	vmul.f32 v14, v7  }
0x790: {  	v48 =	vld.idx.msk [tilespmem:v13+s17+$0x0], $0xffff;
	v12 =	vor.u32 v4, v12;
	v7 =	vadd.s32 s26, v0  }
0x791: {  	s26 =	sadd.s32 $0x4, s23;
	v49 =	vld.idx.msk [tilespmem:v41+s15+$0x0], $0xffff;
	v7 =	vand.u32 $0x7F, v7;
	v5 =	vadd.f32 v6, v5;
	v6 =	vmul.f32 v9, v8  }
0x792: {  	v50 =	vadd.s32 s26, v0;
	v51 =	vld.idx.msk [tilespmem:v41+s17+$0x0], $0xffff;
	v7 =	vor.u32 v4, v7  }
0x793: {  	s26 =	sadd.s32 $0x5, s23;
	v52 =	vld.idx.msk [tilespmem:v45+s15+$0x0], $0xffff;
	v8 =	vand.u32 $0x7F, v50;
	v5 =	vadd.f32 v6, v5;
	v6 =	vmul.f32 v46, v43  }
0x794: {  	v53 =	vadd.s32 s26, v0;
	v15 =	vld.idx.msk [tilespmem:v45+s17+$0x0], $0xffff;
	v8 =	vor.u32 v4, v8  }
0x795: {  	s26 =	sadd.s32 $0x6, s23;
	v11 =	vand.u32 $0x7F, v53;
	v54 =	vld.idx.msk [tilespmem:v12+s15+$0x0], $0xffff;
	v5 =	vadd.f32 v6, v5;
	v6 =	vmul.f32 v48, v47  }
0x796: {  	v55 =	vadd.s32 s26, v0;
	v12 =	vld.idx.msk [tilespmem:v12+s17+$0x0], $0xffff;
	v11 =	vor.u32 v4, v11  }
0x797: {  	s26 =	sadd.s32 $0x7, s23;
	v13 =	vand.u32 $0x7F, v55;
	v9 =	vmul.f32 v51, v49;
	v56 =	vld.idx.msk [tilespmem:v7+s15+$0x0], $0xffff;
	v5 =	vadd.f32 v6, v5  }
0x798: {  	v13 =	vor.u32 v4, v13;
	v7 =	vld.idx.msk [tilespmem:v7+s17+$0x0], $0xffff;
	v6 =	vadd.s32 s26, v0  }
0x799: {  	v58 =	vmul.f32 v15, v52;
	v57 =	vld.idx.msk [tilespmem:v8+s15+$0x0], $0xffff;
	v6 =	vand.u32 $0x7F, v6;
	v5 =	vadd.f32 v9, v5  }
0x79a: {  	v8 =	vld.idx.msk [tilespmem:v8+s17+$0x0], $0xffff;
	v6 =	vor.u32 v4, v6  }
0x79b: {  	v59 =	vld.idx.msk [tilespmem:v11+s15+$0x0], $0xffff;
	v60 =	vmul.f32 v12, v54;
	v5 =	vadd.f32 v58, v5  }
0x79c: {  	v11 =	vld.idx.msk [tilespmem:v11+s17+$0x0], $0xffff  }
0x79d: {  	v61 =	vld.idx.msk [tilespmem:v13+s15+$0x0], $0xffff;
	v7 =	vmul.f32 v7, v56;
	v5 =	vadd.f32 v60, v5  }
0x79e: {  	v62 =	vld.idx.msk [tilespmem:v13+s17+$0x0], $0xffff  }
0x79f: {  	v63 =	vld.idx.msk [tilespmem:v6+s15+$0x0], $0xffff;
	v5 =	vadd.f32 v7, v5;
	v7 =	vmul.f32 v8, v57  }
0x7a0: {  	v6 =	vld.idx.msk [tilespmem:v6+s17+$0x0], $0xffff  }
0x7a1: {  	v5 =	vadd.f32 v7, v5;
	v7 =	vmul.f32 v11, v59;
	_ =	sdelay $0x1  }
0x7a2: {  	v5 =	vadd.f32 v7, v5;
	v7 =	vmul.f32 v62, v61;
	_ =	sdelay $0x1  }
0x7a3: {  	v6 =	vmul.f32 v6, v63;
	v5 =	vadd.f32 v7, v5;
	_ =	sdelay $0x1  }
0x7a4: {  	s20 =	sadd.s32 $0x1, s20;
	v5 =	vadd.f32 v6, v5  }
0x7a5: {  	p0 =	sne.s32 s20, s8  }
.Ltmp32:
0x7a6: {  	[tilespmem:$0xC9F0] =	vst v5;
	(pc) =	sbr.rel @p0 .LBB2_1-.Ltmp32, $4  }
0x7a7: {  	[hbm4b:s7+s4] =	stream.linear.scatter [tilespmem:s18], [sflag:$0x4], $0x200, $0x38;
	[tilespmem:$0xCA00] =	vst v63  }
0x7a8: {  	_ =	swait.ge [sflag:s9], $0x200  }
0x7a9: {  	[sflag:s9] =	ssyncset.done $0x0  }
0x7aa: {  	[sflag:s9] =	ssyncadd.s32 $0xFFFFFE00  }
0x7ab: {  	_ =	sfence.sel $0x180000  }
0x7ac: {  	[bflag:$0x0] =	sbarrier.arrive $0xFFFF  }
0x7ad: {  	_ =	strace $0x90000047  }
0x7ae: {  	s0 =	stileid.u32;
	[bflag:$0x2] =	sbarrier.arrive $0xFFFF  }
0x7af: {  	p0 =	sne.s32 s0, $0x0;
	s0 =	rddreg [dreg:$0x4]  }
0x7b0: {  	s0 =	sadd.s32 @!p0 $0x100000, s0  }
0x7b1: {  	[sflag:s0] =	ssyncadd.tile.s32 @!p0 $0x1;
	_ =	shalt  }
.Lfunc_end2:
_tile_overlayer_lowered:
.L_overlay_start_2:
0x7b2: {  	(tag) =	ssettag $0x2  }
0x7b3: {  	s0 =	rddreg [dreg:$0x0];
	s2 =	stileid.u32  }
0x7b4: {  	s1 =	rddreg [dreg:$0x1];
	p0 =	sne.s32 s2, $0x0  }
0x7b5: {  	s3 =	rddreg [dreg:$0x2];
	[bflag:$0x3] =	sbarrier.arrive $0xFFFF;
	s2 =	simm.s32 @!p0 $0x1C04  }
0x7b6: {  	[timem:s3], [sflag:s2] =	dma.local @!p0 [hbm:s0], s1  }
0x7b7: {  	s0 =	simm.s32 @!p0 $0x4  }
0x7b8: {  	_ =	swait.ge @!p0 [sflag:s0], s1  }
0x7b9: {  	s1 =	ssub.s32 @!p0 $0x0, s1;
	[sflag:s0] =	ssyncset.done @!p0 $0x0  }
0x7ba: {  	[sflag:s0] =	ssyncadd.s32 @!p0 s1  }
0x7bb: {  	[bflag:$0x3] =	sbarrier.arrive $0xFFFF  }
0x7bc: {  	_ =	shalt  }

</sc_bundles>
